<compile_context>
chip_gen: v7x
topology: tpu7x:2x2x1
jax: 0.10.2.dev20260603
libtpu: 0.0.44.dev20260713+nightly
codegen_flags: <defaults>
</compile_context>

<pallas_src>
import functools

import jax
import jax.numpy as jnp
from jax import lax
from jax.experimental import pallas as pl
from jax.experimental.pallas import tpu as pltpu
from jax.experimental.pallas import tpu_sc as plsc

B, S, T, D, L = 64, 50, 200, 64, 5000
ROWS_PER_BATCH = S * T
N_ROWS = B * ROWS_PER_BATCH
NUM_WORKERS = 32
BATCHES_PER_WORKER = B // NUM_WORKERS
CHUNK = 400
GCHUNK = 80
NGATHER = CHUNK // GCHUNK
NCHUNKS = ROWS_PER_BATCH // CHUNK
LANES = 16


def _sc_body(in_hbm, ts_hbm, table_hbm, out_hbm,
             ts_buf, idx_bufs, in_bufs, table_spm,
             sem_in, sem_out, sem_g):
    wid = lax.axis_index("s") * 2 + lax.axis_index("c")

    @pl.when(lax.axis_index("s") == 0)
    def _():
        pltpu.sync_copy(table_hbm, table_spm)

    plsc.subcore_barrier()

    for bb in range(BATCHES_PER_WORKER):
        b = wid * BATCHES_PER_WORKER + bb
        row0 = b * ROWS_PER_BATCH

        pltpu.sync_copy(ts_hbm.at[pl.ds(row0, ROWS_PER_BATCH)], ts_buf)

        def min_step(j, m):
            return jnp.minimum(m, ts_buf[pl.ds(j * LANES, LANES)])

        m0 = jnp.full((LANES,), jnp.iinfo(jnp.int32).max, dtype=jnp.int32)
        m = lax.fori_loop(0, ROWS_PER_BATCH // LANES, min_step, m0)
        iota = lax.broadcasted_iota(jnp.int32, (LANES,), 0)
        for k in (8, 4, 2, 1):
            perm = jnp.take_along_axis(m, iota ^ k, axis=0,
                                       mode="promise_in_bounds")
            m = jnp.minimum(m, perm)
        min_splat = m

        def compute_idx(j, p):
            for u in range(CHUNK // LANES):
                idx_bufs[p][pl.ds(u * LANES, LANES)] = (
                    ts_buf[pl.ds(j * CHUNK + u * LANES, LANES)] - min_splat)

        def in_copy(j, p):
            return pltpu.make_async_copy(
                in_hbm.at[pl.ds(row0 + j * CHUNK, CHUNK)],
                in_bufs[p], sem_in[p])

        def out_copy(j, p):
            return pltpu.make_async_copy(
                in_bufs[p], out_hbm.at[pl.ds(row0 + j * CHUNK, CHUNK)],
                sem_out[p])

        def chunk_body(j, p, first):
            in_copy(j, p).wait()
            descs = [
                pltpu.make_async_copy(
                    table_spm.at[idx_bufs[p].at[pl.ds(g * GCHUNK, GCHUNK)]],
                    in_bufs[p].at[pl.ds(g * GCHUNK, GCHUNK)],
                    sem_g)
                for g in range(NGATHER)
            ]
            for d in descs:
                d.start(add=True)
            q = 1 - p

            @pl.when(j + 1 < NCHUNKS)
            def _():
                if not first:
                    out_copy(j, q).wait()
                compute_idx(j + 1, q)
                in_copy(j + 1, q).start()

            for d in descs:
                d.wait()

            out_copy(j, p).start()

        compute_idx(0, 0)
        in_copy(0, 0).start()
        chunk_body(0, 0, first=True)

        def pair(i, carry):
            chunk_body(2 * i - 1, 1, first=False)
            chunk_body(2 * i, 0, first=False)
            return carry

        lax.fori_loop(1, (NCHUNKS + 1) // 2, pair, 0)

        out_copy(NCHUNKS - 2, 1).wait()
        out_copy(NCHUNKS - 1, 0).wait()


@functools.partial(jax.jit, static_argnames=())
def kernel(input_encoded, timesteps, pos_encoding):
    in2d = input_encoded.reshape(N_ROWS, D)
    ts1d = timesteps.reshape(N_ROWS)

    mesh = plsc.VectorSubcoreMesh(core_axis_name="c", subcore_axis_name="s")
    run = pl.kernel(
        _sc_body,
        out_type=jax.ShapeDtypeStruct((N_ROWS, D), jnp.float32),
        mesh=mesh,
        scratch_types=[
            pltpu.VMEM((ROWS_PER_BATCH,), jnp.int32),
            [pltpu.VMEM((CHUNK,), jnp.int32) for _ in range(2)],
            [pltpu.VMEM((CHUNK, D), jnp.float32) for _ in range(2)],
            pltpu.VMEM_SHARED((L, D), jnp.float32),
            [pltpu.SemaphoreType.DMA for _ in range(2)],
            [pltpu.SemaphoreType.DMA for _ in range(2)],
            pltpu.SemaphoreType.DMA,
        ],
        compiler_params=pltpu.CompilerParams(use_tc_tiling_on_sc=False),
    )
    out2d = run(in2d, ts1d, pos_encoding)
    return out2d.reshape(B, S, T, D)

# --- scband reference (transcript-rebuilt; emitter-appended) ---
"""Pipeline reference for scband-positional-encoding-15539191677385 (READ-ONLY COPY).

The authoritative reference and input builder live on the scoring server;
editing this copy changes nothing except your own understanding.
"""

import jax, jax.numpy as jnp
import numpy as np

BATCH, SERIES, T, D, L = 64, 50, 200, 64, 5000

def _build_pos_encoding():
    pos = jnp.arange(0, L, dtype=jnp.float32)[:, None]
    factor = jnp.exp(jnp.arange(0, D, 2, dtype=jnp.float32) * (-np.log(10000.0) / D))
    pe = jnp.zeros((L, D), dtype=jnp.float32)
    pe = pe.at[:, 0::2].set(jnp.sin(pos * factor))
    pe = pe.at[:, 1::2].set(jnp.cos(pos * factor))
    return pe

def setup_inputs(seed: int = 0) -> dict:
    key = jax.random.key(seed)
    k1, k2 = jax.random.split(key)
    input_encoded = jax.random.normal(k1, (BATCH, SERIES, T, D), dtype=jnp.float32)
    timesteps = jax.random.randint(k2, (BATCH, SERIES, T), 0, L, dtype=jnp.int32)
    pos_encoding = _build_pos_encoding()
    return {"input_encoded": input_encoded, "timesteps": timesteps, "pos_encoding": pos_encoding}

def reference(input_encoded, timesteps, pos_encoding):
    # min over series dim (keepdim), then over time dim (keepdim) -> per-batch min timestep
    min_t = jnp.min(timesteps, axis=1, keepdims=True)
    min_t = jnp.min(min_t, axis=2, keepdims=True)
    delta_t = timesteps - min_t
    # gather rows of the positional-encoding table: [B, S, T] -> [B, S, T, D]
    output_encoded = input_encoded + jnp.take(pos_encoding, delta_t, axis=0)
    # dropout p=0.0 -> identity
    return output_encoded

if __name__ == "__main__":
    import jax
    _d = setup_inputs()
    print(jax.jit(kernel)(*tuple(_d.values())))

</pallas_src>

<mosaic_0001>
#map = affine_map<(d0, d1) -> (0, 0)>
#map1 = affine_map<(d0, d1) -> (0)>
module attributes {stable_mosaic.version = 14 : i64} {
  func.func @_sc_body(%arg0: i32, %arg1: i32, %arg2: memref<640000x64xf32, #tpu.memory_space<hbm>>, %arg3: memref<640000xi32, #tpu.memory_space<hbm>>, %arg4: memref<5000x64xf32, #tpu.memory_space<hbm>>, %arg5: memref<640000x64xf32, #tpu.memory_space<hbm>>, %arg6: memref<10000xi32, #tpu.memory_space<vmem>>, %arg7: memref<400xi32, #tpu.memory_space<vmem>>, %arg8: memref<400xi32, #tpu.memory_space<vmem>>, %arg9: memref<400x64xf32, #tpu.memory_space<vmem>>, %arg10: memref<400x64xf32, #tpu.memory_space<vmem>>, %arg11: memref<5000x64xf32, #tpu.memory_space<vmem_shared>>, %arg12: memref<!tpu.dma_semaphore, #tpu.memory_space<semaphore_mem>>, %arg13: memref<!tpu.dma_semaphore, #tpu.memory_space<semaphore_mem>>, %arg14: memref<!tpu.dma_semaphore, #tpu.memory_space<semaphore_mem>>, %arg15: memref<!tpu.dma_semaphore, #tpu.memory_space<semaphore_mem>>, %arg16: memref<!tpu.dma_semaphore, #tpu.memory_space<semaphore_mem>>) attributes {dimension_semantics = [#tpu.dimension_semantics<core_parallel>, #tpu.dimension_semantics<subcore_parallel>], iteration_bounds = array<i64: 2, 16>, scalar_prefetch = 0 : i64, scratch_operands = 11 : i64, tpu.core_type = #tpu.core_type<sc_vector_subcore>, window_params = [{transform_indices = #map}, {transform_indices = #map1}, {transform_indices = #map}, {transform_indices = #map}]} {
    %mul3A = arith.constant 2 : i32
    %mul3A_0 = arith.muli %arg1, %mul3A : i32
    %add3A = arith.addi %mul3A_0, %arg0 : i32
    %eq3A = arith.constant 0 : i32
    %eq3A_1 = arith.cmpi eq, %arg1, %eq3A : i32
    %convert_element_type3A = arith.extui %eq3A_1 : i1 to i32
    %cond3A = arith.constant 0 : i32
    %cond3A_2 = arith.cmpi ne, %convert_element_type3A, %cond3A : i32
    scf.if %cond3A_2 {
      "tpu.region"() ({
        %run_scoped3A = tpu.sem_alloc : memref<!tpu.dma_semaphore, #tpu.memory_space<semaphore_mem>>
        tpu.enqueue_dma source(%arg4 : memref<5000x64xf32, #tpu.memory_space<hbm>>) target(%arg11 : memref<5000x64xf32, #tpu.memory_space<vmem_shared>>) target_semaphore(%run_scoped3A : memref<!tpu.dma_semaphore, #tpu.memory_space<semaphore_mem>>)
        tpu.wait_dma2 semaphore(%run_scoped3A : memref<!tpu.dma_semaphore, #tpu.memory_space<semaphore_mem>>) src(%arg4 : memref<5000x64xf32, #tpu.memory_space<hbm>>) dst(%arg11 : memref<5000x64xf32, #tpu.memory_space<vmem_shared>>)
        tpu.yield
      }) : () -> ()
    } else {
    }
    %barrier3A = arith.constant 0 : index
    tpu.barrier barrier_id(%barrier3A)
    %mul3A_3 = arith.constant 2 : i32
    %mul3A_4 = arith.muli %add3A, %mul3A_3 : i32
    %add3A_5 = arith.constant 0 : i32
    %add3A_6 = arith.addi %mul3A_4, %add3A_5 : i32
    %mul3A_7 = arith.constant 10000 : i32
    %mul3A_8 = arith.muli %add3A_6, %mul3A_7 : i32
    "tpu.region"() ({
      %run_scoped3A = tpu.sem_alloc : memref<!tpu.dma_semaphore, #tpu.memory_space<semaphore_mem>>
      %dma_start3A_1121 = tpu.memref_slice %arg3[%mul3A_8] : memref<640000xi32, #tpu.memory_space<hbm>> -> memref<10000xi32, #tpu.memory_space<hbm>>
      %dma_start3A_1122 = tpu.memref_slice %arg3[%mul3A_8] : memref<640000xi32, #tpu.memory_space<hbm>> -> memref<10000xi32, #tpu.memory_space<hbm>>
      tpu.enqueue_dma source(%dma_start3A_1122 : memref<10000xi32, #tpu.memory_space<hbm>>) target(%arg6 : memref<10000xi32, #tpu.memory_space<vmem>>) target_semaphore(%run_scoped3A : memref<!tpu.dma_semaphore, #tpu.memory_space<semaphore_mem>>)
      %dma_wait3A_1123 = tpu.memref_slice %arg3[%mul3A_8] : memref<640000xi32, #tpu.memory_space<hbm>> -> memref<10000xi32, #tpu.memory_space<hbm>>
      %dma_wait3A_1124 = tpu.memref_slice %arg3[%mul3A_8] : memref<640000xi32, #tpu.memory_space<hbm>> -> memref<10000xi32, #tpu.memory_space<hbm>>
      tpu.wait_dma2 semaphore(%run_scoped3A : memref<!tpu.dma_semaphore, #tpu.memory_space<semaphore_mem>>) src(%dma_wait3A_1124 : memref<10000xi32, #tpu.memory_space<hbm>>) dst(%arg6 : memref<10000xi32, #tpu.memory_space<vmem>>)
      tpu.yield
    }) : () -> ()
    %broadcast_in_dim3A = arith.constant 2147483647 : i32
    %broadcast_in_dim3A_9 = vector.broadcast %broadcast_in_dim3A : i32 to vector<16xi32>
    %scan3A = arith.constant 0 : i32
    %scan3A_10 = arith.constant 625 : i32
    %scan3A_11 = arith.addi %scan3A, %scan3A_10 : i32
    %scan3A_12 = arith.constant 1 : i32
    %scan3A_13 = scf.for %scan3A_1121 = %scan3A to %scan3A_11 step %scan3A_12 iter_args(%scan3A_1122 = %broadcast_in_dim3A_9) -> (vector<16xi32>)  : i32 {
      %mul3A_1123 = arith.constant 16 : i32
      %mul3A_1124 = arith.muli %scan3A_1121, %mul3A_1123 : i32
      %get3A_1125 = arith.index_cast %mul3A_1124 : i32 to index
      %get3A_1126 = tpu.vector_load %arg6[%get3A_1125] {strides = array<i32>} : memref<10000xi32, #tpu.memory_space<vmem>>, vector<16xi32>,
      %get3A_1127 = vector.shape_cast %get3A_1126 : vector<16xi32> to vector<16xi32>
      %min3A_1128 = arith.minsi %scan3A_1122, %get3A_1127 : vector<16xi32>
      scf.yield %min3A_1128 : vector<16xi32>
    }
    %scan3A_14 = arith.constant 625 : i32
    %iota3A = tpu.iota {dimensions = array<i32: 0>} : vector<16xi32>
    %xor3A = arith.constant 8 : i32
    %xor3A_15 = vector.broadcast %xor3A : i32 to vector<16xi32>
    %xor3A_16 = arith.xori %iota3A, %xor3A_15 : vector<16xi32>
    %reshape3A = vector.shape_cast %xor3A_16 : vector<16xi32> to vector<16x1xi32>
    %gather3A = vector.shape_cast %reshape3A : vector<16x1xi32> to vector<16xi32>
    %gather3A_17 = tpu.dynamic_gather %scan3A_13[%gather3A] in [0] : vector<16xi32>, vector<16xi32> -> vector<16xi32>
    %min3A = arith.minsi %scan3A_13, %gather3A_17 : vector<16xi32>
    %xor3A_18 = arith.constant 4 : i32
    %xor3A_19 = vector.broadcast %xor3A_18 : i32 to vector<16xi32>
    %xor3A_20 = arith.xori %iota3A, %xor3A_19 : vector<16xi32>
    %reshape3A_21 = vector.shape_cast %xor3A_20 : vector<16xi32> to vector<16x1xi32>
    %gather3A_22 = vector.shape_cast %reshape3A_21 : vector<16x1xi32> to vector<16xi32>
    %gather3A_23 = tpu.dynamic_gather %min3A[%gather3A_22] in [0] : vector<16xi32>, vector<16xi32> -> vector<16xi32>
    %min3A_24 = arith.minsi %min3A, %gather3A_23 : vector<16xi32>
    %xor3A_25 = arith.constant 2 : i32
    %xor3A_26 = vector.broadcast %xor3A_25 : i32 to vector<16xi32>
    %xor3A_27 = arith.xori %iota3A, %xor3A_26 : vector<16xi32>
    %reshape3A_28 = vector.shape_cast %xor3A_27 : vector<16xi32> to vector<16x1xi32>
    %gather3A_29 = vector.shape_cast %reshape3A_28 : vector<16x1xi32> to vector<16xi32>
    %gather3A_30 = tpu.dynamic_gather %min3A_24[%gather3A_29] in [0] : vector<16xi32>, vector<16xi32> -> vector<16xi32>
    %min3A_31 = arith.minsi %min3A_24, %gather3A_30 : vector<16xi32>
    %xor3A_32 = arith.constant 1 : i32
    %xor3A_33 = vector.broadcast %xor3A_32 : i32 to vector<16xi32>
    %xor3A_34 = arith.xori %iota3A, %xor3A_33 : vector<16xi32>
    %reshape3A_35 = vector.shape_cast %xor3A_34 : vector<16xi32> to vector<16x1xi32>
    %gather3A_36 = vector.shape_cast %reshape3A_35 : vector<16x1xi32> to vector<16xi32>
    %gather3A_37 = tpu.dynamic_gather %min3A_31[%gather3A_36] in [0] : vector<16xi32>, vector<16xi32> -> vector<16xi32>
    %min3A_38 = arith.minsi %min3A_31, %gather3A_37 : vector<16xi32>
    %get3A = arith.constant 0 : index
    %get3A_39 = tpu.vector_load %arg6[%get3A] {strides = array<i32>} : memref<10000xi32, #tpu.memory_space<vmem>>, vector<16xi32>,
    %get3A_40 = vector.shape_cast %get3A_39 : vector<16xi32> to vector<16xi32>
    %sub3A = arith.subi %get3A_40, %min3A_38 : vector<16xi32>
    %swap3A = arith.constant 0 : index
    %swap3A_41 = tpu.vector_load %arg7[%swap3A] {strides = array<i32>} : memref<400xi32, #tpu.memory_space<vmem>>, vector<16xi32>,
    %swap3A_42 = vector.shape_cast %swap3A_41 : vector<16xi32> to vector<16xi32>
    %swap3A_43 = vector.shape_cast %sub3A : vector<16xi32> to vector<16xi32>
    tpu.vector_store %arg7[%swap3A], %swap3A_43 {strides = array<i32>} : memref<400xi32, #tpu.memory_space<vmem>>, vector<16xi32>,
    %get3A_44 = arith.constant 16 : index
    %get3A_45 = tpu.vector_load %arg6[%get3A_44] {strides = array<i32>} : memref<10000xi32, #tpu.memory_space<vmem>>, vector<16xi32>,
    %get3A_46 = vector.shape_cast %get3A_45 : vector<16xi32> to vector<16xi32>
    %sub3A_47 = arith.subi %get3A_46, %min3A_38 : vector<16xi32>
    %swap3A_48 = arith.constant 16 : index
    %swap3A_49 = tpu.vector_load %arg7[%swap3A_48] {strides = array<i32>} : memref<400xi32, #tpu.memory_space<vmem>>, vector<16xi32>,
    %swap3A_50 = vector.shape_cast %swap3A_49 : vector<16xi32> to vector<16xi32>
    %swap3A_51 = vector.shape_cast %sub3A_47 : vector<16xi32> to vector<16xi32>
    tpu.vector_store %arg7[%swap3A_48], %swap3A_51 {strides = array<i32>} : memref<400xi32, #tpu.memory_space<vmem>>, vector<16xi32>,
    %get3A_52 = arith.constant 32 : index
    %get3A_53 = tpu.vector_load %arg6[%get3A_52] {strides = array<i32>} : memref<10000xi32, #tpu.memory_space<vmem>>, vector<16xi32>,
    %get3A_54 = vector.shape_cast %get3A_53 : vector<16xi32> to vector<16xi32>
    %sub3A_55 = arith.subi %get3A_54, %min3A_38 : vector<16xi32>
    %swap3A_56 = arith.constant 32 : index
    %swap3A_57 = tpu.vector_load %arg7[%swap3A_56] {strides = array<i32>} : memref<400xi32, #tpu.memory_space<vmem>>, vector<16xi32>,
    %swap3A_58 = vector.shape_cast %swap3A_57 : vector<16xi32> to vector<16xi32>
    %swap3A_59 = vector.shape_cast %sub3A_55 : vector<16xi32> to vector<16xi32>
    tpu.vector_store %arg7[%swap3A_56], %swap3A_59 {strides = array<i32>} : memref<400xi32, #tpu.memory_space<vmem>>, vector<16xi32>,
    %get3A_60 = arith.constant 48 : index
    %get3A_61 = tpu.vector_load %arg6[%get3A_60] {strides = array<i32>} : memref<10000xi32, #tpu.memory_space<vmem>>, vector<16xi32>,
    %get3A_62 = vector.shape_cast %get3A_61 : vector<16xi32> to vector<16xi32>
    %sub3A_63 = arith.subi %get3A_62, %min3A_38 : vector<16xi32>
    %swap3A_64 = arith.constant 48 : index
    %swap3A_65 = tpu.vector_load %arg7[%swap3A_64] {strides = array<i32>} : memref<400xi32, #tpu.memory_space<vmem>>, vector<16xi32>,
    %swap3A_66 = vector.shape_cast %swap3A_65 : vector<16xi32> to vector<16xi32>
    %swap3A_67 = vector.shape_cast %sub3A_63 : vector<16xi32> to vector<16xi32>
    tpu.vector_store %arg7[%swap3A_64], %swap3A_67 {strides = array<i32>} : memref<400xi32, #tpu.memory_space<vmem>>, vector<16xi32>,
    %get3A_68 = arith.constant 64 : index
    %get3A_69 = tpu.vector_load %arg6[%get3A_68] {strides = array<i32>} : memref<10000xi32, #tpu.memory_space<vmem>>, vector<16xi32>,
    %get3A_70 = vector.shape_cast %get3A_69 : vector<16xi32> to vector<16xi32>
    %sub3A_71 = arith.subi %get3A_70, %min3A_38 : vector<16xi32>
    %swap3A_72 = arith.constant 64 : index
    %swap3A_73 = tpu.vector_load %arg7[%swap3A_72] {strides = array<i32>} : memref<400xi32, #tpu.memory_space<vmem>>, vector<16xi32>,
    %swap3A_74 = vector.shape_cast %swap3A_73 : vector<16xi32> to vector<16xi32>
    %swap3A_75 = vector.shape_cast %sub3A_71 : vector<16xi32> to vector<16xi32>
    tpu.vector_store %arg7[%swap3A_72], %swap3A_75 {strides = array<i32>} : memref<400xi32, #tpu.memory_space<vmem>>, vector<16xi32>,
    %get3A_76 = arith.constant 80 : index
    %get3A_77 = tpu.vector_load %arg6[%get3A_76] {strides = array<i32>} : memref<10000xi32, #tpu.memory_space<vmem>>, vector<16xi32>,
    %get3A_78 = vector.shape_cast %get3A_77 : vector<16xi32> to vector<16xi32>
    %sub3A_79 = arith.subi %get3A_78, %min3A_38 : vector<16xi32>
    %swap3A_80 = arith.constant 80 : index
    %swap3A_81 = tpu.vector_load %arg7[%swap3A_80] {strides = array<i32>} : memref<400xi32, #tpu.memory_space<vmem>>, vector<16xi32>,
    %swap3A_82 = vector.shape_cast %swap3A_81 : vector<16xi32> to vector<16xi32>
    %swap3A_83 = vector.shape_cast %sub3A_79 : vector<16xi32> to vector<16xi32>
    tpu.vector_store %arg7[%swap3A_80], %swap3A_83 {strides = array<i32>} : memref<400xi32, #tpu.memory_space<vmem>>, vector<16xi32>,
    %get3A_84 = arith.constant 96 : index
    %get3A_85 = tpu.vector_load %arg6[%get3A_84] {strides = array<i32>} : memref<10000xi32, #tpu.memory_space<vmem>>, vector<16xi32>,
    %get3A_86 = vector.shape_cast %get3A_85 : vector<16xi32> to vector<16xi32>
    %sub3A_87 = arith.subi %get3A_86, %min3A_38 : vector<16xi32>
    %swap3A_88 = arith.constant 96 : index
    %swap3A_89 = tpu.vector_load %arg7[%swap3A_88] {strides = array<i32>} : memref<400xi32, #tpu.memory_space<vmem>>, vector<16xi32>,
    %swap3A_90 = vector.shape_cast %swap3A_89 : vector<16xi32> to vector<16xi32>
    %swap3A_91 = vector.shape_cast %sub3A_87 : vector<16xi32> to vector<16xi32>
    tpu.vector_store %arg7[%swap3A_88], %swap3A_91 {strides = array<i32>} : memref<400xi32, #tpu.memory_space<vmem>>, vector<16xi32>,
    %get3A_92 = arith.constant 112 : index
    %get3A_93 = tpu.vector_load %arg6[%get3A_92] {strides = array<i32>} : memref<10000xi32, #tpu.memory_space<vmem>>, vector<16xi32>,
    %get3A_94 = vector.shape_cast %get3A_93 : vector<16xi32> to vector<16xi32>
    %sub3A_95 = arith.subi %get3A_94, %min3A_38 : vector<16xi32>
    %swap3A_96 = arith.constant 112 : index
    %swap3A_97 = tpu.vector_load %arg7[%swap3A_96] {strides = array<i32>} : memref<400xi32, #tpu.memory_space<vmem>>, vector<16xi32>,
    %swap3A_98 = vector.shape_cast %swap3A_97 : vector<16xi32> to vector<16xi32>
    %swap3A_99 = vector.shape_cast %sub3A_95 : vector<16xi32> to vector<16xi32>
    tpu.vector_store %arg7[%swap3A_96], %swap3A_99 {strides = array<i32>} : memref<400xi32, #tpu.memory_space<vmem>>, vector<16xi32>,
    %get3A_100 = arith.constant 128 : index
    %get3A_101 = tpu.vector_load %arg6[%get3A_100] {strides = array<i32>} : memref<10000xi32, #tpu.memory_space<vmem>>, vector<16xi32>,
    %get3A_102 = vector.shape_cast %get3A_101 : vector<16xi32> to vector<16xi32>
    %sub3A_103 = arith.subi %get3A_102, %min3A_38 : vector<16xi32>
    %swap3A_104 = arith.constant 128 : index
    %swap3A_105 = tpu.vector_load %arg7[%swap3A_104] {strides = array<i32>} : memref<400xi32, #tpu.memory_space<vmem>>, vector<16xi32>,
    %swap3A_106 = vector.shape_cast %swap3A_105 : vector<16xi32> to vector<16xi32>
    %swap3A_107 = vector.shape_cast %sub3A_103 : vector<16xi32> to vector<16xi32>
    tpu.vector_store %arg7[%swap3A_104], %swap3A_107 {strides = array<i32>} : memref<400xi32, #tpu.memory_space<vmem>>, vector<16xi32>,
    %get3A_108 = arith.constant 144 : index
    %get3A_109 = tpu.vector_load %arg6[%get3A_108] {strides = array<i32>} : memref<10000xi32, #tpu.memory_space<vmem>>, vector<16xi32>,
    %get3A_110 = vector.shape_cast %get3A_109 : vector<16xi32> to vector<16xi32>
    %sub3A_111 = arith.subi %get3A_110, %min3A_38 : vector<16xi32>
    %swap3A_112 = arith.constant 144 : index
    %swap3A_113 = tpu.vector_load %arg7[%swap3A_112] {strides = array<i32>} : memref<400xi32, #tpu.memory_space<vmem>>, vector<16xi32>,
    %swap3A_114 = vector.shape_cast %swap3A_113 : vector<16xi32> to vector<16xi32>
    %swap3A_115 = vector.shape_cast %sub3A_111 : vector<16xi32> to vector<16xi32>
    tpu.vector_store %arg7[%swap3A_112], %swap3A_115 {strides = array<i32>} : memref<400xi32, #tpu.memory_space<vmem>>, vector<16xi32>,
    %get3A_116 = arith.constant 160 : index
    %get3A_117 = tpu.vector_load %arg6[%get3A_116] {strides = array<i32>} : memref<10000xi32, #tpu.memory_space<vmem>>, vector<16xi32>,
    %get3A_118 = vector.shape_cast %get3A_117 : vector<16xi32> to vector<16xi32>
    %sub3A_119 = arith.subi %get3A_118, %min3A_38 : vector<16xi32>
    %swap3A_120 = arith.constant 160 : index
    %swap3A_121 = tpu.vector_load %arg7[%swap3A_120] {strides = array<i32>} : memref<400xi32, #tpu.memory_space<vmem>>, vector<16xi32>,
    %swap3A_122 = vector.shape_cast %swap3A_121 : vector<16xi32> to vector<16xi32>
    %swap3A_123 = vector.shape_cast %sub3A_119 : vector<16xi32> to vector<16xi32>
    tpu.vector_store %arg7[%swap3A_120], %swap3A_123 {strides = array<i32>} : memref<400xi32, #tpu.memory_space<vmem>>, vector<16xi32>,
    %get3A_124 = arith.constant 176 : index
    %get3A_125 = tpu.vector_load %arg6[%get3A_124] {strides = array<i32>} : memref<10000xi32, #tpu.memory_space<vmem>>, vector<16xi32>,
    %get3A_126 = vector.shape_cast %get3A_125 : vector<16xi32> to vector<16xi32>
    %sub3A_127 = arith.subi %get3A_126, %min3A_38 : vector<16xi32>
    %swap3A_128 = arith.constant 176 : index
    %swap3A_129 = tpu.vector_load %arg7[%swap3A_128] {strides = array<i32>} : memref<400xi32, #tpu.memory_space<vmem>>, vector<16xi32>,
    %swap3A_130 = vector.shape_cast %swap3A_129 : vector<16xi32> to vector<16xi32>
    %swap3A_131 = vector.shape_cast %sub3A_127 : vector<16xi32> to vector<16xi32>
    tpu.vector_store %arg7[%swap3A_128], %swap3A_131 {strides = array<i32>} : memref<400xi32, #tpu.memory_space<vmem>>, vector<16xi32>,
    %get3A_132 = arith.constant 192 : index
    %get3A_133 = tpu.vector_load %arg6[%get3A_132] {strides = array<i32>} : memref<10000xi32, #tpu.memory_space<vmem>>, vector<16xi32>,
    %get3A_134 = vector.shape_cast %get3A_133 : vector<16xi32> to vector<16xi32>
    %sub3A_135 = arith.subi %get3A_134, %min3A_38 : vector<16xi32>
    %swap3A_136 = arith.constant 192 : index
    %swap3A_137 = tpu.vector_load %arg7[%swap3A_136] {strides = array<i32>} : memref<400xi32, #tpu.memory_space<vmem>>, vector<16xi32>,
    %swap3A_138 = vector.shape_cast %swap3A_137 : vector<16xi32> to vector<16xi32>
    %swap3A_139 = vector.shape_cast %sub3A_135 : vector<16xi32> to vector<16xi32>
    tpu.vector_store %arg7[%swap3A_136], %swap3A_139 {strides = array<i32>} : memref<400xi32, #tpu.memory_space<vmem>>, vector<16xi32>,
    %get3A_140 = arith.constant 208 : index
    %get3A_141 = tpu.vector_load %arg6[%get3A_140] {strides = array<i32>} : memref<10000xi32, #tpu.memory_space<vmem>>, vector<16xi32>,
    %get3A_142 = vector.shape_cast %get3A_141 : vector<16xi32> to vector<16xi32>
    %sub3A_143 = arith.subi %get3A_142, %min3A_38 : vector<16xi32>
    %swap3A_144 = arith.constant 208 : index
    %swap3A_145 = tpu.vector_load %arg7[%swap3A_144] {strides = array<i32>} : memref<400xi32, #tpu.memory_space<vmem>>, vector<16xi32>,
    %swap3A_146 = vector.shape_cast %swap3A_145 : vector<16xi32> to vector<16xi32>
    %swap3A_147 = vector.shape_cast %sub3A_143 : vector<16xi32> to vector<16xi32>
    tpu.vector_store %arg7[%swap3A_144], %swap3A_147 {strides = array<i32>} : memref<400xi32, #tpu.memory_space<vmem>>, vector<16xi32>,
    %get3A_148 = arith.constant 224 : index
    %get3A_149 = tpu.vector_load %arg6[%get3A_148] {strides = array<i32>} : memref<10000xi32, #tpu.memory_space<vmem>>, vector<16xi32>,
    %get3A_150 = vector.shape_cast %get3A_149 : vector<16xi32> to vector<16xi32>
    %sub3A_151 = arith.subi %get3A_150, %min3A_38 : vector<16xi32>
    %swap3A_152 = arith.constant 224 : index
    %swap3A_153 = tpu.vector_load %arg7[%swap3A_152] {strides = array<i32>} : memref<400xi32, #tpu.memory_space<vmem>>, vector<16xi32>,
    %swap3A_154 = vector.shape_cast %swap3A_153 : vector<16xi32> to vector<16xi32>
    %swap3A_155 = vector.shape_cast %sub3A_151 : vector<16xi32> to vector<16xi32>
    tpu.vector_store %arg7[%swap3A_152], %swap3A_155 {strides = array<i32>} : memref<400xi32, #tpu.memory_space<vmem>>, vector<16xi32>,
    %get3A_156 = arith.constant 240 : index
    %get3A_157 = tpu.vector_load %arg6[%get3A_156] {strides = array<i32>} : memref<10000xi32, #tpu.memory_space<vmem>>, vector<16xi32>,
    %get3A_158 = vector.shape_cast %get3A_157 : vector<16xi32> to vector<16xi32>
    %sub3A_159 = arith.subi %get3A_158, %min3A_38 : vector<16xi32>
    %swap3A_160 = arith.constant 240 : index
    %swap3A_161 = tpu.vector_load %arg7[%swap3A_160] {strides = array<i32>} : memref<400xi32, #tpu.memory_space<vmem>>, vector<16xi32>,
    %swap3A_162 = vector.shape_cast %swap3A_161 : vector<16xi32> to vector<16xi32>
    %swap3A_163 = vector.shape_cast %sub3A_159 : vector<16xi32> to vector<16xi32>
    tpu.vector_store %arg7[%swap3A_160], %swap3A_163 {strides = array<i32>} : memref<400xi32, #tpu.memory_space<vmem>>, vector<16xi32>,
    %get3A_164 = arith.constant 256 : index
    %get3A_165 = tpu.vector_load %arg6[%get3A_164] {strides = array<i32>} : memref<10000xi32, #tpu.memory_space<vmem>>, vector<16xi32>,
    %get3A_166 = vector.shape_cast %get3A_165 : vector<16xi32> to vector<16xi32>
    %sub3A_167 = arith.subi %get3A_166, %min3A_38 : vector<16xi32>
    %swap3A_168 = arith.constant 256 : index
    %swap3A_169 = tpu.vector_load %arg7[%swap3A_168] {strides = array<i32>} : memref<400xi32, #tpu.memory_space<vmem>>, vector<16xi32>,
    %swap3A_170 = vector.shape_cast %swap3A_169 : vector<16xi32> to vector<16xi32>
    %swap3A_171 = vector.shape_cast %sub3A_167 : vector<16xi32> to vector<16xi32>
    tpu.vector_store %arg7[%swap3A_168], %swap3A_171 {strides = array<i32>} : memref<400xi32, #tpu.memory_space<vmem>>, vector<16xi32>,
    %get3A_172 = arith.constant 272 : index
    %get3A_173 = tpu.vector_load %arg6[%get3A_172] {strides = array<i32>} : memref<10000xi32, #tpu.memory_space<vmem>>, vector<16xi32>,
    %get3A_174 = vector.shape_cast %get3A_173 : vector<16xi32> to vector<16xi32>
    %sub3A_175 = arith.subi %get3A_174, %min3A_38 : vector<16xi32>
    %swap3A_176 = arith.constant 272 : index
    %swap3A_177 = tpu.vector_load %arg7[%swap3A_176] {strides = array<i32>} : memref<400xi32, #tpu.memory_space<vmem>>, vector<16xi32>,
    %swap3A_178 = vector.shape_cast %swap3A_177 : vector<16xi32> to vector<16xi32>
    %swap3A_179 = vector.shape_cast %sub3A_175 : vector<16xi32> to vector<16xi32>
    tpu.vector_store %arg7[%swap3A_176], %swap3A_179 {strides = array<i32>} : memref<400xi32, #tpu.memory_space<vmem>>, vector<16xi32>,
    %get3A_180 = arith.constant 288 : index
    %get3A_181 = tpu.vector_load %arg6[%get3A_180] {strides = array<i32>} : memref<10000xi32, #tpu.memory_space<vmem>>, vector<16xi32>,
    %get3A_182 = vector.shape_cast %get3A_181 : vector<16xi32> to vector<16xi32>
    %sub3A_183 = arith.subi %get3A_182, %min3A_38 : vector<16xi32>
    %swap3A_184 = arith.constant 288 : index
    %swap3A_185 = tpu.vector_load %arg7[%swap3A_184] {strides = array<i32>} : memref<400xi32, #tpu.memory_space<vmem>>, vector<16xi32>,
    %swap3A_186 = vector.shape_cast %swap3A_185 : vector<16xi32> to vector<16xi32>
    %swap3A_187 = vector.shape_cast %sub3A_183 : vector<16xi32> to vector<16xi32>
    tpu.vector_store %arg7[%swap3A_184], %swap3A_187 {strides = array<i32>} : memref<400xi32, #tpu.memory_space<vmem>>, vector<16xi32>,
    %get3A_188 = arith.constant 304 : index
    %get3A_189 = tpu.vector_load %arg6[%get3A_188] {strides = array<i32>} : memref<10000xi32, #tpu.memory_space<vmem>>, vector<16xi32>,
    %get3A_190 = vector.shape_cast %get3A_189 : vector<16xi32> to vector<16xi32>
    %sub3A_191 = arith.subi %get3A_190, %min3A_38 : vector<16xi32>
    %swap3A_192 = arith.constant 304 : index
    %swap3A_193 = tpu.vector_load %arg7[%swap3A_192] {strides = array<i32>} : memref<400xi32, #tpu.memory_space<vmem>>, vector<16xi32>,
    %swap3A_194 = vector.shape_cast %swap3A_193 : vector<16xi32> to vector<16xi32>
    %swap3A_195 = vector.shape_cast %sub3A_191 : vector<16xi32> to vector<16xi32>
    tpu.vector_store %arg7[%swap3A_192], %swap3A_195 {strides = array<i32>} : memref<400xi32, #tpu.memory_space<vmem>>, vector<16xi32>,
    %get3A_196 = arith.constant 320 : index
    %get3A_197 = tpu.vector_load %arg6[%get3A_196] {strides = array<i32>} : memref<10000xi32, #tpu.memory_space<vmem>>, vector<16xi32>,
    %get3A_198 = vector.shape_cast %get3A_197 : vector<16xi32> to vector<16xi32>
    %sub3A_199 = arith.subi %get3A_198, %min3A_38 : vector<16xi32>
    %swap3A_200 = arith.constant 320 : index
    %swap3A_201 = tpu.vector_load %arg7[%swap3A_200] {strides = array<i32>} : memref<400xi32, #tpu.memory_space<vmem>>, vector<16xi32>,
    %swap3A_202 = vector.shape_cast %swap3A_201 : vector<16xi32> to vector<16xi32>
    %swap3A_203 = vector.shape_cast %sub3A_199 : vector<16xi32> to vector<16xi32>
    tpu.vector_store %arg7[%swap3A_200], %swap3A_203 {strides = array<i32>} : memref<400xi32, #tpu.memory_space<vmem>>, vector<16xi32>,
    %get3A_204 = arith.constant 336 : index
    %get3A_205 = tpu.vector_load %arg6[%get3A_204] {strides = array<i32>} : memref<10000xi32, #tpu.memory_space<vmem>>, vector<16xi32>,
    %get3A_206 = vector.shape_cast %get3A_205 : vector<16xi32> to vector<16xi32>
    %sub3A_207 = arith.subi %get3A_206, %min3A_38 : vector<16xi32>
    %swap3A_208 = arith.constant 336 : index
    %swap3A_209 = tpu.vector_load %arg7[%swap3A_208] {strides = array<i32>} : memref<400xi32, #tpu.memory_space<vmem>>, vector<16xi32>,
    %swap3A_210 = vector.shape_cast %swap3A_209 : vector<16xi32> to vector<16xi32>
    %swap3A_211 = vector.shape_cast %sub3A_207 : vector<16xi32> to vector<16xi32>
    tpu.vector_store %arg7[%swap3A_208], %swap3A_211 {strides = array<i32>} : memref<400xi32, #tpu.memory_space<vmem>>, vector<16xi32>,
    %get3A_212 = arith.constant 352 : index
    %get3A_213 = tpu.vector_load %arg6[%get3A_212] {strides = array<i32>} : memref<10000xi32, #tpu.memory_space<vmem>>, vector<16xi32>,
    %get3A_214 = vector.shape_cast %get3A_213 : vector<16xi32> to vector<16xi32>
    %sub3A_215 = arith.subi %get3A_214, %min3A_38 : vector<16xi32>
    %swap3A_216 = arith.constant 352 : index
    %swap3A_217 = tpu.vector_load %arg7[%swap3A_216] {strides = array<i32>} : memref<400xi32, #tpu.memory_space<vmem>>, vector<16xi32>,
    %swap3A_218 = vector.shape_cast %swap3A_217 : vector<16xi32> to vector<16xi32>
    %swap3A_219 = vector.shape_cast %sub3A_215 : vector<16xi32> to vector<16xi32>
    tpu.vector_store %arg7[%swap3A_216], %swap3A_219 {strides = array<i32>} : memref<400xi32, #tpu.memory_space<vmem>>, vector<16xi32>,
    %get3A_220 = arith.constant 368 : index
    %get3A_221 = tpu.vector_load %arg6[%get3A_220] {strides = array<i32>} : memref<10000xi32, #tpu.memory_space<vmem>>, vector<16xi32>,
    %get3A_222 = vector.shape_cast %get3A_221 : vector<16xi32> to vector<16xi32>
    %sub3A_223 = arith.subi %get3A_222, %min3A_38 : vector<16xi32>
    %swap3A_224 = arith.constant 368 : index
    %swap3A_225 = tpu.vector_load %arg7[%swap3A_224] {strides = array<i32>} : memref<400xi32, #tpu.memory_space<vmem>>, vector<16xi32>,
    %swap3A_226 = vector.shape_cast %swap3A_225 : vector<16xi32> to vector<16xi32>
    %swap3A_227 = vector.shape_cast %sub3A_223 : vector<16xi32> to vector<16xi32>
    tpu.vector_store %arg7[%swap3A_224], %swap3A_227 {strides = array<i32>} : memref<400xi32, #tpu.memory_space<vmem>>, vector<16xi32>,
    %get3A_228 = arith.constant 384 : index
    %get3A_229 = tpu.vector_load %arg6[%get3A_228] {strides = array<i32>} : memref<10000xi32, #tpu.memory_space<vmem>>, vector<16xi32>,
    %get3A_230 = vector.shape_cast %get3A_229 : vector<16xi32> to vector<16xi32>
    %sub3A_231 = arith.subi %get3A_230, %min3A_38 : vector<16xi32>
    %swap3A_232 = arith.constant 384 : index
    %swap3A_233 = tpu.vector_load %arg7[%swap3A_232] {strides = array<i32>} : memref<400xi32, #tpu.memory_space<vmem>>, vector<16xi32>,
    %swap3A_234 = vector.shape_cast %swap3A_233 : vector<16xi32> to vector<16xi32>
    %swap3A_235 = vector.shape_cast %sub3A_231 : vector<16xi32> to vector<16xi32>
    tpu.vector_store %arg7[%swap3A_232], %swap3A_235 {strides = array<i32>} : memref<400xi32, #tpu.memory_space<vmem>>, vector<16xi32>,
    %add3A_236 = arith.constant 0 : i32
    %add3A_237 = arith.addi %mul3A_8, %add3A_236 : i32
    %dma_start3A = arith.constant 0 : i32
    %dma_start3A_238 = tpu.memref_slice %arg2[%add3A_237, %dma_start3A] : memref<640000x64xf32, #tpu.memory_space<hbm>> -> memref<400x64xf32, #tpu.memory_space<hbm>>
    %dma_start3A_239 = arith.constant 0 : i32
    %dma_start3A_240 = tpu.memref_slice %arg2[%add3A_237, %dma_start3A_239] : memref<640000x64xf32, #tpu.memory_space<hbm>> -> memref<400x64xf32, #tpu.memory_space<hbm>>
    tpu.enqueue_dma source(%dma_start3A_240 : memref<400x64xf32, #tpu.memory_space<hbm>>) target(%arg9 : memref<400x64xf32, #tpu.memory_space<vmem>>) target_semaphore(%arg12 : memref<!tpu.dma_semaphore, #tpu.memory_space<semaphore_mem>>)
    %add3A_241 = arith.constant 0 : i32
    %add3A_242 = arith.addi %mul3A_8, %add3A_241 : i32
    %dma_wait3A = arith.constant 0 : i32
    %dma_wait3A_243 = tpu.memref_slice %arg2[%add3A_242, %dma_wait3A] : memref<640000x64xf32, #tpu.memory_space<hbm>> -> memref<400x64xf32, #tpu.memory_space<hbm>>
    %dma_wait3A_244 = arith.constant 0 : i32
    %dma_wait3A_245 = tpu.memref_slice %arg2[%add3A_242, %dma_wait3A_244] : memref<640000x64xf32, #tpu.memory_space<hbm>> -> memref<400x64xf32, #tpu.memory_space<hbm>>
    tpu.wait_dma2 semaphore(%arg12 : memref<!tpu.dma_semaphore, #tpu.memory_space<semaphore_mem>>) src(%dma_wait3A_245 : memref<400x64xf32, #tpu.memory_space<hbm>>) dst(%arg9 : memref<400x64xf32, #tpu.memory_space<vmem>>)
    %dma_start3A_246 = arith.constant 0 : i32
    %dma_start3A_247 = arith.constant 0 : i32
    %dma_start3A_248 = tpu.memref_slice %arg9[%dma_start3A_246, %dma_start3A_247] : memref<400x64xf32, #tpu.memory_space<vmem>> -> memref<80x64xf32, #tpu.memory_space<vmem>>
    %dma_start3A_249 = arith.constant 0 : i32
    %dma_start3A_250 = tpu.memref_slice %arg7[%dma_start3A_249] : memref<400xi32, #tpu.memory_space<vmem>> -> memref<80xi32, #tpu.memory_space<vmem>>
    %dma_start3A_251 = arith.constant 0 : i32
    %dma_start3A_252 = arith.constant 0 : i32
    %dma_start3A_253 = tpu.memref_slice %arg11[%dma_start3A_251, %dma_start3A_252] : memref<5000x64xf32, #tpu.memory_space<vmem_shared>> -> memref<5000x64xf32, #tpu.memory_space<vmem_shared>>
    tpu.enqueue_indirect_dma source(%dma_start3A_253 : memref<5000x64xf32, #tpu.memory_space<vmem_shared>>) target(%dma_start3A_248 : memref<80x64xf32, #tpu.memory_space<vmem>>) offsets(%dma_start3A_250 : memref<80xi32, #tpu.memory_space<vmem>>) semaphore(%arg16 : memref<!tpu.dma_semaphore, #tpu.memory_space<semaphore_mem>>) {add = true}
    %dma_start3A_254 = arith.constant 80 : i32
    %dma_start3A_255 = arith.constant 0 : i32
    %dma_start3A_256 = tpu.memref_slice %arg9[%dma_start3A_254, %dma_start3A_255] : memref<400x64xf32, #tpu.memory_space<vmem>> -> memref<80x64xf32, #tpu.memory_space<vmem>>
    %dma_start3A_257 = arith.constant 80 : i32
    %dma_start3A_258 = tpu.memref_slice %arg7[%dma_start3A_257] : memref<400xi32, #tpu.memory_space<vmem>> -> memref<80xi32, #tpu.memory_space<vmem>>
    %dma_start3A_259 = arith.constant 0 : i32
    %dma_start3A_260 = arith.constant 0 : i32
    %dma_start3A_261 = tpu.memref_slice %arg11[%dma_start3A_259, %dma_start3A_260] : memref<5000x64xf32, #tpu.memory_space<vmem_shared>> -> memref<5000x64xf32, #tpu.memory_space<vmem_shared>>
    tpu.enqueue_indirect_dma source(%dma_start3A_261 : memref<5000x64xf32, #tpu.memory_space<vmem_shared>>) target(%dma_start3A_256 : memref<80x64xf32, #tpu.memory_space<vmem>>) offsets(%dma_start3A_258 : memref<80xi32, #tpu.memory_space<vmem>>) semaphore(%arg16 : memref<!tpu.dma_semaphore, #tpu.memory_space<semaphore_mem>>) {add = true}
    %dma_start3A_262 = arith.constant 160 : i32
    %dma_start3A_263 = arith.constant 0 : i32
    %dma_start3A_264 = tpu.memref_slice %arg9[%dma_start3A_262, %dma_start3A_263] : memref<400x64xf32, #tpu.memory_space<vmem>> -> memref<80x64xf32, #tpu.memory_space<vmem>>
    %dma_start3A_265 = arith.constant 160 : i32
    %dma_start3A_266 = tpu.memref_slice %arg7[%dma_start3A_265] : memref<400xi32, #tpu.memory_space<vmem>> -> memref<80xi32, #tpu.memory_space<vmem>>
    %dma_start3A_267 = arith.constant 0 : i32
    %dma_start3A_268 = arith.constant 0 : i32
    %dma_start3A_269 = tpu.memref_slice %arg11[%dma_start3A_267, %dma_start3A_268] : memref<5000x64xf32, #tpu.memory_space<vmem_shared>> -> memref<5000x64xf32, #tpu.memory_space<vmem_shared>>
    tpu.enqueue_indirect_dma source(%dma_start3A_269 : memref<5000x64xf32, #tpu.memory_space<vmem_shared>>) target(%dma_start3A_264 : memref<80x64xf32, #tpu.memory_space<vmem>>) offsets(%dma_start3A_266 : memref<80xi32, #tpu.memory_space<vmem>>) semaphore(%arg16 : memref<!tpu.dma_semaphore, #tpu.memory_space<semaphore_mem>>) {add = true}
    %dma_start3A_270 = arith.constant 240 : i32
    %dma_start3A_271 = arith.constant 0 : i32
    %dma_start3A_272 = tpu.memref_slice %arg9[%dma_start3A_270, %dma_start3A_271] : memref<400x64xf32, #tpu.memory_space<vmem>> -> memref<80x64xf32, #tpu.memory_space<vmem>>
    %dma_start3A_273 = arith.constant 240 : i32
    %dma_start3A_274 = tpu.memref_slice %arg7[%dma_start3A_273] : memref<400xi32, #tpu.memory_space<vmem>> -> memref<80xi32, #tpu.memory_space<vmem>>
    %dma_start3A_275 = arith.constant 0 : i32
    %dma_start3A_276 = arith.constant 0 : i32
    %dma_start3A_277 = tpu.memref_slice %arg11[%dma_start3A_275, %dma_start3A_276] : memref<5000x64xf32, #tpu.memory_space<vmem_shared>> -> memref<5000x64xf32, #tpu.memory_space<vmem_shared>>
    tpu.enqueue_indirect_dma source(%dma_start3A_277 : memref<5000x64xf32, #tpu.memory_space<vmem_shared>>) target(%dma_start3A_272 : memref<80x64xf32, #tpu.memory_space<vmem>>) offsets(%dma_start3A_274 : memref<80xi32, #tpu.memory_space<vmem>>) semaphore(%arg16 : memref<!tpu.dma_semaphore, #tpu.memory_space<semaphore_mem>>) {add = true}
    %dma_start3A_278 = arith.constant 320 : i32
    %dma_start3A_279 = arith.constant 0 : i32
    %dma_start3A_280 = tpu.memref_slice %arg9[%dma_start3A_278, %dma_start3A_279] : memref<400x64xf32, #tpu.memory_space<vmem>> -> memref<80x64xf32, #tpu.memory_space<vmem>>
    %dma_start3A_281 = arith.constant 320 : i32
    %dma_start3A_282 = tpu.memref_slice %arg7[%dma_start3A_281] : memref<400xi32, #tpu.memory_space<vmem>> -> memref<80xi32, #tpu.memory_space<vmem>>
    %dma_start3A_283 = arith.constant 0 : i32
    %dma_start3A_284 = arith.constant 0 : i32
    %dma_start3A_285 = tpu.memref_slice %arg11[%dma_start3A_283, %dma_start3A_284] : memref<5000x64xf32, #tpu.memory_space<vmem_shared>> -> memref<5000x64xf32, #tpu.memory_space<vmem_shared>>
    tpu.enqueue_indirect_dma source(%dma_start3A_285 : memref<5000x64xf32, #tpu.memory_space<vmem_shared>>) target(%dma_start3A_280 : memref<80x64xf32, #tpu.memory_space<vmem>>) offsets(%dma_start3A_282 : memref<80xi32, #tpu.memory_space<vmem>>) semaphore(%arg16 : memref<!tpu.dma_semaphore, #tpu.memory_space<semaphore_mem>>) {add = true}
    %get3A_286 = arith.constant 400 : index
    %get3A_287 = tpu.vector_load %arg6[%get3A_286] {strides = array<i32>} : memref<10000xi32, #tpu.memory_space<vmem>>, vector<16xi32>,
    %get3A_288 = vector.shape_cast %get3A_287 : vector<16xi32> to vector<16xi32>
    %sub3A_289 = arith.subi %get3A_288, %min3A_38 : vector<16xi32>
    %swap3A_290 = arith.constant 0 : index
    %swap3A_291 = tpu.vector_load %arg8[%swap3A_290] {strides = array<i32>} : memref<400xi32, #tpu.memory_space<vmem>>, vector<16xi32>,
    %swap3A_292 = vector.shape_cast %swap3A_291 : vector<16xi32> to vector<16xi32>
    %swap3A_293 = vector.shape_cast %sub3A_289 : vector<16xi32> to vector<16xi32>
    tpu.vector_store %arg8[%swap3A_290], %swap3A_293 {strides = array<i32>} : memref<400xi32, #tpu.memory_space<vmem>>, vector<16xi32>,
    %get3A_294 = arith.constant 416 : index
    %get3A_295 = tpu.vector_load %arg6[%get3A_294] {strides = array<i32>} : memref<10000xi32, #tpu.memory_space<vmem>>, vector<16xi32>,
    %get3A_296 = vector.shape_cast %get3A_295 : vector<16xi32> to vector<16xi32>
    %sub3A_297 = arith.subi %get3A_296, %min3A_38 : vector<16xi32>
    %swap3A_298 = arith.constant 16 : index
    %swap3A_299 = tpu.vector_load %arg8[%swap3A_298] {strides = array<i32>} : memref<400xi32, #tpu.memory_space<vmem>>, vector<16xi32>,
    %swap3A_300 = vector.shape_cast %swap3A_299 : vector<16xi32> to vector<16xi32>
    %swap3A_301 = vector.shape_cast %sub3A_297 : vector<16xi32> to vector<16xi32>
    tpu.vector_store %arg8[%swap3A_298], %swap3A_301 {strides = array<i32>} : memref<400xi32, #tpu.memory_space<vmem>>, vector<16xi32>,
    %get3A_302 = arith.constant 432 : index
    %get3A_303 = tpu.vector_load %arg6[%get3A_302] {strides = array<i32>} : memref<10000xi32, #tpu.memory_space<vmem>>, vector<16xi32>,
    %get3A_304 = vector.shape_cast %get3A_303 : vector<16xi32> to vector<16xi32>
    %sub3A_305 = arith.subi %get3A_304, %min3A_38 : vector<16xi32>
    %swap3A_306 = arith.constant 32 : index
    %swap3A_307 = tpu.vector_load %arg8[%swap3A_306] {strides = array<i32>} : memref<400xi32, #tpu.memory_space<vmem>>, vector<16xi32>,
    %swap3A_308 = vector.shape_cast %swap3A_307 : vector<16xi32> to vector<16xi32>
    %swap3A_309 = vector.shape_cast %sub3A_305 : vector<16xi32> to vector<16xi32>
    tpu.vector_store %arg8[%swap3A_306], %swap3A_309 {strides = array<i32>} : memref<400xi32, #tpu.memory_space<vmem>>, vector<16xi32>,
    %get3A_310 = arith.constant 448 : index
    %get3A_311 = tpu.vector_load %arg6[%get3A_310] {strides = array<i32>} : memref<10000xi32, #tpu.memory_space<vmem>>, vector<16xi32>,
    %get3A_312 = vector.shape_cast %get3A_311 : vector<16xi32> to vector<16xi32>
    %sub3A_313 = arith.subi %get3A_312, %min3A_38 : vector<16xi32>
    %swap3A_314 = arith.constant 48 : index
    %swap3A_315 = tpu.vector_load %arg8[%swap3A_314] {strides = array<i32>} : memref<400xi32, #tpu.memory_space<vmem>>, vector<16xi32>,
    %swap3A_316 = vector.shape_cast %swap3A_315 : vector<16xi32> to vector<16xi32>
    %swap3A_317 = vector.shape_cast %sub3A_313 : vector<16xi32> to vector<16xi32>
    tpu.vector_store %arg8[%swap3A_314], %swap3A_317 {strides = array<i32>} : memref<400xi32, #tpu.memory_space<vmem>>, vector<16xi32>,
    %get3A_318 = arith.constant 464 : index
    %get3A_319 = tpu.vector_load %arg6[%get3A_318] {strides = array<i32>} : memref<10000xi32, #tpu.memory_space<vmem>>, vector<16xi32>,
    %get3A_320 = vector.shape_cast %get3A_319 : vector<16xi32> to vector<16xi32>
    %sub3A_321 = arith.subi %get3A_320, %min3A_38 : vector<16xi32>
    %swap3A_322 = arith.constant 64 : index
    %swap3A_323 = tpu.vector_load %arg8[%swap3A_322] {strides = array<i32>} : memref<400xi32, #tpu.memory_space<vmem>>, vector<16xi32>,
    %swap3A_324 = vector.shape_cast %swap3A_323 : vector<16xi32> to vector<16xi32>
    %swap3A_325 = vector.shape_cast %sub3A_321 : vector<16xi32> to vector<16xi32>
    tpu.vector_store %arg8[%swap3A_322], %swap3A_325 {strides = array<i32>} : memref<400xi32, #tpu.memory_space<vmem>>, vector<16xi32>,
    %get3A_326 = arith.constant 480 : index
    %get3A_327 = tpu.vector_load %arg6[%get3A_326] {strides = array<i32>} : memref<10000xi32, #tpu.memory_space<vmem>>, vector<16xi32>,
    %get3A_328 = vector.shape_cast %get3A_327 : vector<16xi32> to vector<16xi32>
    %sub3A_329 = arith.subi %get3A_328, %min3A_38 : vector<16xi32>
    %swap3A_330 = arith.constant 80 : index
    %swap3A_331 = tpu.vector_load %arg8[%swap3A_330] {strides = array<i32>} : memref<400xi32, #tpu.memory_space<vmem>>, vector<16xi32>,
    %swap3A_332 = vector.shape_cast %swap3A_331 : vector<16xi32> to vector<16xi32>
    %swap3A_333 = vector.shape_cast %sub3A_329 : vector<16xi32> to vector<16xi32>
    tpu.vector_store %arg8[%swap3A_330], %swap3A_333 {strides = array<i32>} : memref<400xi32, #tpu.memory_space<vmem>>, vector<16xi32>,
    %get3A_334 = arith.constant 496 : index
    %get3A_335 = tpu.vector_load %arg6[%get3A_334] {strides = array<i32>} : memref<10000xi32, #tpu.memory_space<vmem>>, vector<16xi32>,
    %get3A_336 = vector.shape_cast %get3A_335 : vector<16xi32> to vector<16xi32>
    %sub3A_337 = arith.subi %get3A_336, %min3A_38 : vector<16xi32>
    %swap3A_338 = arith.constant 96 : index
    %swap3A_339 = tpu.vector_load %arg8[%swap3A_338] {strides = array<i32>} : memref<400xi32, #tpu.memory_space<vmem>>, vector<16xi32>,
    %swap3A_340 = vector.shape_cast %swap3A_339 : vector<16xi32> to vector<16xi32>
    %swap3A_341 = vector.shape_cast %sub3A_337 : vector<16xi32> to vector<16xi32>
    tpu.vector_store %arg8[%swap3A_338], %swap3A_341 {strides = array<i32>} : memref<400xi32, #tpu.memory_space<vmem>>, vector<16xi32>,
    %get3A_342 = arith.constant 512 : index
    %get3A_343 = tpu.vector_load %arg6[%get3A_342] {strides = array<i32>} : memref<10000xi32, #tpu.memory_space<vmem>>, vector<16xi32>,
    %get3A_344 = vector.shape_cast %get3A_343 : vector<16xi32> to vector<16xi32>
    %sub3A_345 = arith.subi %get3A_344, %min3A_38 : vector<16xi32>
    %swap3A_346 = arith.constant 112 : index
    %swap3A_347 = tpu.vector_load %arg8[%swap3A_346] {strides = array<i32>} : memref<400xi32, #tpu.memory_space<vmem>>, vector<16xi32>,
    %swap3A_348 = vector.shape_cast %swap3A_347 : vector<16xi32> to vector<16xi32>
    %swap3A_349 = vector.shape_cast %sub3A_345 : vector<16xi32> to vector<16xi32>
    tpu.vector_store %arg8[%swap3A_346], %swap3A_349 {strides = array<i32>} : memref<400xi32, #tpu.memory_space<vmem>>, vector<16xi32>,
    %get3A_350 = arith.constant 528 : index
    %get3A_351 = tpu.vector_load %arg6[%get3A_350] {strides = array<i32>} : memref<10000xi32, #tpu.memory_space<vmem>>, vector<16xi32>,
    %get3A_352 = vector.shape_cast %get3A_351 : vector<16xi32> to vector<16xi32>
    %sub3A_353 = arith.subi %get3A_352, %min3A_38 : vector<16xi32>
    %swap3A_354 = arith.constant 128 : index
    %swap3A_355 = tpu.vector_load %arg8[%swap3A_354] {strides = array<i32>} : memref<400xi32, #tpu.memory_space<vmem>>, vector<16xi32>,
    %swap3A_356 = vector.shape_cast %swap3A_355 : vector<16xi32> to vector<16xi32>
    %swap3A_357 = vector.shape_cast %sub3A_353 : vector<16xi32> to vector<16xi32>
    tpu.vector_store %arg8[%swap3A_354], %swap3A_357 {strides = array<i32>} : memref<400xi32, #tpu.memory_space<vmem>>, vector<16xi32>,
    %get3A_358 = arith.constant 544 : index
    %get3A_359 = tpu.vector_load %arg6[%get3A_358] {strides = array<i32>} : memref<10000xi32, #tpu.memory_space<vmem>>, vector<16xi32>,
    %get3A_360 = vector.shape_cast %get3A_359 : vector<16xi32> to vector<16xi32>
    %sub3A_361 = arith.subi %get3A_360, %min3A_38 : vector<16xi32>
    %swap3A_362 = arith.constant 144 : index
    %swap3A_363 = tpu.vector_load %arg8[%swap3A_362] {strides = array<i32>} : memref<400xi32, #tpu.memory_space<vmem>>, vector<16xi32>,
    %swap3A_364 = vector.shape_cast %swap3A_363 : vector<16xi32> to vector<16xi32>
    %swap3A_365 = vector.shape_cast %sub3A_361 : vector<16xi32> to vector<16xi32>
    tpu.vector_store %arg8[%swap3A_362], %swap3A_365 {strides = array<i32>} : memref<400xi32, #tpu.memory_space<vmem>>, vector<16xi32>,
    %get3A_366 = arith.constant 560 : index
    %get3A_367 = tpu.vector_load %arg6[%get3A_366] {strides = array<i32>} : memref<10000xi32, #tpu.memory_space<vmem>>, vector<16xi32>,
    %get3A_368 = vector.shape_cast %get3A_367 : vector<16xi32> to vector<16xi32>
    %sub3A_369 = arith.subi %get3A_368, %min3A_38 : vector<16xi32>
    %swap3A_370 = arith.constant 160 : index
    %swap3A_371 = tpu.vector_load %arg8[%swap3A_370] {strides = array<i32>} : memref<400xi32, #tpu.memory_space<vmem>>, vector<16xi32>,
    %swap3A_372 = vector.shape_cast %swap3A_371 : vector<16xi32> to vector<16xi32>
    %swap3A_373 = vector.shape_cast %sub3A_369 : vector<16xi32> to vector<16xi32>
    tpu.vector_store %arg8[%swap3A_370], %swap3A_373 {strides = array<i32>} : memref<400xi32, #tpu.memory_space<vmem>>, vector<16xi32>,
    %get3A_374 = arith.constant 576 : index
    %get3A_375 = tpu.vector_load %arg6[%get3A_374] {strides = array<i32>} : memref<10000xi32, #tpu.memory_space<vmem>>, vector<16xi32>,
    %get3A_376 = vector.shape_cast %get3A_375 : vector<16xi32> to vector<16xi32>
    %sub3A_377 = arith.subi %get3A_376, %min3A_38 : vector<16xi32>
    %swap3A_378 = arith.constant 176 : index
    %swap3A_379 = tpu.vector_load %arg8[%swap3A_378] {strides = array<i32>} : memref<400xi32, #tpu.memory_space<vmem>>, vector<16xi32>,
    %swap3A_380 = vector.shape_cast %swap3A_379 : vector<16xi32> to vector<16xi32>
    %swap3A_381 = vector.shape_cast %sub3A_377 : vector<16xi32> to vector<16xi32>
    tpu.vector_store %arg8[%swap3A_378], %swap3A_381 {strides = array<i32>} : memref<400xi32, #tpu.memory_space<vmem>>, vector<16xi32>,
    %get3A_382 = arith.constant 592 : index
    %get3A_383 = tpu.vector_load %arg6[%get3A_382] {strides = array<i32>} : memref<10000xi32, #tpu.memory_space<vmem>>, vector<16xi32>,
    %get3A_384 = vector.shape_cast %get3A_383 : vector<16xi32> to vector<16xi32>
    %sub3A_385 = arith.subi %get3A_384, %min3A_38 : vector<16xi32>
    %swap3A_386 = arith.constant 192 : index
    %swap3A_387 = tpu.vector_load %arg8[%swap3A_386] {strides = array<i32>} : memref<400xi32, #tpu.memory_space<vmem>>, vector<16xi32>,
    %swap3A_388 = vector.shape_cast %swap3A_387 : vector<16xi32> to vector<16xi32>
    %swap3A_389 = vector.shape_cast %sub3A_385 : vector<16xi32> to vector<16xi32>
    tpu.vector_store %arg8[%swap3A_386], %swap3A_389 {strides = array<i32>} : memref<400xi32, #tpu.memory_space<vmem>>, vector<16xi32>,
    %get3A_390 = arith.constant 608 : index
    %get3A_391 = tpu.vector_load %arg6[%get3A_390] {strides = array<i32>} : memref<10000xi32, #tpu.memory_space<vmem>>, vector<16xi32>,
    %get3A_392 = vector.shape_cast %get3A_391 : vector<16xi32> to vector<16xi32>
    %sub3A_393 = arith.subi %get3A_392, %min3A_38 : vector<16xi32>
    %swap3A_394 = arith.constant 208 : index
    %swap3A_395 = tpu.vector_load %arg8[%swap3A_394] {strides = array<i32>} : memref<400xi32, #tpu.memory_space<vmem>>, vector<16xi32>,
    %swap3A_396 = vector.shape_cast %swap3A_395 : vector<16xi32> to vector<16xi32>
    %swap3A_397 = vector.shape_cast %sub3A_393 : vector<16xi32> to vector<16xi32>
    tpu.vector_store %arg8[%swap3A_394], %swap3A_397 {strides = array<i32>} : memref<400xi32, #tpu.memory_space<vmem>>, vector<16xi32>,
    %get3A_398 = arith.constant 624 : index
    %get3A_399 = tpu.vector_load %arg6[%get3A_398] {strides = array<i32>} : memref<10000xi32, #tpu.memory_space<vmem>>, vector<16xi32>,
    %get3A_400 = vector.shape_cast %get3A_399 : vector<16xi32> to vector<16xi32>
    %sub3A_401 = arith.subi %get3A_400, %min3A_38 : vector<16xi32>
    %swap3A_402 = arith.constant 224 : index
    %swap3A_403 = tpu.vector_load %arg8[%swap3A_402] {strides = array<i32>} : memref<400xi32, #tpu.memory_space<vmem>>, vector<16xi32>,
    %swap3A_404 = vector.shape_cast %swap3A_403 : vector<16xi32> to vector<16xi32>
    %swap3A_405 = vector.shape_cast %sub3A_401 : vector<16xi32> to vector<16xi32>
    tpu.vector_store %arg8[%swap3A_402], %swap3A_405 {strides = array<i32>} : memref<400xi32, #tpu.memory_space<vmem>>, vector<16xi32>,
    %get3A_406 = arith.constant 640 : index
    %get3A_407 = tpu.vector_load %arg6[%get3A_406] {strides = array<i32>} : memref<10000xi32, #tpu.memory_space<vmem>>, vector<16xi32>,
    %get3A_408 = vector.shape_cast %get3A_407 : vector<16xi32> to vector<16xi32>
    %sub3A_409 = arith.subi %get3A_408, %min3A_38 : vector<16xi32>
    %swap3A_410 = arith.constant 240 : index
    %swap3A_411 = tpu.vector_load %arg8[%swap3A_410] {strides = array<i32>} : memref<400xi32, #tpu.memory_space<vmem>>, vector<16xi32>,
    %swap3A_412 = vector.shape_cast %swap3A_411 : vector<16xi32> to vector<16xi32>
    %swap3A_413 = vector.shape_cast %sub3A_409 : vector<16xi32> to vector<16xi32>
    tpu.vector_store %arg8[%swap3A_410], %swap3A_413 {strides = array<i32>} : memref<400xi32, #tpu.memory_space<vmem>>, vector<16xi32>,
    %get3A_414 = arith.constant 656 : index
    %get3A_415 = tpu.vector_load %arg6[%get3A_414] {strides = array<i32>} : memref<10000xi32, #tpu.memory_space<vmem>>, vector<16xi32>,
    %get3A_416 = vector.shape_cast %get3A_415 : vector<16xi32> to vector<16xi32>
    %sub3A_417 = arith.subi %get3A_416, %min3A_38 : vector<16xi32>
    %swap3A_418 = arith.constant 256 : index
    %swap3A_419 = tpu.vector_load %arg8[%swap3A_418] {strides = array<i32>} : memref<400xi32, #tpu.memory_space<vmem>>, vector<16xi32>,
    %swap3A_420 = vector.shape_cast %swap3A_419 : vector<16xi32> to vector<16xi32>
    %swap3A_421 = vector.shape_cast %sub3A_417 : vector<16xi32> to vector<16xi32>
    tpu.vector_store %arg8[%swap3A_418], %swap3A_421 {strides = array<i32>} : memref<400xi32, #tpu.memory_space<vmem>>, vector<16xi32>,
    %get3A_422 = arith.constant 672 : index
    %get3A_423 = tpu.vector_load %arg6[%get3A_422] {strides = array<i32>} : memref<10000xi32, #tpu.memory_space<vmem>>, vector<16xi32>,
    %get3A_424 = vector.shape_cast %get3A_423 : vector<16xi32> to vector<16xi32>
    %sub3A_425 = arith.subi %get3A_424, %min3A_38 : vector<16xi32>
    %swap3A_426 = arith.constant 272 : index
    %swap3A_427 = tpu.vector_load %arg8[%swap3A_426] {strides = array<i32>} : memref<400xi32, #tpu.memory_space<vmem>>, vector<16xi32>,
    %swap3A_428 = vector.shape_cast %swap3A_427 : vector<16xi32> to vector<16xi32>
    %swap3A_429 = vector.shape_cast %sub3A_425 : vector<16xi32> to vector<16xi32>
    tpu.vector_store %arg8[%swap3A_426], %swap3A_429 {strides = array<i32>} : memref<400xi32, #tpu.memory_space<vmem>>, vector<16xi32>,
    %get3A_430 = arith.constant 688 : index
    %get3A_431 = tpu.vector_load %arg6[%get3A_430] {strides = array<i32>} : memref<10000xi32, #tpu.memory_space<vmem>>, vector<16xi32>,
    %get3A_432 = vector.shape_cast %get3A_431 : vector<16xi32> to vector<16xi32>
    %sub3A_433 = arith.subi %get3A_432, %min3A_38 : vector<16xi32>
    %swap3A_434 = arith.constant 288 : index
    %swap3A_435 = tpu.vector_load %arg8[%swap3A_434] {strides = array<i32>} : memref<400xi32, #tpu.memory_space<vmem>>, vector<16xi32>,
    %swap3A_436 = vector.shape_cast %swap3A_435 : vector<16xi32> to vector<16xi32>
    %swap3A_437 = vector.shape_cast %sub3A_433 : vector<16xi32> to vector<16xi32>
    tpu.vector_store %arg8[%swap3A_434], %swap3A_437 {strides = array<i32>} : memref<400xi32, #tpu.memory_space<vmem>>, vector<16xi32>,
    %get3A_438 = arith.constant 704 : index
    %get3A_439 = tpu.vector_load %arg6[%get3A_438] {strides = array<i32>} : memref<10000xi32, #tpu.memory_space<vmem>>, vector<16xi32>,
    %get3A_440 = vector.shape_cast %get3A_439 : vector<16xi32> to vector<16xi32>
    %sub3A_441 = arith.subi %get3A_440, %min3A_38 : vector<16xi32>
    %swap3A_442 = arith.constant 304 : index
    %swap3A_443 = tpu.vector_load %arg8[%swap3A_442] {strides = array<i32>} : memref<400xi32, #tpu.memory_space<vmem>>, vector<16xi32>,
    %swap3A_444 = vector.shape_cast %swap3A_443 : vector<16xi32> to vector<16xi32>
    %swap3A_445 = vector.shape_cast %sub3A_441 : vector<16xi32> to vector<16xi32>
    tpu.vector_store %arg8[%swap3A_442], %swap3A_445 {strides = array<i32>} : memref<400xi32, #tpu.memory_space<vmem>>, vector<16xi32>,
    %get3A_446 = arith.constant 720 : index
    %get3A_447 = tpu.vector_load %arg6[%get3A_446] {strides = array<i32>} : memref<10000xi32, #tpu.memory_space<vmem>>, vector<16xi32>,
    %get3A_448 = vector.shape_cast %get3A_447 : vector<16xi32> to vector<16xi32>
    %sub3A_449 = arith.subi %get3A_448, %min3A_38 : vector<16xi32>
    %swap3A_450 = arith.constant 320 : index
    %swap3A_451 = tpu.vector_load %arg8[%swap3A_450] {strides = array<i32>} : memref<400xi32, #tpu.memory_space<vmem>>, vector<16xi32>,
    %swap3A_452 = vector.shape_cast %swap3A_451 : vector<16xi32> to vector<16xi32>
    %swap3A_453 = vector.shape_cast %sub3A_449 : vector<16xi32> to vector<16xi32>
    tpu.vector_store %arg8[%swap3A_450], %swap3A_453 {strides = array<i32>} : memref<400xi32, #tpu.memory_space<vmem>>, vector<16xi32>,
    %get3A_454 = arith.constant 736 : index
    %get3A_455 = tpu.vector_load %arg6[%get3A_454] {strides = array<i32>} : memref<10000xi32, #tpu.memory_space<vmem>>, vector<16xi32>,
    %get3A_456 = vector.shape_cast %get3A_455 : vector<16xi32> to vector<16xi32>
    %sub3A_457 = arith.subi %get3A_456, %min3A_38 : vector<16xi32>
    %swap3A_458 = arith.constant 336 : index
    %swap3A_459 = tpu.vector_load %arg8[%swap3A_458] {strides = array<i32>} : memref<400xi32, #tpu.memory_space<vmem>>, vector<16xi32>,
    %swap3A_460 = vector.shape_cast %swap3A_459 : vector<16xi32> to vector<16xi32>
    %swap3A_461 = vector.shape_cast %sub3A_457 : vector<16xi32> to vector<16xi32>
    tpu.vector_store %arg8[%swap3A_458], %swap3A_461 {strides = array<i32>} : memref<400xi32, #tpu.memory_space<vmem>>, vector<16xi32>,
    %get3A_462 = arith.constant 752 : index
    %get3A_463 = tpu.vector_load %arg6[%get3A_462] {strides = array<i32>} : memref<10000xi32, #tpu.memory_space<vmem>>, vector<16xi32>,
    %get3A_464 = vector.shape_cast %get3A_463 : vector<16xi32> to vector<16xi32>
    %sub3A_465 = arith.subi %get3A_464, %min3A_38 : vector<16xi32>
    %swap3A_466 = arith.constant 352 : index
    %swap3A_467 = tpu.vector_load %arg8[%swap3A_466] {strides = array<i32>} : memref<400xi32, #tpu.memory_space<vmem>>, vector<16xi32>,
    %swap3A_468 = vector.shape_cast %swap3A_467 : vector<16xi32> to vector<16xi32>
    %swap3A_469 = vector.shape_cast %sub3A_465 : vector<16xi32> to vector<16xi32>
    tpu.vector_store %arg8[%swap3A_466], %swap3A_469 {strides = array<i32>} : memref<400xi32, #tpu.memory_space<vmem>>, vector<16xi32>,
    %get3A_470 = arith.constant 768 : index
    %get3A_471 = tpu.vector_load %arg6[%get3A_470] {strides = array<i32>} : memref<10000xi32, #tpu.memory_space<vmem>>, vector<16xi32>,
    %get3A_472 = vector.shape_cast %get3A_471 : vector<16xi32> to vector<16xi32>
    %sub3A_473 = arith.subi %get3A_472, %min3A_38 : vector<16xi32>
    %swap3A_474 = arith.constant 368 : index
    %swap3A_475 = tpu.vector_load %arg8[%swap3A_474] {strides = array<i32>} : memref<400xi32, #tpu.memory_space<vmem>>, vector<16xi32>,
    %swap3A_476 = vector.shape_cast %swap3A_475 : vector<16xi32> to vector<16xi32>
    %swap3A_477 = vector.shape_cast %sub3A_473 : vector<16xi32> to vector<16xi32>
    tpu.vector_store %arg8[%swap3A_474], %swap3A_477 {strides = array<i32>} : memref<400xi32, #tpu.memory_space<vmem>>, vector<16xi32>,
    %get3A_478 = arith.constant 784 : index
    %get3A_479 = tpu.vector_load %arg6[%get3A_478] {strides = array<i32>} : memref<10000xi32, #tpu.memory_space<vmem>>, vector<16xi32>,
    %get3A_480 = vector.shape_cast %get3A_479 : vector<16xi32> to vector<16xi32>
    %sub3A_481 = arith.subi %get3A_480, %min3A_38 : vector<16xi32>
    %swap3A_482 = arith.constant 384 : index
    %swap3A_483 = tpu.vector_load %arg8[%swap3A_482] {strides = array<i32>} : memref<400xi32, #tpu.memory_space<vmem>>, vector<16xi32>,
    %swap3A_484 = vector.shape_cast %swap3A_483 : vector<16xi32> to vector<16xi32>
    %swap3A_485 = vector.shape_cast %sub3A_481 : vector<16xi32> to vector<16xi32>
    tpu.vector_store %arg8[%swap3A_482], %swap3A_485 {strides = array<i32>} : memref<400xi32, #tpu.memory_space<vmem>>, vector<16xi32>,
    %add3A_486 = arith.constant 400 : i32
    %add3A_487 = arith.addi %mul3A_8, %add3A_486 : i32
    %dma_start3A_488 = arith.constant 0 : i32
    %dma_start3A_489 = tpu.memref_slice %arg2[%add3A_487, %dma_start3A_488] : memref<640000x64xf32, #tpu.memory_space<hbm>> -> memref<400x64xf32, #tpu.memory_space<hbm>>
    %dma_start3A_490 = arith.constant 0 : i32
    %dma_start3A_491 = tpu.memref_slice %arg2[%add3A_487, %dma_start3A_490] : memref<640000x64xf32, #tpu.memory_space<hbm>> -> memref<400x64xf32, #tpu.memory_space<hbm>>
    tpu.enqueue_dma source(%dma_start3A_491 : memref<400x64xf32, #tpu.memory_space<hbm>>) target(%arg10 : memref<400x64xf32, #tpu.memory_space<vmem>>) target_semaphore(%arg13 : memref<!tpu.dma_semaphore, #tpu.memory_space<semaphore_mem>>)
    %dma_wait3A_492 = arith.constant 0 : i32
    %dma_wait3A_493 = arith.constant 0 : i32
    %dma_wait3A_494 = tpu.memref_slice %arg9[%dma_wait3A_492, %dma_wait3A_493] : memref<400x64xf32, #tpu.memory_space<vmem>> -> memref<80x64xf32, #tpu.memory_space<vmem>>
    %dma_wait3A_495 = arith.constant 0 : i32
    %dma_wait3A_496 = tpu.memref_slice %arg7[%dma_wait3A_495] : memref<400xi32, #tpu.memory_space<vmem>> -> memref<80xi32, #tpu.memory_space<vmem>>
    %dma_wait3A_497 = arith.constant 0 : i32
    %dma_wait3A_498 = arith.constant 0 : i32
    %dma_wait3A_499 = tpu.memref_slice %arg11[%dma_wait3A_497, %dma_wait3A_498] : memref<5000x64xf32, #tpu.memory_space<vmem_shared>> -> memref<5000x64xf32, #tpu.memory_space<vmem_shared>>
    tpu.wait_indirect_dma semaphore(%arg16 : memref<!tpu.dma_semaphore, #tpu.memory_space<semaphore_mem>>) src(%dma_wait3A_499 : memref<5000x64xf32, #tpu.memory_space<vmem_shared>>) dst(%dma_wait3A_494 : memref<80x64xf32, #tpu.memory_space<vmem>>)
    %dma_wait3A_500 = arith.constant 80 : i32
    %dma_wait3A_501 = arith.constant 0 : i32
    %dma_wait3A_502 = tpu.memref_slice %arg9[%dma_wait3A_500, %dma_wait3A_501] : memref<400x64xf32, #tpu.memory_space<vmem>> -> memref<80x64xf32, #tpu.memory_space<vmem>>
    %dma_wait3A_503 = arith.constant 80 : i32
    %dma_wait3A_504 = tpu.memref_slice %arg7[%dma_wait3A_503] : memref<400xi32, #tpu.memory_space<vmem>> -> memref<80xi32, #tpu.memory_space<vmem>>
    %dma_wait3A_505 = arith.constant 0 : i32
    %dma_wait3A_506 = arith.constant 0 : i32
    %dma_wait3A_507 = tpu.memref_slice %arg11[%dma_wait3A_505, %dma_wait3A_506] : memref<5000x64xf32, #tpu.memory_space<vmem_shared>> -> memref<5000x64xf32, #tpu.memory_space<vmem_shared>>
    tpu.wait_indirect_dma semaphore(%arg16 : memref<!tpu.dma_semaphore, #tpu.memory_space<semaphore_mem>>) src(%dma_wait3A_507 : memref<5000x64xf32, #tpu.memory_space<vmem_shared>>) dst(%dma_wait3A_502 : memref<80x64xf32, #tpu.memory_space<vmem>>)
    %dma_wait3A_508 = arith.constant 160 : i32
    %dma_wait3A_509 = arith.constant 0 : i32
    %dma_wait3A_510 = tpu.memref_slice %arg9[%dma_wait3A_508, %dma_wait3A_509] : memref<400x64xf32, #tpu.memory_space<vmem>> -> memref<80x64xf32, #tpu.memory_space<vmem>>
    %dma_wait3A_511 = arith.constant 160 : i32
    %dma_wait3A_512 = tpu.memref_slice %arg7[%dma_wait3A_511] : memref<400xi32, #tpu.memory_space<vmem>> -> memref<80xi32, #tpu.memory_space<vmem>>
    %dma_wait3A_513 = arith.constant 0 : i32
    %dma_wait3A_514 = arith.constant 0 : i32
    %dma_wait3A_515 = tpu.memref_slice %arg11[%dma_wait3A_513, %dma_wait3A_514] : memref<5000x64xf32, #tpu.memory_space<vmem_shared>> -> memref<5000x64xf32, #tpu.memory_space<vmem_shared>>
    tpu.wait_indirect_dma semaphore(%arg16 : memref<!tpu.dma_semaphore, #tpu.memory_space<semaphore_mem>>) src(%dma_wait3A_515 : memref<5000x64xf32, #tpu.memory_space<vmem_shared>>) dst(%dma_wait3A_510 : memref<80x64xf32, #tpu.memory_space<vmem>>)
    %dma_wait3A_516 = arith.constant 240 : i32
    %dma_wait3A_517 = arith.constant 0 : i32
    %dma_wait3A_518 = tpu.memref_slice %arg9[%dma_wait3A_516, %dma_wait3A_517] : memref<400x64xf32, #tpu.memory_space<vmem>> -> memref<80x64xf32, #tpu.memory_space<vmem>>
    %dma_wait3A_519 = arith.constant 240 : i32
    %dma_wait3A_520 = tpu.memref_slice %arg7[%dma_wait3A_519] : memref<400xi32, #tpu.memory_space<vmem>> -> memref<80xi32, #tpu.memory_space<vmem>>
    %dma_wait3A_521 = arith.constant 0 : i32
    %dma_wait3A_522 = arith.constant 0 : i32
    %dma_wait3A_523 = tpu.memref_slice %arg11[%dma_wait3A_521, %dma_wait3A_522] : memref<5000x64xf32, #tpu.memory_space<vmem_shared>> -> memref<5000x64xf32, #tpu.memory_space<vmem_shared>>
    tpu.wait_indirect_dma semaphore(%arg16 : memref<!tpu.dma_semaphore, #tpu.memory_space<semaphore_mem>>) src(%dma_wait3A_523 : memref<5000x64xf32, #tpu.memory_space<vmem_shared>>) dst(%dma_wait3A_518 : memref<80x64xf32, #tpu.memory_space<vmem>>)
    %dma_wait3A_524 = arith.constant 320 : i32
    %dma_wait3A_525 = arith.constant 0 : i32
    %dma_wait3A_526 = tpu.memref_slice %arg9[%dma_wait3A_524, %dma_wait3A_525] : memref<400x64xf32, #tpu.memory_space<vmem>> -> memref<80x64xf32, #tpu.memory_space<vmem>>
    %dma_wait3A_527 = arith.constant 320 : i32
    %dma_wait3A_528 = tpu.memref_slice %arg7[%dma_wait3A_527] : memref<400xi32, #tpu.memory_space<vmem>> -> memref<80xi32, #tpu.memory_space<vmem>>
    %dma_wait3A_529 = arith.constant 0 : i32
    %dma_wait3A_530 = arith.constant 0 : i32
    %dma_wait3A_531 = tpu.memref_slice %arg11[%dma_wait3A_529, %dma_wait3A_530] : memref<5000x64xf32, #tpu.memory_space<vmem_shared>> -> memref<5000x64xf32, #tpu.memory_space<vmem_shared>>
    tpu.wait_indirect_dma semaphore(%arg16 : memref<!tpu.dma_semaphore, #tpu.memory_space<semaphore_mem>>) src(%dma_wait3A_531 : memref<5000x64xf32, #tpu.memory_space<vmem_shared>>) dst(%dma_wait3A_526 : memref<80x64xf32, #tpu.memory_space<vmem>>)
    %add3A_532 = arith.constant 0 : i32
    %add3A_533 = arith.addi %mul3A_8, %add3A_532 : i32
    %dma_start3A_534 = arith.constant 0 : i32
    %dma_start3A_535 = tpu.memref_slice %arg5[%add3A_533, %dma_start3A_534] : memref<640000x64xf32, #tpu.memory_space<hbm>> -> memref<400x64xf32, #tpu.memory_space<hbm>>
    %dma_start3A_536 = arith.constant 0 : i32
    %dma_start3A_537 = tpu.memref_slice %arg5[%add3A_533, %dma_start3A_536] : memref<640000x64xf32, #tpu.memory_space<hbm>> -> memref<400x64xf32, #tpu.memory_space<hbm>>
    tpu.enqueue_dma source(%arg9 : memref<400x64xf32, #tpu.memory_space<vmem>>) target(%dma_start3A_537 : memref<400x64xf32, #tpu.memory_space<hbm>>) target_semaphore(%arg14 : memref<!tpu.dma_semaphore, #tpu.memory_space<semaphore_mem>>)
    %scan3A_538 = arith.constant 0 : i32
    %scan3A_539 = arith.constant 1 : i32
    %scan3A_540 = arith.constant 12 : i32
    %scan3A_541 = arith.addi %scan3A_539, %scan3A_540 : i32
    %scan3A_542 = arith.constant 1 : i32
    scf.for %scan3A_1121 = %scan3A_539 to %scan3A_541 step %scan3A_542  : i32 {
      %mul3A_1122 = arith.constant 2 : i32
      %mul3A_1123 = arith.muli %mul3A_1122, %scan3A_1121 : i32
      %sub3A_1124 = arith.constant 1 : i32
      %sub3A_1125 = arith.subi %mul3A_1123, %sub3A_1124 : i32
      %mul3A_1126 = arith.constant 400 : i32
      %mul3A_1127 = arith.muli %sub3A_1125, %mul3A_1126 : i32
      %add3A_1128 = arith.addi %mul3A_8, %mul3A_1127 : i32
      %dma_wait3A_1129 = arith.constant 0 : i32
      %dma_wait3A_1130 = tpu.memref_slice %arg2[%add3A_1128, %dma_wait3A_1129] : memref<640000x64xf32, #tpu.memory_space<hbm>> -> memref<400x64xf32, #tpu.memory_space<hbm>>
      %dma_wait3A_1131 = arith.constant 0 : i32
      %dma_wait3A_1132 = tpu.memref_slice %arg2[%add3A_1128, %dma_wait3A_1131] : memref<640000x64xf32, #tpu.memory_space<hbm>> -> memref<400x64xf32, #tpu.memory_space<hbm>>
      tpu.wait_dma2 semaphore(%arg13 : memref<!tpu.dma_semaphore, #tpu.memory_space<semaphore_mem>>) src(%dma_wait3A_1132 : memref<400x64xf32, #tpu.memory_space<hbm>>) dst(%arg10 : memref<400x64xf32, #tpu.memory_space<vmem>>)
      %dma_start3A_1133 = arith.constant 0 : i32
      %dma_start3A_1134 = arith.constant 0 : i32
      %dma_start3A_1135 = tpu.memref_slice %arg10[%dma_start3A_1133, %dma_start3A_1134] : memref<400x64xf32, #tpu.memory_space<vmem>> -> memref<80x64xf32, #tpu.memory_space<vmem>>
      %dma_start3A_1136 = arith.constant 0 : i32
      %dma_start3A_1137 = tpu.memref_slice %arg8[%dma_start3A_1136] : memref<400xi32, #tpu.memory_space<vmem>> -> memref<80xi32, #tpu.memory_space<vmem>>
      %dma_start3A_1138 = arith.constant 0 : i32
      %dma_start3A_1139 = arith.constant 0 : i32
      %dma_start3A_1140 = tpu.memref_slice %arg11[%dma_start3A_1138, %dma_start3A_1139] : memref<5000x64xf32, #tpu.memory_space<vmem_shared>> -> memref<5000x64xf32, #tpu.memory_space<vmem_shared>>
      tpu.enqueue_indirect_dma source(%dma_start3A_1140 : memref<5000x64xf32, #tpu.memory_space<vmem_shared>>) target(%dma_start3A_1135 : memref<80x64xf32, #tpu.memory_space<vmem>>) offsets(%dma_start3A_1137 : memref<80xi32, #tpu.memory_space<vmem>>) semaphore(%arg16 : memref<!tpu.dma_semaphore, #tpu.memory_space<semaphore_mem>>) {add = true}
      %dma_start3A_1141 = arith.constant 80 : i32
      %dma_start3A_1142 = arith.constant 0 : i32
      %dma_start3A_1143 = tpu.memref_slice %arg10[%dma_start3A_1141, %dma_start3A_1142] : memref<400x64xf32, #tpu.memory_space<vmem>> -> memref<80x64xf32, #tpu.memory_space<vmem>>
      %dma_start3A_1144 = arith.constant 80 : i32
      %dma_start3A_1145 = tpu.memref_slice %arg8[%dma_start3A_1144] : memref<400xi32, #tpu.memory_space<vmem>> -> memref<80xi32, #tpu.memory_space<vmem>>
      %dma_start3A_1146 = arith.constant 0 : i32
      %dma_start3A_1147 = arith.constant 0 : i32
      %dma_start3A_1148 = tpu.memref_slice %arg11[%dma_start3A_1146, %dma_start3A_1147] : memref<5000x64xf32, #tpu.memory_space<vmem_shared>> -> memref<5000x64xf32, #tpu.memory_space<vmem_shared>>
      tpu.enqueue_indirect_dma source(%dma_start3A_1148 : memref<5000x64xf32, #tpu.memory_space<vmem_shared>>) target(%dma_start3A_1143 : memref<80x64xf32, #tpu.memory_space<vmem>>) offsets(%dma_start3A_1145 : memref<80xi32, #tpu.memory_space<vmem>>) semaphore(%arg16 : memref<!tpu.dma_semaphore, #tpu.memory_space<semaphore_mem>>) {add = true}
      %dma_start3A_1149 = arith.constant 160 : i32
      %dma_start3A_1150 = arith.constant 0 : i32
      %dma_start3A_1151 = tpu.memref_slice %arg10[%dma_start3A_1149, %dma_start3A_1150] : memref<400x64xf32, #tpu.memory_space<vmem>> -> memref<80x64xf32, #tpu.memory_space<vmem>>
      %dma_start3A_1152 = arith.constant 160 : i32
      %dma_start3A_1153 = tpu.memref_slice %arg8[%dma_start3A_1152] : memref<400xi32, #tpu.memory_space<vmem>> -> memref<80xi32, #tpu.memory_space<vmem>>
      %dma_start3A_1154 = arith.constant 0 : i32
      %dma_start3A_1155 = arith.constant 0 : i32
      %dma_start3A_1156 = tpu.memref_slice %arg11[%dma_start3A_1154, %dma_start3A_1155] : memref<5000x64xf32, #tpu.memory_space<vmem_shared>> -> memref<5000x64xf32, #tpu.memory_space<vmem_shared>>
      tpu.enqueue_indirect_dma source(%dma_start3A_1156 : memref<5000x64xf32, #tpu.memory_space<vmem_shared>>) target(%dma_start3A_1151 : memref<80x64xf32, #tpu.memory_space<vmem>>) offsets(%dma_start3A_1153 : memref<80xi32, #tpu.memory_space<vmem>>) semaphore(%arg16 : memref<!tpu.dma_semaphore, #tpu.memory_space<semaphore_mem>>) {add = true}
      %dma_start3A_1157 = arith.constant 240 : i32
      %dma_start3A_1158 = arith.constant 0 : i32
      %dma_start3A_1159 = tpu.memref_slice %arg10[%dma_start3A_1157, %dma_start3A_1158] : memref<400x64xf32, #tpu.memory_space<vmem>> -> memref<80x64xf32, #tpu.memory_space<vmem>>
      %dma_start3A_1160 = arith.constant 240 : i32
      %dma_start3A_1161 = tpu.memref_slice %arg8[%dma_start3A_1160] : memref<400xi32, #tpu.memory_space<vmem>> -> memref<80xi32, #tpu.memory_space<vmem>>
      %dma_start3A_1162 = arith.constant 0 : i32
      %dma_start3A_1163 = arith.constant 0 : i32
      %dma_start3A_1164 = tpu.memref_slice %arg11[%dma_start3A_1162, %dma_start3A_1163] : memref<5000x64xf32, #tpu.memory_space<vmem_shared>> -> memref<5000x64xf32, #tpu.memory_space<vmem_shared>>
      tpu.enqueue_indirect_dma source(%dma_start3A_1164 : memref<5000x64xf32, #tpu.memory_space<vmem_shared>>) target(%dma_start3A_1159 : memref<80x64xf32, #tpu.memory_space<vmem>>) offsets(%dma_start3A_1161 : memref<80xi32, #tpu.memory_space<vmem>>) semaphore(%arg16 : memref<!tpu.dma_semaphore, #tpu.memory_space<semaphore_mem>>) {add = true}
      %dma_start3A_1165 = arith.constant 320 : i32
      %dma_start3A_1166 = arith.constant 0 : i32
      %dma_start3A_1167 = tpu.memref_slice %arg10[%dma_start3A_1165, %dma_start3A_1166] : memref<400x64xf32, #tpu.memory_space<vmem>> -> memref<80x64xf32, #tpu.memory_space<vmem>>
      %dma_start3A_1168 = arith.constant 320 : i32
      %dma_start3A_1169 = tpu.memref_slice %arg8[%dma_start3A_1168] : memref<400xi32, #tpu.memory_space<vmem>> -> memref<80xi32, #tpu.memory_space<vmem>>
      %dma_start3A_1170 = arith.constant 0 : i32
      %dma_start3A_1171 = arith.constant 0 : i32
      %dma_start3A_1172 = tpu.memref_slice %arg11[%dma_start3A_1170, %dma_start3A_1171] : memref<5000x64xf32, #tpu.memory_space<vmem_shared>> -> memref<5000x64xf32, #tpu.memory_space<vmem_shared>>
      tpu.enqueue_indirect_dma source(%dma_start3A_1172 : memref<5000x64xf32, #tpu.memory_space<vmem_shared>>) target(%dma_start3A_1167 : memref<80x64xf32, #tpu.memory_space<vmem>>) offsets(%dma_start3A_1169 : memref<80xi32, #tpu.memory_space<vmem>>) semaphore(%arg16 : memref<!tpu.dma_semaphore, #tpu.memory_space<semaphore_mem>>) {add = true}
      %add3A_1173 = arith.constant 1 : i32
      %add3A_1174 = arith.addi %sub3A_1125, %add3A_1173 : i32
      %lt3A = arith.constant 25 : i32
      %lt3A_1175 = arith.cmpi slt, %add3A_1174, %lt3A : i32
      %convert_element_type3A_1176 = arith.extui %lt3A_1175 : i1 to i32
      %cond3A_1177 = arith.constant 0 : i32
      %cond3A_1178 = arith.cmpi ne, %convert_element_type3A_1176, %cond3A_1177 : i32
      scf.if %cond3A_1178 {
        %mul3A_1329 = arith.constant 400 : i32
        %mul3A_1330 = arith.muli %sub3A_1125, %mul3A_1329 : i32
        %add3A_1331 = arith.addi %mul3A_8, %mul3A_1330 : i32
        %dma_wait3A_1332 = arith.constant 0 : i32
        %dma_wait3A_1333 = tpu.memref_slice %arg5[%add3A_1331, %dma_wait3A_1332] : memref<640000x64xf32, #tpu.memory_space<hbm>> -> memref<400x64xf32, #tpu.memory_space<hbm>>
        %dma_wait3A_1334 = arith.constant 0 : i32
        %dma_wait3A_1335 = tpu.memref_slice %arg5[%add3A_1331, %dma_wait3A_1334] : memref<640000x64xf32, #tpu.memory_space<hbm>> -> memref<400x64xf32, #tpu.memory_space<hbm>>
        tpu.wait_dma2 semaphore(%arg14 : memref<!tpu.dma_semaphore, #tpu.memory_space<semaphore_mem>>) src(%arg9 : memref<400x64xf32, #tpu.memory_space<vmem>>) dst(%dma_wait3A_1335 : memref<400x64xf32, #tpu.memory_space<hbm>>)
        %add3A_1336 = arith.constant 1 : i32
        %add3A_1337 = arith.addi %sub3A_1125, %add3A_1336 : i32
        %mul3A_1338 = arith.constant 400 : i32
        %mul3A_1339 = arith.muli %add3A_1337, %mul3A_1338 : i32
        %add3A_1340 = arith.constant 0 : i32
        %add3A_1341 = arith.addi %mul3A_1339, %add3A_1340 : i32
        %get3A_1342 = arith.index_cast %add3A_1341 : i32 to index
        %get3A_1343 = tpu.vector_load %arg6[%get3A_1342] {strides = array<i32>} : memref<10000xi32, #tpu.memory_space<vmem>>, vector<16xi32>,
        %get3A_1344 = vector.shape_cast %get3A_1343 : vector<16xi32> to vector<16xi32>
        %sub3A_1345 = arith.subi %get3A_1344, %min3A_38 : vector<16xi32>
        %swap3A_1346 = arith.constant 0 : index
        %swap3A_1347 = tpu.vector_load %arg7[%swap3A_1346] {strides = array<i32>} : memref<400xi32, #tpu.memory_space<vmem>>, vector<16xi32>,
        %swap3A_1348 = vector.shape_cast %swap3A_1347 : vector<16xi32> to vector<16xi32>
        %swap3A_1349 = vector.shape_cast %sub3A_1345 : vector<16xi32> to vector<16xi32>
        tpu.vector_store %arg7[%swap3A_1346], %swap3A_1349 {strides = array<i32>} : memref<400xi32, #tpu.memory_space<vmem>>, vector<16xi32>,
        %mul3A_1350 = arith.constant 400 : i32
        %mul3A_1351 = arith.muli %add3A_1337, %mul3A_1350 : i32
        %add3A_1352 = arith.constant 16 : i32
        %add3A_1353 = arith.addi %mul3A_1351, %add3A_1352 : i32
        %get3A_1354 = arith.index_cast %add3A_1353 : i32 to index
        %get3A_1355 = tpu.vector_load %arg6[%get3A_1354] {strides = array<i32>} : memref<10000xi32, #tpu.memory_space<vmem>>, vector<16xi32>,
        %get3A_1356 = vector.shape_cast %get3A_1355 : vector<16xi32> to vector<16xi32>
        %sub3A_1357 = arith.subi %get3A_1356, %min3A_38 : vector<16xi32>
        %swap3A_1358 = arith.constant 16 : index
        %swap3A_1359 = tpu.vector_load %arg7[%swap3A_1358] {strides = array<i32>} : memref<400xi32, #tpu.memory_space<vmem>>, vector<16xi32>,
        %swap3A_1360 = vector.shape_cast %swap3A_1359 : vector<16xi32> to vector<16xi32>
        %swap3A_1361 = vector.shape_cast %sub3A_1357 : vector<16xi32> to vector<16xi32>
        tpu.vector_store %arg7[%swap3A_1358], %swap3A_1361 {strides = array<i32>} : memref<400xi32, #tpu.memory_space<vmem>>, vector<16xi32>,
        %mul3A_1362 = arith.constant 400 : i32
        %mul3A_1363 = arith.muli %add3A_1337, %mul3A_1362 : i32
        %add3A_1364 = arith.constant 32 : i32
        %add3A_1365 = arith.addi %mul3A_1363, %add3A_1364 : i32
        %get3A_1366 = arith.index_cast %add3A_1365 : i32 to index
        %get3A_1367 = tpu.vector_load %arg6[%get3A_1366] {strides = array<i32>} : memref<10000xi32, #tpu.memory_space<vmem>>, vector<16xi32>,
        %get3A_1368 = vector.shape_cast %get3A_1367 : vector<16xi32> to vector<16xi32>
        %sub3A_1369 = arith.subi %get3A_1368, %min3A_38 : vector<16xi32>
        %swap3A_1370 = arith.constant 32 : index
        %swap3A_1371 = tpu.vector_load %arg7[%swap3A_1370] {strides = array<i32>} : memref<400xi32, #tpu.memory_space<vmem>>, vector<16xi32>,
        %swap3A_1372 = vector.shape_cast %swap3A_1371 : vector<16xi32> to vector<16xi32>
        %swap3A_1373 = vector.shape_cast %sub3A_1369 : vector<16xi32> to vector<16xi32>
        tpu.vector_store %arg7[%swap3A_1370], %swap3A_1373 {strides = array<i32>} : memref<400xi32, #tpu.memory_space<vmem>>, vector<16xi32>,
        %mul3A_1374 = arith.constant 400 : i32
        %mul3A_1375 = arith.muli %add3A_1337, %mul3A_1374 : i32
        %add3A_1376 = arith.constant 48 : i32
        %add3A_1377 = arith.addi %mul3A_1375, %add3A_1376 : i32
        %get3A_1378 = arith.index_cast %add3A_1377 : i32 to index
        %get3A_1379 = tpu.vector_load %arg6[%get3A_1378] {strides = array<i32>} : memref<10000xi32, #tpu.memory_space<vmem>>, vector<16xi32>,
        %get3A_1380 = vector.shape_cast %get3A_1379 : vector<16xi32> to vector<16xi32>
        %sub3A_1381 = arith.subi %get3A_1380, %min3A_38 : vector<16xi32>
        %swap3A_1382 = arith.constant 48 : index
        %swap3A_1383 = tpu.vector_load %arg7[%swap3A_1382] {strides = array<i32>} : memref<400xi32, #tpu.memory_space<vmem>>, vector<16xi32>,
        %swap3A_1384 = vector.shape_cast %swap3A_1383 : vector<16xi32> to vector<16xi32>
        %swap3A_1385 = vector.shape_cast %sub3A_1381 : vector<16xi32> to vector<16xi32>
        tpu.vector_store %arg7[%swap3A_1382], %swap3A_1385 {strides = array<i32>} : memref<400xi32, #tpu.memory_space<vmem>>, vector<16xi32>,
        %mul3A_1386 = arith.constant 400 : i32
        %mul3A_1387 = arith.muli %add3A_1337, %mul3A_1386 : i32
        %add3A_1388 = arith.constant 64 : i32
        %add3A_1389 = arith.addi %mul3A_1387, %add3A_1388 : i32
        %get3A_1390 = arith.index_cast %add3A_1389 : i32 to index
        %get3A_1391 = tpu.vector_load %arg6[%get3A_1390] {strides = array<i32>} : memref<10000xi32, #tpu.memory_space<vmem>>, vector<16xi32>,
        %get3A_1392 = vector.shape_cast %get3A_1391 : vector<16xi32> to vector<16xi32>
        %sub3A_1393 = arith.subi %get3A_1392, %min3A_38 : vector<16xi32>
        %swap3A_1394 = arith.constant 64 : index
        %swap3A_1395 = tpu.vector_load %arg7[%swap3A_1394] {strides = array<i32>} : memref<400xi32, #tpu.memory_space<vmem>>, vector<16xi32>,
        %swap3A_1396 = vector.shape_cast %swap3A_1395 : vector<16xi32> to vector<16xi32>
        %swap3A_1397 = vector.shape_cast %sub3A_1393 : vector<16xi32> to vector<16xi32>
        tpu.vector_store %arg7[%swap3A_1394], %swap3A_1397 {strides = array<i32>} : memref<400xi32, #tpu.memory_space<vmem>>, vector<16xi32>,
        %mul3A_1398 = arith.constant 400 : i32
        %mul3A_1399 = arith.muli %add3A_1337, %mul3A_1398 : i32
        %add3A_1400 = arith.constant 80 : i32
        %add3A_1401 = arith.addi %mul3A_1399, %add3A_1400 : i32
        %get3A_1402 = arith.index_cast %add3A_1401 : i32 to index
        %get3A_1403 = tpu.vector_load %arg6[%get3A_1402] {strides = array<i32>} : memref<10000xi32, #tpu.memory_space<vmem>>, vector<16xi32>,
        %get3A_1404 = vector.shape_cast %get3A_1403 : vector<16xi32> to vector<16xi32>
        %sub3A_1405 = arith.subi %get3A_1404, %min3A_38 : vector<16xi32>
        %swap3A_1406 = arith.constant 80 : index
        %swap3A_1407 = tpu.vector_load %arg7[%swap3A_1406] {strides = array<i32>} : memref<400xi32, #tpu.memory_space<vmem>>, vector<16xi32>,
        %swap3A_1408 = vector.shape_cast %swap3A_1407 : vector<16xi32> to vector<16xi32>
        %swap3A_1409 = vector.shape_cast %sub3A_1405 : vector<16xi32> to vector<16xi32>
        tpu.vector_store %arg7[%swap3A_1406], %swap3A_1409 {strides = array<i32>} : memref<400xi32, #tpu.memory_space<vmem>>, vector<16xi32>,
        %mul3A_1410 = arith.constant 400 : i32
        %mul3A_1411 = arith.muli %add3A_1337, %mul3A_1410 : i32
        %add3A_1412 = arith.constant 96 : i32
        %add3A_1413 = arith.addi %mul3A_1411, %add3A_1412 : i32
        %get3A_1414 = arith.index_cast %add3A_1413 : i32 to index
        %get3A_1415 = tpu.vector_load %arg6[%get3A_1414] {strides = array<i32>} : memref<10000xi32, #tpu.memory_space<vmem>>, vector<16xi32>,
        %get3A_1416 = vector.shape_cast %get3A_1415 : vector<16xi32> to vector<16xi32>
        %sub3A_1417 = arith.subi %get3A_1416, %min3A_38 : vector<16xi32>
        %swap3A_1418 = arith.constant 96 : index
        %swap3A_1419 = tpu.vector_load %arg7[%swap3A_1418] {strides = array<i32>} : memref<400xi32, #tpu.memory_space<vmem>>, vector<16xi32>,
        %swap3A_1420 = vector.shape_cast %swap3A_1419 : vector<16xi32> to vector<16xi32>
        %swap3A_1421 = vector.shape_cast %sub3A_1417 : vector<16xi32> to vector<16xi32>
        tpu.vector_store %arg7[%swap3A_1418], %swap3A_1421 {strides = array<i32>} : memref<400xi32, #tpu.memory_space<vmem>>, vector<16xi32>,
        %mul3A_1422 = arith.constant 400 : i32
        %mul3A_1423 = arith.muli %add3A_1337, %mul3A_1422 : i32
        %add3A_1424 = arith.constant 112 : i32
        %add3A_1425 = arith.addi %mul3A_1423, %add3A_1424 : i32
        %get3A_1426 = arith.index_cast %add3A_1425 : i32 to index
        %get3A_1427 = tpu.vector_load %arg6[%get3A_1426] {strides = array<i32>} : memref<10000xi32, #tpu.memory_space<vmem>>, vector<16xi32>,
        %get3A_1428 = vector.shape_cast %get3A_1427 : vector<16xi32> to vector<16xi32>
        %sub3A_1429 = arith.subi %get3A_1428, %min3A_38 : vector<16xi32>
        %swap3A_1430 = arith.constant 112 : index
        %swap3A_1431 = tpu.vector_load %arg7[%swap3A_1430] {strides = array<i32>} : memref<400xi32, #tpu.memory_space<vmem>>, vector<16xi32>,
        %swap3A_1432 = vector.shape_cast %swap3A_1431 : vector<16xi32> to vector<16xi32>
        %swap3A_1433 = vector.shape_cast %sub3A_1429 : vector<16xi32> to vector<16xi32>
        tpu.vector_store %arg7[%swap3A_1430], %swap3A_1433 {strides = array<i32>} : memref<400xi32, #tpu.memory_space<vmem>>, vector<16xi32>,
        %mul3A_1434 = arith.constant 400 : i32
        %mul3A_1435 = arith.muli %add3A_1337, %mul3A_1434 : i32
        %add3A_1436 = arith.constant 128 : i32
        %add3A_1437 = arith.addi %mul3A_1435, %add3A_1436 : i32
        %get3A_1438 = arith.index_cast %add3A_1437 : i32 to index
        %get3A_1439 = tpu.vector_load %arg6[%get3A_1438] {strides = array<i32>} : memref<10000xi32, #tpu.memory_space<vmem>>, vector<16xi32>,
        %get3A_1440 = vector.shape_cast %get3A_1439 : vector<16xi32> to vector<16xi32>
        %sub3A_1441 = arith.subi %get3A_1440, %min3A_38 : vector<16xi32>
        %swap3A_1442 = arith.constant 128 : index
        %swap3A_1443 = tpu.vector_load %arg7[%swap3A_1442] {strides = array<i32>} : memref<400xi32, #tpu.memory_space<vmem>>, vector<16xi32>,
        %swap3A_1444 = vector.shape_cast %swap3A_1443 : vector<16xi32> to vector<16xi32>
        %swap3A_1445 = vector.shape_cast %sub3A_1441 : vector<16xi32> to vector<16xi32>
        tpu.vector_store %arg7[%swap3A_1442], %swap3A_1445 {strides = array<i32>} : memref<400xi32, #tpu.memory_space<vmem>>, vector<16xi32>,
        %mul3A_1446 = arith.constant 400 : i32
        %mul3A_1447 = arith.muli %add3A_1337, %mul3A_1446 : i32
        %add3A_1448 = arith.constant 144 : i32
        %add3A_1449 = arith.addi %mul3A_1447, %add3A_1448 : i32
        %get3A_1450 = arith.index_cast %add3A_1449 : i32 to index
        %get3A_1451 = tpu.vector_load %arg6[%get3A_1450] {strides = array<i32>} : memref<10000xi32, #tpu.memory_space<vmem>>, vector<16xi32>,
        %get3A_1452 = vector.shape_cast %get3A_1451 : vector<16xi32> to vector<16xi32>
        %sub3A_1453 = arith.subi %get3A_1452, %min3A_38 : vector<16xi32>
        %swap3A_1454 = arith.constant 144 : index
        %swap3A_1455 = tpu.vector_load %arg7[%swap3A_1454] {strides = array<i32>} : memref<400xi32, #tpu.memory_space<vmem>>, vector<16xi32>,
        %swap3A_1456 = vector.shape_cast %swap3A_1455 : vector<16xi32> to vector<16xi32>
        %swap3A_1457 = vector.shape_cast %sub3A_1453 : vector<16xi32> to vector<16xi32>
        tpu.vector_store %arg7[%swap3A_1454], %swap3A_1457 {strides = array<i32>} : memref<400xi32, #tpu.memory_space<vmem>>, vector<16xi32>,
        %mul3A_1458 = arith.constant 400 : i32
        %mul3A_1459 = arith.muli %add3A_1337, %mul3A_1458 : i32
        %add3A_1460 = arith.constant 160 : i32
        %add3A_1461 = arith.addi %mul3A_1459, %add3A_1460 : i32
        %get3A_1462 = arith.index_cast %add3A_1461 : i32 to index
        %get3A_1463 = tpu.vector_load %arg6[%get3A_1462] {strides = array<i32>} : memref<10000xi32, #tpu.memory_space<vmem>>, vector<16xi32>,
        %get3A_1464 = vector.shape_cast %get3A_1463 : vector<16xi32> to vector<16xi32>
        %sub3A_1465 = arith.subi %get3A_1464, %min3A_38 : vector<16xi32>
        %swap3A_1466 = arith.constant 160 : index
        %swap3A_1467 = tpu.vector_load %arg7[%swap3A_1466] {strides = array<i32>} : memref<400xi32, #tpu.memory_space<vmem>>, vector<16xi32>,
        %swap3A_1468 = vector.shape_cast %swap3A_1467 : vector<16xi32> to vector<16xi32>
        %swap3A_1469 = vector.shape_cast %sub3A_1465 : vector<16xi32> to vector<16xi32>
        tpu.vector_store %arg7[%swap3A_1466], %swap3A_1469 {strides = array<i32>} : memref<400xi32, #tpu.memory_space<vmem>>, vector<16xi32>,
        %mul3A_1470 = arith.constant 400 : i32
        %mul3A_1471 = arith.muli %add3A_1337, %mul3A_1470 : i32
        %add3A_1472 = arith.constant 176 : i32
        %add3A_1473 = arith.addi %mul3A_1471, %add3A_1472 : i32
        %get3A_1474 = arith.index_cast %add3A_1473 : i32 to index
        %get3A_1475 = tpu.vector_load %arg6[%get3A_1474] {strides = array<i32>} : memref<10000xi32, #tpu.memory_space<vmem>>, vector<16xi32>,
        %get3A_1476 = vector.shape_cast %get3A_1475 : vector<16xi32> to vector<16xi32>
        %sub3A_1477 = arith.subi %get3A_1476, %min3A_38 : vector<16xi32>
        %swap3A_1478 = arith.constant 176 : index
        %swap3A_1479 = tpu.vector_load %arg7[%swap3A_1478] {strides = array<i32>} : memref<400xi32, #tpu.memory_space<vmem>>, vector<16xi32>,
        %swap3A_1480 = vector.shape_cast %swap3A_1479 : vector<16xi32> to vector<16xi32>
        %swap3A_1481 = vector.shape_cast %sub3A_1477 : vector<16xi32> to vector<16xi32>
        tpu.vector_store %arg7[%swap3A_1478], %swap3A_1481 {strides = array<i32>} : memref<400xi32, #tpu.memory_space<vmem>>, vector<16xi32>,
        %mul3A_1482 = arith.constant 400 : i32
        %mul3A_1483 = arith.muli %add3A_1337, %mul3A_1482 : i32
        %add3A_1484 = arith.constant 192 : i32
        %add3A_1485 = arith.addi %mul3A_1483, %add3A_1484 : i32
        %get3A_1486 = arith.index_cast %add3A_1485 : i32 to index
        %get3A_1487 = tpu.vector_load %arg6[%get3A_1486] {strides = array<i32>} : memref<10000xi32, #tpu.memory_space<vmem>>, vector<16xi32>,
        %get3A_1488 = vector.shape_cast %get3A_1487 : vector<16xi32> to vector<16xi32>
        %sub3A_1489 = arith.subi %get3A_1488, %min3A_38 : vector<16xi32>
        %swap3A_1490 = arith.constant 192 : index
        %swap3A_1491 = tpu.vector_load %arg7[%swap3A_1490] {strides = array<i32>} : memref<400xi32, #tpu.memory_space<vmem>>, vector<16xi32>,
        %swap3A_1492 = vector.shape_cast %swap3A_1491 : vector<16xi32> to vector<16xi32>
        %swap3A_1493 = vector.shape_cast %sub3A_1489 : vector<16xi32> to vector<16xi32>
        tpu.vector_store %arg7[%swap3A_1490], %swap3A_1493 {strides = array<i32>} : memref<400xi32, #tpu.memory_space<vmem>>, vector<16xi32>,
        %mul3A_1494 = arith.constant 400 : i32
        %mul3A_1495 = arith.muli %add3A_1337, %mul3A_1494 : i32
        %add3A_1496 = arith.constant 208 : i32
        %add3A_1497 = arith.addi %mul3A_1495, %add3A_1496 : i32
        %get3A_1498 = arith.index_cast %add3A_1497 : i32 to index
        %get3A_1499 = tpu.vector_load %arg6[%get3A_1498] {strides = array<i32>} : memref<10000xi32, #tpu.memory_space<vmem>>, vector<16xi32>,
        %get3A_1500 = vector.shape_cast %get3A_1499 : vector<16xi32> to vector<16xi32>
        %sub3A_1501 = arith.subi %get3A_1500, %min3A_38 : vector<16xi32>
        %swap3A_1502 = arith.constant 208 : index
        %swap3A_1503 = tpu.vector_load %arg7[%swap3A_1502] {strides = array<i32>} : memref<400xi32, #tpu.memory_space<vmem>>, vector<16xi32>,
        %swap3A_1504 = vector.shape_cast %swap3A_1503 : vector<16xi32> to vector<16xi32>
        %swap3A_1505 = vector.shape_cast %sub3A_1501 : vector<16xi32> to vector<16xi32>
        tpu.vector_store %arg7[%swap3A_1502], %swap3A_1505 {strides = array<i32>} : memref<400xi32, #tpu.memory_space<vmem>>, vector<16xi32>,
        %mul3A_1506 = arith.constant 400 : i32
        %mul3A_1507 = arith.muli %add3A_1337, %mul3A_1506 : i32
        %add3A_1508 = arith.constant 224 : i32
        %add3A_1509 = arith.addi %mul3A_1507, %add3A_1508 : i32
        %get3A_1510 = arith.index_cast %add3A_1509 : i32 to index
        %get3A_1511 = tpu.vector_load %arg6[%get3A_1510] {strides = array<i32>} : memref<10000xi32, #tpu.memory_space<vmem>>, vector<16xi32>,
        %get3A_1512 = vector.shape_cast %get3A_1511 : vector<16xi32> to vector<16xi32>
        %sub3A_1513 = arith.subi %get3A_1512, %min3A_38 : vector<16xi32>
        %swap3A_1514 = arith.constant 224 : index
        %swap3A_1515 = tpu.vector_load %arg7[%swap3A_1514] {strides = array<i32>} : memref<400xi32, #tpu.memory_space<vmem>>, vector<16xi32>,
        %swap3A_1516 = vector.shape_cast %swap3A_1515 : vector<16xi32> to vector<16xi32>
        %swap3A_1517 = vector.shape_cast %sub3A_1513 : vector<16xi32> to vector<16xi32>
        tpu.vector_store %arg7[%swap3A_1514], %swap3A_1517 {strides = array<i32>} : memref<400xi32, #tpu.memory_space<vmem>>, vector<16xi32>,
        %mul3A_1518 = arith.constant 400 : i32
        %mul3A_1519 = arith.muli %add3A_1337, %mul3A_1518 : i32
        %add3A_1520 = arith.constant 240 : i32
        %add3A_1521 = arith.addi %mul3A_1519, %add3A_1520 : i32
        %get3A_1522 = arith.index_cast %add3A_1521 : i32 to index
        %get3A_1523 = tpu.vector_load %arg6[%get3A_1522] {strides = array<i32>} : memref<10000xi32, #tpu.memory_space<vmem>>, vector<16xi32>,
        %get3A_1524 = vector.shape_cast %get3A_1523 : vector<16xi32> to vector<16xi32>
        %sub3A_1525 = arith.subi %get3A_1524, %min3A_38 : vector<16xi32>
        %swap3A_1526 = arith.constant 240 : index
        %swap3A_1527 = tpu.vector_load %arg7[%swap3A_1526] {strides = array<i32>} : memref<400xi32, #tpu.memory_space<vmem>>, vector<16xi32>,
        %swap3A_1528 = vector.shape_cast %swap3A_1527 : vector<16xi32> to vector<16xi32>
        %swap3A_1529 = vector.shape_cast %sub3A_1525 : vector<16xi32> to vector<16xi32>
        tpu.vector_store %arg7[%swap3A_1526], %swap3A_1529 {strides = array<i32>} : memref<400xi32, #tpu.memory_space<vmem>>, vector<16xi32>,
        %mul3A_1530 = arith.constant 400 : i32
        %mul3A_1531 = arith.muli %add3A_1337, %mul3A_1530 : i32
        %add3A_1532 = arith.constant 256 : i32
        %add3A_1533 = arith.addi %mul3A_1531, %add3A_1532 : i32
        %get3A_1534 = arith.index_cast %add3A_1533 : i32 to index
        %get3A_1535 = tpu.vector_load %arg6[%get3A_1534] {strides = array<i32>} : memref<10000xi32, #tpu.memory_space<vmem>>, vector<16xi32>,
        %get3A_1536 = vector.shape_cast %get3A_1535 : vector<16xi32> to vector<16xi32>
        %sub3A_1537 = arith.subi %get3A_1536, %min3A_38 : vector<16xi32>
        %swap3A_1538 = arith.constant 256 : index
        %swap3A_1539 = tpu.vector_load %arg7[%swap3A_1538] {strides = array<i32>} : memref<400xi32, #tpu.memory_space<vmem>>, vector<16xi32>,
        %swap3A_1540 = vector.shape_cast %swap3A_1539 : vector<16xi32> to vector<16xi32>
        %swap3A_1541 = vector.shape_cast %sub3A_1537 : vector<16xi32> to vector<16xi32>
        tpu.vector_store %arg7[%swap3A_1538], %swap3A_1541 {strides = array<i32>} : memref<400xi32, #tpu.memory_space<vmem>>, vector<16xi32>,
        %mul3A_1542 = arith.constant 400 : i32
        %mul3A_1543 = arith.muli %add3A_1337, %mul3A_1542 : i32
        %add3A_1544 = arith.constant 272 : i32
        %add3A_1545 = arith.addi %mul3A_1543, %add3A_1544 : i32
        %get3A_1546 = arith.index_cast %add3A_1545 : i32 to index
        %get3A_1547 = tpu.vector_load %arg6[%get3A_1546] {strides = array<i32>} : memref<10000xi32, #tpu.memory_space<vmem>>, vector<16xi32>,
        %get3A_1548 = vector.shape_cast %get3A_1547 : vector<16xi32> to vector<16xi32>
        %sub3A_1549 = arith.subi %get3A_1548, %min3A_38 : vector<16xi32>
        %swap3A_1550 = arith.constant 272 : index
        %swap3A_1551 = tpu.vector_load %arg7[%swap3A_1550] {strides = array<i32>} : memref<400xi32, #tpu.memory_space<vmem>>, vector<16xi32>,
        %swap3A_1552 = vector.shape_cast %swap3A_1551 : vector<16xi32> to vector<16xi32>
        %swap3A_1553 = vector.shape_cast %sub3A_1549 : vector<16xi32> to vector<16xi32>
        tpu.vector_store %arg7[%swap3A_1550], %swap3A_1553 {strides = array<i32>} : memref<400xi32, #tpu.memory_space<vmem>>, vector<16xi32>,
        %mul3A_1554 = arith.constant 400 : i32
        %mul3A_1555 = arith.muli %add3A_1337, %mul3A_1554 : i32
        %add3A_1556 = arith.constant 288 : i32
        %add3A_1557 = arith.addi %mul3A_1555, %add3A_1556 : i32
        %get3A_1558 = arith.index_cast %add3A_1557 : i32 to index
        %get3A_1559 = tpu.vector_load %arg6[%get3A_1558] {strides = array<i32>} : memref<10000xi32, #tpu.memory_space<vmem>>, vector<16xi32>,
        %get3A_1560 = vector.shape_cast %get3A_1559 : vector<16xi32> to vector<16xi32>
        %sub3A_1561 = arith.subi %get3A_1560, %min3A_38 : vector<16xi32>
        %swap3A_1562 = arith.constant 288 : index
        %swap3A_1563 = tpu.vector_load %arg7[%swap3A_1562] {strides = array<i32>} : memref<400xi32, #tpu.memory_space<vmem>>, vector<16xi32>,
        %swap3A_1564 = vector.shape_cast %swap3A_1563 : vector<16xi32> to vector<16xi32>
        %swap3A_1565 = vector.shape_cast %sub3A_1561 : vector<16xi32> to vector<16xi32>
        tpu.vector_store %arg7[%swap3A_1562], %swap3A_1565 {strides = array<i32>} : memref<400xi32, #tpu.memory_space<vmem>>, vector<16xi32>,
        %mul3A_1566 = arith.constant 400 : i32
        %mul3A_1567 = arith.muli %add3A_1337, %mul3A_1566 : i32
        %add3A_1568 = arith.constant 304 : i32
        %add3A_1569 = arith.addi %mul3A_1567, %add3A_1568 : i32
        %get3A_1570 = arith.index_cast %add3A_1569 : i32 to index
        %get3A_1571 = tpu.vector_load %arg6[%get3A_1570] {strides = array<i32>} : memref<10000xi32, #tpu.memory_space<vmem>>, vector<16xi32>,
        %get3A_1572 = vector.shape_cast %get3A_1571 : vector<16xi32> to vector<16xi32>
        %sub3A_1573 = arith.subi %get3A_1572, %min3A_38 : vector<16xi32>
        %swap3A_1574 = arith.constant 304 : index
        %swap3A_1575 = tpu.vector_load %arg7[%swap3A_1574] {strides = array<i32>} : memref<400xi32, #tpu.memory_space<vmem>>, vector<16xi32>,
        %swap3A_1576 = vector.shape_cast %swap3A_1575 : vector<16xi32> to vector<16xi32>
        %swap3A_1577 = vector.shape_cast %sub3A_1573 : vector<16xi32> to vector<16xi32>
        tpu.vector_store %arg7[%swap3A_1574], %swap3A_1577 {strides = array<i32>} : memref<400xi32, #tpu.memory_space<vmem>>, vector<16xi32>,
        %mul3A_1578 = arith.constant 400 : i32
        %mul3A_1579 = arith.muli %add3A_1337, %mul3A_1578 : i32
        %add3A_1580 = arith.constant 320 : i32
        %add3A_1581 = arith.addi %mul3A_1579, %add3A_1580 : i32
        %get3A_1582 = arith.index_cast %add3A_1581 : i32 to index
        %get3A_1583 = tpu.vector_load %arg6[%get3A_1582] {strides = array<i32>} : memref<10000xi32, #tpu.memory_space<vmem>>, vector<16xi32>,
        %get3A_1584 = vector.shape_cast %get3A_1583 : vector<16xi32> to vector<16xi32>
        %sub3A_1585 = arith.subi %get3A_1584, %min3A_38 : vector<16xi32>
        %swap3A_1586 = arith.constant 320 : index
        %swap3A_1587 = tpu.vector_load %arg7[%swap3A_1586] {strides = array<i32>} : memref<400xi32, #tpu.memory_space<vmem>>, vector<16xi32>,
        %swap3A_1588 = vector.shape_cast %swap3A_1587 : vector<16xi32> to vector<16xi32>
        %swap3A_1589 = vector.shape_cast %sub3A_1585 : vector<16xi32> to vector<16xi32>
        tpu.vector_store %arg7[%swap3A_1586], %swap3A_1589 {strides = array<i32>} : memref<400xi32, #tpu.memory_space<vmem>>, vector<16xi32>,
        %mul3A_1590 = arith.constant 400 : i32
        %mul3A_1591 = arith.muli %add3A_1337, %mul3A_1590 : i32
        %add3A_1592 = arith.constant 336 : i32
        %add3A_1593 = arith.addi %mul3A_1591, %add3A_1592 : i32
        %get3A_1594 = arith.index_cast %add3A_1593 : i32 to index
        %get3A_1595 = tpu.vector_load %arg6[%get3A_1594] {strides = array<i32>} : memref<10000xi32, #tpu.memory_space<vmem>>, vector<16xi32>,
        %get3A_1596 = vector.shape_cast %get3A_1595 : vector<16xi32> to vector<16xi32>
        %sub3A_1597 = arith.subi %get3A_1596, %min3A_38 : vector<16xi32>
        %swap3A_1598 = arith.constant 336 : index
        %swap3A_1599 = tpu.vector_load %arg7[%swap3A_1598] {strides = array<i32>} : memref<400xi32, #tpu.memory_space<vmem>>, vector<16xi32>,
        %swap3A_1600 = vector.shape_cast %swap3A_1599 : vector<16xi32> to vector<16xi32>
        %swap3A_1601 = vector.shape_cast %sub3A_1597 : vector<16xi32> to vector<16xi32>
        tpu.vector_store %arg7[%swap3A_1598], %swap3A_1601 {strides = array<i32>} : memref<400xi32, #tpu.memory_space<vmem>>, vector<16xi32>,
        %mul3A_1602 = arith.constant 400 : i32
        %mul3A_1603 = arith.muli %add3A_1337, %mul3A_1602 : i32
        %add3A_1604 = arith.constant 352 : i32
        %add3A_1605 = arith.addi %mul3A_1603, %add3A_1604 : i32
        %get3A_1606 = arith.index_cast %add3A_1605 : i32 to index
        %get3A_1607 = tpu.vector_load %arg6[%get3A_1606] {strides = array<i32>} : memref<10000xi32, #tpu.memory_space<vmem>>, vector<16xi32>,
        %get3A_1608 = vector.shape_cast %get3A_1607 : vector<16xi32> to vector<16xi32>
        %sub3A_1609 = arith.subi %get3A_1608, %min3A_38 : vector<16xi32>
        %swap3A_1610 = arith.constant 352 : index
        %swap3A_1611 = tpu.vector_load %arg7[%swap3A_1610] {strides = array<i32>} : memref<400xi32, #tpu.memory_space<vmem>>, vector<16xi32>,
        %swap3A_1612 = vector.shape_cast %swap3A_1611 : vector<16xi32> to vector<16xi32>
        %swap3A_1613 = vector.shape_cast %sub3A_1609 : vector<16xi32> to vector<16xi32>
        tpu.vector_store %arg7[%swap3A_1610], %swap3A_1613 {strides = array<i32>} : memref<400xi32, #tpu.memory_space<vmem>>, vector<16xi32>,
        %mul3A_1614 = arith.constant 400 : i32
        %mul3A_1615 = arith.muli %add3A_1337, %mul3A_1614 : i32
        %add3A_1616 = arith.constant 368 : i32
        %add3A_1617 = arith.addi %mul3A_1615, %add3A_1616 : i32
        %get3A_1618 = arith.index_cast %add3A_1617 : i32 to index
        %get3A_1619 = tpu.vector_load %arg6[%get3A_1618] {strides = array<i32>} : memref<10000xi32, #tpu.memory_space<vmem>>, vector<16xi32>,
        %get3A_1620 = vector.shape_cast %get3A_1619 : vector<16xi32> to vector<16xi32>
        %sub3A_1621 = arith.subi %get3A_1620, %min3A_38 : vector<16xi32>
        %swap3A_1622 = arith.constant 368 : index
        %swap3A_1623 = tpu.vector_load %arg7[%swap3A_1622] {strides = array<i32>} : memref<400xi32, #tpu.memory_space<vmem>>, vector<16xi32>,
        %swap3A_1624 = vector.shape_cast %swap3A_1623 : vector<16xi32> to vector<16xi32>
        %swap3A_1625 = vector.shape_cast %sub3A_1621 : vector<16xi32> to vector<16xi32>
        tpu.vector_store %arg7[%swap3A_1622], %swap3A_1625 {strides = array<i32>} : memref<400xi32, #tpu.memory_space<vmem>>, vector<16xi32>,
        %mul3A_1626 = arith.constant 400 : i32
        %mul3A_1627 = arith.muli %add3A_1337, %mul3A_1626 : i32
        %add3A_1628 = arith.constant 384 : i32
        %add3A_1629 = arith.addi %mul3A_1627, %add3A_1628 : i32
        %get3A_1630 = arith.index_cast %add3A_1629 : i32 to index
        %get3A_1631 = tpu.vector_load %arg6[%get3A_1630] {strides = array<i32>} : memref<10000xi32, #tpu.memory_space<vmem>>, vector<16xi32>,
        %get3A_1632 = vector.shape_cast %get3A_1631 : vector<16xi32> to vector<16xi32>
        %sub3A_1633 = arith.subi %get3A_1632, %min3A_38 : vector<16xi32>
        %swap3A_1634 = arith.constant 384 : index
        %swap3A_1635 = tpu.vector_load %arg7[%swap3A_1634] {strides = array<i32>} : memref<400xi32, #tpu.memory_space<vmem>>, vector<16xi32>,
        %swap3A_1636 = vector.shape_cast %swap3A_1635 : vector<16xi32> to vector<16xi32>
        %swap3A_1637 = vector.shape_cast %sub3A_1633 : vector<16xi32> to vector<16xi32>
        tpu.vector_store %arg7[%swap3A_1634], %swap3A_1637 {strides = array<i32>} : memref<400xi32, #tpu.memory_space<vmem>>, vector<16xi32>,
        %add3A_1638 = arith.constant 1 : i32
        %add3A_1639 = arith.addi %sub3A_1125, %add3A_1638 : i32
        %mul3A_1640 = arith.constant 400 : i32
        %mul3A_1641 = arith.muli %add3A_1639, %mul3A_1640 : i32
        %add3A_1642 = arith.addi %mul3A_8, %mul3A_1641 : i32
        %dma_start3A_1643 = arith.constant 0 : i32
        %dma_start3A_1644 = tpu.memref_slice %arg2[%add3A_1642, %dma_start3A_1643] : memref<640000x64xf32, #tpu.memory_space<hbm>> -> memref<400x64xf32, #tpu.memory_space<hbm>>
        %dma_start3A_1645 = arith.constant 0 : i32
        %dma_start3A_1646 = tpu.memref_slice %arg2[%add3A_1642, %dma_start3A_1645] : memref<640000x64xf32, #tpu.memory_space<hbm>> -> memref<400x64xf32, #tpu.memory_space<hbm>>
        tpu.enqueue_dma source(%dma_start3A_1646 : memref<400x64xf32, #tpu.memory_space<hbm>>) target(%arg9 : memref<400x64xf32, #tpu.memory_space<vmem>>) target_semaphore(%arg12 : memref<!tpu.dma_semaphore, #tpu.memory_space<semaphore_mem>>)
      } else {
      }
      %dma_wait3A_1179 = arith.constant 0 : i32
      %dma_wait3A_1180 = arith.constant 0 : i32
      %dma_wait3A_1181 = tpu.memref_slice %arg10[%dma_wait3A_1179, %dma_wait3A_1180] : memref<400x64xf32, #tpu.memory_space<vmem>> -> memref<80x64xf32, #tpu.memory_space<vmem>>
      %dma_wait3A_1182 = arith.constant 0 : i32
      %dma_wait3A_1183 = tpu.memref_slice %arg8[%dma_wait3A_1182] : memref<400xi32, #tpu.memory_space<vmem>> -> memref<80xi32, #tpu.memory_space<vmem>>
      %dma_wait3A_1184 = arith.constant 0 : i32
      %dma_wait3A_1185 = arith.constant 0 : i32
      %dma_wait3A_1186 = tpu.memref_slice %arg11[%dma_wait3A_1184, %dma_wait3A_1185] : memref<5000x64xf32, #tpu.memory_space<vmem_shared>> -> memref<5000x64xf32, #tpu.memory_space<vmem_shared>>
      tpu.wait_indirect_dma semaphore(%arg16 : memref<!tpu.dma_semaphore, #tpu.memory_space<semaphore_mem>>) src(%dma_wait3A_1186 : memref<5000x64xf32, #tpu.memory_space<vmem_shared>>) dst(%dma_wait3A_1181 : memref<80x64xf32, #tpu.memory_space<vmem>>)
      %dma_wait3A_1187 = arith.constant 80 : i32
      %dma_wait3A_1188 = arith.constant 0 : i32
      %dma_wait3A_1189 = tpu.memref_slice %arg10[%dma_wait3A_1187, %dma_wait3A_1188] : memref<400x64xf32, #tpu.memory_space<vmem>> -> memref<80x64xf32, #tpu.memory_space<vmem>>
      %dma_wait3A_1190 = arith.constant 80 : i32
      %dma_wait3A_1191 = tpu.memref_slice %arg8[%dma_wait3A_1190] : memref<400xi32, #tpu.memory_space<vmem>> -> memref<80xi32, #tpu.memory_space<vmem>>
      %dma_wait3A_1192 = arith.constant 0 : i32
      %dma_wait3A_1193 = arith.constant 0 : i32
      %dma_wait3A_1194 = tpu.memref_slice %arg11[%dma_wait3A_1192, %dma_wait3A_1193] : memref<5000x64xf32, #tpu.memory_space<vmem_shared>> -> memref<5000x64xf32, #tpu.memory_space<vmem_shared>>
      tpu.wait_indirect_dma semaphore(%arg16 : memref<!tpu.dma_semaphore, #tpu.memory_space<semaphore_mem>>) src(%dma_wait3A_1194 : memref<5000x64xf32, #tpu.memory_space<vmem_shared>>) dst(%dma_wait3A_1189 : memref<80x64xf32, #tpu.memory_space<vmem>>)
      %dma_wait3A_1195 = arith.constant 160 : i32
      %dma_wait3A_1196 = arith.constant 0 : i32
      %dma_wait3A_1197 = tpu.memref_slice %arg10[%dma_wait3A_1195, %dma_wait3A_1196] : memref<400x64xf32, #tpu.memory_space<vmem>> -> memref<80x64xf32, #tpu.memory_space<vmem>>
      %dma_wait3A_1198 = arith.constant 160 : i32
      %dma_wait3A_1199 = tpu.memref_slice %arg8[%dma_wait3A_1198] : memref<400xi32, #tpu.memory_space<vmem>> -> memref<80xi32, #tpu.memory_space<vmem>>
      %dma_wait3A_1200 = arith.constant 0 : i32
      %dma_wait3A_1201 = arith.constant 0 : i32
      %dma_wait3A_1202 = tpu.memref_slice %arg11[%dma_wait3A_1200, %dma_wait3A_1201] : memref<5000x64xf32, #tpu.memory_space<vmem_shared>> -> memref<5000x64xf32, #tpu.memory_space<vmem_shared>>
      tpu.wait_indirect_dma semaphore(%arg16 : memref<!tpu.dma_semaphore, #tpu.memory_space<semaphore_mem>>) src(%dma_wait3A_1202 : memref<5000x64xf32, #tpu.memory_space<vmem_shared>>) dst(%dma_wait3A_1197 : memref<80x64xf32, #tpu.memory_space<vmem>>)
      %dma_wait3A_1203 = arith.constant 240 : i32
      %dma_wait3A_1204 = arith.constant 0 : i32
      %dma_wait3A_1205 = tpu.memref_slice %arg10[%dma_wait3A_1203, %dma_wait3A_1204] : memref<400x64xf32, #tpu.memory_space<vmem>> -> memref<80x64xf32, #tpu.memory_space<vmem>>
      %dma_wait3A_1206 = arith.constant 240 : i32
      %dma_wait3A_1207 = tpu.memref_slice %arg8[%dma_wait3A_1206] : memref<400xi32, #tpu.memory_space<vmem>> -> memref<80xi32, #tpu.memory_space<vmem>>
      %dma_wait3A_1208 = arith.constant 0 : i32
      %dma_wait3A_1209 = arith.constant 0 : i32
      %dma_wait3A_1210 = tpu.memref_slice %arg11[%dma_wait3A_1208, %dma_wait3A_1209] : memref<5000x64xf32, #tpu.memory_space<vmem_shared>> -> memref<5000x64xf32, #tpu.memory_space<vmem_shared>>
      tpu.wait_indirect_dma semaphore(%arg16 : memref<!tpu.dma_semaphore, #tpu.memory_space<semaphore_mem>>) src(%dma_wait3A_1210 : memref<5000x64xf32, #tpu.memory_space<vmem_shared>>) dst(%dma_wait3A_1205 : memref<80x64xf32, #tpu.memory_space<vmem>>)
      %dma_wait3A_1211 = arith.constant 320 : i32
      %dma_wait3A_1212 = arith.constant 0 : i32
      %dma_wait3A_1213 = tpu.memref_slice %arg10[%dma_wait3A_1211, %dma_wait3A_1212] : memref<400x64xf32, #tpu.memory_space<vmem>> -> memref<80x64xf32, #tpu.memory_space<vmem>>
      %dma_wait3A_1214 = arith.constant 320 : i32
      %dma_wait3A_1215 = tpu.memref_slice %arg8[%dma_wait3A_1214] : memref<400xi32, #tpu.memory_space<vmem>> -> memref<80xi32, #tpu.memory_space<vmem>>
      %dma_wait3A_1216 = arith.constant 0 : i32
      %dma_wait3A_1217 = arith.constant 0 : i32
      %dma_wait3A_1218 = tpu.memref_slice %arg11[%dma_wait3A_1216, %dma_wait3A_1217] : memref<5000x64xf32, #tpu.memory_space<vmem_shared>> -> memref<5000x64xf32, #tpu.memory_space<vmem_shared>>
      tpu.wait_indirect_dma semaphore(%arg16 : memref<!tpu.dma_semaphore, #tpu.memory_space<semaphore_mem>>) src(%dma_wait3A_1218 : memref<5000x64xf32, #tpu.memory_space<vmem_shared>>) dst(%dma_wait3A_1213 : memref<80x64xf32, #tpu.memory_space<vmem>>)
      %mul3A_1219 = arith.constant 400 : i32
      %mul3A_1220 = arith.muli %sub3A_1125, %mul3A_1219 : i32
      %add3A_1221 = arith.addi %mul3A_8, %mul3A_1220 : i32
      %dma_start3A_1222 = arith.constant 0 : i32
      %dma_start3A_1223 = tpu.memref_slice %arg5[%add3A_1221, %dma_start3A_1222] : memref<640000x64xf32, #tpu.memory_space<hbm>> -> memref<400x64xf32, #tpu.memory_space<hbm>>
      %dma_start3A_1224 = arith.constant 0 : i32
      %dma_start3A_1225 = tpu.memref_slice %arg5[%add3A_1221, %dma_start3A_1224] : memref<640000x64xf32, #tpu.memory_space<hbm>> -> memref<400x64xf32, #tpu.memory_space<hbm>>
      tpu.enqueue_dma source(%arg10 : memref<400x64xf32, #tpu.memory_space<vmem>>) target(%dma_start3A_1225 : memref<400x64xf32, #tpu.memory_space<hbm>>) target_semaphore(%arg15 : memref<!tpu.dma_semaphore, #tpu.memory_space<semaphore_mem>>)
      %mul3A_1226 = arith.constant 2 : i32
      %mul3A_1227 = arith.muli %mul3A_1226, %scan3A_1121 : i32
      %mul3A_1228 = arith.constant 400 : i32
      %mul3A_1229 = arith.muli %mul3A_1227, %mul3A_1228 : i32
      %add3A_1230 = arith.addi %mul3A_8, %mul3A_1229 : i32
      %dma_wait3A_1231 = arith.constant 0 : i32
      %dma_wait3A_1232 = tpu.memref_slice %arg2[%add3A_1230, %dma_wait3A_1231] : memref<640000x64xf32, #tpu.memory_space<hbm>> -> memref<400x64xf32, #tpu.memory_space<hbm>>
      %dma_wait3A_1233 = arith.constant 0 : i32
      %dma_wait3A_1234 = tpu.memref_slice %arg2[%add3A_1230, %dma_wait3A_1233] : memref<640000x64xf32, #tpu.memory_space<hbm>> -> memref<400x64xf32, #tpu.memory_space<hbm>>
      tpu.wait_dma2 semaphore(%arg12 : memref<!tpu.dma_semaphore, #tpu.memory_space<semaphore_mem>>) src(%dma_wait3A_1234 : memref<400x64xf32, #tpu.memory_space<hbm>>) dst(%arg9 : memref<400x64xf32, #tpu.memory_space<vmem>>)
      %dma_start3A_1235 = arith.constant 0 : i32
      %dma_start3A_1236 = arith.constant 0 : i32
      %dma_start3A_1237 = tpu.memref_slice %arg9[%dma_start3A_1235, %dma_start3A_1236] : memref<400x64xf32, #tpu.memory_space<vmem>> -> memref<80x64xf32, #tpu.memory_space<vmem>>
      %dma_start3A_1238 = arith.constant 0 : i32
      %dma_start3A_1239 = tpu.memref_slice %arg7[%dma_start3A_1238] : memref<400xi32, #tpu.memory_space<vmem>> -> memref<80xi32, #tpu.memory_space<vmem>>
      %dma_start3A_1240 = arith.constant 0 : i32
      %dma_start3A_1241 = arith.constant 0 : i32
      %dma_start3A_1242 = tpu.memref_slice %arg11[%dma_start3A_1240, %dma_start3A_1241] : memref<5000x64xf32, #tpu.memory_space<vmem_shared>> -> memref<5000x64xf32, #tpu.memory_space<vmem_shared>>
      tpu.enqueue_indirect_dma source(%dma_start3A_1242 : memref<5000x64xf32, #tpu.memory_space<vmem_shared>>) target(%dma_start3A_1237 : memref<80x64xf32, #tpu.memory_space<vmem>>) offsets(%dma_start3A_1239 : memref<80xi32, #tpu.memory_space<vmem>>) semaphore(%arg16 : memref<!tpu.dma_semaphore, #tpu.memory_space<semaphore_mem>>) {add = true}
      %dma_start3A_1243 = arith.constant 80 : i32
      %dma_start3A_1244 = arith.constant 0 : i32
      %dma_start3A_1245 = tpu.memref_slice %arg9[%dma_start3A_1243, %dma_start3A_1244] : memref<400x64xf32, #tpu.memory_space<vmem>> -> memref<80x64xf32, #tpu.memory_space<vmem>>
      %dma_start3A_1246 = arith.constant 80 : i32
      %dma_start3A_1247 = tpu.memref_slice %arg7[%dma_start3A_1246] : memref<400xi32, #tpu.memory_space<vmem>> -> memref<80xi32, #tpu.memory_space<vmem>>
      %dma_start3A_1248 = arith.constant 0 : i32
      %dma_start3A_1249 = arith.constant 0 : i32
      %dma_start3A_1250 = tpu.memref_slice %arg11[%dma_start3A_1248, %dma_start3A_1249] : memref<5000x64xf32, #tpu.memory_space<vmem_shared>> -> memref<5000x64xf32, #tpu.memory_space<vmem_shared>>
      tpu.enqueue_indirect_dma source(%dma_start3A_1250 : memref<5000x64xf32, #tpu.memory_space<vmem_shared>>) target(%dma_start3A_1245 : memref<80x64xf32, #tpu.memory_space<vmem>>) offsets(%dma_start3A_1247 : memref<80xi32, #tpu.memory_space<vmem>>) semaphore(%arg16 : memref<!tpu.dma_semaphore, #tpu.memory_space<semaphore_mem>>) {add = true}
      %dma_start3A_1251 = arith.constant 160 : i32
      %dma_start3A_1252 = arith.constant 0 : i32
      %dma_start3A_1253 = tpu.memref_slice %arg9[%dma_start3A_1251, %dma_start3A_1252] : memref<400x64xf32, #tpu.memory_space<vmem>> -> memref<80x64xf32, #tpu.memory_space<vmem>>
      %dma_start3A_1254 = arith.constant 160 : i32
      %dma_start3A_1255 = tpu.memref_slice %arg7[%dma_start3A_1254] : memref<400xi32, #tpu.memory_space<vmem>> -> memref<80xi32, #tpu.memory_space<vmem>>
      %dma_start3A_1256 = arith.constant 0 : i32
      %dma_start3A_1257 = arith.constant 0 : i32
      %dma_start3A_1258 = tpu.memref_slice %arg11[%dma_start3A_1256, %dma_start3A_1257] : memref<5000x64xf32, #tpu.memory_space<vmem_shared>> -> memref<5000x64xf32, #tpu.memory_space<vmem_shared>>
      tpu.enqueue_indirect_dma source(%dma_start3A_1258 : memref<5000x64xf32, #tpu.memory_space<vmem_shared>>) target(%dma_start3A_1253 : memref<80x64xf32, #tpu.memory_space<vmem>>) offsets(%dma_start3A_1255 : memref<80xi32, #tpu.memory_space<vmem>>) semaphore(%arg16 : memref<!tpu.dma_semaphore, #tpu.memory_space<semaphore_mem>>) {add = true}
      %dma_start3A_1259 = arith.constant 240 : i32
      %dma_start3A_1260 = arith.constant 0 : i32
      %dma_start3A_1261 = tpu.memref_slice %arg9[%dma_start3A_1259, %dma_start3A_1260] : memref<400x64xf32, #tpu.memory_space<vmem>> -> memref<80x64xf32, #tpu.memory_space<vmem>>
      %dma_start3A_1262 = arith.constant 240 : i32
      %dma_start3A_1263 = tpu.memref_slice %arg7[%dma_start3A_1262] : memref<400xi32, #tpu.memory_space<vmem>> -> memref<80xi32, #tpu.memory_space<vmem>>
      %dma_start3A_1264 = arith.constant 0 : i32
      %dma_start3A_1265 = arith.constant 0 : i32
      %dma_start3A_1266 = tpu.memref_slice %arg11[%dma_start3A_1264, %dma_start3A_1265] : memref<5000x64xf32, #tpu.memory_space<vmem_shared>> -> memref<5000x64xf32, #tpu.memory_space<vmem_shared>>
      tpu.enqueue_indirect_dma source(%dma_start3A_1266 : memref<5000x64xf32, #tpu.memory_space<vmem_shared>>) target(%dma_start3A_1261 : memref<80x64xf32, #tpu.memory_space<vmem>>) offsets(%dma_start3A_1263 : memref<80xi32, #tpu.memory_space<vmem>>) semaphore(%arg16 : memref<!tpu.dma_semaphore, #tpu.memory_space<semaphore_mem>>) {add = true}
      %dma_start3A_1267 = arith.constant 320 : i32
      %dma_start3A_1268 = arith.constant 0 : i32
      %dma_start3A_1269 = tpu.memref_slice %arg9[%dma_start3A_1267, %dma_start3A_1268] : memref<400x64xf32, #tpu.memory_space<vmem>> -> memref<80x64xf32, #tpu.memory_space<vmem>>
      %dma_start3A_1270 = arith.constant 320 : i32
      %dma_start3A_1271 = tpu.memref_slice %arg7[%dma_start3A_1270] : memref<400xi32, #tpu.memory_space<vmem>> -> memref<80xi32, #tpu.memory_space<vmem>>
      %dma_start3A_1272 = arith.constant 0 : i32
      %dma_start3A_1273 = arith.constant 0 : i32
      %dma_start3A_1274 = tpu.memref_slice %arg11[%dma_start3A_1272, %dma_start3A_1273] : memref<5000x64xf32, #tpu.memory_space<vmem_shared>> -> memref<5000x64xf32, #tpu.memory_space<vmem_shared>>
      tpu.enqueue_indirect_dma source(%dma_start3A_1274 : memref<5000x64xf32, #tpu.memory_space<vmem_shared>>) target(%dma_start3A_1269 : memref<80x64xf32, #tpu.memory_space<vmem>>) offsets(%dma_start3A_1271 : memref<80xi32, #tpu.memory_space<vmem>>) semaphore(%arg16 : memref<!tpu.dma_semaphore, #tpu.memory_space<semaphore_mem>>) {add = true}
      %add3A_1275 = arith.constant 1 : i32
      %add3A_1276 = arith.addi %mul3A_1227, %add3A_1275 : i32
      %lt3A_1277 = arith.constant 25 : i32
      %lt3A_1278 = arith.cmpi slt, %add3A_1276, %lt3A_1277 : i32
      %convert_element_type3A_1279 = arith.extui %lt3A_1278 : i1 to i32
      %cond3A_1280 = arith.constant 0 : i32
      %cond3A_1281 = arith.cmpi ne, %convert_element_type3A_1279, %cond3A_1280 : i32
      scf.if %cond3A_1281 {
        %mul3A_1329 = arith.constant 400 : i32
        %mul3A_1330 = arith.muli %mul3A_1227, %mul3A_1329 : i32
        %add3A_1331 = arith.addi %mul3A_8, %mul3A_1330 : i32
        %dma_wait3A_1332 = arith.constant 0 : i32
        %dma_wait3A_1333 = tpu.memref_slice %arg5[%add3A_1331, %dma_wait3A_1332] : memref<640000x64xf32, #tpu.memory_space<hbm>> -> memref<400x64xf32, #tpu.memory_space<hbm>>
        %dma_wait3A_1334 = arith.constant 0 : i32
        %dma_wait3A_1335 = tpu.memref_slice %arg5[%add3A_1331, %dma_wait3A_1334] : memref<640000x64xf32, #tpu.memory_space<hbm>> -> memref<400x64xf32, #tpu.memory_space<hbm>>
        tpu.wait_dma2 semaphore(%arg15 : memref<!tpu.dma_semaphore, #tpu.memory_space<semaphore_mem>>) src(%arg10 : memref<400x64xf32, #tpu.memory_space<vmem>>) dst(%dma_wait3A_1335 : memref<400x64xf32, #tpu.memory_space<hbm>>)
        %add3A_1336 = arith.constant 1 : i32
        %add3A_1337 = arith.addi %mul3A_1227, %add3A_1336 : i32
        %mul3A_1338 = arith.constant 400 : i32
        %mul3A_1339 = arith.muli %add3A_1337, %mul3A_1338 : i32
        %add3A_1340 = arith.constant 0 : i32
        %add3A_1341 = arith.addi %mul3A_1339, %add3A_1340 : i32
        %get3A_1342 = arith.index_cast %add3A_1341 : i32 to index
        %get3A_1343 = tpu.vector_load %arg6[%get3A_1342] {strides = array<i32>} : memref<10000xi32, #tpu.memory_space<vmem>>, vector<16xi32>,
        %get3A_1344 = vector.shape_cast %get3A_1343 : vector<16xi32> to vector<16xi32>
        %sub3A_1345 = arith.subi %get3A_1344, %min3A_38 : vector<16xi32>
        %swap3A_1346 = arith.constant 0 : index
        %swap3A_1347 = tpu.vector_load %arg8[%swap3A_1346] {strides = array<i32>} : memref<400xi32, #tpu.memory_space<vmem>>, vector<16xi32>,
        %swap3A_1348 = vector.shape_cast %swap3A_1347 : vector<16xi32> to vector<16xi32>
        %swap3A_1349 = vector.shape_cast %sub3A_1345 : vector<16xi32> to vector<16xi32>
        tpu.vector_store %arg8[%swap3A_1346], %swap3A_1349 {strides = array<i32>} : memref<400xi32, #tpu.memory_space<vmem>>, vector<16xi32>,
        %mul3A_1350 = arith.constant 400 : i32
        %mul3A_1351 = arith.muli %add3A_1337, %mul3A_1350 : i32
        %add3A_1352 = arith.constant 16 : i32
        %add3A_1353 = arith.addi %mul3A_1351, %add3A_1352 : i32
        %get3A_1354 = arith.index_cast %add3A_1353 : i32 to index
        %get3A_1355 = tpu.vector_load %arg6[%get3A_1354] {strides = array<i32>} : memref<10000xi32, #tpu.memory_space<vmem>>, vector<16xi32>,
        %get3A_1356 = vector.shape_cast %get3A_1355 : vector<16xi32> to vector<16xi32>
        %sub3A_1357 = arith.subi %get3A_1356, %min3A_38 : vector<16xi32>
        %swap3A_1358 = arith.constant 16 : index
        %swap3A_1359 = tpu.vector_load %arg8[%swap3A_1358] {strides = array<i32>} : memref<400xi32, #tpu.memory_space<vmem>>, vector<16xi32>,
        %swap3A_1360 = vector.shape_cast %swap3A_1359 : vector<16xi32> to vector<16xi32>
        %swap3A_1361 = vector.shape_cast %sub3A_1357 : vector<16xi32> to vector<16xi32>
        tpu.vector_store %arg8[%swap3A_1358], %swap3A_1361 {strides = array<i32>} : memref<400xi32, #tpu.memory_space<vmem>>, vector<16xi32>,
        %mul3A_1362 = arith.constant 400 : i32
        %mul3A_1363 = arith.muli %add3A_1337, %mul3A_1362 : i32
        %add3A_1364 = arith.constant 32 : i32
        %add3A_1365 = arith.addi %mul3A_1363, %add3A_1364 : i32
        %get3A_1366 = arith.index_cast %add3A_1365 : i32 to index
        %get3A_1367 = tpu.vector_load %arg6[%get3A_1366] {strides = array<i32>} : memref<10000xi32, #tpu.memory_space<vmem>>, vector<16xi32>,
        %get3A_1368 = vector.shape_cast %get3A_1367 : vector<16xi32> to vector<16xi32>
        %sub3A_1369 = arith.subi %get3A_1368, %min3A_38 : vector<16xi32>
        %swap3A_1370 = arith.constant 32 : index
        %swap3A_1371 = tpu.vector_load %arg8[%swap3A_1370] {strides = array<i32>} : memref<400xi32, #tpu.memory_space<vmem>>, vector<16xi32>,
        %swap3A_1372 = vector.shape_cast %swap3A_1371 : vector<16xi32> to vector<16xi32>
        %swap3A_1373 = vector.shape_cast %sub3A_1369 : vector<16xi32> to vector<16xi32>
        tpu.vector_store %arg8[%swap3A_1370], %swap3A_1373 {strides = array<i32>} : memref<400xi32, #tpu.memory_space<vmem>>, vector<16xi32>,
        %mul3A_1374 = arith.constant 400 : i32
        %mul3A_1375 = arith.muli %add3A_1337, %mul3A_1374 : i32
        %add3A_1376 = arith.constant 48 : i32
        %add3A_1377 = arith.addi %mul3A_1375, %add3A_1376 : i32
        %get3A_1378 = arith.index_cast %add3A_1377 : i32 to index
        %get3A_1379 = tpu.vector_load %arg6[%get3A_1378] {strides = array<i32>} : memref<10000xi32, #tpu.memory_space<vmem>>, vector<16xi32>,
        %get3A_1380 = vector.shape_cast %get3A_1379 : vector<16xi32> to vector<16xi32>
        %sub3A_1381 = arith.subi %get3A_1380, %min3A_38 : vector<16xi32>
        %swap3A_1382 = arith.constant 48 : index
        %swap3A_1383 = tpu.vector_load %arg8[%swap3A_1382] {strides = array<i32>} : memref<400xi32, #tpu.memory_space<vmem>>, vector<16xi32>,
        %swap3A_1384 = vector.shape_cast %swap3A_1383 : vector<16xi32> to vector<16xi32>
        %swap3A_1385 = vector.shape_cast %sub3A_1381 : vector<16xi32> to vector<16xi32>
        tpu.vector_store %arg8[%swap3A_1382], %swap3A_1385 {strides = array<i32>} : memref<400xi32, #tpu.memory_space<vmem>>, vector<16xi32>,
        %mul3A_1386 = arith.constant 400 : i32
        %mul3A_1387 = arith.muli %add3A_1337, %mul3A_1386 : i32
        %add3A_1388 = arith.constant 64 : i32
        %add3A_1389 = arith.addi %mul3A_1387, %add3A_1388 : i32
        %get3A_1390 = arith.index_cast %add3A_1389 : i32 to index
        %get3A_1391 = tpu.vector_load %arg6[%get3A_1390] {strides = array<i32>} : memref<10000xi32, #tpu.memory_space<vmem>>, vector<16xi32>,
        %get3A_1392 = vector.shape_cast %get3A_1391 : vector<16xi32> to vector<16xi32>
        %sub3A_1393 = arith.subi %get3A_1392, %min3A_38 : vector<16xi32>
        %swap3A_1394 = arith.constant 64 : index
        %swap3A_1395 = tpu.vector_load %arg8[%swap3A_1394] {strides = array<i32>} : memref<400xi32, #tpu.memory_space<vmem>>, vector<16xi32>,
        %swap3A_1396 = vector.shape_cast %swap3A_1395 : vector<16xi32> to vector<16xi32>
        %swap3A_1397 = vector.shape_cast %sub3A_1393 : vector<16xi32> to vector<16xi32>
        tpu.vector_store %arg8[%swap3A_1394], %swap3A_1397 {strides = array<i32>} : memref<400xi32, #tpu.memory_space<vmem>>, vector<16xi32>,
        %mul3A_1398 = arith.constant 400 : i32
        %mul3A_1399 = arith.muli %add3A_1337, %mul3A_1398 : i32
        %add3A_1400 = arith.constant 80 : i32
        %add3A_1401 = arith.addi %mul3A_1399, %add3A_1400 : i32
        %get3A_1402 = arith.index_cast %add3A_1401 : i32 to index
        %get3A_1403 = tpu.vector_load %arg6[%get3A_1402] {strides = array<i32>} : memref<10000xi32, #tpu.memory_space<vmem>>, vector<16xi32>,
        %get3A_1404 = vector.shape_cast %get3A_1403 : vector<16xi32> to vector<16xi32>
        %sub3A_1405 = arith.subi %get3A_1404, %min3A_38 : vector<16xi32>
        %swap3A_1406 = arith.constant 80 : index
        %swap3A_1407 = tpu.vector_load %arg8[%swap3A_1406] {strides = array<i32>} : memref<400xi32, #tpu.memory_space<vmem>>, vector<16xi32>,
        %swap3A_1408 = vector.shape_cast %swap3A_1407 : vector<16xi32> to vector<16xi32>
        %swap3A_1409 = vector.shape_cast %sub3A_1405 : vector<16xi32> to vector<16xi32>
        tpu.vector_store %arg8[%swap3A_1406], %swap3A_1409 {strides = array<i32>} : memref<400xi32, #tpu.memory_space<vmem>>, vector<16xi32>,
        %mul3A_1410 = arith.constant 400 : i32
        %mul3A_1411 = arith.muli %add3A_1337, %mul3A_1410 : i32
        %add3A_1412 = arith.constant 96 : i32
        %add3A_1413 = arith.addi %mul3A_1411, %add3A_1412 : i32
        %get3A_1414 = arith.index_cast %add3A_1413 : i32 to index
        %get3A_1415 = tpu.vector_load %arg6[%get3A_1414] {strides = array<i32>} : memref<10000xi32, #tpu.memory_space<vmem>>, vector<16xi32>,
        %get3A_1416 = vector.shape_cast %get3A_1415 : vector<16xi32> to vector<16xi32>
        %sub3A_1417 = arith.subi %get3A_1416, %min3A_38 : vector<16xi32>
        %swap3A_1418 = arith.constant 96 : index
        %swap3A_1419 = tpu.vector_load %arg8[%swap3A_1418] {strides = array<i32>} : memref<400xi32, #tpu.memory_space<vmem>>, vector<16xi32>,
        %swap3A_1420 = vector.shape_cast %swap3A_1419 : vector<16xi32> to vector<16xi32>
        %swap3A_1421 = vector.shape_cast %sub3A_1417 : vector<16xi32> to vector<16xi32>
        tpu.vector_store %arg8[%swap3A_1418], %swap3A_1421 {strides = array<i32>} : memref<400xi32, #tpu.memory_space<vmem>>, vector<16xi32>,
        %mul3A_1422 = arith.constant 400 : i32
        %mul3A_1423 = arith.muli %add3A_1337, %mul3A_1422 : i32
        %add3A_1424 = arith.constant 112 : i32
        %add3A_1425 = arith.addi %mul3A_1423, %add3A_1424 : i32
        %get3A_1426 = arith.index_cast %add3A_1425 : i32 to index
        %get3A_1427 = tpu.vector_load %arg6[%get3A_1426] {strides = array<i32>} : memref<10000xi32, #tpu.memory_space<vmem>>, vector<16xi32>,
        %get3A_1428 = vector.shape_cast %get3A_1427 : vector<16xi32> to vector<16xi32>
        %sub3A_1429 = arith.subi %get3A_1428, %min3A_38 : vector<16xi32>
        %swap3A_1430 = arith.constant 112 : index
        %swap3A_1431 = tpu.vector_load %arg8[%swap3A_1430] {strides = array<i32>} : memref<400xi32, #tpu.memory_space<vmem>>, vector<16xi32>,
        %swap3A_1432 = vector.shape_cast %swap3A_1431 : vector<16xi32> to vector<16xi32>
        %swap3A_1433 = vector.shape_cast %sub3A_1429 : vector<16xi32> to vector<16xi32>
        tpu.vector_store %arg8[%swap3A_1430], %swap3A_1433 {strides = array<i32>} : memref<400xi32, #tpu.memory_space<vmem>>, vector<16xi32>,
        %mul3A_1434 = arith.constant 400 : i32
        %mul3A_1435 = arith.muli %add3A_1337, %mul3A_1434 : i32
        %add3A_1436 = arith.constant 128 : i32
        %add3A_1437 = arith.addi %mul3A_1435, %add3A_1436 : i32
        %get3A_1438 = arith.index_cast %add3A_1437 : i32 to index
        %get3A_1439 = tpu.vector_load %arg6[%get3A_1438] {strides = array<i32>} : memref<10000xi32, #tpu.memory_space<vmem>>, vector<16xi32>,
        %get3A_1440 = vector.shape_cast %get3A_1439 : vector<16xi32> to vector<16xi32>
        %sub3A_1441 = arith.subi %get3A_1440, %min3A_38 : vector<16xi32>
        %swap3A_1442 = arith.constant 128 : index
        %swap3A_1443 = tpu.vector_load %arg8[%swap3A_1442] {strides = array<i32>} : memref<400xi32, #tpu.memory_space<vmem>>, vector<16xi32>,
        %swap3A_1444 = vector.shape_cast %swap3A_1443 : vector<16xi32> to vector<16xi32>
        %swap3A_1445 = vector.shape_cast %sub3A_1441 : vector<16xi32> to vector<16xi32>
        tpu.vector_store %arg8[%swap3A_1442], %swap3A_1445 {strides = array<i32>} : memref<400xi32, #tpu.memory_space<vmem>>, vector<16xi32>,
        %mul3A_1446 = arith.constant 400 : i32
        %mul3A_1447 = arith.muli %add3A_1337, %mul3A_1446 : i32
        %add3A_1448 = arith.constant 144 : i32
        %add3A_1449 = arith.addi %mul3A_1447, %add3A_1448 : i32
        %get3A_1450 = arith.index_cast %add3A_1449 : i32 to index
        %get3A_1451 = tpu.vector_load %arg6[%get3A_1450] {strides = array<i32>} : memref<10000xi32, #tpu.memory_space<vmem>>, vector<16xi32>,
        %get3A_1452 = vector.shape_cast %get3A_1451 : vector<16xi32> to vector<16xi32>
        %sub3A_1453 = arith.subi %get3A_1452, %min3A_38 : vector<16xi32>
        %swap3A_1454 = arith.constant 144 : index
        %swap3A_1455 = tpu.vector_load %arg8[%swap3A_1454] {strides = array<i32>} : memref<400xi32, #tpu.memory_space<vmem>>, vector<16xi32>,
        %swap3A_1456 = vector.shape_cast %swap3A_1455 : vector<16xi32> to vector<16xi32>
        %swap3A_1457 = vector.shape_cast %sub3A_1453 : vector<16xi32> to vector<16xi32>
        tpu.vector_store %arg8[%swap3A_1454], %swap3A_1457 {strides = array<i32>} : memref<400xi32, #tpu.memory_space<vmem>>, vector<16xi32>,
        %mul3A_1458 = arith.constant 400 : i32
        %mul3A_1459 = arith.muli %add3A_1337, %mul3A_1458 : i32
        %add3A_1460 = arith.constant 160 : i32
        %add3A_1461 = arith.addi %mul3A_1459, %add3A_1460 : i32
        %get3A_1462 = arith.index_cast %add3A_1461 : i32 to index
        %get3A_1463 = tpu.vector_load %arg6[%get3A_1462] {strides = array<i32>} : memref<10000xi32, #tpu.memory_space<vmem>>, vector<16xi32>,
        %get3A_1464 = vector.shape_cast %get3A_1463 : vector<16xi32> to vector<16xi32>
        %sub3A_1465 = arith.subi %get3A_1464, %min3A_38 : vector<16xi32>
        %swap3A_1466 = arith.constant 160 : index
        %swap3A_1467 = tpu.vector_load %arg8[%swap3A_1466] {strides = array<i32>} : memref<400xi32, #tpu.memory_space<vmem>>, vector<16xi32>,
        %swap3A_1468 = vector.shape_cast %swap3A_1467 : vector<16xi32> to vector<16xi32>
        %swap3A_1469 = vector.shape_cast %sub3A_1465 : vector<16xi32> to vector<16xi32>
        tpu.vector_store %arg8[%swap3A_1466], %swap3A_1469 {strides = array<i32>} : memref<400xi32, #tpu.memory_space<vmem>>, vector<16xi32>,
        %mul3A_1470 = arith.constant 400 : i32
        %mul3A_1471 = arith.muli %add3A_1337, %mul3A_1470 : i32
        %add3A_1472 = arith.constant 176 : i32
        %add3A_1473 = arith.addi %mul3A_1471, %add3A_1472 : i32
        %get3A_1474 = arith.index_cast %add3A_1473 : i32 to index
        %get3A_1475 = tpu.vector_load %arg6[%get3A_1474] {strides = array<i32>} : memref<10000xi32, #tpu.memory_space<vmem>>, vector<16xi32>,
        %get3A_1476 = vector.shape_cast %get3A_1475 : vector<16xi32> to vector<16xi32>
        %sub3A_1477 = arith.subi %get3A_1476, %min3A_38 : vector<16xi32>
        %swap3A_1478 = arith.constant 176 : index
        %swap3A_1479 = tpu.vector_load %arg8[%swap3A_1478] {strides = array<i32>} : memref<400xi32, #tpu.memory_space<vmem>>, vector<16xi32>,
        %swap3A_1480 = vector.shape_cast %swap3A_1479 : vector<16xi32> to vector<16xi32>
        %swap3A_1481 = vector.shape_cast %sub3A_1477 : vector<16xi32> to vector<16xi32>
        tpu.vector_store %arg8[%swap3A_1478], %swap3A_1481 {strides = array<i32>} : memref<400xi32, #tpu.memory_space<vmem>>, vector<16xi32>,
        %mul3A_1482 = arith.constant 400 : i32
        %mul3A_1483 = arith.muli %add3A_1337, %mul3A_1482 : i32
        %add3A_1484 = arith.constant 192 : i32
        %add3A_1485 = arith.addi %mul3A_1483, %add3A_1484 : i32
        %get3A_1486 = arith.index_cast %add3A_1485 : i32 to index
        %get3A_1487 = tpu.vector_load %arg6[%get3A_1486] {strides = array<i32>} : memref<10000xi32, #tpu.memory_space<vmem>>, vector<16xi32>,
        %get3A_1488 = vector.shape_cast %get3A_1487 : vector<16xi32> to vector<16xi32>
        %sub3A_1489 = arith.subi %get3A_1488, %min3A_38 : vector<16xi32>
        %swap3A_1490 = arith.constant 192 : index
        %swap3A_1491 = tpu.vector_load %arg8[%swap3A_1490] {strides = array<i32>} : memref<400xi32, #tpu.memory_space<vmem>>, vector<16xi32>,
        %swap3A_1492 = vector.shape_cast %swap3A_1491 : vector<16xi32> to vector<16xi32>
        %swap3A_1493 = vector.shape_cast %sub3A_1489 : vector<16xi32> to vector<16xi32>
        tpu.vector_store %arg8[%swap3A_1490], %swap3A_1493 {strides = array<i32>} : memref<400xi32, #tpu.memory_space<vmem>>, vector<16xi32>,
        %mul3A_1494 = arith.constant 400 : i32
        %mul3A_1495 = arith.muli %add3A_1337, %mul3A_1494 : i32
        %add3A_1496 = arith.constant 208 : i32
        %add3A_1497 = arith.addi %mul3A_1495, %add3A_1496 : i32
        %get3A_1498 = arith.index_cast %add3A_1497 : i32 to index
        %get3A_1499 = tpu.vector_load %arg6[%get3A_1498] {strides = array<i32>} : memref<10000xi32, #tpu.memory_space<vmem>>, vector<16xi32>,
        %get3A_1500 = vector.shape_cast %get3A_1499 : vector<16xi32> to vector<16xi32>
        %sub3A_1501 = arith.subi %get3A_1500, %min3A_38 : vector<16xi32>
        %swap3A_1502 = arith.constant 208 : index
        %swap3A_1503 = tpu.vector_load %arg8[%swap3A_1502] {strides = array<i32>} : memref<400xi32, #tpu.memory_space<vmem>>, vector<16xi32>,
        %swap3A_1504 = vector.shape_cast %swap3A_1503 : vector<16xi32> to vector<16xi32>
        %swap3A_1505 = vector.shape_cast %sub3A_1501 : vector<16xi32> to vector<16xi32>
        tpu.vector_store %arg8[%swap3A_1502], %swap3A_1505 {strides = array<i32>} : memref<400xi32, #tpu.memory_space<vmem>>, vector<16xi32>,
        %mul3A_1506 = arith.constant 400 : i32
        %mul3A_1507 = arith.muli %add3A_1337, %mul3A_1506 : i32
        %add3A_1508 = arith.constant 224 : i32
        %add3A_1509 = arith.addi %mul3A_1507, %add3A_1508 : i32
        %get3A_1510 = arith.index_cast %add3A_1509 : i32 to index
        %get3A_1511 = tpu.vector_load %arg6[%get3A_1510] {strides = array<i32>} : memref<10000xi32, #tpu.memory_space<vmem>>, vector<16xi32>,
        %get3A_1512 = vector.shape_cast %get3A_1511 : vector<16xi32> to vector<16xi32>
        %sub3A_1513 = arith.subi %get3A_1512, %min3A_38 : vector<16xi32>
        %swap3A_1514 = arith.constant 224 : index
        %swap3A_1515 = tpu.vector_load %arg8[%swap3A_1514] {strides = array<i32>} : memref<400xi32, #tpu.memory_space<vmem>>, vector<16xi32>,
        %swap3A_1516 = vector.shape_cast %swap3A_1515 : vector<16xi32> to vector<16xi32>
        %swap3A_1517 = vector.shape_cast %sub3A_1513 : vector<16xi32> to vector<16xi32>
        tpu.vector_store %arg8[%swap3A_1514], %swap3A_1517 {strides = array<i32>} : memref<400xi32, #tpu.memory_space<vmem>>, vector<16xi32>,
        %mul3A_1518 = arith.constant 400 : i32
        %mul3A_1519 = arith.muli %add3A_1337, %mul3A_1518 : i32
        %add3A_1520 = arith.constant 240 : i32
        %add3A_1521 = arith.addi %mul3A_1519, %add3A_1520 : i32
        %get3A_1522 = arith.index_cast %add3A_1521 : i32 to index
        %get3A_1523 = tpu.vector_load %arg6[%get3A_1522] {strides = array<i32>} : memref<10000xi32, #tpu.memory_space<vmem>>, vector<16xi32>,
        %get3A_1524 = vector.shape_cast %get3A_1523 : vector<16xi32> to vector<16xi32>
        %sub3A_1525 = arith.subi %get3A_1524, %min3A_38 : vector<16xi32>
        %swap3A_1526 = arith.constant 240 : index
        %swap3A_1527 = tpu.vector_load %arg8[%swap3A_1526] {strides = array<i32>} : memref<400xi32, #tpu.memory_space<vmem>>, vector<16xi32>,
        %swap3A_1528 = vector.shape_cast %swap3A_1527 : vector<16xi32> to vector<16xi32>
        %swap3A_1529 = vector.shape_cast %sub3A_1525 : vector<16xi32> to vector<16xi32>
        tpu.vector_store %arg8[%swap3A_1526], %swap3A_1529 {strides = array<i32>} : memref<400xi32, #tpu.memory_space<vmem>>, vector<16xi32>,
        %mul3A_1530 = arith.constant 400 : i32
        %mul3A_1531 = arith.muli %add3A_1337, %mul3A_1530 : i32
        %add3A_1532 = arith.constant 256 : i32
        %add3A_1533 = arith.addi %mul3A_1531, %add3A_1532 : i32
        %get3A_1534 = arith.index_cast %add3A_1533 : i32 to index
        %get3A_1535 = tpu.vector_load %arg6[%get3A_1534] {strides = array<i32>} : memref<10000xi32, #tpu.memory_space<vmem>>, vector<16xi32>,
        %get3A_1536 = vector.shape_cast %get3A_1535 : vector<16xi32> to vector<16xi32>
        %sub3A_1537 = arith.subi %get3A_1536, %min3A_38 : vector<16xi32>
        %swap3A_1538 = arith.constant 256 : index
        %swap3A_1539 = tpu.vector_load %arg8[%swap3A_1538] {strides = array<i32>} : memref<400xi32, #tpu.memory_space<vmem>>, vector<16xi32>,
        %swap3A_1540 = vector.shape_cast %swap3A_1539 : vector<16xi32> to vector<16xi32>
        %swap3A_1541 = vector.shape_cast %sub3A_1537 : vector<16xi32> to vector<16xi32>
        tpu.vector_store %arg8[%swap3A_1538], %swap3A_1541 {strides = array<i32>} : memref<400xi32, #tpu.memory_space<vmem>>, vector<16xi32>,
        %mul3A_1542 = arith.constant 400 : i32
        %mul3A_1543 = arith.muli %add3A_1337, %mul3A_1542 : i32
        %add3A_1544 = arith.constant 272 : i32
        %add3A_1545 = arith.addi %mul3A_1543, %add3A_1544 : i32
        %get3A_1546 = arith.index_cast %add3A_1545 : i32 to index
        %get3A_1547 = tpu.vector_load %arg6[%get3A_1546] {strides = array<i32>} : memref<10000xi32, #tpu.memory_space<vmem>>, vector<16xi32>,
        %get3A_1548 = vector.shape_cast %get3A_1547 : vector<16xi32> to vector<16xi32>
        %sub3A_1549 = arith.subi %get3A_1548, %min3A_38 : vector<16xi32>
        %swap3A_1550 = arith.constant 272 : index
        %swap3A_1551 = tpu.vector_load %arg8[%swap3A_1550] {strides = array<i32>} : memref<400xi32, #tpu.memory_space<vmem>>, vector<16xi32>,
        %swap3A_1552 = vector.shape_cast %swap3A_1551 : vector<16xi32> to vector<16xi32>
        %swap3A_1553 = vector.shape_cast %sub3A_1549 : vector<16xi32> to vector<16xi32>
        tpu.vector_store %arg8[%swap3A_1550], %swap3A_1553 {strides = array<i32>} : memref<400xi32, #tpu.memory_space<vmem>>, vector<16xi32>,
        %mul3A_1554 = arith.constant 400 : i32
        %mul3A_1555 = arith.muli %add3A_1337, %mul3A_1554 : i32
        %add3A_1556 = arith.constant 288 : i32
        %add3A_1557 = arith.addi %mul3A_1555, %add3A_1556 : i32
        %get3A_1558 = arith.index_cast %add3A_1557 : i32 to index
        %get3A_1559 = tpu.vector_load %arg6[%get3A_1558] {strides = array<i32>} : memref<10000xi32, #tpu.memory_space<vmem>>, vector<16xi32>,
        %get3A_1560 = vector.shape_cast %get3A_1559 : vector<16xi32> to vector<16xi32>
        %sub3A_1561 = arith.subi %get3A_1560, %min3A_38 : vector<16xi32>
        %swap3A_1562 = arith.constant 288 : index
        %swap3A_1563 = tpu.vector_load %arg8[%swap3A_1562] {strides = array<i32>} : memref<400xi32, #tpu.memory_space<vmem>>, vector<16xi32>,
        %swap3A_1564 = vector.shape_cast %swap3A_1563 : vector<16xi32> to vector<16xi32>
        %swap3A_1565 = vector.shape_cast %sub3A_1561 : vector<16xi32> to vector<16xi32>
        tpu.vector_store %arg8[%swap3A_1562], %swap3A_1565 {strides = array<i32>} : memref<400xi32, #tpu.memory_space<vmem>>, vector<16xi32>,
        %mul3A_1566 = arith.constant 400 : i32
        %mul3A_1567 = arith.muli %add3A_1337, %mul3A_1566 : i32
        %add3A_1568 = arith.constant 304 : i32
        %add3A_1569 = arith.addi %mul3A_1567, %add3A_1568 : i32
        %get3A_1570 = arith.index_cast %add3A_1569 : i32 to index
        %get3A_1571 = tpu.vector_load %arg6[%get3A_1570] {strides = array<i32>} : memref<10000xi32, #tpu.memory_space<vmem>>, vector<16xi32>,
        %get3A_1572 = vector.shape_cast %get3A_1571 : vector<16xi32> to vector<16xi32>
        %sub3A_1573 = arith.subi %get3A_1572, %min3A_38 : vector<16xi32>
        %swap3A_1574 = arith.constant 304 : index
        %swap3A_1575 = tpu.vector_load %arg8[%swap3A_1574] {strides = array<i32>} : memref<400xi32, #tpu.memory_space<vmem>>, vector<16xi32>,
        %swap3A_1576 = vector.shape_cast %swap3A_1575 : vector<16xi32> to vector<16xi32>
        %swap3A_1577 = vector.shape_cast %sub3A_1573 : vector<16xi32> to vector<16xi32>
        tpu.vector_store %arg8[%swap3A_1574], %swap3A_1577 {strides = array<i32>} : memref<400xi32, #tpu.memory_space<vmem>>, vector<16xi32>,
        %mul3A_1578 = arith.constant 400 : i32
        %mul3A_1579 = arith.muli %add3A_1337, %mul3A_1578 : i32
        %add3A_1580 = arith.constant 320 : i32
        %add3A_1581 = arith.addi %mul3A_1579, %add3A_1580 : i32
        %get3A_1582 = arith.index_cast %add3A_1581 : i32 to index
        %get3A_1583 = tpu.vector_load %arg6[%get3A_1582] {strides = array<i32>} : memref<10000xi32, #tpu.memory_space<vmem>>, vector<16xi32>,
        %get3A_1584 = vector.shape_cast %get3A_1583 : vector<16xi32> to vector<16xi32>
        %sub3A_1585 = arith.subi %get3A_1584, %min3A_38 : vector<16xi32>
        %swap3A_1586 = arith.constant 320 : index
        %swap3A_1587 = tpu.vector_load %arg8[%swap3A_1586] {strides = array<i32>} : memref<400xi32, #tpu.memory_space<vmem>>, vector<16xi32>,
        %swap3A_1588 = vector.shape_cast %swap3A_1587 : vector<16xi32> to vector<16xi32>
        %swap3A_1589 = vector.shape_cast %sub3A_1585 : vector<16xi32> to vector<16xi32>
        tpu.vector_store %arg8[%swap3A_1586], %swap3A_1589 {strides = array<i32>} : memref<400xi32, #tpu.memory_space<vmem>>, vector<16xi32>,
        %mul3A_1590 = arith.constant 400 : i32
        %mul3A_1591 = arith.muli %add3A_1337, %mul3A_1590 : i32
        %add3A_1592 = arith.constant 336 : i32
        %add3A_1593 = arith.addi %mul3A_1591, %add3A_1592 : i32
        %get3A_1594 = arith.index_cast %add3A_1593 : i32 to index
        %get3A_1595 = tpu.vector_load %arg6[%get3A_1594] {strides = array<i32>} : memref<10000xi32, #tpu.memory_space<vmem>>, vector<16xi32>,
        %get3A_1596 = vector.shape_cast %get3A_1595 : vector<16xi32> to vector<16xi32>
        %sub3A_1597 = arith.subi %get3A_1596, %min3A_38 : vector<16xi32>
        %swap3A_1598 = arith.constant 336 : index
        %swap3A_1599 = tpu.vector_load %arg8[%swap3A_1598] {strides = array<i32>} : memref<400xi32, #tpu.memory_space<vmem>>, vector<16xi32>,
        %swap3A_1600 = vector.shape_cast %swap3A_1599 : vector<16xi32> to vector<16xi32>
        %swap3A_1601 = vector.shape_cast %sub3A_1597 : vector<16xi32> to vector<16xi32>
        tpu.vector_store %arg8[%swap3A_1598], %swap3A_1601 {strides = array<i32>} : memref<400xi32, #tpu.memory_space<vmem>>, vector<16xi32>,
        %mul3A_1602 = arith.constant 400 : i32
        %mul3A_1603 = arith.muli %add3A_1337, %mul3A_1602 : i32
        %add3A_1604 = arith.constant 352 : i32
        %add3A_1605 = arith.addi %mul3A_1603, %add3A_1604 : i32
        %get3A_1606 = arith.index_cast %add3A_1605 : i32 to index
        %get3A_1607 = tpu.vector_load %arg6[%get3A_1606] {strides = array<i32>} : memref<10000xi32, #tpu.memory_space<vmem>>, vector<16xi32>,
        %get3A_1608 = vector.shape_cast %get3A_1607 : vector<16xi32> to vector<16xi32>
        %sub3A_1609 = arith.subi %get3A_1608, %min3A_38 : vector<16xi32>
        %swap3A_1610 = arith.constant 352 : index
        %swap3A_1611 = tpu.vector_load %arg8[%swap3A_1610] {strides = array<i32>} : memref<400xi32, #tpu.memory_space<vmem>>, vector<16xi32>,
        %swap3A_1612 = vector.shape_cast %swap3A_1611 : vector<16xi32> to vector<16xi32>
        %swap3A_1613 = vector.shape_cast %sub3A_1609 : vector<16xi32> to vector<16xi32>
        tpu.vector_store %arg8[%swap3A_1610], %swap3A_1613 {strides = array<i32>} : memref<400xi32, #tpu.memory_space<vmem>>, vector<16xi32>,
        %mul3A_1614 = arith.constant 400 : i32
        %mul3A_1615 = arith.muli %add3A_1337, %mul3A_1614 : i32
        %add3A_1616 = arith.constant 368 : i32
        %add3A_1617 = arith.addi %mul3A_1615, %add3A_1616 : i32
        %get3A_1618 = arith.index_cast %add3A_1617 : i32 to index
        %get3A_1619 = tpu.vector_load %arg6[%get3A_1618] {strides = array<i32>} : memref<10000xi32, #tpu.memory_space<vmem>>, vector<16xi32>,
        %get3A_1620 = vector.shape_cast %get3A_1619 : vector<16xi32> to vector<16xi32>
        %sub3A_1621 = arith.subi %get3A_1620, %min3A_38 : vector<16xi32>
        %swap3A_1622 = arith.constant 368 : index
        %swap3A_1623 = tpu.vector_load %arg8[%swap3A_1622] {strides = array<i32>} : memref<400xi32, #tpu.memory_space<vmem>>, vector<16xi32>,
        %swap3A_1624 = vector.shape_cast %swap3A_1623 : vector<16xi32> to vector<16xi32>
        %swap3A_1625 = vector.shape_cast %sub3A_1621 : vector<16xi32> to vector<16xi32>
        tpu.vector_store %arg8[%swap3A_1622], %swap3A_1625 {strides = array<i32>} : memref<400xi32, #tpu.memory_space<vmem>>, vector<16xi32>,
        %mul3A_1626 = arith.constant 400 : i32
        %mul3A_1627 = arith.muli %add3A_1337, %mul3A_1626 : i32
        %add3A_1628 = arith.constant 384 : i32
        %add3A_1629 = arith.addi %mul3A_1627, %add3A_1628 : i32
        %get3A_1630 = arith.index_cast %add3A_1629 : i32 to index
        %get3A_1631 = tpu.vector_load %arg6[%get3A_1630] {strides = array<i32>} : memref<10000xi32, #tpu.memory_space<vmem>>, vector<16xi32>,
        %get3A_1632 = vector.shape_cast %get3A_1631 : vector<16xi32> to vector<16xi32>
        %sub3A_1633 = arith.subi %get3A_1632, %min3A_38 : vector<16xi32>
        %swap3A_1634 = arith.constant 384 : index
        %swap3A_1635 = tpu.vector_load %arg8[%swap3A_1634] {strides = array<i32>} : memref<400xi32, #tpu.memory_space<vmem>>, vector<16xi32>,
        %swap3A_1636 = vector.shape_cast %swap3A_1635 : vector<16xi32> to vector<16xi32>
        %swap3A_1637 = vector.shape_cast %sub3A_1633 : vector<16xi32> to vector<16xi32>
        tpu.vector_store %arg8[%swap3A_1634], %swap3A_1637 {strides = array<i32>} : memref<400xi32, #tpu.memory_space<vmem>>, vector<16xi32>,
        %add3A_1638 = arith.constant 1 : i32
        %add3A_1639 = arith.addi %mul3A_1227, %add3A_1638 : i32
        %mul3A_1640 = arith.constant 400 : i32
        %mul3A_1641 = arith.muli %add3A_1639, %mul3A_1640 : i32
        %add3A_1642 = arith.addi %mul3A_8, %mul3A_1641 : i32
        %dma_start3A_1643 = arith.constant 0 : i32
        %dma_start3A_1644 = tpu.memref_slice %arg2[%add3A_1642, %dma_start3A_1643] : memref<640000x64xf32, #tpu.memory_space<hbm>> -> memref<400x64xf32, #tpu.memory_space<hbm>>
        %dma_start3A_1645 = arith.constant 0 : i32
        %dma_start3A_1646 = tpu.memref_slice %arg2[%add3A_1642, %dma_start3A_1645] : memref<640000x64xf32, #tpu.memory_space<hbm>> -> memref<400x64xf32, #tpu.memory_space<hbm>>
        tpu.enqueue_dma source(%dma_start3A_1646 : memref<400x64xf32, #tpu.memory_space<hbm>>) target(%arg10 : memref<400x64xf32, #tpu.memory_space<vmem>>) target_semaphore(%arg13 : memref<!tpu.dma_semaphore, #tpu.memory_space<semaphore_mem>>)
      } else {
      }
      %dma_wait3A_1282 = arith.constant 0 : i32
      %dma_wait3A_1283 = arith.constant 0 : i32
      %dma_wait3A_1284 = tpu.memref_slice %arg9[%dma_wait3A_1282, %dma_wait3A_1283] : memref<400x64xf32, #tpu.memory_space<vmem>> -> memref<80x64xf32, #tpu.memory_space<vmem>>
      %dma_wait3A_1285 = arith.constant 0 : i32
      %dma_wait3A_1286 = tpu.memref_slice %arg7[%dma_wait3A_1285] : memref<400xi32, #tpu.memory_space<vmem>> -> memref<80xi32, #tpu.memory_space<vmem>>
      %dma_wait3A_1287 = arith.constant 0 : i32
      %dma_wait3A_1288 = arith.constant 0 : i32
      %dma_wait3A_1289 = tpu.memref_slice %arg11[%dma_wait3A_1287, %dma_wait3A_1288] : memref<5000x64xf32, #tpu.memory_space<vmem_shared>> -> memref<5000x64xf32, #tpu.memory_space<vmem_shared>>
      tpu.wait_indirect_dma semaphore(%arg16 : memref<!tpu.dma_semaphore, #tpu.memory_space<semaphore_mem>>) src(%dma_wait3A_1289 : memref<5000x64xf32, #tpu.memory_space<vmem_shared>>) dst(%dma_wait3A_1284 : memref<80x64xf32, #tpu.memory_space<vmem>>)
      %dma_wait3A_1290 = arith.constant 80 : i32
      %dma_wait3A_1291 = arith.constant 0 : i32
      %dma_wait3A_1292 = tpu.memref_slice %arg9[%dma_wait3A_1290, %dma_wait3A_1291] : memref<400x64xf32, #tpu.memory_space<vmem>> -> memref<80x64xf32, #tpu.memory_space<vmem>>
      %dma_wait3A_1293 = arith.constant 80 : i32
      %dma_wait3A_1294 = tpu.memref_slice %arg7[%dma_wait3A_1293] : memref<400xi32, #tpu.memory_space<vmem>> -> memref<80xi32, #tpu.memory_space<vmem>>
      %dma_wait3A_1295 = arith.constant 0 : i32
      %dma_wait3A_1296 = arith.constant 0 : i32
      %dma_wait3A_1297 = tpu.memref_slice %arg11[%dma_wait3A_1295, %dma_wait3A_1296] : memref<5000x64xf32, #tpu.memory_space<vmem_shared>> -> memref<5000x64xf32, #tpu.memory_space<vmem_shared>>
      tpu.wait_indirect_dma semaphore(%arg16 : memref<!tpu.dma_semaphore, #tpu.memory_space<semaphore_mem>>) src(%dma_wait3A_1297 : memref<5000x64xf32, #tpu.memory_space<vmem_shared>>) dst(%dma_wait3A_1292 : memref<80x64xf32, #tpu.memory_space<vmem>>)
      %dma_wait3A_1298 = arith.constant 160 : i32
      %dma_wait3A_1299 = arith.constant 0 : i32
      %dma_wait3A_1300 = tpu.memref_slice %arg9[%dma_wait3A_1298, %dma_wait3A_1299] : memref<400x64xf32, #tpu.memory_space<vmem>> -> memref<80x64xf32, #tpu.memory_space<vmem>>
      %dma_wait3A_1301 = arith.constant 160 : i32
      %dma_wait3A_1302 = tpu.memref_slice %arg7[%dma_wait3A_1301] : memref<400xi32, #tpu.memory_space<vmem>> -> memref<80xi32, #tpu.memory_space<vmem>>
      %dma_wait3A_1303 = arith.constant 0 : i32
      %dma_wait3A_1304 = arith.constant 0 : i32
      %dma_wait3A_1305 = tpu.memref_slice %arg11[%dma_wait3A_1303, %dma_wait3A_1304] : memref<5000x64xf32, #tpu.memory_space<vmem_shared>> -> memref<5000x64xf32, #tpu.memory_space<vmem_shared>>
      tpu.wait_indirect_dma semaphore(%arg16 : memref<!tpu.dma_semaphore, #tpu.memory_space<semaphore_mem>>) src(%dma_wait3A_1305 : memref<5000x64xf32, #tpu.memory_space<vmem_shared>>) dst(%dma_wait3A_1300 : memref<80x64xf32, #tpu.memory_space<vmem>>)
      %dma_wait3A_1306 = arith.constant 240 : i32
      %dma_wait3A_1307 = arith.constant 0 : i32
      %dma_wait3A_1308 = tpu.memref_slice %arg9[%dma_wait3A_1306, %dma_wait3A_1307] : memref<400x64xf32, #tpu.memory_space<vmem>> -> memref<80x64xf32, #tpu.memory_space<vmem>>
      %dma_wait3A_1309 = arith.constant 240 : i32
      %dma_wait3A_1310 = tpu.memref_slice %arg7[%dma_wait3A_1309] : memref<400xi32, #tpu.memory_space<vmem>> -> memref<80xi32, #tpu.memory_space<vmem>>
      %dma_wait3A_1311 = arith.constant 0 : i32
      %dma_wait3A_1312 = arith.constant 0 : i32
      %dma_wait3A_1313 = tpu.memref_slice %arg11[%dma_wait3A_1311, %dma_wait3A_1312] : memref<5000x64xf32, #tpu.memory_space<vmem_shared>> -> memref<5000x64xf32, #tpu.memory_space<vmem_shared>>
      tpu.wait_indirect_dma semaphore(%arg16 : memref<!tpu.dma_semaphore, #tpu.memory_space<semaphore_mem>>) src(%dma_wait3A_1313 : memref<5000x64xf32, #tpu.memory_space<vmem_shared>>) dst(%dma_wait3A_1308 : memref<80x64xf32, #tpu.memory_space<vmem>>)
      %dma_wait3A_1314 = arith.constant 320 : i32
      %dma_wait3A_1315 = arith.constant 0 : i32
      %dma_wait3A_1316 = tpu.memref_slice %arg9[%dma_wait3A_1314, %dma_wait3A_1315] : memref<400x64xf32, #tpu.memory_space<vmem>> -> memref<80x64xf32, #tpu.memory_space<vmem>>
      %dma_wait3A_1317 = arith.constant 320 : i32
      %dma_wait3A_1318 = tpu.memref_slice %arg7[%dma_wait3A_1317] : memref<400xi32, #tpu.memory_space<vmem>> -> memref<80xi32, #tpu.memory_space<vmem>>
      %dma_wait3A_1319 = arith.constant 0 : i32
      %dma_wait3A_1320 = arith.constant 0 : i32
      %dma_wait3A_1321 = tpu.memref_slice %arg11[%dma_wait3A_1319, %dma_wait3A_1320] : memref<5000x64xf32, #tpu.memory_space<vmem_shared>> -> memref<5000x64xf32, #tpu.memory_space<vmem_shared>>
      tpu.wait_indirect_dma semaphore(%arg16 : memref<!tpu.dma_semaphore, #tpu.memory_space<semaphore_mem>>) src(%dma_wait3A_1321 : memref<5000x64xf32, #tpu.memory_space<vmem_shared>>) dst(%dma_wait3A_1316 : memref<80x64xf32, #tpu.memory_space<vmem>>)
      %mul3A_1322 = arith.constant 400 : i32
      %mul3A_1323 = arith.muli %mul3A_1227, %mul3A_1322 : i32
      %add3A_1324 = arith.addi %mul3A_8, %mul3A_1323 : i32
      %dma_start3A_1325 = arith.constant 0 : i32
      %dma_start3A_1326 = tpu.memref_slice %arg5[%add3A_1324, %dma_start3A_1325] : memref<640000x64xf32, #tpu.memory_space<hbm>> -> memref<400x64xf32, #tpu.memory_space<hbm>>
      %dma_start3A_1327 = arith.constant 0 : i32
      %dma_start3A_1328 = tpu.memref_slice %arg5[%add3A_1324, %dma_start3A_1327] : memref<640000x64xf32, #tpu.memory_space<hbm>> -> memref<400x64xf32, #tpu.memory_space<hbm>>
      tpu.enqueue_dma source(%arg9 : memref<400x64xf32, #tpu.memory_space<vmem>>) target(%dma_start3A_1328 : memref<400x64xf32, #tpu.memory_space<hbm>>) target_semaphore(%arg14 : memref<!tpu.dma_semaphore, #tpu.memory_space<semaphore_mem>>)
    }
    %scan3A_543 = arith.constant 12 : i32
    %add3A_544 = arith.constant 9200 : i32
    %add3A_545 = arith.addi %mul3A_8, %add3A_544 : i32
    %dma_wait3A_546 = arith.constant 0 : i32
    %dma_wait3A_547 = tpu.memref_slice %arg5[%add3A_545, %dma_wait3A_546] : memref<640000x64xf32, #tpu.memory_space<hbm>> -> memref<400x64xf32, #tpu.memory_space<hbm>>
    %dma_wait3A_548 = arith.constant 0 : i32
    %dma_wait3A_549 = tpu.memref_slice %arg5[%add3A_545, %dma_wait3A_548] : memref<640000x64xf32, #tpu.memory_space<hbm>> -> memref<400x64xf32, #tpu.memory_space<hbm>>
    tpu.wait_dma2 semaphore(%arg15 : memref<!tpu.dma_semaphore, #tpu.memory_space<semaphore_mem>>) src(%arg10 : memref<400x64xf32, #tpu.memory_space<vmem>>) dst(%dma_wait3A_549 : memref<400x64xf32, #tpu.memory_space<hbm>>)
    %add3A_550 = arith.constant 9600 : i32
    %add3A_551 = arith.addi %mul3A_8, %add3A_550 : i32
    %dma_wait3A_552 = arith.constant 0 : i32
    %dma_wait3A_553 = tpu.memref_slice %arg5[%add3A_551, %dma_wait3A_552] : memref<640000x64xf32, #tpu.memory_space<hbm>> -> memref<400x64xf32, #tpu.memory_space<hbm>>
    %dma_wait3A_554 = arith.constant 0 : i32
    %dma_wait3A_555 = tpu.memref_slice %arg5[%add3A_551, %dma_wait3A_554] : memref<640000x64xf32, #tpu.memory_space<hbm>> -> memref<400x64xf32, #tpu.memory_space<hbm>>
    tpu.wait_dma2 semaphore(%arg14 : memref<!tpu.dma_semaphore, #tpu.memory_space<semaphore_mem>>) src(%arg9 : memref<400x64xf32, #tpu.memory_space<vmem>>) dst(%dma_wait3A_555 : memref<400x64xf32, #tpu.memory_space<hbm>>)
    %mul3A_556 = arith.constant 2 : i32
    %mul3A_557 = arith.muli %add3A, %mul3A_556 : i32
    %add3A_558 = arith.constant 1 : i32
    %add3A_559 = arith.addi %mul3A_557, %add3A_558 : i32
    %mul3A_560 = arith.constant 10000 : i32
    %mul3A_561 = arith.muli %add3A_559, %mul3A_560 : i32
    "tpu.region"() ({
      %run_scoped3A = tpu.sem_alloc : memref<!tpu.dma_semaphore, #tpu.memory_space<semaphore_mem>>
      %dma_start3A_1121 = tpu.memref_slice %arg3[%mul3A_561] : memref<640000xi32, #tpu.memory_space<hbm>> -> memref<10000xi32, #tpu.memory_space<hbm>>
      %dma_start3A_1122 = tpu.memref_slice %arg3[%mul3A_561] : memref<640000xi32, #tpu.memory_space<hbm>> -> memref<10000xi32, #tpu.memory_space<hbm>>
      tpu.enqueue_dma source(%dma_start3A_1122 : memref<10000xi32, #tpu.memory_space<hbm>>) target(%arg6 : memref<10000xi32, #tpu.memory_space<vmem>>) target_semaphore(%run_scoped3A : memref<!tpu.dma_semaphore, #tpu.memory_space<semaphore_mem>>)
      %dma_wait3A_1123 = tpu.memref_slice %arg3[%mul3A_561] : memref<640000xi32, #tpu.memory_space<hbm>> -> memref<10000xi32, #tpu.memory_space<hbm>>
      %dma_wait3A_1124 = tpu.memref_slice %arg3[%mul3A_561] : memref<640000xi32, #tpu.memory_space<hbm>> -> memref<10000xi32, #tpu.memory_space<hbm>>
      tpu.wait_dma2 semaphore(%run_scoped3A : memref<!tpu.dma_semaphore, #tpu.memory_space<semaphore_mem>>) src(%dma_wait3A_1124 : memref<10000xi32, #tpu.memory_space<hbm>>) dst(%arg6 : memref<10000xi32, #tpu.memory_space<vmem>>)
      tpu.yield
    }) : () -> ()
    %broadcast_in_dim3A_562 = arith.constant 2147483647 : i32
    %broadcast_in_dim3A_563 = vector.broadcast %broadcast_in_dim3A_562 : i32 to vector<16xi32>
    %scan3A_564 = arith.constant 0 : i32
    %scan3A_565 = arith.constant 625 : i32
    %scan3A_566 = arith.addi %scan3A_564, %scan3A_565 : i32
    %scan3A_567 = arith.constant 1 : i32
    %scan3A_568 = scf.for %scan3A_1121 = %scan3A_564 to %scan3A_566 step %scan3A_567 iter_args(%scan3A_1122 = %broadcast_in_dim3A_563) -> (vector<16xi32>)  : i32 {
      %mul3A_1123 = arith.constant 16 : i32
      %mul3A_1124 = arith.muli %scan3A_1121, %mul3A_1123 : i32
      %get3A_1125 = arith.index_cast %mul3A_1124 : i32 to index
      %get3A_1126 = tpu.vector_load %arg6[%get3A_1125] {strides = array<i32>} : memref<10000xi32, #tpu.memory_space<vmem>>, vector<16xi32>,
      %get3A_1127 = vector.shape_cast %get3A_1126 : vector<16xi32> to vector<16xi32>
      %min3A_1128 = arith.minsi %scan3A_1122, %get3A_1127 : vector<16xi32>
      scf.yield %min3A_1128 : vector<16xi32>
    }
    %scan3A_569 = arith.constant 625 : i32
    %iota3A_570 = tpu.iota {dimensions = array<i32: 0>} : vector<16xi32>
    %xor3A_571 = arith.constant 8 : i32
    %xor3A_572 = vector.broadcast %xor3A_571 : i32 to vector<16xi32>
    %xor3A_573 = arith.xori %iota3A_570, %xor3A_572 : vector<16xi32>
    %reshape3A_574 = vector.shape_cast %xor3A_573 : vector<16xi32> to vector<16x1xi32>
    %gather3A_575 = vector.shape_cast %reshape3A_574 : vector<16x1xi32> to vector<16xi32>
    %gather3A_576 = tpu.dynamic_gather %scan3A_568[%gather3A_575] in [0] : vector<16xi32>, vector<16xi32> -> vector<16xi32>
    %min3A_577 = arith.minsi %scan3A_568, %gather3A_576 : vector<16xi32>
    %xor3A_578 = arith.constant 4 : i32
    %xor3A_579 = vector.broadcast %xor3A_578 : i32 to vector<16xi32>
    %xor3A_580 = arith.xori %iota3A_570, %xor3A_579 : vector<16xi32>
    %reshape3A_581 = vector.shape_cast %xor3A_580 : vector<16xi32> to vector<16x1xi32>
    %gather3A_582 = vector.shape_cast %reshape3A_581 : vector<16x1xi32> to vector<16xi32>
    %gather3A_583 = tpu.dynamic_gather %min3A_577[%gather3A_582] in [0] : vector<16xi32>, vector<16xi32> -> vector<16xi32>
    %min3A_584 = arith.minsi %min3A_577, %gather3A_583 : vector<16xi32>
    %xor3A_585 = arith.constant 2 : i32
    %xor3A_586 = vector.broadcast %xor3A_585 : i32 to vector<16xi32>
    %xor3A_587 = arith.xori %iota3A_570, %xor3A_586 : vector<16xi32>
    %reshape3A_588 = vector.shape_cast %xor3A_587 : vector<16xi32> to vector<16x1xi32>
    %gather3A_589 = vector.shape_cast %reshape3A_588 : vector<16x1xi32> to vector<16xi32>
    %gather3A_590 = tpu.dynamic_gather %min3A_584[%gather3A_589] in [0] : vector<16xi32>, vector<16xi32> -> vector<16xi32>
    %min3A_591 = arith.minsi %min3A_584, %gather3A_590 : vector<16xi32>
    %xor3A_592 = arith.constant 1 : i32
    %xor3A_593 = vector.broadcast %xor3A_592 : i32 to vector<16xi32>
    %xor3A_594 = arith.xori %iota3A_570, %xor3A_593 : vector<16xi32>
    %reshape3A_595 = vector.shape_cast %xor3A_594 : vector<16xi32> to vector<16x1xi32>
    %gather3A_596 = vector.shape_cast %reshape3A_595 : vector<16x1xi32> to vector<16xi32>
    %gather3A_597 = tpu.dynamic_gather %min3A_591[%gather3A_596] in [0] : vector<16xi32>, vector<16xi32> -> vector<16xi32>
    %min3A_598 = arith.minsi %min3A_591, %gather3A_597 : vector<16xi32>
    %get3A_599 = arith.constant 0 : index
    %get3A_600 = tpu.vector_load %arg6[%get3A_599] {strides = array<i32>} : memref<10000xi32, #tpu.memory_space<vmem>>, vector<16xi32>,
    %get3A_601 = vector.shape_cast %get3A_600 : vector<16xi32> to vector<16xi32>
    %sub3A_602 = arith.subi %get3A_601, %min3A_598 : vector<16xi32>
    %swap3A_603 = arith.constant 0 : index
    %swap3A_604 = tpu.vector_load %arg7[%swap3A_603] {strides = array<i32>} : memref<400xi32, #tpu.memory_space<vmem>>, vector<16xi32>,
    %swap3A_605 = vector.shape_cast %swap3A_604 : vector<16xi32> to vector<16xi32>
    %swap3A_606 = vector.shape_cast %sub3A_602 : vector<16xi32> to vector<16xi32>
    tpu.vector_store %arg7[%swap3A_603], %swap3A_606 {strides = array<i32>} : memref<400xi32, #tpu.memory_space<vmem>>, vector<16xi32>,
    %get3A_607 = arith.constant 16 : index
    %get3A_608 = tpu.vector_load %arg6[%get3A_607] {strides = array<i32>} : memref<10000xi32, #tpu.memory_space<vmem>>, vector<16xi32>,
    %get3A_609 = vector.shape_cast %get3A_608 : vector<16xi32> to vector<16xi32>
    %sub3A_610 = arith.subi %get3A_609, %min3A_598 : vector<16xi32>
    %swap3A_611 = arith.constant 16 : index
    %swap3A_612 = tpu.vector_load %arg7[%swap3A_611] {strides = array<i32>} : memref<400xi32, #tpu.memory_space<vmem>>, vector<16xi32>,
    %swap3A_613 = vector.shape_cast %swap3A_612 : vector<16xi32> to vector<16xi32>
    %swap3A_614 = vector.shape_cast %sub3A_610 : vector<16xi32> to vector<16xi32>
    tpu.vector_store %arg7[%swap3A_611], %swap3A_614 {strides = array<i32>} : memref<400xi32, #tpu.memory_space<vmem>>, vector<16xi32>,
    %get3A_615 = arith.constant 32 : index
    %get3A_616 = tpu.vector_load %arg6[%get3A_615] {strides = array<i32>} : memref<10000xi32, #tpu.memory_space<vmem>>, vector<16xi32>,
    %get3A_617 = vector.shape_cast %get3A_616 : vector<16xi32> to vector<16xi32>
    %sub3A_618 = arith.subi %get3A_617, %min3A_598 : vector<16xi32>
    %swap3A_619 = arith.constant 32 : index
    %swap3A_620 = tpu.vector_load %arg7[%swap3A_619] {strides = array<i32>} : memref<400xi32, #tpu.memory_space<vmem>>, vector<16xi32>,
    %swap3A_621 = vector.shape_cast %swap3A_620 : vector<16xi32> to vector<16xi32>
    %swap3A_622 = vector.shape_cast %sub3A_618 : vector<16xi32> to vector<16xi32>
    tpu.vector_store %arg7[%swap3A_619], %swap3A_622 {strides = array<i32>} : memref<400xi32, #tpu.memory_space<vmem>>, vector<16xi32>,
    %get3A_623 = arith.constant 48 : index
    %get3A_624 = tpu.vector_load %arg6[%get3A_623] {strides = array<i32>} : memref<10000xi32, #tpu.memory_space<vmem>>, vector<16xi32>,
    %get3A_625 = vector.shape_cast %get3A_624 : vector<16xi32> to vector<16xi32>
    %sub3A_626 = arith.subi %get3A_625, %min3A_598 : vector<16xi32>
    %swap3A_627 = arith.constant 48 : index
    %swap3A_628 = tpu.vector_load %arg7[%swap3A_627] {strides = array<i32>} : memref<400xi32, #tpu.memory_space<vmem>>, vector<16xi32>,
    %swap3A_629 = vector.shape_cast %swap3A_628 : vector<16xi32> to vector<16xi32>
    %swap3A_630 = vector.shape_cast %sub3A_626 : vector<16xi32> to vector<16xi32>
    tpu.vector_store %arg7[%swap3A_627], %swap3A_630 {strides = array<i32>} : memref<400xi32, #tpu.memory_space<vmem>>, vector<16xi32>,
    %get3A_631 = arith.constant 64 : index
    %get3A_632 = tpu.vector_load %arg6[%get3A_631] {strides = array<i32>} : memref<10000xi32, #tpu.memory_space<vmem>>, vector<16xi32>,
    %get3A_633 = vector.shape_cast %get3A_632 : vector<16xi32> to vector<16xi32>
    %sub3A_634 = arith.subi %get3A_633, %min3A_598 : vector<16xi32>
    %swap3A_635 = arith.constant 64 : index
    %swap3A_636 = tpu.vector_load %arg7[%swap3A_635] {strides = array<i32>} : memref<400xi32, #tpu.memory_space<vmem>>, vector<16xi32>,
    %swap3A_637 = vector.shape_cast %swap3A_636 : vector<16xi32> to vector<16xi32>
    %swap3A_638 = vector.shape_cast %sub3A_634 : vector<16xi32> to vector<16xi32>
    tpu.vector_store %arg7[%swap3A_635], %swap3A_638 {strides = array<i32>} : memref<400xi32, #tpu.memory_space<vmem>>, vector<16xi32>,
    %get3A_639 = arith.constant 80 : index
    %get3A_640 = tpu.vector_load %arg6[%get3A_639] {strides = array<i32>} : memref<10000xi32, #tpu.memory_space<vmem>>, vector<16xi32>,
    %get3A_641 = vector.shape_cast %get3A_640 : vector<16xi32> to vector<16xi32>
    %sub3A_642 = arith.subi %get3A_641, %min3A_598 : vector<16xi32>
    %swap3A_643 = arith.constant 80 : index
    %swap3A_644 = tpu.vector_load %arg7[%swap3A_643] {strides = array<i32>} : memref<400xi32, #tpu.memory_space<vmem>>, vector<16xi32>,
    %swap3A_645 = vector.shape_cast %swap3A_644 : vector<16xi32> to vector<16xi32>
    %swap3A_646 = vector.shape_cast %sub3A_642 : vector<16xi32> to vector<16xi32>
    tpu.vector_store %arg7[%swap3A_643], %swap3A_646 {strides = array<i32>} : memref<400xi32, #tpu.memory_space<vmem>>, vector<16xi32>,
    %get3A_647 = arith.constant 96 : index
    %get3A_648 = tpu.vector_load %arg6[%get3A_647] {strides = array<i32>} : memref<10000xi32, #tpu.memory_space<vmem>>, vector<16xi32>,
    %get3A_649 = vector.shape_cast %get3A_648 : vector<16xi32> to vector<16xi32>
    %sub3A_650 = arith.subi %get3A_649, %min3A_598 : vector<16xi32>
    %swap3A_651 = arith.constant 96 : index
    %swap3A_652 = tpu.vector_load %arg7[%swap3A_651] {strides = array<i32>} : memref<400xi32, #tpu.memory_space<vmem>>, vector<16xi32>,
    %swap3A_653 = vector.shape_cast %swap3A_652 : vector<16xi32> to vector<16xi32>
    %swap3A_654 = vector.shape_cast %sub3A_650 : vector<16xi32> to vector<16xi32>
    tpu.vector_store %arg7[%swap3A_651], %swap3A_654 {strides = array<i32>} : memref<400xi32, #tpu.memory_space<vmem>>, vector<16xi32>,
    %get3A_655 = arith.constant 112 : index
    %get3A_656 = tpu.vector_load %arg6[%get3A_655] {strides = array<i32>} : memref<10000xi32, #tpu.memory_space<vmem>>, vector<16xi32>,
    %get3A_657 = vector.shape_cast %get3A_656 : vector<16xi32> to vector<16xi32>
    %sub3A_658 = arith.subi %get3A_657, %min3A_598 : vector<16xi32>
    %swap3A_659 = arith.constant 112 : index
    %swap3A_660 = tpu.vector_load %arg7[%swap3A_659] {strides = array<i32>} : memref<400xi32, #tpu.memory_space<vmem>>, vector<16xi32>,
    %swap3A_661 = vector.shape_cast %swap3A_660 : vector<16xi32> to vector<16xi32>
    %swap3A_662 = vector.shape_cast %sub3A_658 : vector<16xi32> to vector<16xi32>
    tpu.vector_store %arg7[%swap3A_659], %swap3A_662 {strides = array<i32>} : memref<400xi32, #tpu.memory_space<vmem>>, vector<16xi32>,
    %get3A_663 = arith.constant 128 : index
    %get3A_664 = tpu.vector_load %arg6[%get3A_663] {strides = array<i32>} : memref<10000xi32, #tpu.memory_space<vmem>>, vector<16xi32>,
    %get3A_665 = vector.shape_cast %get3A_664 : vector<16xi32> to vector<16xi32>
    %sub3A_666 = arith.subi %get3A_665, %min3A_598 : vector<16xi32>
    %swap3A_667 = arith.constant 128 : index
    %swap3A_668 = tpu.vector_load %arg7[%swap3A_667] {strides = array<i32>} : memref<400xi32, #tpu.memory_space<vmem>>, vector<16xi32>,
    %swap3A_669 = vector.shape_cast %swap3A_668 : vector<16xi32> to vector<16xi32>
    %swap3A_670 = vector.shape_cast %sub3A_666 : vector<16xi32> to vector<16xi32>
    tpu.vector_store %arg7[%swap3A_667], %swap3A_670 {strides = array<i32>} : memref<400xi32, #tpu.memory_space<vmem>>, vector<16xi32>,
    %get3A_671 = arith.constant 144 : index
    %get3A_672 = tpu.vector_load %arg6[%get3A_671] {strides = array<i32>} : memref<10000xi32, #tpu.memory_space<vmem>>, vector<16xi32>,
    %get3A_673 = vector.shape_cast %get3A_672 : vector<16xi32> to vector<16xi32>
    %sub3A_674 = arith.subi %get3A_673, %min3A_598 : vector<16xi32>
    %swap3A_675 = arith.constant 144 : index
    %swap3A_676 = tpu.vector_load %arg7[%swap3A_675] {strides = array<i32>} : memref<400xi32, #tpu.memory_space<vmem>>, vector<16xi32>,
    %swap3A_677 = vector.shape_cast %swap3A_676 : vector<16xi32> to vector<16xi32>
    %swap3A_678 = vector.shape_cast %sub3A_674 : vector<16xi32> to vector<16xi32>
    tpu.vector_store %arg7[%swap3A_675], %swap3A_678 {strides = array<i32>} : memref<400xi32, #tpu.memory_space<vmem>>, vector<16xi32>,
    %get3A_679 = arith.constant 160 : index
    %get3A_680 = tpu.vector_load %arg6[%get3A_679] {strides = array<i32>} : memref<10000xi32, #tpu.memory_space<vmem>>, vector<16xi32>,
    %get3A_681 = vector.shape_cast %get3A_680 : vector<16xi32> to vector<16xi32>
    %sub3A_682 = arith.subi %get3A_681, %min3A_598 : vector<16xi32>
    %swap3A_683 = arith.constant 160 : index
    %swap3A_684 = tpu.vector_load %arg7[%swap3A_683] {strides = array<i32>} : memref<400xi32, #tpu.memory_space<vmem>>, vector<16xi32>,
    %swap3A_685 = vector.shape_cast %swap3A_684 : vector<16xi32> to vector<16xi32>
    %swap3A_686 = vector.shape_cast %sub3A_682 : vector<16xi32> to vector<16xi32>
    tpu.vector_store %arg7[%swap3A_683], %swap3A_686 {strides = array<i32>} : memref<400xi32, #tpu.memory_space<vmem>>, vector<16xi32>,
    %get3A_687 = arith.constant 176 : index
    %get3A_688 = tpu.vector_load %arg6[%get3A_687] {strides = array<i32>} : memref<10000xi32, #tpu.memory_space<vmem>>, vector<16xi32>,
    %get3A_689 = vector.shape_cast %get3A_688 : vector<16xi32> to vector<16xi32>
    %sub3A_690 = arith.subi %get3A_689, %min3A_598 : vector<16xi32>
    %swap3A_691 = arith.constant 176 : index
    %swap3A_692 = tpu.vector_load %arg7[%swap3A_691] {strides = array<i32>} : memref<400xi32, #tpu.memory_space<vmem>>, vector<16xi32>,
    %swap3A_693 = vector.shape_cast %swap3A_692 : vector<16xi32> to vector<16xi32>
    %swap3A_694 = vector.shape_cast %sub3A_690 : vector<16xi32> to vector<16xi32>
    tpu.vector_store %arg7[%swap3A_691], %swap3A_694 {strides = array<i32>} : memref<400xi32, #tpu.memory_space<vmem>>, vector<16xi32>,
    %get3A_695 = arith.constant 192 : index
    %get3A_696 = tpu.vector_load %arg6[%get3A_695] {strides = array<i32>} : memref<10000xi32, #tpu.memory_space<vmem>>, vector<16xi32>,
    %get3A_697 = vector.shape_cast %get3A_696 : vector<16xi32> to vector<16xi32>
    %sub3A_698 = arith.subi %get3A_697, %min3A_598 : vector<16xi32>
    %swap3A_699 = arith.constant 192 : index
    %swap3A_700 = tpu.vector_load %arg7[%swap3A_699] {strides = array<i32>} : memref<400xi32, #tpu.memory_space<vmem>>, vector<16xi32>,
    %swap3A_701 = vector.shape_cast %swap3A_700 : vector<16xi32> to vector<16xi32>
    %swap3A_702 = vector.shape_cast %sub3A_698 : vector<16xi32> to vector<16xi32>
    tpu.vector_store %arg7[%swap3A_699], %swap3A_702 {strides = array<i32>} : memref<400xi32, #tpu.memory_space<vmem>>, vector<16xi32>,
    %get3A_703 = arith.constant 208 : index
    %get3A_704 = tpu.vector_load %arg6[%get3A_703] {strides = array<i32>} : memref<10000xi32, #tpu.memory_space<vmem>>, vector<16xi32>,
    %get3A_705 = vector.shape_cast %get3A_704 : vector<16xi32> to vector<16xi32>
    %sub3A_706 = arith.subi %get3A_705, %min3A_598 : vector<16xi32>
    %swap3A_707 = arith.constant 208 : index
    %swap3A_708 = tpu.vector_load %arg7[%swap3A_707] {strides = array<i32>} : memref<400xi32, #tpu.memory_space<vmem>>, vector<16xi32>,
    %swap3A_709 = vector.shape_cast %swap3A_708 : vector<16xi32> to vector<16xi32>
    %swap3A_710 = vector.shape_cast %sub3A_706 : vector<16xi32> to vector<16xi32>
    tpu.vector_store %arg7[%swap3A_707], %swap3A_710 {strides = array<i32>} : memref<400xi32, #tpu.memory_space<vmem>>, vector<16xi32>,
    %get3A_711 = arith.constant 224 : index
    %get3A_712 = tpu.vector_load %arg6[%get3A_711] {strides = array<i32>} : memref<10000xi32, #tpu.memory_space<vmem>>, vector<16xi32>,
    %get3A_713 = vector.shape_cast %get3A_712 : vector<16xi32> to vector<16xi32>
    %sub3A_714 = arith.subi %get3A_713, %min3A_598 : vector<16xi32>
    %swap3A_715 = arith.constant 224 : index
    %swap3A_716 = tpu.vector_load %arg7[%swap3A_715] {strides = array<i32>} : memref<400xi32, #tpu.memory_space<vmem>>, vector<16xi32>,
    %swap3A_717 = vector.shape_cast %swap3A_716 : vector<16xi32> to vector<16xi32>
    %swap3A_718 = vector.shape_cast %sub3A_714 : vector<16xi32> to vector<16xi32>
    tpu.vector_store %arg7[%swap3A_715], %swap3A_718 {strides = array<i32>} : memref<400xi32, #tpu.memory_space<vmem>>, vector<16xi32>,
    %get3A_719 = arith.constant 240 : index
    %get3A_720 = tpu.vector_load %arg6[%get3A_719] {strides = array<i32>} : memref<10000xi32, #tpu.memory_space<vmem>>, vector<16xi32>,
    %get3A_721 = vector.shape_cast %get3A_720 : vector<16xi32> to vector<16xi32>
    %sub3A_722 = arith.subi %get3A_721, %min3A_598 : vector<16xi32>
    %swap3A_723 = arith.constant 240 : index
    %swap3A_724 = tpu.vector_load %arg7[%swap3A_723] {strides = array<i32>} : memref<400xi32, #tpu.memory_space<vmem>>, vector<16xi32>,
    %swap3A_725 = vector.shape_cast %swap3A_724 : vector<16xi32> to vector<16xi32>
    %swap3A_726 = vector.shape_cast %sub3A_722 : vector<16xi32> to vector<16xi32>
    tpu.vector_store %arg7[%swap3A_723], %swap3A_726 {strides = array<i32>} : memref<400xi32, #tpu.memory_space<vmem>>, vector<16xi32>,
    %get3A_727 = arith.constant 256 : index
    %get3A_728 = tpu.vector_load %arg6[%get3A_727] {strides = array<i32>} : memref<10000xi32, #tpu.memory_space<vmem>>, vector<16xi32>,
    %get3A_729 = vector.shape_cast %get3A_728 : vector<16xi32> to vector<16xi32>
    %sub3A_730 = arith.subi %get3A_729, %min3A_598 : vector<16xi32>
    %swap3A_731 = arith.constant 256 : index
    %swap3A_732 = tpu.vector_load %arg7[%swap3A_731] {strides = array<i32>} : memref<400xi32, #tpu.memory_space<vmem>>, vector<16xi32>,
    %swap3A_733 = vector.shape_cast %swap3A_732 : vector<16xi32> to vector<16xi32>
    %swap3A_734 = vector.shape_cast %sub3A_730 : vector<16xi32> to vector<16xi32>
    tpu.vector_store %arg7[%swap3A_731], %swap3A_734 {strides = array<i32>} : memref<400xi32, #tpu.memory_space<vmem>>, vector<16xi32>,
    %get3A_735 = arith.constant 272 : index
    %get3A_736 = tpu.vector_load %arg6[%get3A_735] {strides = array<i32>} : memref<10000xi32, #tpu.memory_space<vmem>>, vector<16xi32>,
    %get3A_737 = vector.shape_cast %get3A_736 : vector<16xi32> to vector<16xi32>
    %sub3A_738 = arith.subi %get3A_737, %min3A_598 : vector<16xi32>
    %swap3A_739 = arith.constant 272 : index
    %swap3A_740 = tpu.vector_load %arg7[%swap3A_739] {strides = array<i32>} : memref<400xi32, #tpu.memory_space<vmem>>, vector<16xi32>,
    %swap3A_741 = vector.shape_cast %swap3A_740 : vector<16xi32> to vector<16xi32>
    %swap3A_742 = vector.shape_cast %sub3A_738 : vector<16xi32> to vector<16xi32>
    tpu.vector_store %arg7[%swap3A_739], %swap3A_742 {strides = array<i32>} : memref<400xi32, #tpu.memory_space<vmem>>, vector<16xi32>,
    %get3A_743 = arith.constant 288 : index
    %get3A_744 = tpu.vector_load %arg6[%get3A_743] {strides = array<i32>} : memref<10000xi32, #tpu.memory_space<vmem>>, vector<16xi32>,
    %get3A_745 = vector.shape_cast %get3A_744 : vector<16xi32> to vector<16xi32>
    %sub3A_746 = arith.subi %get3A_745, %min3A_598 : vector<16xi32>
    %swap3A_747 = arith.constant 288 : index
    %swap3A_748 = tpu.vector_load %arg7[%swap3A_747] {strides = array<i32>} : memref<400xi32, #tpu.memory_space<vmem>>, vector<16xi32>,
    %swap3A_749 = vector.shape_cast %swap3A_748 : vector<16xi32> to vector<16xi32>
    %swap3A_750 = vector.shape_cast %sub3A_746 : vector<16xi32> to vector<16xi32>
    tpu.vector_store %arg7[%swap3A_747], %swap3A_750 {strides = array<i32>} : memref<400xi32, #tpu.memory_space<vmem>>, vector<16xi32>,
    %get3A_751 = arith.constant 304 : index
    %get3A_752 = tpu.vector_load %arg6[%get3A_751] {strides = array<i32>} : memref<10000xi32, #tpu.memory_space<vmem>>, vector<16xi32>,
    %get3A_753 = vector.shape_cast %get3A_752 : vector<16xi32> to vector<16xi32>
    %sub3A_754 = arith.subi %get3A_753, %min3A_598 : vector<16xi32>
    %swap3A_755 = arith.constant 304 : index
    %swap3A_756 = tpu.vector_load %arg7[%swap3A_755] {strides = array<i32>} : memref<400xi32, #tpu.memory_space<vmem>>, vector<16xi32>,
    %swap3A_757 = vector.shape_cast %swap3A_756 : vector<16xi32> to vector<16xi32>
    %swap3A_758 = vector.shape_cast %sub3A_754 : vector<16xi32> to vector<16xi32>
    tpu.vector_store %arg7[%swap3A_755], %swap3A_758 {strides = array<i32>} : memref<400xi32, #tpu.memory_space<vmem>>, vector<16xi32>,
    %get3A_759 = arith.constant 320 : index
    %get3A_760 = tpu.vector_load %arg6[%get3A_759] {strides = array<i32>} : memref<10000xi32, #tpu.memory_space<vmem>>, vector<16xi32>,
    %get3A_761 = vector.shape_cast %get3A_760 : vector<16xi32> to vector<16xi32>
    %sub3A_762 = arith.subi %get3A_761, %min3A_598 : vector<16xi32>
    %swap3A_763 = arith.constant 320 : index
    %swap3A_764 = tpu.vector_load %arg7[%swap3A_763] {strides = array<i32>} : memref<400xi32, #tpu.memory_space<vmem>>, vector<16xi32>,
    %swap3A_765 = vector.shape_cast %swap3A_764 : vector<16xi32> to vector<16xi32>
    %swap3A_766 = vector.shape_cast %sub3A_762 : vector<16xi32> to vector<16xi32>
    tpu.vector_store %arg7[%swap3A_763], %swap3A_766 {strides = array<i32>} : memref<400xi32, #tpu.memory_space<vmem>>, vector<16xi32>,
    %get3A_767 = arith.constant 336 : index
    %get3A_768 = tpu.vector_load %arg6[%get3A_767] {strides = array<i32>} : memref<10000xi32, #tpu.memory_space<vmem>>, vector<16xi32>,
    %get3A_769 = vector.shape_cast %get3A_768 : vector<16xi32> to vector<16xi32>
    %sub3A_770 = arith.subi %get3A_769, %min3A_598 : vector<16xi32>
    %swap3A_771 = arith.constant 336 : index
    %swap3A_772 = tpu.vector_load %arg7[%swap3A_771] {strides = array<i32>} : memref<400xi32, #tpu.memory_space<vmem>>, vector<16xi32>,
    %swap3A_773 = vector.shape_cast %swap3A_772 : vector<16xi32> to vector<16xi32>
    %swap3A_774 = vector.shape_cast %sub3A_770 : vector<16xi32> to vector<16xi32>
    tpu.vector_store %arg7[%swap3A_771], %swap3A_774 {strides = array<i32>} : memref<400xi32, #tpu.memory_space<vmem>>, vector<16xi32>,
    %get3A_775 = arith.constant 352 : index
    %get3A_776 = tpu.vector_load %arg6[%get3A_775] {strides = array<i32>} : memref<10000xi32, #tpu.memory_space<vmem>>, vector<16xi32>,
    %get3A_777 = vector.shape_cast %get3A_776 : vector<16xi32> to vector<16xi32>
    %sub3A_778 = arith.subi %get3A_777, %min3A_598 : vector<16xi32>
    %swap3A_779 = arith.constant 352 : index
    %swap3A_780 = tpu.vector_load %arg7[%swap3A_779] {strides = array<i32>} : memref<400xi32, #tpu.memory_space<vmem>>, vector<16xi32>,
    %swap3A_781 = vector.shape_cast %swap3A_780 : vector<16xi32> to vector<16xi32>
    %swap3A_782 = vector.shape_cast %sub3A_778 : vector<16xi32> to vector<16xi32>
    tpu.vector_store %arg7[%swap3A_779], %swap3A_782 {strides = array<i32>} : memref<400xi32, #tpu.memory_space<vmem>>, vector<16xi32>,
    %get3A_783 = arith.constant 368 : index
    %get3A_784 = tpu.vector_load %arg6[%get3A_783] {strides = array<i32>} : memref<10000xi32, #tpu.memory_space<vmem>>, vector<16xi32>,
    %get3A_785 = vector.shape_cast %get3A_784 : vector<16xi32> to vector<16xi32>
    %sub3A_786 = arith.subi %get3A_785, %min3A_598 : vector<16xi32>
    %swap3A_787 = arith.constant 368 : index
    %swap3A_788 = tpu.vector_load %arg7[%swap3A_787] {strides = array<i32>} : memref<400xi32, #tpu.memory_space<vmem>>, vector<16xi32>,
    %swap3A_789 = vector.shape_cast %swap3A_788 : vector<16xi32> to vector<16xi32>
    %swap3A_790 = vector.shape_cast %sub3A_786 : vector<16xi32> to vector<16xi32>
    tpu.vector_store %arg7[%swap3A_787], %swap3A_790 {strides = array<i32>} : memref<400xi32, #tpu.memory_space<vmem>>, vector<16xi32>,
    %get3A_791 = arith.constant 384 : index
    %get3A_792 = tpu.vector_load %arg6[%get3A_791] {strides = array<i32>} : memref<10000xi32, #tpu.memory_space<vmem>>, vector<16xi32>,
    %get3A_793 = vector.shape_cast %get3A_792 : vector<16xi32> to vector<16xi32>
    %sub3A_794 = arith.subi %get3A_793, %min3A_598 : vector<16xi32>
    %swap3A_795 = arith.constant 384 : index
    %swap3A_796 = tpu.vector_load %arg7[%swap3A_795] {strides = array<i32>} : memref<400xi32, #tpu.memory_space<vmem>>, vector<16xi32>,
    %swap3A_797 = vector.shape_cast %swap3A_796 : vector<16xi32> to vector<16xi32>
    %swap3A_798 = vector.shape_cast %sub3A_794 : vector<16xi32> to vector<16xi32>
    tpu.vector_store %arg7[%swap3A_795], %swap3A_798 {strides = array<i32>} : memref<400xi32, #tpu.memory_space<vmem>>, vector<16xi32>,
    %add3A_799 = arith.constant 0 : i32
    %add3A_800 = arith.addi %mul3A_561, %add3A_799 : i32
    %dma_start3A_801 = arith.constant 0 : i32
    %dma_start3A_802 = tpu.memref_slice %arg2[%add3A_800, %dma_start3A_801] : memref<640000x64xf32, #tpu.memory_space<hbm>> -> memref<400x64xf32, #tpu.memory_space<hbm>>
    %dma_start3A_803 = arith.constant 0 : i32
    %dma_start3A_804 = tpu.memref_slice %arg2[%add3A_800, %dma_start3A_803] : memref<640000x64xf32, #tpu.memory_space<hbm>> -> memref<400x64xf32, #tpu.memory_space<hbm>>
    tpu.enqueue_dma source(%dma_start3A_804 : memref<400x64xf32, #tpu.memory_space<hbm>>) target(%arg9 : memref<400x64xf32, #tpu.memory_space<vmem>>) target_semaphore(%arg12 : memref<!tpu.dma_semaphore, #tpu.memory_space<semaphore_mem>>)
    %add3A_805 = arith.constant 0 : i32
    %add3A_806 = arith.addi %mul3A_561, %add3A_805 : i32
    %dma_wait3A_807 = arith.constant 0 : i32
    %dma_wait3A_808 = tpu.memref_slice %arg2[%add3A_806, %dma_wait3A_807] : memref<640000x64xf32, #tpu.memory_space<hbm>> -> memref<400x64xf32, #tpu.memory_space<hbm>>
    %dma_wait3A_809 = arith.constant 0 : i32
    %dma_wait3A_810 = tpu.memref_slice %arg2[%add3A_806, %dma_wait3A_809] : memref<640000x64xf32, #tpu.memory_space<hbm>> -> memref<400x64xf32, #tpu.memory_space<hbm>>
    tpu.wait_dma2 semaphore(%arg12 : memref<!tpu.dma_semaphore, #tpu.memory_space<semaphore_mem>>) src(%dma_wait3A_810 : memref<400x64xf32, #tpu.memory_space<hbm>>) dst(%arg9 : memref<400x64xf32, #tpu.memory_space<vmem>>)
    %dma_start3A_811 = arith.constant 0 : i32
    %dma_start3A_812 = arith.constant 0 : i32
    %dma_start3A_813 = tpu.memref_slice %arg9[%dma_start3A_811, %dma_start3A_812] : memref<400x64xf32, #tpu.memory_space<vmem>> -> memref<80x64xf32, #tpu.memory_space<vmem>>
    %dma_start3A_814 = arith.constant 0 : i32
    %dma_start3A_815 = tpu.memref_slice %arg7[%dma_start3A_814] : memref<400xi32, #tpu.memory_space<vmem>> -> memref<80xi32, #tpu.memory_space<vmem>>
    %dma_start3A_816 = arith.constant 0 : i32
    %dma_start3A_817 = arith.constant 0 : i32
    %dma_start3A_818 = tpu.memref_slice %arg11[%dma_start3A_816, %dma_start3A_817] : memref<5000x64xf32, #tpu.memory_space<vmem_shared>> -> memref<5000x64xf32, #tpu.memory_space<vmem_shared>>
    tpu.enqueue_indirect_dma source(%dma_start3A_818 : memref<5000x64xf32, #tpu.memory_space<vmem_shared>>) target(%dma_start3A_813 : memref<80x64xf32, #tpu.memory_space<vmem>>) offsets(%dma_start3A_815 : memref<80xi32, #tpu.memory_space<vmem>>) semaphore(%arg16 : memref<!tpu.dma_semaphore, #tpu.memory_space<semaphore_mem>>) {add = true}
    %dma_start3A_819 = arith.constant 80 : i32
    %dma_start3A_820 = arith.constant 0 : i32
    %dma_start3A_821 = tpu.memref_slice %arg9[%dma_start3A_819, %dma_start3A_820] : memref<400x64xf32, #tpu.memory_space<vmem>> -> memref<80x64xf32, #tpu.memory_space<vmem>>
    %dma_start3A_822 = arith.constant 80 : i32
    %dma_start3A_823 = tpu.memref_slice %arg7[%dma_start3A_822] : memref<400xi32, #tpu.memory_space<vmem>> -> memref<80xi32, #tpu.memory_space<vmem>>
    %dma_start3A_824 = arith.constant 0 : i32
    %dma_start3A_825 = arith.constant 0 : i32
    %dma_start3A_826 = tpu.memref_slice %arg11[%dma_start3A_824, %dma_start3A_825] : memref<5000x64xf32, #tpu.memory_space<vmem_shared>> -> memref<5000x64xf32, #tpu.memory_space<vmem_shared>>
    tpu.enqueue_indirect_dma source(%dma_start3A_826 : memref<5000x64xf32, #tpu.memory_space<vmem_shared>>) target(%dma_start3A_821 : memref<80x64xf32, #tpu.memory_space<vmem>>) offsets(%dma_start3A_823 : memref<80xi32, #tpu.memory_space<vmem>>) semaphore(%arg16 : memref<!tpu.dma_semaphore, #tpu.memory_space<semaphore_mem>>) {add = true}
    %dma_start3A_827 = arith.constant 160 : i32
    %dma_start3A_828 = arith.constant 0 : i32
    %dma_start3A_829 = tpu.memref_slice %arg9[%dma_start3A_827, %dma_start3A_828] : memref<400x64xf32, #tpu.memory_space<vmem>> -> memref<80x64xf32, #tpu.memory_space<vmem>>
    %dma_start3A_830 = arith.constant 160 : i32
    %dma_start3A_831 = tpu.memref_slice %arg7[%dma_start3A_830] : memref<400xi32, #tpu.memory_space<vmem>> -> memref<80xi32, #tpu.memory_space<vmem>>
    %dma_start3A_832 = arith.constant 0 : i32
    %dma_start3A_833 = arith.constant 0 : i32
    %dma_start3A_834 = tpu.memref_slice %arg11[%dma_start3A_832, %dma_start3A_833] : memref<5000x64xf32, #tpu.memory_space<vmem_shared>> -> memref<5000x64xf32, #tpu.memory_space<vmem_shared>>
    tpu.enqueue_indirect_dma source(%dma_start3A_834 : memref<5000x64xf32, #tpu.memory_space<vmem_shared>>) target(%dma_start3A_829 : memref<80x64xf32, #tpu.memory_space<vmem>>) offsets(%dma_start3A_831 : memref<80xi32, #tpu.memory_space<vmem>>) semaphore(%arg16 : memref<!tpu.dma_semaphore, #tpu.memory_space<semaphore_mem>>) {add = true}
    %dma_start3A_835 = arith.constant 240 : i32
    %dma_start3A_836 = arith.constant 0 : i32
    %dma_start3A_837 = tpu.memref_slice %arg9[%dma_start3A_835, %dma_start3A_836] : memref<400x64xf32, #tpu.memory_space<vmem>> -> memref<80x64xf32, #tpu.memory_space<vmem>>
    %dma_start3A_838 = arith.constant 240 : i32
    %dma_start3A_839 = tpu.memref_slice %arg7[%dma_start3A_838] : memref<400xi32, #tpu.memory_space<vmem>> -> memref<80xi32, #tpu.memory_space<vmem>>
    %dma_start3A_840 = arith.constant 0 : i32
    %dma_start3A_841 = arith.constant 0 : i32
    %dma_start3A_842 = tpu.memref_slice %arg11[%dma_start3A_840, %dma_start3A_841] : memref<5000x64xf32, #tpu.memory_space<vmem_shared>> -> memref<5000x64xf32, #tpu.memory_space<vmem_shared>>
    tpu.enqueue_indirect_dma source(%dma_start3A_842 : memref<5000x64xf32, #tpu.memory_space<vmem_shared>>) target(%dma_start3A_837 : memref<80x64xf32, #tpu.memory_space<vmem>>) offsets(%dma_start3A_839 : memref<80xi32, #tpu.memory_space<vmem>>) semaphore(%arg16 : memref<!tpu.dma_semaphore, #tpu.memory_space<semaphore_mem>>) {add = true}
    %dma_start3A_843 = arith.constant 320 : i32
    %dma_start3A_844 = arith.constant 0 : i32
    %dma_start3A_845 = tpu.memref_slice %arg9[%dma_start3A_843, %dma_start3A_844] : memref<400x64xf32, #tpu.memory_space<vmem>> -> memref<80x64xf32, #tpu.memory_space<vmem>>
    %dma_start3A_846 = arith.constant 320 : i32
    %dma_start3A_847 = tpu.memref_slice %arg7[%dma_start3A_846] : memref<400xi32, #tpu.memory_space<vmem>> -> memref<80xi32, #tpu.memory_space<vmem>>
    %dma_start3A_848 = arith.constant 0 : i32
    %dma_start3A_849 = arith.constant 0 : i32
    %dma_start3A_850 = tpu.memref_slice %arg11[%dma_start3A_848, %dma_start3A_849] : memref<5000x64xf32, #tpu.memory_space<vmem_shared>> -> memref<5000x64xf32, #tpu.memory_space<vmem_shared>>
    tpu.enqueue_indirect_dma source(%dma_start3A_850 : memref<5000x64xf32, #tpu.memory_space<vmem_shared>>) target(%dma_start3A_845 : memref<80x64xf32, #tpu.memory_space<vmem>>) offsets(%dma_start3A_847 : memref<80xi32, #tpu.memory_space<vmem>>) semaphore(%arg16 : memref<!tpu.dma_semaphore, #tpu.memory_space<semaphore_mem>>) {add = true}
    %get3A_851 = arith.constant 400 : index
    %get3A_852 = tpu.vector_load %arg6[%get3A_851] {strides = array<i32>} : memref<10000xi32, #tpu.memory_space<vmem>>, vector<16xi32>,
    %get3A_853 = vector.shape_cast %get3A_852 : vector<16xi32> to vector<16xi32>
    %sub3A_854 = arith.subi %get3A_853, %min3A_598 : vector<16xi32>
    %swap3A_855 = arith.constant 0 : index
    %swap3A_856 = tpu.vector_load %arg8[%swap3A_855] {strides = array<i32>} : memref<400xi32, #tpu.memory_space<vmem>>, vector<16xi32>,
    %swap3A_857 = vector.shape_cast %swap3A_856 : vector<16xi32> to vector<16xi32>
    %swap3A_858 = vector.shape_cast %sub3A_854 : vector<16xi32> to vector<16xi32>
    tpu.vector_store %arg8[%swap3A_855], %swap3A_858 {strides = array<i32>} : memref<400xi32, #tpu.memory_space<vmem>>, vector<16xi32>,
    %get3A_859 = arith.constant 416 : index
    %get3A_860 = tpu.vector_load %arg6[%get3A_859] {strides = array<i32>} : memref<10000xi32, #tpu.memory_space<vmem>>, vector<16xi32>,
    %get3A_861 = vector.shape_cast %get3A_860 : vector<16xi32> to vector<16xi32>
    %sub3A_862 = arith.subi %get3A_861, %min3A_598 : vector<16xi32>
    %swap3A_863 = arith.constant 16 : index
    %swap3A_864 = tpu.vector_load %arg8[%swap3A_863] {strides = array<i32>} : memref<400xi32, #tpu.memory_space<vmem>>, vector<16xi32>,
    %swap3A_865 = vector.shape_cast %swap3A_864 : vector<16xi32> to vector<16xi32>
    %swap3A_866 = vector.shape_cast %sub3A_862 : vector<16xi32> to vector<16xi32>
    tpu.vector_store %arg8[%swap3A_863], %swap3A_866 {strides = array<i32>} : memref<400xi32, #tpu.memory_space<vmem>>, vector<16xi32>,
    %get3A_867 = arith.constant 432 : index
    %get3A_868 = tpu.vector_load %arg6[%get3A_867] {strides = array<i32>} : memref<10000xi32, #tpu.memory_space<vmem>>, vector<16xi32>,
    %get3A_869 = vector.shape_cast %get3A_868 : vector<16xi32> to vector<16xi32>
    %sub3A_870 = arith.subi %get3A_869, %min3A_598 : vector<16xi32>
    %swap3A_871 = arith.constant 32 : index
    %swap3A_872 = tpu.vector_load %arg8[%swap3A_871] {strides = array<i32>} : memref<400xi32, #tpu.memory_space<vmem>>, vector<16xi32>,
    %swap3A_873 = vector.shape_cast %swap3A_872 : vector<16xi32> to vector<16xi32>
    %swap3A_874 = vector.shape_cast %sub3A_870 : vector<16xi32> to vector<16xi32>
    tpu.vector_store %arg8[%swap3A_871], %swap3A_874 {strides = array<i32>} : memref<400xi32, #tpu.memory_space<vmem>>, vector<16xi32>,
    %get3A_875 = arith.constant 448 : index
    %get3A_876 = tpu.vector_load %arg6[%get3A_875] {strides = array<i32>} : memref<10000xi32, #tpu.memory_space<vmem>>, vector<16xi32>,
    %get3A_877 = vector.shape_cast %get3A_876 : vector<16xi32> to vector<16xi32>
    %sub3A_878 = arith.subi %get3A_877, %min3A_598 : vector<16xi32>
    %swap3A_879 = arith.constant 48 : index
    %swap3A_880 = tpu.vector_load %arg8[%swap3A_879] {strides = array<i32>} : memref<400xi32, #tpu.memory_space<vmem>>, vector<16xi32>,
    %swap3A_881 = vector.shape_cast %swap3A_880 : vector<16xi32> to vector<16xi32>
    %swap3A_882 = vector.shape_cast %sub3A_878 : vector<16xi32> to vector<16xi32>
    tpu.vector_store %arg8[%swap3A_879], %swap3A_882 {strides = array<i32>} : memref<400xi32, #tpu.memory_space<vmem>>, vector<16xi32>,
    %get3A_883 = arith.constant 464 : index
    %get3A_884 = tpu.vector_load %arg6[%get3A_883] {strides = array<i32>} : memref<10000xi32, #tpu.memory_space<vmem>>, vector<16xi32>,
    %get3A_885 = vector.shape_cast %get3A_884 : vector<16xi32> to vector<16xi32>
    %sub3A_886 = arith.subi %get3A_885, %min3A_598 : vector<16xi32>
    %swap3A_887 = arith.constant 64 : index
    %swap3A_888 = tpu.vector_load %arg8[%swap3A_887] {strides = array<i32>} : memref<400xi32, #tpu.memory_space<vmem>>, vector<16xi32>,
    %swap3A_889 = vector.shape_cast %swap3A_888 : vector<16xi32> to vector<16xi32>
    %swap3A_890 = vector.shape_cast %sub3A_886 : vector<16xi32> to vector<16xi32>
    tpu.vector_store %arg8[%swap3A_887], %swap3A_890 {strides = array<i32>} : memref<400xi32, #tpu.memory_space<vmem>>, vector<16xi32>,
    %get3A_891 = arith.constant 480 : index
    %get3A_892 = tpu.vector_load %arg6[%get3A_891] {strides = array<i32>} : memref<10000xi32, #tpu.memory_space<vmem>>, vector<16xi32>,
    %get3A_893 = vector.shape_cast %get3A_892 : vector<16xi32> to vector<16xi32>
    %sub3A_894 = arith.subi %get3A_893, %min3A_598 : vector<16xi32>
    %swap3A_895 = arith.constant 80 : index
    %swap3A_896 = tpu.vector_load %arg8[%swap3A_895] {strides = array<i32>} : memref<400xi32, #tpu.memory_space<vmem>>, vector<16xi32>,
    %swap3A_897 = vector.shape_cast %swap3A_896 : vector<16xi32> to vector<16xi32>
    %swap3A_898 = vector.shape_cast %sub3A_894 : vector<16xi32> to vector<16xi32>
    tpu.vector_store %arg8[%swap3A_895], %swap3A_898 {strides = array<i32>} : memref<400xi32, #tpu.memory_space<vmem>>, vector<16xi32>,
    %get3A_899 = arith.constant 496 : index
    %get3A_900 = tpu.vector_load %arg6[%get3A_899] {strides = array<i32>} : memref<10000xi32, #tpu.memory_space<vmem>>, vector<16xi32>,
    %get3A_901 = vector.shape_cast %get3A_900 : vector<16xi32> to vector<16xi32>
    %sub3A_902 = arith.subi %get3A_901, %min3A_598 : vector<16xi32>
    %swap3A_903 = arith.constant 96 : index
    %swap3A_904 = tpu.vector_load %arg8[%swap3A_903] {strides = array<i32>} : memref<400xi32, #tpu.memory_space<vmem>>, vector<16xi32>,
    %swap3A_905 = vector.shape_cast %swap3A_904 : vector<16xi32> to vector<16xi32>
    %swap3A_906 = vector.shape_cast %sub3A_902 : vector<16xi32> to vector<16xi32>
    tpu.vector_store %arg8[%swap3A_903], %swap3A_906 {strides = array<i32>} : memref<400xi32, #tpu.memory_space<vmem>>, vector<16xi32>,
    %get3A_907 = arith.constant 512 : index
    %get3A_908 = tpu.vector_load %arg6[%get3A_907] {strides = array<i32>} : memref<10000xi32, #tpu.memory_space<vmem>>, vector<16xi32>,
    %get3A_909 = vector.shape_cast %get3A_908 : vector<16xi32> to vector<16xi32>
    %sub3A_910 = arith.subi %get3A_909, %min3A_598 : vector<16xi32>
    %swap3A_911 = arith.constant 112 : index
    %swap3A_912 = tpu.vector_load %arg8[%swap3A_911] {strides = array<i32>} : memref<400xi32, #tpu.memory_space<vmem>>, vector<16xi32>,
    %swap3A_913 = vector.shape_cast %swap3A_912 : vector<16xi32> to vector<16xi32>
    %swap3A_914 = vector.shape_cast %sub3A_910 : vector<16xi32> to vector<16xi32>
    tpu.vector_store %arg8[%swap3A_911], %swap3A_914 {strides = array<i32>} : memref<400xi32, #tpu.memory_space<vmem>>, vector<16xi32>,
    %get3A_915 = arith.constant 528 : index
    %get3A_916 = tpu.vector_load %arg6[%get3A_915] {strides = array<i32>} : memref<10000xi32, #tpu.memory_space<vmem>>, vector<16xi32>,
    %get3A_917 = vector.shape_cast %get3A_916 : vector<16xi32> to vector<16xi32>
    %sub3A_918 = arith.subi %get3A_917, %min3A_598 : vector<16xi32>
    %swap3A_919 = arith.constant 128 : index
    %swap3A_920 = tpu.vector_load %arg8[%swap3A_919] {strides = array<i32>} : memref<400xi32, #tpu.memory_space<vmem>>, vector<16xi32>,
    %swap3A_921 = vector.shape_cast %swap3A_920 : vector<16xi32> to vector<16xi32>
    %swap3A_922 = vector.shape_cast %sub3A_918 : vector<16xi32> to vector<16xi32>
    tpu.vector_store %arg8[%swap3A_919], %swap3A_922 {strides = array<i32>} : memref<400xi32, #tpu.memory_space<vmem>>, vector<16xi32>,
    %get3A_923 = arith.constant 544 : index
    %get3A_924 = tpu.vector_load %arg6[%get3A_923] {strides = array<i32>} : memref<10000xi32, #tpu.memory_space<vmem>>, vector<16xi32>,
    %get3A_925 = vector.shape_cast %get3A_924 : vector<16xi32> to vector<16xi32>
    %sub3A_926 = arith.subi %get3A_925, %min3A_598 : vector<16xi32>
    %swap3A_927 = arith.constant 144 : index
    %swap3A_928 = tpu.vector_load %arg8[%swap3A_927] {strides = array<i32>} : memref<400xi32, #tpu.memory_space<vmem>>, vector<16xi32>,
    %swap3A_929 = vector.shape_cast %swap3A_928 : vector<16xi32> to vector<16xi32>
    %swap3A_930 = vector.shape_cast %sub3A_926 : vector<16xi32> to vector<16xi32>
    tpu.vector_store %arg8[%swap3A_927], %swap3A_930 {strides = array<i32>} : memref<400xi32, #tpu.memory_space<vmem>>, vector<16xi32>,
    %get3A_931 = arith.constant 560 : index
    %get3A_932 = tpu.vector_load %arg6[%get3A_931] {strides = array<i32>} : memref<10000xi32, #tpu.memory_space<vmem>>, vector<16xi32>,
    %get3A_933 = vector.shape_cast %get3A_932 : vector<16xi32> to vector<16xi32>
    %sub3A_934 = arith.subi %get3A_933, %min3A_598 : vector<16xi32>
    %swap3A_935 = arith.constant 160 : index
    %swap3A_936 = tpu.vector_load %arg8[%swap3A_935] {strides = array<i32>} : memref<400xi32, #tpu.memory_space<vmem>>, vector<16xi32>,
    %swap3A_937 = vector.shape_cast %swap3A_936 : vector<16xi32> to vector<16xi32>
    %swap3A_938 = vector.shape_cast %sub3A_934 : vector<16xi32> to vector<16xi32>
    tpu.vector_store %arg8[%swap3A_935], %swap3A_938 {strides = array<i32>} : memref<400xi32, #tpu.memory_space<vmem>>, vector<16xi32>,
    %get3A_939 = arith.constant 576 : index
    %get3A_940 = tpu.vector_load %arg6[%get3A_939] {strides = array<i32>} : memref<10000xi32, #tpu.memory_space<vmem>>, vector<16xi32>,
    %get3A_941 = vector.shape_cast %get3A_940 : vector<16xi32> to vector<16xi32>
    %sub3A_942 = arith.subi %get3A_941, %min3A_598 : vector<16xi32>
    %swap3A_943 = arith.constant 176 : index
    %swap3A_944 = tpu.vector_load %arg8[%swap3A_943] {strides = array<i32>} : memref<400xi32, #tpu.memory_space<vmem>>, vector<16xi32>,
    %swap3A_945 = vector.shape_cast %swap3A_944 : vector<16xi32> to vector<16xi32>
    %swap3A_946 = vector.shape_cast %sub3A_942 : vector<16xi32> to vector<16xi32>
    tpu.vector_store %arg8[%swap3A_943], %swap3A_946 {strides = array<i32>} : memref<400xi32, #tpu.memory_space<vmem>>, vector<16xi32>,
    %get3A_947 = arith.constant 592 : index
    %get3A_948 = tpu.vector_load %arg6[%get3A_947] {strides = array<i32>} : memref<10000xi32, #tpu.memory_space<vmem>>, vector<16xi32>,
    %get3A_949 = vector.shape_cast %get3A_948 : vector<16xi32> to vector<16xi32>
    %sub3A_950 = arith.subi %get3A_949, %min3A_598 : vector<16xi32>
    %swap3A_951 = arith.constant 192 : index
    %swap3A_952 = tpu.vector_load %arg8[%swap3A_951] {strides = array<i32>} : memref<400xi32, #tpu.memory_space<vmem>>, vector<16xi32>,
    %swap3A_953 = vector.shape_cast %swap3A_952 : vector<16xi32> to vector<16xi32>
    %swap3A_954 = vector.shape_cast %sub3A_950 : vector<16xi32> to vector<16xi32>
    tpu.vector_store %arg8[%swap3A_951], %swap3A_954 {strides = array<i32>} : memref<400xi32, #tpu.memory_space<vmem>>, vector<16xi32>,
    %get3A_955 = arith.constant 608 : index
    %get3A_956 = tpu.vector_load %arg6[%get3A_955] {strides = array<i32>} : memref<10000xi32, #tpu.memory_space<vmem>>, vector<16xi32>,
    %get3A_957 = vector.shape_cast %get3A_956 : vector<16xi32> to vector<16xi32>
    %sub3A_958 = arith.subi %get3A_957, %min3A_598 : vector<16xi32>
    %swap3A_959 = arith.constant 208 : index
    %swap3A_960 = tpu.vector_load %arg8[%swap3A_959] {strides = array<i32>} : memref<400xi32, #tpu.memory_space<vmem>>, vector<16xi32>,
    %swap3A_961 = vector.shape_cast %swap3A_960 : vector<16xi32> to vector<16xi32>
    %swap3A_962 = vector.shape_cast %sub3A_958 : vector<16xi32> to vector<16xi32>
    tpu.vector_store %arg8[%swap3A_959], %swap3A_962 {strides = array<i32>} : memref<400xi32, #tpu.memory_space<vmem>>, vector<16xi32>,
    %get3A_963 = arith.constant 624 : index
    %get3A_964 = tpu.vector_load %arg6[%get3A_963] {strides = array<i32>} : memref<10000xi32, #tpu.memory_space<vmem>>, vector<16xi32>,
    %get3A_965 = vector.shape_cast %get3A_964 : vector<16xi32> to vector<16xi32>
    %sub3A_966 = arith.subi %get3A_965, %min3A_598 : vector<16xi32>
    %swap3A_967 = arith.constant 224 : index
    %swap3A_968 = tpu.vector_load %arg8[%swap3A_967] {strides = array<i32>} : memref<400xi32, #tpu.memory_space<vmem>>, vector<16xi32>,
    %swap3A_969 = vector.shape_cast %swap3A_968 : vector<16xi32> to vector<16xi32>
    %swap3A_970 = vector.shape_cast %sub3A_966 : vector<16xi32> to vector<16xi32>
    tpu.vector_store %arg8[%swap3A_967], %swap3A_970 {strides = array<i32>} : memref<400xi32, #tpu.memory_space<vmem>>, vector<16xi32>,
    %get3A_971 = arith.constant 640 : index
    %get3A_972 = tpu.vector_load %arg6[%get3A_971] {strides = array<i32>} : memref<10000xi32, #tpu.memory_space<vmem>>, vector<16xi32>,
    %get3A_973 = vector.shape_cast %get3A_972 : vector<16xi32> to vector<16xi32>
    %sub3A_974 = arith.subi %get3A_973, %min3A_598 : vector<16xi32>
    %swap3A_975 = arith.constant 240 : index
    %swap3A_976 = tpu.vector_load %arg8[%swap3A_975] {strides = array<i32>} : memref<400xi32, #tpu.memory_space<vmem>>, vector<16xi32>,
    %swap3A_977 = vector.shape_cast %swap3A_976 : vector<16xi32> to vector<16xi32>
    %swap3A_978 = vector.shape_cast %sub3A_974 : vector<16xi32> to vector<16xi32>
    tpu.vector_store %arg8[%swap3A_975], %swap3A_978 {strides = array<i32>} : memref<400xi32, #tpu.memory_space<vmem>>, vector<16xi32>,
    %get3A_979 = arith.constant 656 : index
    %get3A_980 = tpu.vector_load %arg6[%get3A_979] {strides = array<i32>} : memref<10000xi32, #tpu.memory_space<vmem>>, vector<16xi32>,
    %get3A_981 = vector.shape_cast %get3A_980 : vector<16xi32> to vector<16xi32>
    %sub3A_982 = arith.subi %get3A_981, %min3A_598 : vector<16xi32>
    %swap3A_983 = arith.constant 256 : index
    %swap3A_984 = tpu.vector_load %arg8[%swap3A_983] {strides = array<i32>} : memref<400xi32, #tpu.memory_space<vmem>>, vector<16xi32>,
    %swap3A_985 = vector.shape_cast %swap3A_984 : vector<16xi32> to vector<16xi32>
    %swap3A_986 = vector.shape_cast %sub3A_982 : vector<16xi32> to vector<16xi32>
    tpu.vector_store %arg8[%swap3A_983], %swap3A_986 {strides = array<i32>} : memref<400xi32, #tpu.memory_space<vmem>>, vector<16xi32>,
    %get3A_987 = arith.constant 672 : index
    %get3A_988 = tpu.vector_load %arg6[%get3A_987] {strides = array<i32>} : memref<10000xi32, #tpu.memory_space<vmem>>, vector<16xi32>,
    %get3A_989 = vector.shape_cast %get3A_988 : vector<16xi32> to vector<16xi32>
    %sub3A_990 = arith.subi %get3A_989, %min3A_598 : vector<16xi32>
    %swap3A_991 = arith.constant 272 : index
    %swap3A_992 = tpu.vector_load %arg8[%swap3A_991] {strides = array<i32>} : memref<400xi32, #tpu.memory_space<vmem>>, vector<16xi32>,
    %swap3A_993 = vector.shape_cast %swap3A_992 : vector<16xi32> to vector<16xi32>
    %swap3A_994 = vector.shape_cast %sub3A_990 : vector<16xi32> to vector<16xi32>
    tpu.vector_store %arg8[%swap3A_991], %swap3A_994 {strides = array<i32>} : memref<400xi32, #tpu.memory_space<vmem>>, vector<16xi32>,
    %get3A_995 = arith.constant 688 : index
    %get3A_996 = tpu.vector_load %arg6[%get3A_995] {strides = array<i32>} : memref<10000xi32, #tpu.memory_space<vmem>>, vector<16xi32>,
    %get3A_997 = vector.shape_cast %get3A_996 : vector<16xi32> to vector<16xi32>
    %sub3A_998 = arith.subi %get3A_997, %min3A_598 : vector<16xi32>
    %swap3A_999 = arith.constant 288 : index
    %swap3A_1000 = tpu.vector_load %arg8[%swap3A_999] {strides = array<i32>} : memref<400xi32, #tpu.memory_space<vmem>>, vector<16xi32>,
    %swap3A_1001 = vector.shape_cast %swap3A_1000 : vector<16xi32> to vector<16xi32>
    %swap3A_1002 = vector.shape_cast %sub3A_998 : vector<16xi32> to vector<16xi32>
    tpu.vector_store %arg8[%swap3A_999], %swap3A_1002 {strides = array<i32>} : memref<400xi32, #tpu.memory_space<vmem>>, vector<16xi32>,
    %get3A_1003 = arith.constant 704 : index
    %get3A_1004 = tpu.vector_load %arg6[%get3A_1003] {strides = array<i32>} : memref<10000xi32, #tpu.memory_space<vmem>>, vector<16xi32>,
    %get3A_1005 = vector.shape_cast %get3A_1004 : vector<16xi32> to vector<16xi32>
    %sub3A_1006 = arith.subi %get3A_1005, %min3A_598 : vector<16xi32>
    %swap3A_1007 = arith.constant 304 : index
    %swap3A_1008 = tpu.vector_load %arg8[%swap3A_1007] {strides = array<i32>} : memref<400xi32, #tpu.memory_space<vmem>>, vector<16xi32>,
    %swap3A_1009 = vector.shape_cast %swap3A_1008 : vector<16xi32> to vector<16xi32>
    %swap3A_1010 = vector.shape_cast %sub3A_1006 : vector<16xi32> to vector<16xi32>
    tpu.vector_store %arg8[%swap3A_1007], %swap3A_1010 {strides = array<i32>} : memref<400xi32, #tpu.memory_space<vmem>>, vector<16xi32>,
    %get3A_1011 = arith.constant 720 : index
    %get3A_1012 = tpu.vector_load %arg6[%get3A_1011] {strides = array<i32>} : memref<10000xi32, #tpu.memory_space<vmem>>, vector<16xi32>,
    %get3A_1013 = vector.shape_cast %get3A_1012 : vector<16xi32> to vector<16xi32>
    %sub3A_1014 = arith.subi %get3A_1013, %min3A_598 : vector<16xi32>
    %swap3A_1015 = arith.constant 320 : index
    %swap3A_1016 = tpu.vector_load %arg8[%swap3A_1015] {strides = array<i32>} : memref<400xi32, #tpu.memory_space<vmem>>, vector<16xi32>,
    %swap3A_1017 = vector.shape_cast %swap3A_1016 : vector<16xi32> to vector<16xi32>
    %swap3A_1018 = vector.shape_cast %sub3A_1014 : vector<16xi32> to vector<16xi32>
    tpu.vector_store %arg8[%swap3A_1015], %swap3A_1018 {strides = array<i32>} : memref<400xi32, #tpu.memory_space<vmem>>, vector<16xi32>,
    %get3A_1019 = arith.constant 736 : index
    %get3A_1020 = tpu.vector_load %arg6[%get3A_1019] {strides = array<i32>} : memref<10000xi32, #tpu.memory_space<vmem>>, vector<16xi32>,
    %get3A_1021 = vector.shape_cast %get3A_1020 : vector<16xi32> to vector<16xi32>
    %sub3A_1022 = arith.subi %get3A_1021, %min3A_598 : vector<16xi32>
    %swap3A_1023 = arith.constant 336 : index
    %swap3A_1024 = tpu.vector_load %arg8[%swap3A_1023] {strides = array<i32>} : memref<400xi32, #tpu.memory_space<vmem>>, vector<16xi32>,
    %swap3A_1025 = vector.shape_cast %swap3A_1024 : vector<16xi32> to vector<16xi32>
    %swap3A_1026 = vector.shape_cast %sub3A_1022 : vector<16xi32> to vector<16xi32>
    tpu.vector_store %arg8[%swap3A_1023], %swap3A_1026 {strides = array<i32>} : memref<400xi32, #tpu.memory_space<vmem>>, vector<16xi32>,
    %get3A_1027 = arith.constant 752 : index
    %get3A_1028 = tpu.vector_load %arg6[%get3A_1027] {strides = array<i32>} : memref<10000xi32, #tpu.memory_space<vmem>>, vector<16xi32>,
    %get3A_1029 = vector.shape_cast %get3A_1028 : vector<16xi32> to vector<16xi32>
    %sub3A_1030 = arith.subi %get3A_1029, %min3A_598 : vector<16xi32>
    %swap3A_1031 = arith.constant 352 : index
    %swap3A_1032 = tpu.vector_load %arg8[%swap3A_1031] {strides = array<i32>} : memref<400xi32, #tpu.memory_space<vmem>>, vector<16xi32>,
    %swap3A_1033 = vector.shape_cast %swap3A_1032 : vector<16xi32> to vector<16xi32>
    %swap3A_1034 = vector.shape_cast %sub3A_1030 : vector<16xi32> to vector<16xi32>
    tpu.vector_store %arg8[%swap3A_1031], %swap3A_1034 {strides = array<i32>} : memref<400xi32, #tpu.memory_space<vmem>>, vector<16xi32>,
    %get3A_1035 = arith.constant 768 : index
    %get3A_1036 = tpu.vector_load %arg6[%get3A_1035] {strides = array<i32>} : memref<10000xi32, #tpu.memory_space<vmem>>, vector<16xi32>,
    %get3A_1037 = vector.shape_cast %get3A_1036 : vector<16xi32> to vector<16xi32>
    %sub3A_1038 = arith.subi %get3A_1037, %min3A_598 : vector<16xi32>
    %swap3A_1039 = arith.constant 368 : index
    %swap3A_1040 = tpu.vector_load %arg8[%swap3A_1039] {strides = array<i32>} : memref<400xi32, #tpu.memory_space<vmem>>, vector<16xi32>,
    %swap3A_1041 = vector.shape_cast %swap3A_1040 : vector<16xi32> to vector<16xi32>
    %swap3A_1042 = vector.shape_cast %sub3A_1038 : vector<16xi32> to vector<16xi32>
    tpu.vector_store %arg8[%swap3A_1039], %swap3A_1042 {strides = array<i32>} : memref<400xi32, #tpu.memory_space<vmem>>, vector<16xi32>,
    %get3A_1043 = arith.constant 784 : index
    %get3A_1044 = tpu.vector_load %arg6[%get3A_1043] {strides = array<i32>} : memref<10000xi32, #tpu.memory_space<vmem>>, vector<16xi32>,
    %get3A_1045 = vector.shape_cast %get3A_1044 : vector<16xi32> to vector<16xi32>
    %sub3A_1046 = arith.subi %get3A_1045, %min3A_598 : vector<16xi32>
    %swap3A_1047 = arith.constant 384 : index
    %swap3A_1048 = tpu.vector_load %arg8[%swap3A_1047] {strides = array<i32>} : memref<400xi32, #tpu.memory_space<vmem>>, vector<16xi32>,
    %swap3A_1049 = vector.shape_cast %swap3A_1048 : vector<16xi32> to vector<16xi32>
    %swap3A_1050 = vector.shape_cast %sub3A_1046 : vector<16xi32> to vector<16xi32>
    tpu.vector_store %arg8[%swap3A_1047], %swap3A_1050 {strides = array<i32>} : memref<400xi32, #tpu.memory_space<vmem>>, vector<16xi32>,
    %add3A_1051 = arith.constant 400 : i32
    %add3A_1052 = arith.addi %mul3A_561, %add3A_1051 : i32
    %dma_start3A_1053 = arith.constant 0 : i32
    %dma_start3A_1054 = tpu.memref_slice %arg2[%add3A_1052, %dma_start3A_1053] : memref<640000x64xf32, #tpu.memory_space<hbm>> -> memref<400x64xf32, #tpu.memory_space<hbm>>
    %dma_start3A_1055 = arith.constant 0 : i32
    %dma_start3A_1056 = tpu.memref_slice %arg2[%add3A_1052, %dma_start3A_1055] : memref<640000x64xf32, #tpu.memory_space<hbm>> -> memref<400x64xf32, #tpu.memory_space<hbm>>
    tpu.enqueue_dma source(%dma_start3A_1056 : memref<400x64xf32, #tpu.memory_space<hbm>>) target(%arg10 : memref<400x64xf32, #tpu.memory_space<vmem>>) target_semaphore(%arg13 : memref<!tpu.dma_semaphore, #tpu.memory_space<semaphore_mem>>)
    %dma_wait3A_1057 = arith.constant 0 : i32
    %dma_wait3A_1058 = arith.constant 0 : i32
    %dma_wait3A_1059 = tpu.memref_slice %arg9[%dma_wait3A_1057, %dma_wait3A_1058] : memref<400x64xf32, #tpu.memory_space<vmem>> -> memref<80x64xf32, #tpu.memory_space<vmem>>
    %dma_wait3A_1060 = arith.constant 0 : i32
    %dma_wait3A_1061 = tpu.memref_slice %arg7[%dma_wait3A_1060] : memref<400xi32, #tpu.memory_space<vmem>> -> memref<80xi32, #tpu.memory_space<vmem>>
    %dma_wait3A_1062 = arith.constant 0 : i32
    %dma_wait3A_1063 = arith.constant 0 : i32
    %dma_wait3A_1064 = tpu.memref_slice %arg11[%dma_wait3A_1062, %dma_wait3A_1063] : memref<5000x64xf32, #tpu.memory_space<vmem_shared>> -> memref<5000x64xf32, #tpu.memory_space<vmem_shared>>
    tpu.wait_indirect_dma semaphore(%arg16 : memref<!tpu.dma_semaphore, #tpu.memory_space<semaphore_mem>>) src(%dma_wait3A_1064 : memref<5000x64xf32, #tpu.memory_space<vmem_shared>>) dst(%dma_wait3A_1059 : memref<80x64xf32, #tpu.memory_space<vmem>>)
    %dma_wait3A_1065 = arith.constant 80 : i32
    %dma_wait3A_1066 = arith.constant 0 : i32
    %dma_wait3A_1067 = tpu.memref_slice %arg9[%dma_wait3A_1065, %dma_wait3A_1066] : memref<400x64xf32, #tpu.memory_space<vmem>> -> memref<80x64xf32, #tpu.memory_space<vmem>>
    %dma_wait3A_1068 = arith.constant 80 : i32
    %dma_wait3A_1069 = tpu.memref_slice %arg7[%dma_wait3A_1068] : memref<400xi32, #tpu.memory_space<vmem>> -> memref<80xi32, #tpu.memory_space<vmem>>
    %dma_wait3A_1070 = arith.constant 0 : i32
    %dma_wait3A_1071 = arith.constant 0 : i32
    %dma_wait3A_1072 = tpu.memref_slice %arg11[%dma_wait3A_1070, %dma_wait3A_1071] : memref<5000x64xf32, #tpu.memory_space<vmem_shared>> -> memref<5000x64xf32, #tpu.memory_space<vmem_shared>>
    tpu.wait_indirect_dma semaphore(%arg16 : memref<!tpu.dma_semaphore, #tpu.memory_space<semaphore_mem>>) src(%dma_wait3A_1072 : memref<5000x64xf32, #tpu.memory_space<vmem_shared>>) dst(%dma_wait3A_1067 : memref<80x64xf32, #tpu.memory_space<vmem>>)
    %dma_wait3A_1073 = arith.constant 160 : i32
    %dma_wait3A_1074 = arith.constant 0 : i32
    %dma_wait3A_1075 = tpu.memref_slice %arg9[%dma_wait3A_1073, %dma_wait3A_1074] : memref<400x64xf32, #tpu.memory_space<vmem>> -> memref<80x64xf32, #tpu.memory_space<vmem>>
    %dma_wait3A_1076 = arith.constant 160 : i32
    %dma_wait3A_1077 = tpu.memref_slice %arg7[%dma_wait3A_1076] : memref<400xi32, #tpu.memory_space<vmem>> -> memref<80xi32, #tpu.memory_space<vmem>>
    %dma_wait3A_1078 = arith.constant 0 : i32
    %dma_wait3A_1079 = arith.constant 0 : i32
    %dma_wait3A_1080 = tpu.memref_slice %arg11[%dma_wait3A_1078, %dma_wait3A_1079] : memref<5000x64xf32, #tpu.memory_space<vmem_shared>> -> memref<5000x64xf32, #tpu.memory_space<vmem_shared>>
    tpu.wait_indirect_dma semaphore(%arg16 : memref<!tpu.dma_semaphore, #tpu.memory_space<semaphore_mem>>) src(%dma_wait3A_1080 : memref<5000x64xf32, #tpu.memory_space<vmem_shared>>) dst(%dma_wait3A_1075 : memref<80x64xf32, #tpu.memory_space<vmem>>)
    %dma_wait3A_1081 = arith.constant 240 : i32
    %dma_wait3A_1082 = arith.constant 0 : i32
    %dma_wait3A_1083 = tpu.memref_slice %arg9[%dma_wait3A_1081, %dma_wait3A_1082] : memref<400x64xf32, #tpu.memory_space<vmem>> -> memref<80x64xf32, #tpu.memory_space<vmem>>
    %dma_wait3A_1084 = arith.constant 240 : i32
    %dma_wait3A_1085 = tpu.memref_slice %arg7[%dma_wait3A_1084] : memref<400xi32, #tpu.memory_space<vmem>> -> memref<80xi32, #tpu.memory_space<vmem>>
    %dma_wait3A_1086 = arith.constant 0 : i32
    %dma_wait3A_1087 = arith.constant 0 : i32
    %dma_wait3A_1088 = tpu.memref_slice %arg11[%dma_wait3A_1086, %dma_wait3A_1087] : memref<5000x64xf32, #tpu.memory_space<vmem_shared>> -> memref<5000x64xf32, #tpu.memory_space<vmem_shared>>
    tpu.wait_indirect_dma semaphore(%arg16 : memref<!tpu.dma_semaphore, #tpu.memory_space<semaphore_mem>>) src(%dma_wait3A_1088 : memref<5000x64xf32, #tpu.memory_space<vmem_shared>>) dst(%dma_wait3A_1083 : memref<80x64xf32, #tpu.memory_space<vmem>>)
    %dma_wait3A_1089 = arith.constant 320 : i32
    %dma_wait3A_1090 = arith.constant 0 : i32
    %dma_wait3A_1091 = tpu.memref_slice %arg9[%dma_wait3A_1089, %dma_wait3A_1090] : memref<400x64xf32, #tpu.memory_space<vmem>> -> memref<80x64xf32, #tpu.memory_space<vmem>>
    %dma_wait3A_1092 = arith.constant 320 : i32
    %dma_wait3A_1093 = tpu.memref_slice %arg7[%dma_wait3A_1092] : memref<400xi32, #tpu.memory_space<vmem>> -> memref<80xi32, #tpu.memory_space<vmem>>
    %dma_wait3A_1094 = arith.constant 0 : i32
    %dma_wait3A_1095 = arith.constant 0 : i32
    %dma_wait3A_1096 = tpu.memref_slice %arg11[%dma_wait3A_1094, %dma_wait3A_1095] : memref<5000x64xf32, #tpu.memory_space<vmem_shared>> -> memref<5000x64xf32, #tpu.memory_space<vmem_shared>>
    tpu.wait_indirect_dma semaphore(%arg16 : memref<!tpu.dma_semaphore, #tpu.memory_space<semaphore_mem>>) src(%dma_wait3A_1096 : memref<5000x64xf32, #tpu.memory_space<vmem_shared>>) dst(%dma_wait3A_1091 : memref<80x64xf32, #tpu.memory_space<vmem>>)
    %add3A_1097 = arith.constant 0 : i32
    %add3A_1098 = arith.addi %mul3A_561, %add3A_1097 : i32
    %dma_start3A_1099 = arith.constant 0 : i32
    %dma_start3A_1100 = tpu.memref_slice %arg5[%add3A_1098, %dma_start3A_1099] : memref<640000x64xf32, #tpu.memory_space<hbm>> -> memref<400x64xf32, #tpu.memory_space<hbm>>
    %dma_start3A_1101 = arith.constant 0 : i32
    %dma_start3A_1102 = tpu.memref_slice %arg5[%add3A_1098, %dma_start3A_1101] : memref<640000x64xf32, #tpu.memory_space<hbm>> -> memref<400x64xf32, #tpu.memory_space<hbm>>
    tpu.enqueue_dma source(%arg9 : memref<400x64xf32, #tpu.memory_space<vmem>>) target(%dma_start3A_1102 : memref<400x64xf32, #tpu.memory_space<hbm>>) target_semaphore(%arg14 : memref<!tpu.dma_semaphore, #tpu.memory_space<semaphore_mem>>)
    %scan3A_1103 = arith.constant 0 : i32
    %scan3A_1104 = arith.constant 1 : i32
    %scan3A_1105 = arith.constant 12 : i32
    %scan3A_1106 = arith.addi %scan3A_1104, %scan3A_1105 : i32
    %scan3A_1107 = arith.constant 1 : i32
    scf.for %scan3A_1121 = %scan3A_1104 to %scan3A_1106 step %scan3A_1107  : i32 {
      %mul3A_1122 = arith.constant 2 : i32
      %mul3A_1123 = arith.muli %mul3A_1122, %scan3A_1121 : i32
      %sub3A_1124 = arith.constant 1 : i32
      %sub3A_1125 = arith.subi %mul3A_1123, %sub3A_1124 : i32
      %mul3A_1126 = arith.constant 400 : i32
      %mul3A_1127 = arith.muli %sub3A_1125, %mul3A_1126 : i32
      %add3A_1128 = arith.addi %mul3A_561, %mul3A_1127 : i32
      %dma_wait3A_1129 = arith.constant 0 : i32
      %dma_wait3A_1130 = tpu.memref_slice %arg2[%add3A_1128, %dma_wait3A_1129] : memref<640000x64xf32, #tpu.memory_space<hbm>> -> memref<400x64xf32, #tpu.memory_space<hbm>>
      %dma_wait3A_1131 = arith.constant 0 : i32
      %dma_wait3A_1132 = tpu.memref_slice %arg2[%add3A_1128, %dma_wait3A_1131] : memref<640000x64xf32, #tpu.memory_space<hbm>> -> memref<400x64xf32, #tpu.memory_space<hbm>>
      tpu.wait_dma2 semaphore(%arg13 : memref<!tpu.dma_semaphore, #tpu.memory_space<semaphore_mem>>) src(%dma_wait3A_1132 : memref<400x64xf32, #tpu.memory_space<hbm>>) dst(%arg10 : memref<400x64xf32, #tpu.memory_space<vmem>>)
      %dma_start3A_1133 = arith.constant 0 : i32
      %dma_start3A_1134 = arith.constant 0 : i32
      %dma_start3A_1135 = tpu.memref_slice %arg10[%dma_start3A_1133, %dma_start3A_1134] : memref<400x64xf32, #tpu.memory_space<vmem>> -> memref<80x64xf32, #tpu.memory_space<vmem>>
      %dma_start3A_1136 = arith.constant 0 : i32
      %dma_start3A_1137 = tpu.memref_slice %arg8[%dma_start3A_1136] : memref<400xi32, #tpu.memory_space<vmem>> -> memref<80xi32, #tpu.memory_space<vmem>>
      %dma_start3A_1138 = arith.constant 0 : i32
      %dma_start3A_1139 = arith.constant 0 : i32
      %dma_start3A_1140 = tpu.memref_slice %arg11[%dma_start3A_1138, %dma_start3A_1139] : memref<5000x64xf32, #tpu.memory_space<vmem_shared>> -> memref<5000x64xf32, #tpu.memory_space<vmem_shared>>
      tpu.enqueue_indirect_dma source(%dma_start3A_1140 : memref<5000x64xf32, #tpu.memory_space<vmem_shared>>) target(%dma_start3A_1135 : memref<80x64xf32, #tpu.memory_space<vmem>>) offsets(%dma_start3A_1137 : memref<80xi32, #tpu.memory_space<vmem>>) semaphore(%arg16 : memref<!tpu.dma_semaphore, #tpu.memory_space<semaphore_mem>>) {add = true}
      %dma_start3A_1141 = arith.constant 80 : i32
      %dma_start3A_1142 = arith.constant 0 : i32
      %dma_start3A_1143 = tpu.memref_slice %arg10[%dma_start3A_1141, %dma_start3A_1142] : memref<400x64xf32, #tpu.memory_space<vmem>> -> memref<80x64xf32, #tpu.memory_space<vmem>>
      %dma_start3A_1144 = arith.constant 80 : i32
      %dma_start3A_1145 = tpu.memref_slice %arg8[%dma_start3A_1144] : memref<400xi32, #tpu.memory_space<vmem>> -> memref<80xi32, #tpu.memory_space<vmem>>
      %dma_start3A_1146 = arith.constant 0 : i32
      %dma_start3A_1147 = arith.constant 0 : i32
      %dma_start3A_1148 = tpu.memref_slice %arg11[%dma_start3A_1146, %dma_start3A_1147] : memref<5000x64xf32, #tpu.memory_space<vmem_shared>> -> memref<5000x64xf32, #tpu.memory_space<vmem_shared>>
      tpu.enqueue_indirect_dma source(%dma_start3A_1148 : memref<5000x64xf32, #tpu.memory_space<vmem_shared>>) target(%dma_start3A_1143 : memref<80x64xf32, #tpu.memory_space<vmem>>) offsets(%dma_start3A_1145 : memref<80xi32, #tpu.memory_space<vmem>>) semaphore(%arg16 : memref<!tpu.dma_semaphore, #tpu.memory_space<semaphore_mem>>) {add = true}
      %dma_start3A_1149 = arith.constant 160 : i32
      %dma_start3A_1150 = arith.constant 0 : i32
      %dma_start3A_1151 = tpu.memref_slice %arg10[%dma_start3A_1149, %dma_start3A_1150] : memref<400x64xf32, #tpu.memory_space<vmem>> -> memref<80x64xf32, #tpu.memory_space<vmem>>
      %dma_start3A_1152 = arith.constant 160 : i32
      %dma_start3A_1153 = tpu.memref_slice %arg8[%dma_start3A_1152] : memref<400xi32, #tpu.memory_space<vmem>> -> memref<80xi32, #tpu.memory_space<vmem>>
      %dma_start3A_1154 = arith.constant 0 : i32
      %dma_start3A_1155 = arith.constant 0 : i32
      %dma_start3A_1156 = tpu.memref_slice %arg11[%dma_start3A_1154, %dma_start3A_1155] : memref<5000x64xf32, #tpu.memory_space<vmem_shared>> -> memref<5000x64xf32, #tpu.memory_space<vmem_shared>>
      tpu.enqueue_indirect_dma source(%dma_start3A_1156 : memref<5000x64xf32, #tpu.memory_space<vmem_shared>>) target(%dma_start3A_1151 : memref<80x64xf32, #tpu.memory_space<vmem>>) offsets(%dma_start3A_1153 : memref<80xi32, #tpu.memory_space<vmem>>) semaphore(%arg16 : memref<!tpu.dma_semaphore, #tpu.memory_space<semaphore_mem>>) {add = true}
      %dma_start3A_1157 = arith.constant 240 : i32
      %dma_start3A_1158 = arith.constant 0 : i32
      %dma_start3A_1159 = tpu.memref_slice %arg10[%dma_start3A_1157, %dma_start3A_1158] : memref<400x64xf32, #tpu.memory_space<vmem>> -> memref<80x64xf32, #tpu.memory_space<vmem>>
      %dma_start3A_1160 = arith.constant 240 : i32
      %dma_start3A_1161 = tpu.memref_slice %arg8[%dma_start3A_1160] : memref<400xi32, #tpu.memory_space<vmem>> -> memref<80xi32, #tpu.memory_space<vmem>>
      %dma_start3A_1162 = arith.constant 0 : i32
      %dma_start3A_1163 = arith.constant 0 : i32
      %dma_start3A_1164 = tpu.memref_slice %arg11[%dma_start3A_1162, %dma_start3A_1163] : memref<5000x64xf32, #tpu.memory_space<vmem_shared>> -> memref<5000x64xf32, #tpu.memory_space<vmem_shared>>
      tpu.enqueue_indirect_dma source(%dma_start3A_1164 : memref<5000x64xf32, #tpu.memory_space<vmem_shared>>) target(%dma_start3A_1159 : memref<80x64xf32, #tpu.memory_space<vmem>>) offsets(%dma_start3A_1161 : memref<80xi32, #tpu.memory_space<vmem>>) semaphore(%arg16 : memref<!tpu.dma_semaphore, #tpu.memory_space<semaphore_mem>>) {add = true}
      %dma_start3A_1165 = arith.constant 320 : i32
      %dma_start3A_1166 = arith.constant 0 : i32
      %dma_start3A_1167 = tpu.memref_slice %arg10[%dma_start3A_1165, %dma_start3A_1166] : memref<400x64xf32, #tpu.memory_space<vmem>> -> memref<80x64xf32, #tpu.memory_space<vmem>>
      %dma_start3A_1168 = arith.constant 320 : i32
      %dma_start3A_1169 = tpu.memref_slice %arg8[%dma_start3A_1168] : memref<400xi32, #tpu.memory_space<vmem>> -> memref<80xi32, #tpu.memory_space<vmem>>
      %dma_start3A_1170 = arith.constant 0 : i32
      %dma_start3A_1171 = arith.constant 0 : i32
      %dma_start3A_1172 = tpu.memref_slice %arg11[%dma_start3A_1170, %dma_start3A_1171] : memref<5000x64xf32, #tpu.memory_space<vmem_shared>> -> memref<5000x64xf32, #tpu.memory_space<vmem_shared>>
      tpu.enqueue_indirect_dma source(%dma_start3A_1172 : memref<5000x64xf32, #tpu.memory_space<vmem_shared>>) target(%dma_start3A_1167 : memref<80x64xf32, #tpu.memory_space<vmem>>) offsets(%dma_start3A_1169 : memref<80xi32, #tpu.memory_space<vmem>>) semaphore(%arg16 : memref<!tpu.dma_semaphore, #tpu.memory_space<semaphore_mem>>) {add = true}
      %add3A_1173 = arith.constant 1 : i32
      %add3A_1174 = arith.addi %sub3A_1125, %add3A_1173 : i32
      %lt3A = arith.constant 25 : i32
      %lt3A_1175 = arith.cmpi slt, %add3A_1174, %lt3A : i32
      %convert_element_type3A_1176 = arith.extui %lt3A_1175 : i1 to i32
      %cond3A_1177 = arith.constant 0 : i32
      %cond3A_1178 = arith.cmpi ne, %convert_element_type3A_1176, %cond3A_1177 : i32
      scf.if %cond3A_1178 {
        %mul3A_1329 = arith.constant 400 : i32
        %mul3A_1330 = arith.muli %sub3A_1125, %mul3A_1329 : i32
        %add3A_1331 = arith.addi %mul3A_561, %mul3A_1330 : i32
        %dma_wait3A_1332 = arith.constant 0 : i32
        %dma_wait3A_1333 = tpu.memref_slice %arg5[%add3A_1331, %dma_wait3A_1332] : memref<640000x64xf32, #tpu.memory_space<hbm>> -> memref<400x64xf32, #tpu.memory_space<hbm>>
        %dma_wait3A_1334 = arith.constant 0 : i32
        %dma_wait3A_1335 = tpu.memref_slice %arg5[%add3A_1331, %dma_wait3A_1334] : memref<640000x64xf32, #tpu.memory_space<hbm>> -> memref<400x64xf32, #tpu.memory_space<hbm>>
        tpu.wait_dma2 semaphore(%arg14 : memref<!tpu.dma_semaphore, #tpu.memory_space<semaphore_mem>>) src(%arg9 : memref<400x64xf32, #tpu.memory_space<vmem>>) dst(%dma_wait3A_1335 : memref<400x64xf32, #tpu.memory_space<hbm>>)
        %add3A_1336 = arith.constant 1 : i32
        %add3A_1337 = arith.addi %sub3A_1125, %add3A_1336 : i32
        %mul3A_1338 = arith.constant 400 : i32
        %mul3A_1339 = arith.muli %add3A_1337, %mul3A_1338 : i32
        %add3A_1340 = arith.constant 0 : i32
        %add3A_1341 = arith.addi %mul3A_1339, %add3A_1340 : i32
        %get3A_1342 = arith.index_cast %add3A_1341 : i32 to index
        %get3A_1343 = tpu.vector_load %arg6[%get3A_1342] {strides = array<i32>} : memref<10000xi32, #tpu.memory_space<vmem>>, vector<16xi32>,
        %get3A_1344 = vector.shape_cast %get3A_1343 : vector<16xi32> to vector<16xi32>
        %sub3A_1345 = arith.subi %get3A_1344, %min3A_598 : vector<16xi32>
        %swap3A_1346 = arith.constant 0 : index
        %swap3A_1347 = tpu.vector_load %arg7[%swap3A_1346] {strides = array<i32>} : memref<400xi32, #tpu.memory_space<vmem>>, vector<16xi32>,
        %swap3A_1348 = vector.shape_cast %swap3A_1347 : vector<16xi32> to vector<16xi32>
        %swap3A_1349 = vector.shape_cast %sub3A_1345 : vector<16xi32> to vector<16xi32>
        tpu.vector_store %arg7[%swap3A_1346], %swap3A_1349 {strides = array<i32>} : memref<400xi32, #tpu.memory_space<vmem>>, vector<16xi32>,
        %mul3A_1350 = arith.constant 400 : i32
        %mul3A_1351 = arith.muli %add3A_1337, %mul3A_1350 : i32
        %add3A_1352 = arith.constant 16 : i32
        %add3A_1353 = arith.addi %mul3A_1351, %add3A_1352 : i32
        %get3A_1354 = arith.index_cast %add3A_1353 : i32 to index
        %get3A_1355 = tpu.vector_load %arg6[%get3A_1354] {strides = array<i32>} : memref<10000xi32, #tpu.memory_space<vmem>>, vector<16xi32>,
        %get3A_1356 = vector.shape_cast %get3A_1355 : vector<16xi32> to vector<16xi32>
        %sub3A_1357 = arith.subi %get3A_1356, %min3A_598 : vector<16xi32>
        %swap3A_1358 = arith.constant 16 : index
        %swap3A_1359 = tpu.vector_load %arg7[%swap3A_1358] {strides = array<i32>} : memref<400xi32, #tpu.memory_space<vmem>>, vector<16xi32>,
        %swap3A_1360 = vector.shape_cast %swap3A_1359 : vector<16xi32> to vector<16xi32>
        %swap3A_1361 = vector.shape_cast %sub3A_1357 : vector<16xi32> to vector<16xi32>
        tpu.vector_store %arg7[%swap3A_1358], %swap3A_1361 {strides = array<i32>} : memref<400xi32, #tpu.memory_space<vmem>>, vector<16xi32>,
        %mul3A_1362 = arith.constant 400 : i32
        %mul3A_1363 = arith.muli %add3A_1337, %mul3A_1362 : i32
        %add3A_1364 = arith.constant 32 : i32
        %add3A_1365 = arith.addi %mul3A_1363, %add3A_1364 : i32
        %get3A_1366 = arith.index_cast %add3A_1365 : i32 to index
        %get3A_1367 = tpu.vector_load %arg6[%get3A_1366] {strides = array<i32>} : memref<10000xi32, #tpu.memory_space<vmem>>, vector<16xi32>,
        %get3A_1368 = vector.shape_cast %get3A_1367 : vector<16xi32> to vector<16xi32>
        %sub3A_1369 = arith.subi %get3A_1368, %min3A_598 : vector<16xi32>
        %swap3A_1370 = arith.constant 32 : index
        %swap3A_1371 = tpu.vector_load %arg7[%swap3A_1370] {strides = array<i32>} : memref<400xi32, #tpu.memory_space<vmem>>, vector<16xi32>,
        %swap3A_1372 = vector.shape_cast %swap3A_1371 : vector<16xi32> to vector<16xi32>
        %swap3A_1373 = vector.shape_cast %sub3A_1369 : vector<16xi32> to vector<16xi32>
        tpu.vector_store %arg7[%swap3A_1370], %swap3A_1373 {strides = array<i32>} : memref<400xi32, #tpu.memory_space<vmem>>, vector<16xi32>,
        %mul3A_1374 = arith.constant 400 : i32
        %mul3A_1375 = arith.muli %add3A_1337, %mul3A_1374 : i32
        %add3A_1376 = arith.constant 48 : i32
        %add3A_1377 = arith.addi %mul3A_1375, %add3A_1376 : i32
        %get3A_1378 = arith.index_cast %add3A_1377 : i32 to index
        %get3A_1379 = tpu.vector_load %arg6[%get3A_1378] {strides = array<i32>} : memref<10000xi32, #tpu.memory_space<vmem>>, vector<16xi32>,
        %get3A_1380 = vector.shape_cast %get3A_1379 : vector<16xi32> to vector<16xi32>
        %sub3A_1381 = arith.subi %get3A_1380, %min3A_598 : vector<16xi32>
        %swap3A_1382 = arith.constant 48 : index
        %swap3A_1383 = tpu.vector_load %arg7[%swap3A_1382] {strides = array<i32>} : memref<400xi32, #tpu.memory_space<vmem>>, vector<16xi32>,
        %swap3A_1384 = vector.shape_cast %swap3A_1383 : vector<16xi32> to vector<16xi32>
        %swap3A_1385 = vector.shape_cast %sub3A_1381 : vector<16xi32> to vector<16xi32>
        tpu.vector_store %arg7[%swap3A_1382], %swap3A_1385 {strides = array<i32>} : memref<400xi32, #tpu.memory_space<vmem>>, vector<16xi32>,
        %mul3A_1386 = arith.constant 400 : i32
        %mul3A_1387 = arith.muli %add3A_1337, %mul3A_1386 : i32
        %add3A_1388 = arith.constant 64 : i32
        %add3A_1389 = arith.addi %mul3A_1387, %add3A_1388 : i32
        %get3A_1390 = arith.index_cast %add3A_1389 : i32 to index
        %get3A_1391 = tpu.vector_load %arg6[%get3A_1390] {strides = array<i32>} : memref<10000xi32, #tpu.memory_space<vmem>>, vector<16xi32>,
        %get3A_1392 = vector.shape_cast %get3A_1391 : vector<16xi32> to vector<16xi32>
        %sub3A_1393 = arith.subi %get3A_1392, %min3A_598 : vector<16xi32>
        %swap3A_1394 = arith.constant 64 : index
        %swap3A_1395 = tpu.vector_load %arg7[%swap3A_1394] {strides = array<i32>} : memref<400xi32, #tpu.memory_space<vmem>>, vector<16xi32>,
        %swap3A_1396 = vector.shape_cast %swap3A_1395 : vector<16xi32> to vector<16xi32>
        %swap3A_1397 = vector.shape_cast %sub3A_1393 : vector<16xi32> to vector<16xi32>
        tpu.vector_store %arg7[%swap3A_1394], %swap3A_1397 {strides = array<i32>} : memref<400xi32, #tpu.memory_space<vmem>>, vector<16xi32>,
        %mul3A_1398 = arith.constant 400 : i32
        %mul3A_1399 = arith.muli %add3A_1337, %mul3A_1398 : i32
        %add3A_1400 = arith.constant 80 : i32
        %add3A_1401 = arith.addi %mul3A_1399, %add3A_1400 : i32
        %get3A_1402 = arith.index_cast %add3A_1401 : i32 to index
        %get3A_1403 = tpu.vector_load %arg6[%get3A_1402] {strides = array<i32>} : memref<10000xi32, #tpu.memory_space<vmem>>, vector<16xi32>,
        %get3A_1404 = vector.shape_cast %get3A_1403 : vector<16xi32> to vector<16xi32>
        %sub3A_1405 = arith.subi %get3A_1404, %min3A_598 : vector<16xi32>
        %swap3A_1406 = arith.constant 80 : index
        %swap3A_1407 = tpu.vector_load %arg7[%swap3A_1406] {strides = array<i32>} : memref<400xi32, #tpu.memory_space<vmem>>, vector<16xi32>,
        %swap3A_1408 = vector.shape_cast %swap3A_1407 : vector<16xi32> to vector<16xi32>
        %swap3A_1409 = vector.shape_cast %sub3A_1405 : vector<16xi32> to vector<16xi32>
        tpu.vector_store %arg7[%swap3A_1406], %swap3A_1409 {strides = array<i32>} : memref<400xi32, #tpu.memory_space<vmem>>, vector<16xi32>,
        %mul3A_1410 = arith.constant 400 : i32
        %mul3A_1411 = arith.muli %add3A_1337, %mul3A_1410 : i32
        %add3A_1412 = arith.constant 96 : i32
        %add3A_1413 = arith.addi %mul3A_1411, %add3A_1412 : i32
        %get3A_1414 = arith.index_cast %add3A_1413 : i32 to index
        %get3A_1415 = tpu.vector_load %arg6[%get3A_1414] {strides = array<i32>} : memref<10000xi32, #tpu.memory_space<vmem>>, vector<16xi32>,
        %get3A_1416 = vector.shape_cast %get3A_1415 : vector<16xi32> to vector<16xi32>
        %sub3A_1417 = arith.subi %get3A_1416, %min3A_598 : vector<16xi32>
        %swap3A_1418 = arith.constant 96 : index
        %swap3A_1419 = tpu.vector_load %arg7[%swap3A_1418] {strides = array<i32>} : memref<400xi32, #tpu.memory_space<vmem>>, vector<16xi32>,
        %swap3A_1420 = vector.shape_cast %swap3A_1419 : vector<16xi32> to vector<16xi32>
        %swap3A_1421 = vector.shape_cast %sub3A_1417 : vector<16xi32> to vector<16xi32>
        tpu.vector_store %arg7[%swap3A_1418], %swap3A_1421 {strides = array<i32>} : memref<400xi32, #tpu.memory_space<vmem>>, vector<16xi32>,
        %mul3A_1422 = arith.constant 400 : i32
        %mul3A_1423 = arith.muli %add3A_1337, %mul3A_1422 : i32
        %add3A_1424 = arith.constant 112 : i32
        %add3A_1425 = arith.addi %mul3A_1423, %add3A_1424 : i32
        %get3A_1426 = arith.index_cast %add3A_1425 : i32 to index
        %get3A_1427 = tpu.vector_load %arg6[%get3A_1426] {strides = array<i32>} : memref<10000xi32, #tpu.memory_space<vmem>>, vector<16xi32>,
        %get3A_1428 = vector.shape_cast %get3A_1427 : vector<16xi32> to vector<16xi32>
        %sub3A_1429 = arith.subi %get3A_1428, %min3A_598 : vector<16xi32>
        %swap3A_1430 = arith.constant 112 : index
        %swap3A_1431 = tpu.vector_load %arg7[%swap3A_1430] {strides = array<i32>} : memref<400xi32, #tpu.memory_space<vmem>>, vector<16xi32>,
        %swap3A_1432 = vector.shape_cast %swap3A_1431 : vector<16xi32> to vector<16xi32>
        %swap3A_1433 = vector.shape_cast %sub3A_1429 : vector<16xi32> to vector<16xi32>
        tpu.vector_store %arg7[%swap3A_1430], %swap3A_1433 {strides = array<i32>} : memref<400xi32, #tpu.memory_space<vmem>>, vector<16xi32>,
        %mul3A_1434 = arith.constant 400 : i32
        %mul3A_1435 = arith.muli %add3A_1337, %mul3A_1434 : i32
        %add3A_1436 = arith.constant 128 : i32
        %add3A_1437 = arith.addi %mul3A_1435, %add3A_1436 : i32
        %get3A_1438 = arith.index_cast %add3A_1437 : i32 to index
        %get3A_1439 = tpu.vector_load %arg6[%get3A_1438] {strides = array<i32>} : memref<10000xi32, #tpu.memory_space<vmem>>, vector<16xi32>,
        %get3A_1440 = vector.shape_cast %get3A_1439 : vector<16xi32> to vector<16xi32>
        %sub3A_1441 = arith.subi %get3A_1440, %min3A_598 : vector<16xi32>
        %swap3A_1442 = arith.constant 128 : index
        %swap3A_1443 = tpu.vector_load %arg7[%swap3A_1442] {strides = array<i32>} : memref<400xi32, #tpu.memory_space<vmem>>, vector<16xi32>,
        %swap3A_1444 = vector.shape_cast %swap3A_1443 : vector<16xi32> to vector<16xi32>
        %swap3A_1445 = vector.shape_cast %sub3A_1441 : vector<16xi32> to vector<16xi32>
        tpu.vector_store %arg7[%swap3A_1442], %swap3A_1445 {strides = array<i32>} : memref<400xi32, #tpu.memory_space<vmem>>, vector<16xi32>,
        %mul3A_1446 = arith.constant 400 : i32
        %mul3A_1447 = arith.muli %add3A_1337, %mul3A_1446 : i32
        %add3A_1448 = arith.constant 144 : i32
        %add3A_1449 = arith.addi %mul3A_1447, %add3A_1448 : i32
        %get3A_1450 = arith.index_cast %add3A_1449 : i32 to index
        %get3A_1451 = tpu.vector_load %arg6[%get3A_1450] {strides = array<i32>} : memref<10000xi32, #tpu.memory_space<vmem>>, vector<16xi32>,
        %get3A_1452 = vector.shape_cast %get3A_1451 : vector<16xi32> to vector<16xi32>
        %sub3A_1453 = arith.subi %get3A_1452, %min3A_598 : vector<16xi32>
        %swap3A_1454 = arith.constant 144 : index
        %swap3A_1455 = tpu.vector_load %arg7[%swap3A_1454] {strides = array<i32>} : memref<400xi32, #tpu.memory_space<vmem>>, vector<16xi32>,
        %swap3A_1456 = vector.shape_cast %swap3A_1455 : vector<16xi32> to vector<16xi32>
        %swap3A_1457 = vector.shape_cast %sub3A_1453 : vector<16xi32> to vector<16xi32>
        tpu.vector_store %arg7[%swap3A_1454], %swap3A_1457 {strides = array<i32>} : memref<400xi32, #tpu.memory_space<vmem>>, vector<16xi32>,
        %mul3A_1458 = arith.constant 400 : i32
        %mul3A_1459 = arith.muli %add3A_1337, %mul3A_1458 : i32
        %add3A_1460 = arith.constant 160 : i32
        %add3A_1461 = arith.addi %mul3A_1459, %add3A_1460 : i32
        %get3A_1462 = arith.index_cast %add3A_1461 : i32 to index
        %get3A_1463 = tpu.vector_load %arg6[%get3A_1462] {strides = array<i32>} : memref<10000xi32, #tpu.memory_space<vmem>>, vector<16xi32>,
        %get3A_1464 = vector.shape_cast %get3A_1463 : vector<16xi32> to vector<16xi32>
        %sub3A_1465 = arith.subi %get3A_1464, %min3A_598 : vector<16xi32>
        %swap3A_1466 = arith.constant 160 : index
        %swap3A_1467 = tpu.vector_load %arg7[%swap3A_1466] {strides = array<i32>} : memref<400xi32, #tpu.memory_space<vmem>>, vector<16xi32>,
        %swap3A_1468 = vector.shape_cast %swap3A_1467 : vector<16xi32> to vector<16xi32>
        %swap3A_1469 = vector.shape_cast %sub3A_1465 : vector<16xi32> to vector<16xi32>
        tpu.vector_store %arg7[%swap3A_1466], %swap3A_1469 {strides = array<i32>} : memref<400xi32, #tpu.memory_space<vmem>>, vector<16xi32>,
        %mul3A_1470 = arith.constant 400 : i32
        %mul3A_1471 = arith.muli %add3A_1337, %mul3A_1470 : i32
        %add3A_1472 = arith.constant 176 : i32
        %add3A_1473 = arith.addi %mul3A_1471, %add3A_1472 : i32
        %get3A_1474 = arith.index_cast %add3A_1473 : i32 to index
        %get3A_1475 = tpu.vector_load %arg6[%get3A_1474] {strides = array<i32>} : memref<10000xi32, #tpu.memory_space<vmem>>, vector<16xi32>,
        %get3A_1476 = vector.shape_cast %get3A_1475 : vector<16xi32> to vector<16xi32>
        %sub3A_1477 = arith.subi %get3A_1476, %min3A_598 : vector<16xi32>
        %swap3A_1478 = arith.constant 176 : index
        %swap3A_1479 = tpu.vector_load %arg7[%swap3A_1478] {strides = array<i32>} : memref<400xi32, #tpu.memory_space<vmem>>, vector<16xi32>,
        %swap3A_1480 = vector.shape_cast %swap3A_1479 : vector<16xi32> to vector<16xi32>
        %swap3A_1481 = vector.shape_cast %sub3A_1477 : vector<16xi32> to vector<16xi32>
        tpu.vector_store %arg7[%swap3A_1478], %swap3A_1481 {strides = array<i32>} : memref<400xi32, #tpu.memory_space<vmem>>, vector<16xi32>,
        %mul3A_1482 = arith.constant 400 : i32
        %mul3A_1483 = arith.muli %add3A_1337, %mul3A_1482 : i32
        %add3A_1484 = arith.constant 192 : i32
        %add3A_1485 = arith.addi %mul3A_1483, %add3A_1484 : i32
        %get3A_1486 = arith.index_cast %add3A_1485 : i32 to index
        %get3A_1487 = tpu.vector_load %arg6[%get3A_1486] {strides = array<i32>} : memref<10000xi32, #tpu.memory_space<vmem>>, vector<16xi32>,
        %get3A_1488 = vector.shape_cast %get3A_1487 : vector<16xi32> to vector<16xi32>
        %sub3A_1489 = arith.subi %get3A_1488, %min3A_598 : vector<16xi32>
        %swap3A_1490 = arith.constant 192 : index
        %swap3A_1491 = tpu.vector_load %arg7[%swap3A_1490] {strides = array<i32>} : memref<400xi32, #tpu.memory_space<vmem>>, vector<16xi32>,
        %swap3A_1492 = vector.shape_cast %swap3A_1491 : vector<16xi32> to vector<16xi32>
        %swap3A_1493 = vector.shape_cast %sub3A_1489 : vector<16xi32> to vector<16xi32>
        tpu.vector_store %arg7[%swap3A_1490], %swap3A_1493 {strides = array<i32>} : memref<400xi32, #tpu.memory_space<vmem>>, vector<16xi32>,
        %mul3A_1494 = arith.constant 400 : i32
        %mul3A_1495 = arith.muli %add3A_1337, %mul3A_1494 : i32
        %add3A_1496 = arith.constant 208 : i32
        %add3A_1497 = arith.addi %mul3A_1495, %add3A_1496 : i32
        %get3A_1498 = arith.index_cast %add3A_1497 : i32 to index
        %get3A_1499 = tpu.vector_load %arg6[%get3A_1498] {strides = array<i32>} : memref<10000xi32, #tpu.memory_space<vmem>>, vector<16xi32>,
        %get3A_1500 = vector.shape_cast %get3A_1499 : vector<16xi32> to vector<16xi32>
        %sub3A_1501 = arith.subi %get3A_1500, %min3A_598 : vector<16xi32>
        %swap3A_1502 = arith.constant 208 : index
        %swap3A_1503 = tpu.vector_load %arg7[%swap3A_1502] {strides = array<i32>} : memref<400xi32, #tpu.memory_space<vmem>>, vector<16xi32>,
        %swap3A_1504 = vector.shape_cast %swap3A_1503 : vector<16xi32> to vector<16xi32>
        %swap3A_1505 = vector.shape_cast %sub3A_1501 : vector<16xi32> to vector<16xi32>
        tpu.vector_store %arg7[%swap3A_1502], %swap3A_1505 {strides = array<i32>} : memref<400xi32, #tpu.memory_space<vmem>>, vector<16xi32>,
        %mul3A_1506 = arith.constant 400 : i32
        %mul3A_1507 = arith.muli %add3A_1337, %mul3A_1506 : i32
        %add3A_1508 = arith.constant 224 : i32
        %add3A_1509 = arith.addi %mul3A_1507, %add3A_1508 : i32
        %get3A_1510 = arith.index_cast %add3A_1509 : i32 to index
        %get3A_1511 = tpu.vector_load %arg6[%get3A_1510] {strides = array<i32>} : memref<10000xi32, #tpu.memory_space<vmem>>, vector<16xi32>,
        %get3A_1512 = vector.shape_cast %get3A_1511 : vector<16xi32> to vector<16xi32>
        %sub3A_1513 = arith.subi %get3A_1512, %min3A_598 : vector<16xi32>
        %swap3A_1514 = arith.constant 224 : index
        %swap3A_1515 = tpu.vector_load %arg7[%swap3A_1514] {strides = array<i32>} : memref<400xi32, #tpu.memory_space<vmem>>, vector<16xi32>,
        %swap3A_1516 = vector.shape_cast %swap3A_1515 : vector<16xi32> to vector<16xi32>
        %swap3A_1517 = vector.shape_cast %sub3A_1513 : vector<16xi32> to vector<16xi32>
        tpu.vector_store %arg7[%swap3A_1514], %swap3A_1517 {strides = array<i32>} : memref<400xi32, #tpu.memory_space<vmem>>, vector<16xi32>,
        %mul3A_1518 = arith.constant 400 : i32
        %mul3A_1519 = arith.muli %add3A_1337, %mul3A_1518 : i32
        %add3A_1520 = arith.constant 240 : i32
        %add3A_1521 = arith.addi %mul3A_1519, %add3A_1520 : i32
        %get3A_1522 = arith.index_cast %add3A_1521 : i32 to index
        %get3A_1523 = tpu.vector_load %arg6[%get3A_1522] {strides = array<i32>} : memref<10000xi32, #tpu.memory_space<vmem>>, vector<16xi32>,
        %get3A_1524 = vector.shape_cast %get3A_1523 : vector<16xi32> to vector<16xi32>
        %sub3A_1525 = arith.subi %get3A_1524, %min3A_598 : vector<16xi32>
        %swap3A_1526 = arith.constant 240 : index
        %swap3A_1527 = tpu.vector_load %arg7[%swap3A_1526] {strides = array<i32>} : memref<400xi32, #tpu.memory_space<vmem>>, vector<16xi32>,
        %swap3A_1528 = vector.shape_cast %swap3A_1527 : vector<16xi32> to vector<16xi32>
        %swap3A_1529 = vector.shape_cast %sub3A_1525 : vector<16xi32> to vector<16xi32>
        tpu.vector_store %arg7[%swap3A_1526], %swap3A_1529 {strides = array<i32>} : memref<400xi32, #tpu.memory_space<vmem>>, vector<16xi32>,
        %mul3A_1530 = arith.constant 400 : i32
        %mul3A_1531 = arith.muli %add3A_1337, %mul3A_1530 : i32
        %add3A_1532 = arith.constant 256 : i32
        %add3A_1533 = arith.addi %mul3A_1531, %add3A_1532 : i32
        %get3A_1534 = arith.index_cast %add3A_1533 : i32 to index
        %get3A_1535 = tpu.vector_load %arg6[%get3A_1534] {strides = array<i32>} : memref<10000xi32, #tpu.memory_space<vmem>>, vector<16xi32>,
        %get3A_1536 = vector.shape_cast %get3A_1535 : vector<16xi32> to vector<16xi32>
        %sub3A_1537 = arith.subi %get3A_1536, %min3A_598 : vector<16xi32>
        %swap3A_1538 = arith.constant 256 : index
        %swap3A_1539 = tpu.vector_load %arg7[%swap3A_1538] {strides = array<i32>} : memref<400xi32, #tpu.memory_space<vmem>>, vector<16xi32>,
        %swap3A_1540 = vector.shape_cast %swap3A_1539 : vector<16xi32> to vector<16xi32>
        %swap3A_1541 = vector.shape_cast %sub3A_1537 : vector<16xi32> to vector<16xi32>
        tpu.vector_store %arg7[%swap3A_1538], %swap3A_1541 {strides = array<i32>} : memref<400xi32, #tpu.memory_space<vmem>>, vector<16xi32>,
        %mul3A_1542 = arith.constant 400 : i32
        %mul3A_1543 = arith.muli %add3A_1337, %mul3A_1542 : i32
        %add3A_1544 = arith.constant 272 : i32
        %add3A_1545 = arith.addi %mul3A_1543, %add3A_1544 : i32
        %get3A_1546 = arith.index_cast %add3A_1545 : i32 to index
        %get3A_1547 = tpu.vector_load %arg6[%get3A_1546] {strides = array<i32>} : memref<10000xi32, #tpu.memory_space<vmem>>, vector<16xi32>,
        %get3A_1548 = vector.shape_cast %get3A_1547 : vector<16xi32> to vector<16xi32>
        %sub3A_1549 = arith.subi %get3A_1548, %min3A_598 : vector<16xi32>
        %swap3A_1550 = arith.constant 272 : index
        %swap3A_1551 = tpu.vector_load %arg7[%swap3A_1550] {strides = array<i32>} : memref<400xi32, #tpu.memory_space<vmem>>, vector<16xi32>,
        %swap3A_1552 = vector.shape_cast %swap3A_1551 : vector<16xi32> to vector<16xi32>
        %swap3A_1553 = vector.shape_cast %sub3A_1549 : vector<16xi32> to vector<16xi32>
        tpu.vector_store %arg7[%swap3A_1550], %swap3A_1553 {strides = array<i32>} : memref<400xi32, #tpu.memory_space<vmem>>, vector<16xi32>,
        %mul3A_1554 = arith.constant 400 : i32
        %mul3A_1555 = arith.muli %add3A_1337, %mul3A_1554 : i32
        %add3A_1556 = arith.constant 288 : i32
        %add3A_1557 = arith.addi %mul3A_1555, %add3A_1556 : i32
        %get3A_1558 = arith.index_cast %add3A_1557 : i32 to index
        %get3A_1559 = tpu.vector_load %arg6[%get3A_1558] {strides = array<i32>} : memref<10000xi32, #tpu.memory_space<vmem>>, vector<16xi32>,
        %get3A_1560 = vector.shape_cast %get3A_1559 : vector<16xi32> to vector<16xi32>
        %sub3A_1561 = arith.subi %get3A_1560, %min3A_598 : vector<16xi32>
        %swap3A_1562 = arith.constant 288 : index
        %swap3A_1563 = tpu.vector_load %arg7[%swap3A_1562] {strides = array<i32>} : memref<400xi32, #tpu.memory_space<vmem>>, vector<16xi32>,
        %swap3A_1564 = vector.shape_cast %swap3A_1563 : vector<16xi32> to vector<16xi32>
        %swap3A_1565 = vector.shape_cast %sub3A_1561 : vector<16xi32> to vector<16xi32>
        tpu.vector_store %arg7[%swap3A_1562], %swap3A_1565 {strides = array<i32>} : memref<400xi32, #tpu.memory_space<vmem>>, vector<16xi32>,
        %mul3A_1566 = arith.constant 400 : i32
        %mul3A_1567 = arith.muli %add3A_1337, %mul3A_1566 : i32
        %add3A_1568 = arith.constant 304 : i32
        %add3A_1569 = arith.addi %mul3A_1567, %add3A_1568 : i32
        %get3A_1570 = arith.index_cast %add3A_1569 : i32 to index
        %get3A_1571 = tpu.vector_load %arg6[%get3A_1570] {strides = array<i32>} : memref<10000xi32, #tpu.memory_space<vmem>>, vector<16xi32>,
        %get3A_1572 = vector.shape_cast %get3A_1571 : vector<16xi32> to vector<16xi32>
        %sub3A_1573 = arith.subi %get3A_1572, %min3A_598 : vector<16xi32>
        %swap3A_1574 = arith.constant 304 : index
        %swap3A_1575 = tpu.vector_load %arg7[%swap3A_1574] {strides = array<i32>} : memref<400xi32, #tpu.memory_space<vmem>>, vector<16xi32>,
        %swap3A_1576 = vector.shape_cast %swap3A_1575 : vector<16xi32> to vector<16xi32>
        %swap3A_1577 = vector.shape_cast %sub3A_1573 : vector<16xi32> to vector<16xi32>
        tpu.vector_store %arg7[%swap3A_1574], %swap3A_1577 {strides = array<i32>} : memref<400xi32, #tpu.memory_space<vmem>>, vector<16xi32>,
        %mul3A_1578 = arith.constant 400 : i32
        %mul3A_1579 = arith.muli %add3A_1337, %mul3A_1578 : i32
        %add3A_1580 = arith.constant 320 : i32
        %add3A_1581 = arith.addi %mul3A_1579, %add3A_1580 : i32
        %get3A_1582 = arith.index_cast %add3A_1581 : i32 to index
        %get3A_1583 = tpu.vector_load %arg6[%get3A_1582] {strides = array<i32>} : memref<10000xi32, #tpu.memory_space<vmem>>, vector<16xi32>,
        %get3A_1584 = vector.shape_cast %get3A_1583 : vector<16xi32> to vector<16xi32>
        %sub3A_1585 = arith.subi %get3A_1584, %min3A_598 : vector<16xi32>
        %swap3A_1586 = arith.constant 320 : index
        %swap3A_1587 = tpu.vector_load %arg7[%swap3A_1586] {strides = array<i32>} : memref<400xi32, #tpu.memory_space<vmem>>, vector<16xi32>,
        %swap3A_1588 = vector.shape_cast %swap3A_1587 : vector<16xi32> to vector<16xi32>
        %swap3A_1589 = vector.shape_cast %sub3A_1585 : vector<16xi32> to vector<16xi32>
        tpu.vector_store %arg7[%swap3A_1586], %swap3A_1589 {strides = array<i32>} : memref<400xi32, #tpu.memory_space<vmem>>, vector<16xi32>,
        %mul3A_1590 = arith.constant 400 : i32
        %mul3A_1591 = arith.muli %add3A_1337, %mul3A_1590 : i32
        %add3A_1592 = arith.constant 336 : i32
        %add3A_1593 = arith.addi %mul3A_1591, %add3A_1592 : i32
        %get3A_1594 = arith.index_cast %add3A_1593 : i32 to index
        %get3A_1595 = tpu.vector_load %arg6[%get3A_1594] {strides = array<i32>} : memref<10000xi32, #tpu.memory_space<vmem>>, vector<16xi32>,
        %get3A_1596 = vector.shape_cast %get3A_1595 : vector<16xi32> to vector<16xi32>
        %sub3A_1597 = arith.subi %get3A_1596, %min3A_598 : vector<16xi32>
        %swap3A_1598 = arith.constant 336 : index
        %swap3A_1599 = tpu.vector_load %arg7[%swap3A_1598] {strides = array<i32>} : memref<400xi32, #tpu.memory_space<vmem>>, vector<16xi32>,
        %swap3A_1600 = vector.shape_cast %swap3A_1599 : vector<16xi32> to vector<16xi32>
        %swap3A_1601 = vector.shape_cast %sub3A_1597 : vector<16xi32> to vector<16xi32>
        tpu.vector_store %arg7[%swap3A_1598], %swap3A_1601 {strides = array<i32>} : memref<400xi32, #tpu.memory_space<vmem>>, vector<16xi32>,
        %mul3A_1602 = arith.constant 400 : i32
        %mul3A_1603 = arith.muli %add3A_1337, %mul3A_1602 : i32
        %add3A_1604 = arith.constant 352 : i32
        %add3A_1605 = arith.addi %mul3A_1603, %add3A_1604 : i32
        %get3A_1606 = arith.index_cast %add3A_1605 : i32 to index
        %get3A_1607 = tpu.vector_load %arg6[%get3A_1606] {strides = array<i32>} : memref<10000xi32, #tpu.memory_space<vmem>>, vector<16xi32>,
        %get3A_1608 = vector.shape_cast %get3A_1607 : vector<16xi32> to vector<16xi32>
        %sub3A_1609 = arith.subi %get3A_1608, %min3A_598 : vector<16xi32>
        %swap3A_1610 = arith.constant 352 : index
        %swap3A_1611 = tpu.vector_load %arg7[%swap3A_1610] {strides = array<i32>} : memref<400xi32, #tpu.memory_space<vmem>>, vector<16xi32>,
        %swap3A_1612 = vector.shape_cast %swap3A_1611 : vector<16xi32> to vector<16xi32>
        %swap3A_1613 = vector.shape_cast %sub3A_1609 : vector<16xi32> to vector<16xi32>
        tpu.vector_store %arg7[%swap3A_1610], %swap3A_1613 {strides = array<i32>} : memref<400xi32, #tpu.memory_space<vmem>>, vector<16xi32>,
        %mul3A_1614 = arith.constant 400 : i32
        %mul3A_1615 = arith.muli %add3A_1337, %mul3A_1614 : i32
        %add3A_1616 = arith.constant 368 : i32
        %add3A_1617 = arith.addi %mul3A_1615, %add3A_1616 : i32
        %get3A_1618 = arith.index_cast %add3A_1617 : i32 to index
        %get3A_1619 = tpu.vector_load %arg6[%get3A_1618] {strides = array<i32>} : memref<10000xi32, #tpu.memory_space<vmem>>, vector<16xi32>,
        %get3A_1620 = vector.shape_cast %get3A_1619 : vector<16xi32> to vector<16xi32>
        %sub3A_1621 = arith.subi %get3A_1620, %min3A_598 : vector<16xi32>
        %swap3A_1622 = arith.constant 368 : index
        %swap3A_1623 = tpu.vector_load %arg7[%swap3A_1622] {strides = array<i32>} : memref<400xi32, #tpu.memory_space<vmem>>, vector<16xi32>,
        %swap3A_1624 = vector.shape_cast %swap3A_1623 : vector<16xi32> to vector<16xi32>
        %swap3A_1625 = vector.shape_cast %sub3A_1621 : vector<16xi32> to vector<16xi32>
        tpu.vector_store %arg7[%swap3A_1622], %swap3A_1625 {strides = array<i32>} : memref<400xi32, #tpu.memory_space<vmem>>, vector<16xi32>,
        %mul3A_1626 = arith.constant 400 : i32
        %mul3A_1627 = arith.muli %add3A_1337, %mul3A_1626 : i32
        %add3A_1628 = arith.constant 384 : i32
        %add3A_1629 = arith.addi %mul3A_1627, %add3A_1628 : i32
        %get3A_1630 = arith.index_cast %add3A_1629 : i32 to index
        %get3A_1631 = tpu.vector_load %arg6[%get3A_1630] {strides = array<i32>} : memref<10000xi32, #tpu.memory_space<vmem>>, vector<16xi32>,
        %get3A_1632 = vector.shape_cast %get3A_1631 : vector<16xi32> to vector<16xi32>
        %sub3A_1633 = arith.subi %get3A_1632, %min3A_598 : vector<16xi32>
        %swap3A_1634 = arith.constant 384 : index
        %swap3A_1635 = tpu.vector_load %arg7[%swap3A_1634] {strides = array<i32>} : memref<400xi32, #tpu.memory_space<vmem>>, vector<16xi32>,
        %swap3A_1636 = vector.shape_cast %swap3A_1635 : vector<16xi32> to vector<16xi32>
        %swap3A_1637 = vector.shape_cast %sub3A_1633 : vector<16xi32> to vector<16xi32>
        tpu.vector_store %arg7[%swap3A_1634], %swap3A_1637 {strides = array<i32>} : memref<400xi32, #tpu.memory_space<vmem>>, vector<16xi32>,
        %add3A_1638 = arith.constant 1 : i32
        %add3A_1639 = arith.addi %sub3A_1125, %add3A_1638 : i32
        %mul3A_1640 = arith.constant 400 : i32
        %mul3A_1641 = arith.muli %add3A_1639, %mul3A_1640 : i32
        %add3A_1642 = arith.addi %mul3A_561, %mul3A_1641 : i32
        %dma_start3A_1643 = arith.constant 0 : i32
        %dma_start3A_1644 = tpu.memref_slice %arg2[%add3A_1642, %dma_start3A_1643] : memref<640000x64xf32, #tpu.memory_space<hbm>> -> memref<400x64xf32, #tpu.memory_space<hbm>>
        %dma_start3A_1645 = arith.constant 0 : i32
        %dma_start3A_1646 = tpu.memref_slice %arg2[%add3A_1642, %dma_start3A_1645] : memref<640000x64xf32, #tpu.memory_space<hbm>> -> memref<400x64xf32, #tpu.memory_space<hbm>>
        tpu.enqueue_dma source(%dma_start3A_1646 : memref<400x64xf32, #tpu.memory_space<hbm>>) target(%arg9 : memref<400x64xf32, #tpu.memory_space<vmem>>) target_semaphore(%arg12 : memref<!tpu.dma_semaphore, #tpu.memory_space<semaphore_mem>>)
      } else {
      }
      %dma_wait3A_1179 = arith.constant 0 : i32
      %dma_wait3A_1180 = arith.constant 0 : i32
      %dma_wait3A_1181 = tpu.memref_slice %arg10[%dma_wait3A_1179, %dma_wait3A_1180] : memref<400x64xf32, #tpu.memory_space<vmem>> -> memref<80x64xf32, #tpu.memory_space<vmem>>
      %dma_wait3A_1182 = arith.constant 0 : i32
      %dma_wait3A_1183 = tpu.memref_slice %arg8[%dma_wait3A_1182] : memref<400xi32, #tpu.memory_space<vmem>> -> memref<80xi32, #tpu.memory_space<vmem>>
      %dma_wait3A_1184 = arith.constant 0 : i32
      %dma_wait3A_1185 = arith.constant 0 : i32
      %dma_wait3A_1186 = tpu.memref_slice %arg11[%dma_wait3A_1184, %dma_wait3A_1185] : memref<5000x64xf32, #tpu.memory_space<vmem_shared>> -> memref<5000x64xf32, #tpu.memory_space<vmem_shared>>
      tpu.wait_indirect_dma semaphore(%arg16 : memref<!tpu.dma_semaphore, #tpu.memory_space<semaphore_mem>>) src(%dma_wait3A_1186 : memref<5000x64xf32, #tpu.memory_space<vmem_shared>>) dst(%dma_wait3A_1181 : memref<80x64xf32, #tpu.memory_space<vmem>>)
      %dma_wait3A_1187 = arith.constant 80 : i32
      %dma_wait3A_1188 = arith.constant 0 : i32
      %dma_wait3A_1189 = tpu.memref_slice %arg10[%dma_wait3A_1187, %dma_wait3A_1188] : memref<400x64xf32, #tpu.memory_space<vmem>> -> memref<80x64xf32, #tpu.memory_space<vmem>>
      %dma_wait3A_1190 = arith.constant 80 : i32
      %dma_wait3A_1191 = tpu.memref_slice %arg8[%dma_wait3A_1190] : memref<400xi32, #tpu.memory_space<vmem>> -> memref<80xi32, #tpu.memory_space<vmem>>
      %dma_wait3A_1192 = arith.constant 0 : i32
      %dma_wait3A_1193 = arith.constant 0 : i32
      %dma_wait3A_1194 = tpu.memref_slice %arg11[%dma_wait3A_1192, %dma_wait3A_1193] : memref<5000x64xf32, #tpu.memory_space<vmem_shared>> -> memref<5000x64xf32, #tpu.memory_space<vmem_shared>>
      tpu.wait_indirect_dma semaphore(%arg16 : memref<!tpu.dma_semaphore, #tpu.memory_space<semaphore_mem>>) src(%dma_wait3A_1194 : memref<5000x64xf32, #tpu.memory_space<vmem_shared>>) dst(%dma_wait3A_1189 : memref<80x64xf32, #tpu.memory_space<vmem>>)
      %dma_wait3A_1195 = arith.constant 160 : i32
      %dma_wait3A_1196 = arith.constant 0 : i32
      %dma_wait3A_1197 = tpu.memref_slice %arg10[%dma_wait3A_1195, %dma_wait3A_1196] : memref<400x64xf32, #tpu.memory_space<vmem>> -> memref<80x64xf32, #tpu.memory_space<vmem>>
      %dma_wait3A_1198 = arith.constant 160 : i32
      %dma_wait3A_1199 = tpu.memref_slice %arg8[%dma_wait3A_1198] : memref<400xi32, #tpu.memory_space<vmem>> -> memref<80xi32, #tpu.memory_space<vmem>>
      %dma_wait3A_1200 = arith.constant 0 : i32
      %dma_wait3A_1201 = arith.constant 0 : i32
      %dma_wait3A_1202 = tpu.memref_slice %arg11[%dma_wait3A_1200, %dma_wait3A_1201] : memref<5000x64xf32, #tpu.memory_space<vmem_shared>> -> memref<5000x64xf32, #tpu.memory_space<vmem_shared>>
      tpu.wait_indirect_dma semaphore(%arg16 : memref<!tpu.dma_semaphore, #tpu.memory_space<semaphore_mem>>) src(%dma_wait3A_1202 : memref<5000x64xf32, #tpu.memory_space<vmem_shared>>) dst(%dma_wait3A_1197 : memref<80x64xf32, #tpu.memory_space<vmem>>)
      %dma_wait3A_1203 = arith.constant 240 : i32
      %dma_wait3A_1204 = arith.constant 0 : i32
      %dma_wait3A_1205 = tpu.memref_slice %arg10[%dma_wait3A_1203, %dma_wait3A_1204] : memref<400x64xf32, #tpu.memory_space<vmem>> -> memref<80x64xf32, #tpu.memory_space<vmem>>
      %dma_wait3A_1206 = arith.constant 240 : i32
      %dma_wait3A_1207 = tpu.memref_slice %arg8[%dma_wait3A_1206] : memref<400xi32, #tpu.memory_space<vmem>> -> memref<80xi32, #tpu.memory_space<vmem>>
      %dma_wait3A_1208 = arith.constant 0 : i32
      %dma_wait3A_1209 = arith.constant 0 : i32
      %dma_wait3A_1210 = tpu.memref_slice %arg11[%dma_wait3A_1208, %dma_wait3A_1209] : memref<5000x64xf32, #tpu.memory_space<vmem_shared>> -> memref<5000x64xf32, #tpu.memory_space<vmem_shared>>
      tpu.wait_indirect_dma semaphore(%arg16 : memref<!tpu.dma_semaphore, #tpu.memory_space<semaphore_mem>>) src(%dma_wait3A_1210 : memref<5000x64xf32, #tpu.memory_space<vmem_shared>>) dst(%dma_wait3A_1205 : memref<80x64xf32, #tpu.memory_space<vmem>>)
      %dma_wait3A_1211 = arith.constant 320 : i32
      %dma_wait3A_1212 = arith.constant 0 : i32
      %dma_wait3A_1213 = tpu.memref_slice %arg10[%dma_wait3A_1211, %dma_wait3A_1212] : memref<400x64xf32, #tpu.memory_space<vmem>> -> memref<80x64xf32, #tpu.memory_space<vmem>>
      %dma_wait3A_1214 = arith.constant 320 : i32
      %dma_wait3A_1215 = tpu.memref_slice %arg8[%dma_wait3A_1214] : memref<400xi32, #tpu.memory_space<vmem>> -> memref<80xi32, #tpu.memory_space<vmem>>
      %dma_wait3A_1216 = arith.constant 0 : i32
      %dma_wait3A_1217 = arith.constant 0 : i32
      %dma_wait3A_1218 = tpu.memref_slice %arg11[%dma_wait3A_1216, %dma_wait3A_1217] : memref<5000x64xf32, #tpu.memory_space<vmem_shared>> -> memref<5000x64xf32, #tpu.memory_space<vmem_shared>>
      tpu.wait_indirect_dma semaphore(%arg16 : memref<!tpu.dma_semaphore, #tpu.memory_space<semaphore_mem>>) src(%dma_wait3A_1218 : memref<5000x64xf32, #tpu.memory_space<vmem_shared>>) dst(%dma_wait3A_1213 : memref<80x64xf32, #tpu.memory_space<vmem>>)
      %mul3A_1219 = arith.constant 400 : i32
      %mul3A_1220 = arith.muli %sub3A_1125, %mul3A_1219 : i32
      %add3A_1221 = arith.addi %mul3A_561, %mul3A_1220 : i32
      %dma_start3A_1222 = arith.constant 0 : i32
      %dma_start3A_1223 = tpu.memref_slice %arg5[%add3A_1221, %dma_start3A_1222] : memref<640000x64xf32, #tpu.memory_space<hbm>> -> memref<400x64xf32, #tpu.memory_space<hbm>>
      %dma_start3A_1224 = arith.constant 0 : i32
      %dma_start3A_1225 = tpu.memref_slice %arg5[%add3A_1221, %dma_start3A_1224] : memref<640000x64xf32, #tpu.memory_space<hbm>> -> memref<400x64xf32, #tpu.memory_space<hbm>>
      tpu.enqueue_dma source(%arg10 : memref<400x64xf32, #tpu.memory_space<vmem>>) target(%dma_start3A_1225 : memref<400x64xf32, #tpu.memory_space<hbm>>) target_semaphore(%arg15 : memref<!tpu.dma_semaphore, #tpu.memory_space<semaphore_mem>>)
      %mul3A_1226 = arith.constant 2 : i32
      %mul3A_1227 = arith.muli %mul3A_1226, %scan3A_1121 : i32
      %mul3A_1228 = arith.constant 400 : i32
      %mul3A_1229 = arith.muli %mul3A_1227, %mul3A_1228 : i32
      %add3A_1230 = arith.addi %mul3A_561, %mul3A_1229 : i32
      %dma_wait3A_1231 = arith.constant 0 : i32
      %dma_wait3A_1232 = tpu.memref_slice %arg2[%add3A_1230, %dma_wait3A_1231] : memref<640000x64xf32, #tpu.memory_space<hbm>> -> memref<400x64xf32, #tpu.memory_space<hbm>>
      %dma_wait3A_1233 = arith.constant 0 : i32
      %dma_wait3A_1234 = tpu.memref_slice %arg2[%add3A_1230, %dma_wait3A_1233] : memref<640000x64xf32, #tpu.memory_space<hbm>> -> memref<400x64xf32, #tpu.memory_space<hbm>>
      tpu.wait_dma2 semaphore(%arg12 : memref<!tpu.dma_semaphore, #tpu.memory_space<semaphore_mem>>) src(%dma_wait3A_1234 : memref<400x64xf32, #tpu.memory_space<hbm>>) dst(%arg9 : memref<400x64xf32, #tpu.memory_space<vmem>>)
      %dma_start3A_1235 = arith.constant 0 : i32
      %dma_start3A_1236 = arith.constant 0 : i32
      %dma_start3A_1237 = tpu.memref_slice %arg9[%dma_start3A_1235, %dma_start3A_1236] : memref<400x64xf32, #tpu.memory_space<vmem>> -> memref<80x64xf32, #tpu.memory_space<vmem>>
      %dma_start3A_1238 = arith.constant 0 : i32
      %dma_start3A_1239 = tpu.memref_slice %arg7[%dma_start3A_1238] : memref<400xi32, #tpu.memory_space<vmem>> -> memref<80xi32, #tpu.memory_space<vmem>>
      %dma_start3A_1240 = arith.constant 0 : i32
      %dma_start3A_1241 = arith.constant 0 : i32
      %dma_start3A_1242 = tpu.memref_slice %arg11[%dma_start3A_1240, %dma_start3A_1241] : memref<5000x64xf32, #tpu.memory_space<vmem_shared>> -> memref<5000x64xf32, #tpu.memory_space<vmem_shared>>
      tpu.enqueue_indirect_dma source(%dma_start3A_1242 : memref<5000x64xf32, #tpu.memory_space<vmem_shared>>) target(%dma_start3A_1237 : memref<80x64xf32, #tpu.memory_space<vmem>>) offsets(%dma_start3A_1239 : memref<80xi32, #tpu.memory_space<vmem>>) semaphore(%arg16 : memref<!tpu.dma_semaphore, #tpu.memory_space<semaphore_mem>>) {add = true}
      %dma_start3A_1243 = arith.constant 80 : i32
      %dma_start3A_1244 = arith.constant 0 : i32
      %dma_start3A_1245 = tpu.memref_slice %arg9[%dma_start3A_1243, %dma_start3A_1244] : memref<400x64xf32, #tpu.memory_space<vmem>> -> memref<80x64xf32, #tpu.memory_space<vmem>>
      %dma_start3A_1246 = arith.constant 80 : i32
      %dma_start3A_1247 = tpu.memref_slice %arg7[%dma_start3A_1246] : memref<400xi32, #tpu.memory_space<vmem>> -> memref<80xi32, #tpu.memory_space<vmem>>
      %dma_start3A_1248 = arith.constant 0 : i32
      %dma_start3A_1249 = arith.constant 0 : i32
      %dma_start3A_1250 = tpu.memref_slice %arg11[%dma_start3A_1248, %dma_start3A_1249] : memref<5000x64xf32, #tpu.memory_space<vmem_shared>> -> memref<5000x64xf32, #tpu.memory_space<vmem_shared>>
      tpu.enqueue_indirect_dma source(%dma_start3A_1250 : memref<5000x64xf32, #tpu.memory_space<vmem_shared>>) target(%dma_start3A_1245 : memref<80x64xf32, #tpu.memory_space<vmem>>) offsets(%dma_start3A_1247 : memref<80xi32, #tpu.memory_space<vmem>>) semaphore(%arg16 : memref<!tpu.dma_semaphore, #tpu.memory_space<semaphore_mem>>) {add = true}
      %dma_start3A_1251 = arith.constant 160 : i32
      %dma_start3A_1252 = arith.constant 0 : i32
      %dma_start3A_1253 = tpu.memref_slice %arg9[%dma_start3A_1251, %dma_start3A_1252] : memref<400x64xf32, #tpu.memory_space<vmem>> -> memref<80x64xf32, #tpu.memory_space<vmem>>
      %dma_start3A_1254 = arith.constant 160 : i32
      %dma_start3A_1255 = tpu.memref_slice %arg7[%dma_start3A_1254] : memref<400xi32, #tpu.memory_space<vmem>> -> memref<80xi32, #tpu.memory_space<vmem>>
      %dma_start3A_1256 = arith.constant 0 : i32
      %dma_start3A_1257 = arith.constant 0 : i32
      %dma_start3A_1258 = tpu.memref_slice %arg11[%dma_start3A_1256, %dma_start3A_1257] : memref<5000x64xf32, #tpu.memory_space<vmem_shared>> -> memref<5000x64xf32, #tpu.memory_space<vmem_shared>>
      tpu.enqueue_indirect_dma source(%dma_start3A_1258 : memref<5000x64xf32, #tpu.memory_space<vmem_shared>>) target(%dma_start3A_1253 : memref<80x64xf32, #tpu.memory_space<vmem>>) offsets(%dma_start3A_1255 : memref<80xi32, #tpu.memory_space<vmem>>) semaphore(%arg16 : memref<!tpu.dma_semaphore, #tpu.memory_space<semaphore_mem>>) {add = true}
      %dma_start3A_1259 = arith.constant 240 : i32
      %dma_start3A_1260 = arith.constant 0 : i32
      %dma_start3A_1261 = tpu.memref_slice %arg9[%dma_start3A_1259, %dma_start3A_1260] : memref<400x64xf32, #tpu.memory_space<vmem>> -> memref<80x64xf32, #tpu.memory_space<vmem>>
      %dma_start3A_1262 = arith.constant 240 : i32
      %dma_start3A_1263 = tpu.memref_slice %arg7[%dma_start3A_1262] : memref<400xi32, #tpu.memory_space<vmem>> -> memref<80xi32, #tpu.memory_space<vmem>>
      %dma_start3A_1264 = arith.constant 0 : i32
      %dma_start3A_1265 = arith.constant 0 : i32
      %dma_start3A_1266 = tpu.memref_slice %arg11[%dma_start3A_1264, %dma_start3A_1265] : memref<5000x64xf32, #tpu.memory_space<vmem_shared>> -> memref<5000x64xf32, #tpu.memory_space<vmem_shared>>
      tpu.enqueue_indirect_dma source(%dma_start3A_1266 : memref<5000x64xf32, #tpu.memory_space<vmem_shared>>) target(%dma_start3A_1261 : memref<80x64xf32, #tpu.memory_space<vmem>>) offsets(%dma_start3A_1263 : memref<80xi32, #tpu.memory_space<vmem>>) semaphore(%arg16 : memref<!tpu.dma_semaphore, #tpu.memory_space<semaphore_mem>>) {add = true}
      %dma_start3A_1267 = arith.constant 320 : i32
      %dma_start3A_1268 = arith.constant 0 : i32
      %dma_start3A_1269 = tpu.memref_slice %arg9[%dma_start3A_1267, %dma_start3A_1268] : memref<400x64xf32, #tpu.memory_space<vmem>> -> memref<80x64xf32, #tpu.memory_space<vmem>>
      %dma_start3A_1270 = arith.constant 320 : i32
      %dma_start3A_1271 = tpu.memref_slice %arg7[%dma_start3A_1270] : memref<400xi32, #tpu.memory_space<vmem>> -> memref<80xi32, #tpu.memory_space<vmem>>
      %dma_start3A_1272 = arith.constant 0 : i32
      %dma_start3A_1273 = arith.constant 0 : i32
      %dma_start3A_1274 = tpu.memref_slice %arg11[%dma_start3A_1272, %dma_start3A_1273] : memref<5000x64xf32, #tpu.memory_space<vmem_shared>> -> memref<5000x64xf32, #tpu.memory_space<vmem_shared>>
      tpu.enqueue_indirect_dma source(%dma_start3A_1274 : memref<5000x64xf32, #tpu.memory_space<vmem_shared>>) target(%dma_start3A_1269 : memref<80x64xf32, #tpu.memory_space<vmem>>) offsets(%dma_start3A_1271 : memref<80xi32, #tpu.memory_space<vmem>>) semaphore(%arg16 : memref<!tpu.dma_semaphore, #tpu.memory_space<semaphore_mem>>) {add = true}
      %add3A_1275 = arith.constant 1 : i32
      %add3A_1276 = arith.addi %mul3A_1227, %add3A_1275 : i32
      %lt3A_1277 = arith.constant 25 : i32
      %lt3A_1278 = arith.cmpi slt, %add3A_1276, %lt3A_1277 : i32
      %convert_element_type3A_1279 = arith.extui %lt3A_1278 : i1 to i32
      %cond3A_1280 = arith.constant 0 : i32
      %cond3A_1281 = arith.cmpi ne, %convert_element_type3A_1279, %cond3A_1280 : i32
      scf.if %cond3A_1281 {
        %mul3A_1329 = arith.constant 400 : i32
        %mul3A_1330 = arith.muli %mul3A_1227, %mul3A_1329 : i32
        %add3A_1331 = arith.addi %mul3A_561, %mul3A_1330 : i32
        %dma_wait3A_1332 = arith.constant 0 : i32
        %dma_wait3A_1333 = tpu.memref_slice %arg5[%add3A_1331, %dma_wait3A_1332] : memref<640000x64xf32, #tpu.memory_space<hbm>> -> memref<400x64xf32, #tpu.memory_space<hbm>>
        %dma_wait3A_1334 = arith.constant 0 : i32
        %dma_wait3A_1335 = tpu.memref_slice %arg5[%add3A_1331, %dma_wait3A_1334] : memref<640000x64xf32, #tpu.memory_space<hbm>> -> memref<400x64xf32, #tpu.memory_space<hbm>>
        tpu.wait_dma2 semaphore(%arg15 : memref<!tpu.dma_semaphore, #tpu.memory_space<semaphore_mem>>) src(%arg10 : memref<400x64xf32, #tpu.memory_space<vmem>>) dst(%dma_wait3A_1335 : memref<400x64xf32, #tpu.memory_space<hbm>>)
        %add3A_1336 = arith.constant 1 : i32
        %add3A_1337 = arith.addi %mul3A_1227, %add3A_1336 : i32
        %mul3A_1338 = arith.constant 400 : i32
        %mul3A_1339 = arith.muli %add3A_1337, %mul3A_1338 : i32
        %add3A_1340 = arith.constant 0 : i32
        %add3A_1341 = arith.addi %mul3A_1339, %add3A_1340 : i32
        %get3A_1342 = arith.index_cast %add3A_1341 : i32 to index
        %get3A_1343 = tpu.vector_load %arg6[%get3A_1342] {strides = array<i32>} : memref<10000xi32, #tpu.memory_space<vmem>>, vector<16xi32>,
        %get3A_1344 = vector.shape_cast %get3A_1343 : vector<16xi32> to vector<16xi32>
        %sub3A_1345 = arith.subi %get3A_1344, %min3A_598 : vector<16xi32>
        %swap3A_1346 = arith.constant 0 : index
        %swap3A_1347 = tpu.vector_load %arg8[%swap3A_1346] {strides = array<i32>} : memref<400xi32, #tpu.memory_space<vmem>>, vector<16xi32>,
        %swap3A_1348 = vector.shape_cast %swap3A_1347 : vector<16xi32> to vector<16xi32>
        %swap3A_1349 = vector.shape_cast %sub3A_1345 : vector<16xi32> to vector<16xi32>
        tpu.vector_store %arg8[%swap3A_1346], %swap3A_1349 {strides = array<i32>} : memref<400xi32, #tpu.memory_space<vmem>>, vector<16xi32>,
        %mul3A_1350 = arith.constant 400 : i32
        %mul3A_1351 = arith.muli %add3A_1337, %mul3A_1350 : i32
        %add3A_1352 = arith.constant 16 : i32
        %add3A_1353 = arith.addi %mul3A_1351, %add3A_1352 : i32
        %get3A_1354 = arith.index_cast %add3A_1353 : i32 to index
        %get3A_1355 = tpu.vector_load %arg6[%get3A_1354] {strides = array<i32>} : memref<10000xi32, #tpu.memory_space<vmem>>, vector<16xi32>,
        %get3A_1356 = vector.shape_cast %get3A_1355 : vector<16xi32> to vector<16xi32>
        %sub3A_1357 = arith.subi %get3A_1356, %min3A_598 : vector<16xi32>
        %swap3A_1358 = arith.constant 16 : index
        %swap3A_1359 = tpu.vector_load %arg8[%swap3A_1358] {strides = array<i32>} : memref<400xi32, #tpu.memory_space<vmem>>, vector<16xi32>,
        %swap3A_1360 = vector.shape_cast %swap3A_1359 : vector<16xi32> to vector<16xi32>
        %swap3A_1361 = vector.shape_cast %sub3A_1357 : vector<16xi32> to vector<16xi32>
        tpu.vector_store %arg8[%swap3A_1358], %swap3A_1361 {strides = array<i32>} : memref<400xi32, #tpu.memory_space<vmem>>, vector<16xi32>,
        %mul3A_1362 = arith.constant 400 : i32
        %mul3A_1363 = arith.muli %add3A_1337, %mul3A_1362 : i32
        %add3A_1364 = arith.constant 32 : i32
        %add3A_1365 = arith.addi %mul3A_1363, %add3A_1364 : i32
        %get3A_1366 = arith.index_cast %add3A_1365 : i32 to index
        %get3A_1367 = tpu.vector_load %arg6[%get3A_1366] {strides = array<i32>} : memref<10000xi32, #tpu.memory_space<vmem>>, vector<16xi32>,
        %get3A_1368 = vector.shape_cast %get3A_1367 : vector<16xi32> to vector<16xi32>
        %sub3A_1369 = arith.subi %get3A_1368, %min3A_598 : vector<16xi32>
        %swap3A_1370 = arith.constant 32 : index
        %swap3A_1371 = tpu.vector_load %arg8[%swap3A_1370] {strides = array<i32>} : memref<400xi32, #tpu.memory_space<vmem>>, vector<16xi32>,
        %swap3A_1372 = vector.shape_cast %swap3A_1371 : vector<16xi32> to vector<16xi32>
        %swap3A_1373 = vector.shape_cast %sub3A_1369 : vector<16xi32> to vector<16xi32>
        tpu.vector_store %arg8[%swap3A_1370], %swap3A_1373 {strides = array<i32>} : memref<400xi32, #tpu.memory_space<vmem>>, vector<16xi32>,
        %mul3A_1374 = arith.constant 400 : i32
        %mul3A_1375 = arith.muli %add3A_1337, %mul3A_1374 : i32
        %add3A_1376 = arith.constant 48 : i32
        %add3A_1377 = arith.addi %mul3A_1375, %add3A_1376 : i32
        %get3A_1378 = arith.index_cast %add3A_1377 : i32 to index
        %get3A_1379 = tpu.vector_load %arg6[%get3A_1378] {strides = array<i32>} : memref<10000xi32, #tpu.memory_space<vmem>>, vector<16xi32>,
        %get3A_1380 = vector.shape_cast %get3A_1379 : vector<16xi32> to vector<16xi32>
        %sub3A_1381 = arith.subi %get3A_1380, %min3A_598 : vector<16xi32>
        %swap3A_1382 = arith.constant 48 : index
        %swap3A_1383 = tpu.vector_load %arg8[%swap3A_1382] {strides = array<i32>} : memref<400xi32, #tpu.memory_space<vmem>>, vector<16xi32>,
        %swap3A_1384 = vector.shape_cast %swap3A_1383 : vector<16xi32> to vector<16xi32>
        %swap3A_1385 = vector.shape_cast %sub3A_1381 : vector<16xi32> to vector<16xi32>
        tpu.vector_store %arg8[%swap3A_1382], %swap3A_1385 {strides = array<i32>} : memref<400xi32, #tpu.memory_space<vmem>>, vector<16xi32>,
        %mul3A_1386 = arith.constant 400 : i32
        %mul3A_1387 = arith.muli %add3A_1337, %mul3A_1386 : i32
        %add3A_1388 = arith.constant 64 : i32
        %add3A_1389 = arith.addi %mul3A_1387, %add3A_1388 : i32
        %get3A_1390 = arith.index_cast %add3A_1389 : i32 to index
        %get3A_1391 = tpu.vector_load %arg6[%get3A_1390] {strides = array<i32>} : memref<10000xi32, #tpu.memory_space<vmem>>, vector<16xi32>,
        %get3A_1392 = vector.shape_cast %get3A_1391 : vector<16xi32> to vector<16xi32>
        %sub3A_1393 = arith.subi %get3A_1392, %min3A_598 : vector<16xi32>
        %swap3A_1394 = arith.constant 64 : index
        %swap3A_1395 = tpu.vector_load %arg8[%swap3A_1394] {strides = array<i32>} : memref<400xi32, #tpu.memory_space<vmem>>, vector<16xi32>,
        %swap3A_1396 = vector.shape_cast %swap3A_1395 : vector<16xi32> to vector<16xi32>
        %swap3A_1397 = vector.shape_cast %sub3A_1393 : vector<16xi32> to vector<16xi32>
        tpu.vector_store %arg8[%swap3A_1394], %swap3A_1397 {strides = array<i32>} : memref<400xi32, #tpu.memory_space<vmem>>, vector<16xi32>,
        %mul3A_1398 = arith.constant 400 : i32
        %mul3A_1399 = arith.muli %add3A_1337, %mul3A_1398 : i32
        %add3A_1400 = arith.constant 80 : i32
        %add3A_1401 = arith.addi %mul3A_1399, %add3A_1400 : i32
        %get3A_1402 = arith.index_cast %add3A_1401 : i32 to index
        %get3A_1403 = tpu.vector_load %arg6[%get3A_1402] {strides = array<i32>} : memref<10000xi32, #tpu.memory_space<vmem>>, vector<16xi32>,
        %get3A_1404 = vector.shape_cast %get3A_1403 : vector<16xi32> to vector<16xi32>
        %sub3A_1405 = arith.subi %get3A_1404, %min3A_598 : vector<16xi32>
        %swap3A_1406 = arith.constant 80 : index
        %swap3A_1407 = tpu.vector_load %arg8[%swap3A_1406] {strides = array<i32>} : memref<400xi32, #tpu.memory_space<vmem>>, vector<16xi32>,
        %swap3A_1408 = vector.shape_cast %swap3A_1407 : vector<16xi32> to vector<16xi32>
        %swap3A_1409 = vector.shape_cast %sub3A_1405 : vector<16xi32> to vector<16xi32>
        tpu.vector_store %arg8[%swap3A_1406], %swap3A_1409 {strides = array<i32>} : memref<400xi32, #tpu.memory_space<vmem>>, vector<16xi32>,
        %mul3A_1410 = arith.constant 400 : i32
        %mul3A_1411 = arith.muli %add3A_1337, %mul3A_1410 : i32
        %add3A_1412 = arith.constant 96 : i32
        %add3A_1413 = arith.addi %mul3A_1411, %add3A_1412 : i32
        %get3A_1414 = arith.index_cast %add3A_1413 : i32 to index
        %get3A_1415 = tpu.vector_load %arg6[%get3A_1414] {strides = array<i32>} : memref<10000xi32, #tpu.memory_space<vmem>>, vector<16xi32>,
        %get3A_1416 = vector.shape_cast %get3A_1415 : vector<16xi32> to vector<16xi32>
        %sub3A_1417 = arith.subi %get3A_1416, %min3A_598 : vector<16xi32>
        %swap3A_1418 = arith.constant 96 : index
        %swap3A_1419 = tpu.vector_load %arg8[%swap3A_1418] {strides = array<i32>} : memref<400xi32, #tpu.memory_space<vmem>>, vector<16xi32>,
        %swap3A_1420 = vector.shape_cast %swap3A_1419 : vector<16xi32> to vector<16xi32>
        %swap3A_1421 = vector.shape_cast %sub3A_1417 : vector<16xi32> to vector<16xi32>
        tpu.vector_store %arg8[%swap3A_1418], %swap3A_1421 {strides = array<i32>} : memref<400xi32, #tpu.memory_space<vmem>>, vector<16xi32>,
        %mul3A_1422 = arith.constant 400 : i32
        %mul3A_1423 = arith.muli %add3A_1337, %mul3A_1422 : i32
        %add3A_1424 = arith.constant 112 : i32
        %add3A_1425 = arith.addi %mul3A_1423, %add3A_1424 : i32
        %get3A_1426 = arith.index_cast %add3A_1425 : i32 to index
        %get3A_1427 = tpu.vector_load %arg6[%get3A_1426] {strides = array<i32>} : memref<10000xi32, #tpu.memory_space<vmem>>, vector<16xi32>,
        %get3A_1428 = vector.shape_cast %get3A_1427 : vector<16xi32> to vector<16xi32>
        %sub3A_1429 = arith.subi %get3A_1428, %min3A_598 : vector<16xi32>
        %swap3A_1430 = arith.constant 112 : index
        %swap3A_1431 = tpu.vector_load %arg8[%swap3A_1430] {strides = array<i32>} : memref<400xi32, #tpu.memory_space<vmem>>, vector<16xi32>,
        %swap3A_1432 = vector.shape_cast %swap3A_1431 : vector<16xi32> to vector<16xi32>
        %swap3A_1433 = vector.shape_cast %sub3A_1429 : vector<16xi32> to vector<16xi32>
        tpu.vector_store %arg8[%swap3A_1430], %swap3A_1433 {strides = array<i32>} : memref<400xi32, #tpu.memory_space<vmem>>, vector<16xi32>,
        %mul3A_1434 = arith.constant 400 : i32
        %mul3A_1435 = arith.muli %add3A_1337, %mul3A_1434 : i32
        %add3A_1436 = arith.constant 128 : i32
        %add3A_1437 = arith.addi %mul3A_1435, %add3A_1436 : i32
        %get3A_1438 = arith.index_cast %add3A_1437 : i32 to index
        %get3A_1439 = tpu.vector_load %arg6[%get3A_1438] {strides = array<i32>} : memref<10000xi32, #tpu.memory_space<vmem>>, vector<16xi32>,
        %get3A_1440 = vector.shape_cast %get3A_1439 : vector<16xi32> to vector<16xi32>
        %sub3A_1441 = arith.subi %get3A_1440, %min3A_598 : vector<16xi32>
        %swap3A_1442 = arith.constant 128 : index
        %swap3A_1443 = tpu.vector_load %arg8[%swap3A_1442] {strides = array<i32>} : memref<400xi32, #tpu.memory_space<vmem>>, vector<16xi32>,
        %swap3A_1444 = vector.shape_cast %swap3A_1443 : vector<16xi32> to vector<16xi32>
        %swap3A_1445 = vector.shape_cast %sub3A_1441 : vector<16xi32> to vector<16xi32>
        tpu.vector_store %arg8[%swap3A_1442], %swap3A_1445 {strides = array<i32>} : memref<400xi32, #tpu.memory_space<vmem>>, vector<16xi32>,
        %mul3A_1446 = arith.constant 400 : i32
        %mul3A_1447 = arith.muli %add3A_1337, %mul3A_1446 : i32
        %add3A_1448 = arith.constant 144 : i32
        %add3A_1449 = arith.addi %mul3A_1447, %add3A_1448 : i32
        %get3A_1450 = arith.index_cast %add3A_1449 : i32 to index
        %get3A_1451 = tpu.vector_load %arg6[%get3A_1450] {strides = array<i32>} : memref<10000xi32, #tpu.memory_space<vmem>>, vector<16xi32>,
        %get3A_1452 = vector.shape_cast %get3A_1451 : vector<16xi32> to vector<16xi32>
        %sub3A_1453 = arith.subi %get3A_1452, %min3A_598 : vector<16xi32>
        %swap3A_1454 = arith.constant 144 : index
        %swap3A_1455 = tpu.vector_load %arg8[%swap3A_1454] {strides = array<i32>} : memref<400xi32, #tpu.memory_space<vmem>>, vector<16xi32>,
        %swap3A_1456 = vector.shape_cast %swap3A_1455 : vector<16xi32> to vector<16xi32>
        %swap3A_1457 = vector.shape_cast %sub3A_1453 : vector<16xi32> to vector<16xi32>
        tpu.vector_store %arg8[%swap3A_1454], %swap3A_1457 {strides = array<i32>} : memref<400xi32, #tpu.memory_space<vmem>>, vector<16xi32>,
        %mul3A_1458 = arith.constant 400 : i32
        %mul3A_1459 = arith.muli %add3A_1337, %mul3A_1458 : i32
        %add3A_1460 = arith.constant 160 : i32
        %add3A_1461 = arith.addi %mul3A_1459, %add3A_1460 : i32
        %get3A_1462 = arith.index_cast %add3A_1461 : i32 to index
        %get3A_1463 = tpu.vector_load %arg6[%get3A_1462] {strides = array<i32>} : memref<10000xi32, #tpu.memory_space<vmem>>, vector<16xi32>,
        %get3A_1464 = vector.shape_cast %get3A_1463 : vector<16xi32> to vector<16xi32>
        %sub3A_1465 = arith.subi %get3A_1464, %min3A_598 : vector<16xi32>
        %swap3A_1466 = arith.constant 160 : index
        %swap3A_1467 = tpu.vector_load %arg8[%swap3A_1466] {strides = array<i32>} : memref<400xi32, #tpu.memory_space<vmem>>, vector<16xi32>,
        %swap3A_1468 = vector.shape_cast %swap3A_1467 : vector<16xi32> to vector<16xi32>
        %swap3A_1469 = vector.shape_cast %sub3A_1465 : vector<16xi32> to vector<16xi32>
        tpu.vector_store %arg8[%swap3A_1466], %swap3A_1469 {strides = array<i32>} : memref<400xi32, #tpu.memory_space<vmem>>, vector<16xi32>,
        %mul3A_1470 = arith.constant 400 : i32
        %mul3A_1471 = arith.muli %add3A_1337, %mul3A_1470 : i32
        %add3A_1472 = arith.constant 176 : i32
        %add3A_1473 = arith.addi %mul3A_1471, %add3A_1472 : i32
        %get3A_1474 = arith.index_cast %add3A_1473 : i32 to index
        %get3A_1475 = tpu.vector_load %arg6[%get3A_1474] {strides = array<i32>} : memref<10000xi32, #tpu.memory_space<vmem>>, vector<16xi32>,
        %get3A_1476 = vector.shape_cast %get3A_1475 : vector<16xi32> to vector<16xi32>
        %sub3A_1477 = arith.subi %get3A_1476, %min3A_598 : vector<16xi32>
        %swap3A_1478 = arith.constant 176 : index
        %swap3A_1479 = tpu.vector_load %arg8[%swap3A_1478] {strides = array<i32>} : memref<400xi32, #tpu.memory_space<vmem>>, vector<16xi32>,
        %swap3A_1480 = vector.shape_cast %swap3A_1479 : vector<16xi32> to vector<16xi32>
        %swap3A_1481 = vector.shape_cast %sub3A_1477 : vector<16xi32> to vector<16xi32>
        tpu.vector_store %arg8[%swap3A_1478], %swap3A_1481 {strides = array<i32>} : memref<400xi32, #tpu.memory_space<vmem>>, vector<16xi32>,
        %mul3A_1482 = arith.constant 400 : i32
        %mul3A_1483 = arith.muli %add3A_1337, %mul3A_1482 : i32
        %add3A_1484 = arith.constant 192 : i32
        %add3A_1485 = arith.addi %mul3A_1483, %add3A_1484 : i32
        %get3A_1486 = arith.index_cast %add3A_1485 : i32 to index
        %get3A_1487 = tpu.vector_load %arg6[%get3A_1486] {strides = array<i32>} : memref<10000xi32, #tpu.memory_space<vmem>>, vector<16xi32>,
        %get3A_1488 = vector.shape_cast %get3A_1487 : vector<16xi32> to vector<16xi32>
        %sub3A_1489 = arith.subi %get3A_1488, %min3A_598 : vector<16xi32>
        %swap3A_1490 = arith.constant 192 : index
        %swap3A_1491 = tpu.vector_load %arg8[%swap3A_1490] {strides = array<i32>} : memref<400xi32, #tpu.memory_space<vmem>>, vector<16xi32>,
        %swap3A_1492 = vector.shape_cast %swap3A_1491 : vector<16xi32> to vector<16xi32>
        %swap3A_1493 = vector.shape_cast %sub3A_1489 : vector<16xi32> to vector<16xi32>
        tpu.vector_store %arg8[%swap3A_1490], %swap3A_1493 {strides = array<i32>} : memref<400xi32, #tpu.memory_space<vmem>>, vector<16xi32>,
        %mul3A_1494 = arith.constant 400 : i32
        %mul3A_1495 = arith.muli %add3A_1337, %mul3A_1494 : i32
        %add3A_1496 = arith.constant 208 : i32
        %add3A_1497 = arith.addi %mul3A_1495, %add3A_1496 : i32
        %get3A_1498 = arith.index_cast %add3A_1497 : i32 to index
        %get3A_1499 = tpu.vector_load %arg6[%get3A_1498] {strides = array<i32>} : memref<10000xi32, #tpu.memory_space<vmem>>, vector<16xi32>,
        %get3A_1500 = vector.shape_cast %get3A_1499 : vector<16xi32> to vector<16xi32>
        %sub3A_1501 = arith.subi %get3A_1500, %min3A_598 : vector<16xi32>
        %swap3A_1502 = arith.constant 208 : index
        %swap3A_1503 = tpu.vector_load %arg8[%swap3A_1502] {strides = array<i32>} : memref<400xi32, #tpu.memory_space<vmem>>, vector<16xi32>,
        %swap3A_1504 = vector.shape_cast %swap3A_1503 : vector<16xi32> to vector<16xi32>
        %swap3A_1505 = vector.shape_cast %sub3A_1501 : vector<16xi32> to vector<16xi32>
        tpu.vector_store %arg8[%swap3A_1502], %swap3A_1505 {strides = array<i32>} : memref<400xi32, #tpu.memory_space<vmem>>, vector<16xi32>,
        %mul3A_1506 = arith.constant 400 : i32
        %mul3A_1507 = arith.muli %add3A_1337, %mul3A_1506 : i32
        %add3A_1508 = arith.constant 224 : i32
        %add3A_1509 = arith.addi %mul3A_1507, %add3A_1508 : i32
        %get3A_1510 = arith.index_cast %add3A_1509 : i32 to index
        %get3A_1511 = tpu.vector_load %arg6[%get3A_1510] {strides = array<i32>} : memref<10000xi32, #tpu.memory_space<vmem>>, vector<16xi32>,
        %get3A_1512 = vector.shape_cast %get3A_1511 : vector<16xi32> to vector<16xi32>
        %sub3A_1513 = arith.subi %get3A_1512, %min3A_598 : vector<16xi32>
        %swap3A_1514 = arith.constant 224 : index
        %swap3A_1515 = tpu.vector_load %arg8[%swap3A_1514] {strides = array<i32>} : memref<400xi32, #tpu.memory_space<vmem>>, vector<16xi32>,
        %swap3A_1516 = vector.shape_cast %swap3A_1515 : vector<16xi32> to vector<16xi32>
        %swap3A_1517 = vector.shape_cast %sub3A_1513 : vector<16xi32> to vector<16xi32>
        tpu.vector_store %arg8[%swap3A_1514], %swap3A_1517 {strides = array<i32>} : memref<400xi32, #tpu.memory_space<vmem>>, vector<16xi32>,
        %mul3A_1518 = arith.constant 400 : i32
        %mul3A_1519 = arith.muli %add3A_1337, %mul3A_1518 : i32
        %add3A_1520 = arith.constant 240 : i32
        %add3A_1521 = arith.addi %mul3A_1519, %add3A_1520 : i32
        %get3A_1522 = arith.index_cast %add3A_1521 : i32 to index
        %get3A_1523 = tpu.vector_load %arg6[%get3A_1522] {strides = array<i32>} : memref<10000xi32, #tpu.memory_space<vmem>>, vector<16xi32>,
        %get3A_1524 = vector.shape_cast %get3A_1523 : vector<16xi32> to vector<16xi32>
        %sub3A_1525 = arith.subi %get3A_1524, %min3A_598 : vector<16xi32>
        %swap3A_1526 = arith.constant 240 : index
        %swap3A_1527 = tpu.vector_load %arg8[%swap3A_1526] {strides = array<i32>} : memref<400xi32, #tpu.memory_space<vmem>>, vector<16xi32>,
        %swap3A_1528 = vector.shape_cast %swap3A_1527 : vector<16xi32> to vector<16xi32>
        %swap3A_1529 = vector.shape_cast %sub3A_1525 : vector<16xi32> to vector<16xi32>
        tpu.vector_store %arg8[%swap3A_1526], %swap3A_1529 {strides = array<i32>} : memref<400xi32, #tpu.memory_space<vmem>>, vector<16xi32>,
        %mul3A_1530 = arith.constant 400 : i32
        %mul3A_1531 = arith.muli %add3A_1337, %mul3A_1530 : i32
        %add3A_1532 = arith.constant 256 : i32
        %add3A_1533 = arith.addi %mul3A_1531, %add3A_1532 : i32
        %get3A_1534 = arith.index_cast %add3A_1533 : i32 to index
        %get3A_1535 = tpu.vector_load %arg6[%get3A_1534] {strides = array<i32>} : memref<10000xi32, #tpu.memory_space<vmem>>, vector<16xi32>,
        %get3A_1536 = vector.shape_cast %get3A_1535 : vector<16xi32> to vector<16xi32>
        %sub3A_1537 = arith.subi %get3A_1536, %min3A_598 : vector<16xi32>
        %swap3A_1538 = arith.constant 256 : index
        %swap3A_1539 = tpu.vector_load %arg8[%swap3A_1538] {strides = array<i32>} : memref<400xi32, #tpu.memory_space<vmem>>, vector<16xi32>,
        %swap3A_1540 = vector.shape_cast %swap3A_1539 : vector<16xi32> to vector<16xi32>
        %swap3A_1541 = vector.shape_cast %sub3A_1537 : vector<16xi32> to vector<16xi32>
        tpu.vector_store %arg8[%swap3A_1538], %swap3A_1541 {strides = array<i32>} : memref<400xi32, #tpu.memory_space<vmem>>, vector<16xi32>,
        %mul3A_1542 = arith.constant 400 : i32
        %mul3A_1543 = arith.muli %add3A_1337, %mul3A_1542 : i32
        %add3A_1544 = arith.constant 272 : i32
        %add3A_1545 = arith.addi %mul3A_1543, %add3A_1544 : i32
        %get3A_1546 = arith.index_cast %add3A_1545 : i32 to index
        %get3A_1547 = tpu.vector_load %arg6[%get3A_1546] {strides = array<i32>} : memref<10000xi32, #tpu.memory_space<vmem>>, vector<16xi32>,
        %get3A_1548 = vector.shape_cast %get3A_1547 : vector<16xi32> to vector<16xi32>
        %sub3A_1549 = arith.subi %get3A_1548, %min3A_598 : vector<16xi32>
        %swap3A_1550 = arith.constant 272 : index
        %swap3A_1551 = tpu.vector_load %arg8[%swap3A_1550] {strides = array<i32>} : memref<400xi32, #tpu.memory_space<vmem>>, vector<16xi32>,
        %swap3A_1552 = vector.shape_cast %swap3A_1551 : vector<16xi32> to vector<16xi32>
        %swap3A_1553 = vector.shape_cast %sub3A_1549 : vector<16xi32> to vector<16xi32>
        tpu.vector_store %arg8[%swap3A_1550], %swap3A_1553 {strides = array<i32>} : memref<400xi32, #tpu.memory_space<vmem>>, vector<16xi32>,
        %mul3A_1554 = arith.constant 400 : i32
        %mul3A_1555 = arith.muli %add3A_1337, %mul3A_1554 : i32
        %add3A_1556 = arith.constant 288 : i32
        %add3A_1557 = arith.addi %mul3A_1555, %add3A_1556 : i32
        %get3A_1558 = arith.index_cast %add3A_1557 : i32 to index
        %get3A_1559 = tpu.vector_load %arg6[%get3A_1558] {strides = array<i32>} : memref<10000xi32, #tpu.memory_space<vmem>>, vector<16xi32>,
        %get3A_1560 = vector.shape_cast %get3A_1559 : vector<16xi32> to vector<16xi32>
        %sub3A_1561 = arith.subi %get3A_1560, %min3A_598 : vector<16xi32>
        %swap3A_1562 = arith.constant 288 : index
        %swap3A_1563 = tpu.vector_load %arg8[%swap3A_1562] {strides = array<i32>} : memref<400xi32, #tpu.memory_space<vmem>>, vector<16xi32>,
        %swap3A_1564 = vector.shape_cast %swap3A_1563 : vector<16xi32> to vector<16xi32>
        %swap3A_1565 = vector.shape_cast %sub3A_1561 : vector<16xi32> to vector<16xi32>
        tpu.vector_store %arg8[%swap3A_1562], %swap3A_1565 {strides = array<i32>} : memref<400xi32, #tpu.memory_space<vmem>>, vector<16xi32>,
        %mul3A_1566 = arith.constant 400 : i32
        %mul3A_1567 = arith.muli %add3A_1337, %mul3A_1566 : i32
        %add3A_1568 = arith.constant 304 : i32
        %add3A_1569 = arith.addi %mul3A_1567, %add3A_1568 : i32
        %get3A_1570 = arith.index_cast %add3A_1569 : i32 to index
        %get3A_1571 = tpu.vector_load %arg6[%get3A_1570] {strides = array<i32>} : memref<10000xi32, #tpu.memory_space<vmem>>, vector<16xi32>,
        %get3A_1572 = vector.shape_cast %get3A_1571 : vector<16xi32> to vector<16xi32>
        %sub3A_1573 = arith.subi %get3A_1572, %min3A_598 : vector<16xi32>
        %swap3A_1574 = arith.constant 304 : index
        %swap3A_1575 = tpu.vector_load %arg8[%swap3A_1574] {strides = array<i32>} : memref<400xi32, #tpu.memory_space<vmem>>, vector<16xi32>,
        %swap3A_1576 = vector.shape_cast %swap3A_1575 : vector<16xi32> to vector<16xi32>
        %swap3A_1577 = vector.shape_cast %sub3A_1573 : vector<16xi32> to vector<16xi32>
        tpu.vector_store %arg8[%swap3A_1574], %swap3A_1577 {strides = array<i32>} : memref<400xi32, #tpu.memory_space<vmem>>, vector<16xi32>,
        %mul3A_1578 = arith.constant 400 : i32
        %mul3A_1579 = arith.muli %add3A_1337, %mul3A_1578 : i32
        %add3A_1580 = arith.constant 320 : i32
        %add3A_1581 = arith.addi %mul3A_1579, %add3A_1580 : i32
        %get3A_1582 = arith.index_cast %add3A_1581 : i32 to index
        %get3A_1583 = tpu.vector_load %arg6[%get3A_1582] {strides = array<i32>} : memref<10000xi32, #tpu.memory_space<vmem>>, vector<16xi32>,
        %get3A_1584 = vector.shape_cast %get3A_1583 : vector<16xi32> to vector<16xi32>
        %sub3A_1585 = arith.subi %get3A_1584, %min3A_598 : vector<16xi32>
        %swap3A_1586 = arith.constant 320 : index
        %swap3A_1587 = tpu.vector_load %arg8[%swap3A_1586] {strides = array<i32>} : memref<400xi32, #tpu.memory_space<vmem>>, vector<16xi32>,
        %swap3A_1588 = vector.shape_cast %swap3A_1587 : vector<16xi32> to vector<16xi32>
        %swap3A_1589 = vector.shape_cast %sub3A_1585 : vector<16xi32> to vector<16xi32>
        tpu.vector_store %arg8[%swap3A_1586], %swap3A_1589 {strides = array<i32>} : memref<400xi32, #tpu.memory_space<vmem>>, vector<16xi32>,
        %mul3A_1590 = arith.constant 400 : i32
        %mul3A_1591 = arith.muli %add3A_1337, %mul3A_1590 : i32
        %add3A_1592 = arith.constant 336 : i32
        %add3A_1593 = arith.addi %mul3A_1591, %add3A_1592 : i32
        %get3A_1594 = arith.index_cast %add3A_1593 : i32 to index
        %get3A_1595 = tpu.vector_load %arg6[%get3A_1594] {strides = array<i32>} : memref<10000xi32, #tpu.memory_space<vmem>>, vector<16xi32>,
        %get3A_1596 = vector.shape_cast %get3A_1595 : vector<16xi32> to vector<16xi32>
        %sub3A_1597 = arith.subi %get3A_1596, %min3A_598 : vector<16xi32>
        %swap3A_1598 = arith.constant 336 : index
        %swap3A_1599 = tpu.vector_load %arg8[%swap3A_1598] {strides = array<i32>} : memref<400xi32, #tpu.memory_space<vmem>>, vector<16xi32>,
        %swap3A_1600 = vector.shape_cast %swap3A_1599 : vector<16xi32> to vector<16xi32>
        %swap3A_1601 = vector.shape_cast %sub3A_1597 : vector<16xi32> to vector<16xi32>
        tpu.vector_store %arg8[%swap3A_1598], %swap3A_1601 {strides = array<i32>} : memref<400xi32, #tpu.memory_space<vmem>>, vector<16xi32>,
        %mul3A_1602 = arith.constant 400 : i32
        %mul3A_1603 = arith.muli %add3A_1337, %mul3A_1602 : i32
        %add3A_1604 = arith.constant 352 : i32
        %add3A_1605 = arith.addi %mul3A_1603, %add3A_1604 : i32
        %get3A_1606 = arith.index_cast %add3A_1605 : i32 to index
        %get3A_1607 = tpu.vector_load %arg6[%get3A_1606] {strides = array<i32>} : memref<10000xi32, #tpu.memory_space<vmem>>, vector<16xi32>,
        %get3A_1608 = vector.shape_cast %get3A_1607 : vector<16xi32> to vector<16xi32>
        %sub3A_1609 = arith.subi %get3A_1608, %min3A_598 : vector<16xi32>
        %swap3A_1610 = arith.constant 352 : index
        %swap3A_1611 = tpu.vector_load %arg8[%swap3A_1610] {strides = array<i32>} : memref<400xi32, #tpu.memory_space<vmem>>, vector<16xi32>,
        %swap3A_1612 = vector.shape_cast %swap3A_1611 : vector<16xi32> to vector<16xi32>
        %swap3A_1613 = vector.shape_cast %sub3A_1609 : vector<16xi32> to vector<16xi32>
        tpu.vector_store %arg8[%swap3A_1610], %swap3A_1613 {strides = array<i32>} : memref<400xi32, #tpu.memory_space<vmem>>, vector<16xi32>,
        %mul3A_1614 = arith.constant 400 : i32
        %mul3A_1615 = arith.muli %add3A_1337, %mul3A_1614 : i32
        %add3A_1616 = arith.constant 368 : i32
        %add3A_1617 = arith.addi %mul3A_1615, %add3A_1616 : i32
        %get3A_1618 = arith.index_cast %add3A_1617 : i32 to index
        %get3A_1619 = tpu.vector_load %arg6[%get3A_1618] {strides = array<i32>} : memref<10000xi32, #tpu.memory_space<vmem>>, vector<16xi32>,
        %get3A_1620 = vector.shape_cast %get3A_1619 : vector<16xi32> to vector<16xi32>
        %sub3A_1621 = arith.subi %get3A_1620, %min3A_598 : vector<16xi32>
        %swap3A_1622 = arith.constant 368 : index
        %swap3A_1623 = tpu.vector_load %arg8[%swap3A_1622] {strides = array<i32>} : memref<400xi32, #tpu.memory_space<vmem>>, vector<16xi32>,
        %swap3A_1624 = vector.shape_cast %swap3A_1623 : vector<16xi32> to vector<16xi32>
        %swap3A_1625 = vector.shape_cast %sub3A_1621 : vector<16xi32> to vector<16xi32>
        tpu.vector_store %arg8[%swap3A_1622], %swap3A_1625 {strides = array<i32>} : memref<400xi32, #tpu.memory_space<vmem>>, vector<16xi32>,
        %mul3A_1626 = arith.constant 400 : i32
        %mul3A_1627 = arith.muli %add3A_1337, %mul3A_1626 : i32
        %add3A_1628 = arith.constant 384 : i32
        %add3A_1629 = arith.addi %mul3A_1627, %add3A_1628 : i32
        %get3A_1630 = arith.index_cast %add3A_1629 : i32 to index
        %get3A_1631 = tpu.vector_load %arg6[%get3A_1630] {strides = array<i32>} : memref<10000xi32, #tpu.memory_space<vmem>>, vector<16xi32>,
        %get3A_1632 = vector.shape_cast %get3A_1631 : vector<16xi32> to vector<16xi32>
        %sub3A_1633 = arith.subi %get3A_1632, %min3A_598 : vector<16xi32>
        %swap3A_1634 = arith.constant 384 : index
        %swap3A_1635 = tpu.vector_load %arg8[%swap3A_1634] {strides = array<i32>} : memref<400xi32, #tpu.memory_space<vmem>>, vector<16xi32>,
        %swap3A_1636 = vector.shape_cast %swap3A_1635 : vector<16xi32> to vector<16xi32>
        %swap3A_1637 = vector.shape_cast %sub3A_1633 : vector<16xi32> to vector<16xi32>
        tpu.vector_store %arg8[%swap3A_1634], %swap3A_1637 {strides = array<i32>} : memref<400xi32, #tpu.memory_space<vmem>>, vector<16xi32>,
        %add3A_1638 = arith.constant 1 : i32
        %add3A_1639 = arith.addi %mul3A_1227, %add3A_1638 : i32
        %mul3A_1640 = arith.constant 400 : i32
        %mul3A_1641 = arith.muli %add3A_1639, %mul3A_1640 : i32
        %add3A_1642 = arith.addi %mul3A_561, %mul3A_1641 : i32
        %dma_start3A_1643 = arith.constant 0 : i32
        %dma_start3A_1644 = tpu.memref_slice %arg2[%add3A_1642, %dma_start3A_1643] : memref<640000x64xf32, #tpu.memory_space<hbm>> -> memref<400x64xf32, #tpu.memory_space<hbm>>
        %dma_start3A_1645 = arith.constant 0 : i32
        %dma_start3A_1646 = tpu.memref_slice %arg2[%add3A_1642, %dma_start3A_1645] : memref<640000x64xf32, #tpu.memory_space<hbm>> -> memref<400x64xf32, #tpu.memory_space<hbm>>
        tpu.enqueue_dma source(%dma_start3A_1646 : memref<400x64xf32, #tpu.memory_space<hbm>>) target(%arg10 : memref<400x64xf32, #tpu.memory_space<vmem>>) target_semaphore(%arg13 : memref<!tpu.dma_semaphore, #tpu.memory_space<semaphore_mem>>)
      } else {
      }
      %dma_wait3A_1282 = arith.constant 0 : i32
      %dma_wait3A_1283 = arith.constant 0 : i32
      %dma_wait3A_1284 = tpu.memref_slice %arg9[%dma_wait3A_1282, %dma_wait3A_1283] : memref<400x64xf32, #tpu.memory_space<vmem>> -> memref<80x64xf32, #tpu.memory_space<vmem>>
      %dma_wait3A_1285 = arith.constant 0 : i32
      %dma_wait3A_1286 = tpu.memref_slice %arg7[%dma_wait3A_1285] : memref<400xi32, #tpu.memory_space<vmem>> -> memref<80xi32, #tpu.memory_space<vmem>>
      %dma_wait3A_1287 = arith.constant 0 : i32
      %dma_wait3A_1288 = arith.constant 0 : i32
      %dma_wait3A_1289 = tpu.memref_slice %arg11[%dma_wait3A_1287, %dma_wait3A_1288] : memref<5000x64xf32, #tpu.memory_space<vmem_shared>> -> memref<5000x64xf32, #tpu.memory_space<vmem_shared>>
      tpu.wait_indirect_dma semaphore(%arg16 : memref<!tpu.dma_semaphore, #tpu.memory_space<semaphore_mem>>) src(%dma_wait3A_1289 : memref<5000x64xf32, #tpu.memory_space<vmem_shared>>) dst(%dma_wait3A_1284 : memref<80x64xf32, #tpu.memory_space<vmem>>)
      %dma_wait3A_1290 = arith.constant 80 : i32
      %dma_wait3A_1291 = arith.constant 0 : i32
      %dma_wait3A_1292 = tpu.memref_slice %arg9[%dma_wait3A_1290, %dma_wait3A_1291] : memref<400x64xf32, #tpu.memory_space<vmem>> -> memref<80x64xf32, #tpu.memory_space<vmem>>
      %dma_wait3A_1293 = arith.constant 80 : i32
      %dma_wait3A_1294 = tpu.memref_slice %arg7[%dma_wait3A_1293] : memref<400xi32, #tpu.memory_space<vmem>> -> memref<80xi32, #tpu.memory_space<vmem>>
      %dma_wait3A_1295 = arith.constant 0 : i32
      %dma_wait3A_1296 = arith.constant 0 : i32
      %dma_wait3A_1297 = tpu.memref_slice %arg11[%dma_wait3A_1295, %dma_wait3A_1296] : memref<5000x64xf32, #tpu.memory_space<vmem_shared>> -> memref<5000x64xf32, #tpu.memory_space<vmem_shared>>
      tpu.wait_indirect_dma semaphore(%arg16 : memref<!tpu.dma_semaphore, #tpu.memory_space<semaphore_mem>>) src(%dma_wait3A_1297 : memref<5000x64xf32, #tpu.memory_space<vmem_shared>>) dst(%dma_wait3A_1292 : memref<80x64xf32, #tpu.memory_space<vmem>>)
      %dma_wait3A_1298 = arith.constant 160 : i32
      %dma_wait3A_1299 = arith.constant 0 : i32
      %dma_wait3A_1300 = tpu.memref_slice %arg9[%dma_wait3A_1298, %dma_wait3A_1299] : memref<400x64xf32, #tpu.memory_space<vmem>> -> memref<80x64xf32, #tpu.memory_space<vmem>>
      %dma_wait3A_1301 = arith.constant 160 : i32
      %dma_wait3A_1302 = tpu.memref_slice %arg7[%dma_wait3A_1301] : memref<400xi32, #tpu.memory_space<vmem>> -> memref<80xi32, #tpu.memory_space<vmem>>
      %dma_wait3A_1303 = arith.constant 0 : i32
      %dma_wait3A_1304 = arith.constant 0 : i32
      %dma_wait3A_1305 = tpu.memref_slice %arg11[%dma_wait3A_1303, %dma_wait3A_1304] : memref<5000x64xf32, #tpu.memory_space<vmem_shared>> -> memref<5000x64xf32, #tpu.memory_space<vmem_shared>>
      tpu.wait_indirect_dma semaphore(%arg16 : memref<!tpu.dma_semaphore, #tpu.memory_space<semaphore_mem>>) src(%dma_wait3A_1305 : memref<5000x64xf32, #tpu.memory_space<vmem_shared>>) dst(%dma_wait3A_1300 : memref<80x64xf32, #tpu.memory_space<vmem>>)
      %dma_wait3A_1306 = arith.constant 240 : i32
      %dma_wait3A_1307 = arith.constant 0 : i32
      %dma_wait3A_1308 = tpu.memref_slice %arg9[%dma_wait3A_1306, %dma_wait3A_1307] : memref<400x64xf32, #tpu.memory_space<vmem>> -> memref<80x64xf32, #tpu.memory_space<vmem>>
      %dma_wait3A_1309 = arith.constant 240 : i32
      %dma_wait3A_1310 = tpu.memref_slice %arg7[%dma_wait3A_1309] : memref<400xi32, #tpu.memory_space<vmem>> -> memref<80xi32, #tpu.memory_space<vmem>>
      %dma_wait3A_1311 = arith.constant 0 : i32
      %dma_wait3A_1312 = arith.constant 0 : i32
      %dma_wait3A_1313 = tpu.memref_slice %arg11[%dma_wait3A_1311, %dma_wait3A_1312] : memref<5000x64xf32, #tpu.memory_space<vmem_shared>> -> memref<5000x64xf32, #tpu.memory_space<vmem_shared>>
      tpu.wait_indirect_dma semaphore(%arg16 : memref<!tpu.dma_semaphore, #tpu.memory_space<semaphore_mem>>) src(%dma_wait3A_1313 : memref<5000x64xf32, #tpu.memory_space<vmem_shared>>) dst(%dma_wait3A_1308 : memref<80x64xf32, #tpu.memory_space<vmem>>)
      %dma_wait3A_1314 = arith.constant 320 : i32
      %dma_wait3A_1315 = arith.constant 0 : i32
      %dma_wait3A_1316 = tpu.memref_slice %arg9[%dma_wait3A_1314, %dma_wait3A_1315] : memref<400x64xf32, #tpu.memory_space<vmem>> -> memref<80x64xf32, #tpu.memory_space<vmem>>
      %dma_wait3A_1317 = arith.constant 320 : i32
      %dma_wait3A_1318 = tpu.memref_slice %arg7[%dma_wait3A_1317] : memref<400xi32, #tpu.memory_space<vmem>> -> memref<80xi32, #tpu.memory_space<vmem>>
      %dma_wait3A_1319 = arith.constant 0 : i32
      %dma_wait3A_1320 = arith.constant 0 : i32
      %dma_wait3A_1321 = tpu.memref_slice %arg11[%dma_wait3A_1319, %dma_wait3A_1320] : memref<5000x64xf32, #tpu.memory_space<vmem_shared>> -> memref<5000x64xf32, #tpu.memory_space<vmem_shared>>
      tpu.wait_indirect_dma semaphore(%arg16 : memref<!tpu.dma_semaphore, #tpu.memory_space<semaphore_mem>>) src(%dma_wait3A_1321 : memref<5000x64xf32, #tpu.memory_space<vmem_shared>>) dst(%dma_wait3A_1316 : memref<80x64xf32, #tpu.memory_space<vmem>>)
      %mul3A_1322 = arith.constant 400 : i32
      %mul3A_1323 = arith.muli %mul3A_1227, %mul3A_1322 : i32
      %add3A_1324 = arith.addi %mul3A_561, %mul3A_1323 : i32
      %dma_start3A_1325 = arith.constant 0 : i32
      %dma_start3A_1326 = tpu.memref_slice %arg5[%add3A_1324, %dma_start3A_1325] : memref<640000x64xf32, #tpu.memory_space<hbm>> -> memref<400x64xf32, #tpu.memory_space<hbm>>
      %dma_start3A_1327 = arith.constant 0 : i32
      %dma_start3A_1328 = tpu.memref_slice %arg5[%add3A_1324, %dma_start3A_1327] : memref<640000x64xf32, #tpu.memory_space<hbm>> -> memref<400x64xf32, #tpu.memory_space<hbm>>
      tpu.enqueue_dma source(%arg9 : memref<400x64xf32, #tpu.memory_space<vmem>>) target(%dma_start3A_1328 : memref<400x64xf32, #tpu.memory_space<hbm>>) target_semaphore(%arg14 : memref<!tpu.dma_semaphore, #tpu.memory_space<semaphore_mem>>)
    }
    %scan3A_1108 = arith.constant 12 : i32
    %add3A_1109 = arith.constant 9200 : i32
    %add3A_1110 = arith.addi %mul3A_561, %add3A_1109 : i32
    %dma_wait3A_1111 = arith.constant 0 : i32
    %dma_wait3A_1112 = tpu.memref_slice %arg5[%add3A_1110, %dma_wait3A_1111] : memref<640000x64xf32, #tpu.memory_space<hbm>> -> memref<400x64xf32, #tpu.memory_space<hbm>>
    %dma_wait3A_1113 = arith.constant 0 : i32
    %dma_wait3A_1114 = tpu.memref_slice %arg5[%add3A_1110, %dma_wait3A_1113] : memref<640000x64xf32, #tpu.memory_space<hbm>> -> memref<400x64xf32, #tpu.memory_space<hbm>>
    tpu.wait_dma2 semaphore(%arg15 : memref<!tpu.dma_semaphore, #tpu.memory_space<semaphore_mem>>) src(%arg10 : memref<400x64xf32, #tpu.memory_space<vmem>>) dst(%dma_wait3A_1114 : memref<400x64xf32, #tpu.memory_space<hbm>>)
    %add3A_1115 = arith.constant 9600 : i32
    %add3A_1116 = arith.addi %mul3A_561, %add3A_1115 : i32
    %dma_wait3A_1117 = arith.constant 0 : i32
    %dma_wait3A_1118 = tpu.memref_slice %arg5[%add3A_1116, %dma_wait3A_1117] : memref<640000x64xf32, #tpu.memory_space<hbm>> -> memref<400x64xf32, #tpu.memory_space<hbm>>
    %dma_wait3A_1119 = arith.constant 0 : i32
    %dma_wait3A_1120 = tpu.memref_slice %arg5[%add3A_1116, %dma_wait3A_1119] : memref<640000x64xf32, #tpu.memory_space<hbm>> -> memref<400x64xf32, #tpu.memory_space<hbm>>
    tpu.wait_dma2 semaphore(%arg14 : memref<!tpu.dma_semaphore, #tpu.memory_space<semaphore_mem>>) src(%arg9 : memref<400x64xf32, #tpu.memory_space<vmem>>) dst(%dma_wait3A_1120 : memref<400x64xf32, #tpu.memory_space<hbm>>)
    return
  }
}

</mosaic_0001>

<sc_bundles>
// kernel: kernel.3.cloned.1.call-start
scs
__scs_entry_jumppad:
0x0: {  	(pc) =	sbr.rel $0x88, $3  }
0x1: {  	(tag) =	ssettag $0x0;
	lr =	simm.s32 $0x1  }
0x2: {  	[smem:$0x3F9E] =	sst lr;
	_ =	strace $0xD0000000  }
0x3: {  	_ = 	snop  }
0x4: {  	_ = 	snop  }
0x5: {  	_ = 	snop  }
0x6: {  	_ = 	snop  }
0x7: {  	_ = 	snop  }
__scs_overlays_trampoline_lowered:
0x8: {  	[smem:$0x3FAD] =	sst s0  }
0x9: {  	[smem:$0x3FAE] =	sst s1  }
0xa: {  	[smem:$0x3FAF] =	sst s2  }
0xb: {  	[smem:$0x3FB0] =	sst s3  }
0xc: {  	[smem:$0x3FB1] =	sst s4  }
0xd: {  	[smem:$0x3FB2] =	sst s5  }
0xe: {  	[smem:$0x3FB3] =	sst s6  }
0xf: {  	[smem:$0x3FB4] =	sst s7  }
0x10: {  	[smem:$0x3FB5] =	sst s8  }
0x11: {  	[smem:$0x3FB6] =	sst s9;
	s0 =	simm.s32 @!p0 $0x0  }
0x12: {  	s1 =	sld [smem:$0x3F9C];
	s0 =	simm.s32 @p0 $0x1  }
0x13: {  	[smem:$0x3FB7] =	sst s0;
	s0 =	simm.s32 @!p1 $0x0  }
0x14: {  	s2 =	sld [smem:$0x3F9B];
	s0 =	simm.s32 @p1 $0x1  }
0x15: {  	[smem:$0x3FB8] =	sst s0;
	s0 =	simm.s32 @!p2 $0x0  }
0x16: {  	s3 =	sld [smem:$0x3FDB];
	s0 =	simm.s32 @p2 $0x1  }
0x17: {  	s4 =	simm.s32 $0x1BF5;
	[smem:$0x3FBA] =	sst s0  }
0x18: {  	s0 =	sld [smem:$0x3F9D];
	_ =	swait.ge [sflag:s4], $0x0  }
0x19: {  	s7 =	sld [smem:$0x3F9E]  }
0x1a: {  	s8 =	sadd.s32 $0xFFFFE003, lr  }
0x1b: {  	s9 =	sadd.s32 $0xFFFFFEF7, lr;
	s5 =	simm.s32 $0xFFFFFFFF;
	p2 =	slt.u32 s8, $0xFFFFF086  }
0x1c: {  	p1 =	slt.u32 s9, $0xF7A;
	s5 =	simm.s32 @!p2 $0x0  }
0x1d: {  	s5 =	simm.s32 @p1 $0x1;
	p0 =	seq.s32 s7, s2  }
0x1e: {  	s7 =	smul.u32 @!p0 $0xF7A, s2;
	p2 =	seq.s32 @!p0 s5, $0x0  }
0x1f: {  	s9 =	smul.u32 $0xF7A, s1;
	s8 =	simm.s32 @!p0 $0x1BF5;
	p2 =	por !p2, p0  }
0x20: {  	[sflag:s8] =	ssyncset.s32 @!p0 $0xFFFFF086;
	s6 =	sadd.s32 @!p0 s3, s7;
	s7 =	simm.s32 @!p0 $0x108  }
0x21: {  	s3 =	sadd.s32 s3, s9;
	s6 =	sadd.s32 @!p0 $0x88, s6;
	s7 =	simm.s32 @p2 $0x1082  }
0x22: {  	[simem:s7], [sflag:s8] =	dma.local @!p0 [hbm:s6], $0xF7A  }
0x23: {  	s9 =	sor.u32 $0xD0000000, s2;
	s6 =	simm.s32 $0x108;
	_ =	swait.ge @!p0 [sflag:s8], $0x0  }
0x24: {  	s3 =	sadd.s32 $0x88, s3;
	s6 =	simm.s32 @!p1 $0x1082;
	[sflag:s4] =	ssyncset.s32 $0xFFFFF086  }
0x25: {  	[simem:s6], [sflag:s4] =	dma.local [hbm:s3], $0xF7A  }
0x26: {  	[smem:$0x3F9E] =	sst s1;
	(tag) =	ssettag s2;
	_ =	strace s9  }
0x27: {  	s1 =	sld [smem:$0x3FAE]  }
0x28: {  	s2 =	sld [smem:$0x3FAF]  }
0x29: {  	s4 =	sld [smem:$0x3FB1]  }
0x2a: {  	p0 =	seq.s32 s5, $0x0;
	s5 =	sld [smem:$0x3FB2]  }
0x2b: {  	s6 =	sld [smem:$0x3FB3]  }
0x2c: {  	s7 =	sld [smem:$0x3FB4]  }
0x2d: {  	s3 =	simm.s32 $0x108;
	s8 =	sld [smem:$0x3FB5]  }
0x2e: {  	s3 =	simm.s32 @!p0 $0x1082;
	s9 =	sld [smem:$0x3FB6]  }
0x2f: {  	lr =	sadd.s32 s0, s3;
	s0 =	sld [smem:$0x3FAD]  }
0x30: {  	s3 =	sld [smem:$0x3FB0]  }
0x31: {  	[smem:$0x3FB9] =	sst s10  }
0x32: {  	s10 =	sld [smem:$0x3FB7];
	_ =	sdelay $0x3  }
0x33: {  	p0 =	seq.s32 s10, $0x1;
	s10 =	sld [smem:$0x3FB9];
	_ =	sdelay $0x3  }
0x34: {  	[smem:$0x3FB9] =	sst s10  }
0x35: {  	s10 =	sld [smem:$0x3FB8];
	_ =	sdelay $0x3  }
0x36: {  	p1 =	seq.s32 s10, $0x1;
	s10 =	sld [smem:$0x3FB9];
	_ =	sdelay $0x3  }
0x37: {  	[smem:$0x3FB9] =	sst s10  }
0x38: {  	s10 =	sld [smem:$0x3FBA]  }
0x39: {  	_ = 	snop;
	(pc) =	sbr.ind lr, $3  }
0x3a: {  	_ = 	snop  }
0x3b: {  	_ = 	snop  }
0x3c: {  	p2 =	seq.s32 s10, $0x1;
	s10 =	sld [smem:$0x3FB9]  }
0x3d: {  	_ =	shalt  }
0x3e: {  	_ =	shalt  }
0x3f: {  	_ =	shalt  }
0x40: {  	_ =	shalt  }
0x41: {  	_ =	shalt  }
0x42: {  	_ =	shalt  }
0x43: {  	_ =	shalt  }
0x44: {  	_ =	shalt  }
0x45: {  	_ =	shalt  }
0x46: {  	_ =	shalt  }
0x47: {  	_ =	shalt  }
0x48: {  	_ =	shalt  }
0x49: {  	_ =	shalt  }
0x4a: {  	_ =	shalt  }
0x4b: {  	_ =	shalt  }
0x4c: {  	_ =	shalt  }
0x4d: {  	_ =	shalt  }
0x4e: {  	_ =	shalt  }
0x4f: {  	_ =	shalt  }
0x50: {  	_ =	shalt  }
0x51: {  	_ =	shalt  }
0x52: {  	_ =	shalt  }
0x53: {  	_ =	shalt  }
0x54: {  	_ =	shalt  }
0x55: {  	_ =	shalt  }
0x56: {  	_ =	shalt  }
0x57: {  	_ =	shalt  }
0x58: {  	_ =	shalt  }
0x59: {  	_ =	shalt  }
0x5a: {  	_ =	shalt  }
0x5b: {  	_ =	shalt  }
0x5c: {  	_ =	shalt  }
0x5d: {  	_ =	shalt  }
0x5e: {  	_ =	shalt  }
0x5f: {  	_ =	shalt  }
0x60: {  	_ =	shalt  }
0x61: {  	_ =	shalt  }
0x62: {  	_ =	shalt  }
0x63: {  	_ =	shalt  }
0x64: {  	_ =	shalt  }
0x65: {  	_ =	shalt  }
0x66: {  	_ =	shalt  }
0x67: {  	_ =	shalt  }
0x68: {  	_ =	shalt  }
0x69: {  	_ =	shalt  }
0x6a: {  	_ =	shalt  }
0x6b: {  	_ =	shalt  }
0x6c: {  	_ =	shalt  }
0x6d: {  	_ =	shalt  }
0x6e: {  	_ =	shalt  }
0x6f: {  	_ =	shalt  }
0x70: {  	_ =	shalt  }
0x71: {  	_ =	shalt  }
0x72: {  	_ =	shalt  }
0x73: {  	_ =	shalt  }
0x74: {  	_ =	shalt  }
0x75: {  	_ =	shalt  }
0x76: {  	_ =	shalt  }
0x77: {  	_ =	shalt  }
0x78: {  	_ =	shalt  }
0x79: {  	_ =	shalt  }
0x7a: {  	_ =	shalt  }
0x7b: {  	_ =	shalt  }
0x7c: {  	_ =	shalt  }
0x7d: {  	_ =	shalt  }
0x7e: {  	_ =	shalt  }
0x7f: {  	_ =	shalt  }
0x80: {  	_ =	shalt  }
0x81: {  	_ =	shalt  }
0x82: {  	_ =	shalt  }
0x83: {  	_ =	shalt  }
0x84: {  	_ =	shalt  }
0x85: {  	_ =	shalt  }
0x86: {  	_ =	shalt  }
0x87: {  	_ =	shalt  }
.Lfunc_end0:
.L_simem_size_0:
called_computation.1_lowered:
.L_overlay_start_0:
0x88: {  	s2 =	sld [smem:$0x3FD9]  }
0x89: {  	s3 =	sld [smem:$0x3FFE];
	_ =	sdelay $0x1  }
0x8a: {  	s1 =	srdreg.scid  }
0x8b: {  	s0 =	sand.u32 $0x1, s1  }
0x8c: {  	s17 =	sshll.u32 s0, $0xA;
	s2 =	sadd.s32 s3, s2  }
0x8d: {  	s2 =	sadd.s32 s2, s17  }
0x8e: {  	[smem:$0x3FC5] =	sst s2  }
0x8f: {  	_ = 	snop  }
0x90: {  	s2 =	sld [smem:$0x3FD0];
	(tm) =	ssettm $0x1  }
0x91: {  	s18 =	sld [smem:$0x3FFB];
	_ =	sdelay $0x3  }
0x92: {  	_ =	strace s18  }
0x93: {  	s3 =	sld [smem:$0x3FFC];
	_ =	sdelay $0x3  }
0x94: {  	_ =	strace s3  }
0x95: {  	s3 =	sld [smem:$0x3FFD];
	_ =	sdelay $0x3  }
0x96: {  	_ =	strace s3  }
0x97: {  	_ =	strace $0x8FFFFFFF  }
0x98: {  	s19 =	sld [smem:$0x3FDB];
	_ =	sdelay $0x1  }
0x99: {  	s4 =	simm.s32 $_scs_section_size  }
0x9a: {  	s5 =	simm.s32 $_size__tile_overlayer_lowered;
	s6 =	simm.s32 $_tile_overlayer_lowered  }
0x9b: {  	s22 =	simm.s32 $0x1BFF;
	s21 =	sshll.u32 s6, $0x1;
	s3 =	sadd.s32 s4, s19  }
0x9c: {  	s7 =	simm.s32 $0x0;
	s20 =	sshll.u32 s5, $0x1;
	s5 =	sadd.s32 s21, s3  }
0x9d: {  	[timem:s7], [sflag:s22] =	dma.local [hbm:s5], s20  }
0x9e: {  	_ =	swait.ge [sflag:s22], s20  }
0x9f: {  	s4 =	ssub.s32 $0x0, s20;
	[sflag:s22] =	ssyncset.done $0x0  }
0xa0: {  	[sflag:s22] =	ssyncadd.s32 s4;
	_ =	sdelay $0x1  }
0xa1: {  	s23 =	simm.s32 $0x1B8B  }
0xa2: {  	_ =	swait.ge [sflag:s23], $0x1  }
0xa3: {  	[sflag:s23] =	ssyncset.done $0x0  }
0xa4: {  	s25 =	simm.s32 $0x1B8E;
	s24 =	sld [smem:$0x3FFE];
	[sflag:s23] =	ssyncadd.s32 $0xFFFFFFFF  }
0xa5: {  	s26 =	simm.s32 $execute0_lowered;
	[smem:$0x3FD2] =	sst s25  }
0xa6: {  	s5 =	sshll.u32 s26, $0x1;
	_ =	strace $0x80000046;
	[dreg:$0x1] =	wrdreg $0xFFFFFFFF  }
0xa7: {  	s28 =	simm.s32 $_size_execute0_lowered;
	s3 =	sadd.s32 s3, s5;
	[dreg:$0x0] =	wrdreg $0x0  }
0xa8: {  	s5 =	sshll.u32 s28, $0x1;
	[dreg:$0x2] =	wrdreg s3  }
0xa9: {  	[dreg:$0x3] =	wrdreg s5  }
0xaa: {  	[dreg:$0x4] =	wrdreg $0xC0  }
0xab: {  	_ =	task [dreg:s7], $0x5FFFF  }
0xac: {  	[dreg:$0x1] =	wrdreg $0xFFFFFFFF  }
0xad: {  	[dreg:$0x0] =	wrdreg $0x60  }
0xae: {  	[dreg:$0x2] =	wrdreg s2  }
0xaf: {  	[dreg:$0x3] =	wrdreg s24  }
0xb0: {  	[dreg:$0x4] =	wrdreg $0xF2300  }
0xb1: {  	[dreg:$0x5] =	wrdreg $0x9  }
0xb2: {  	_ =	task.clear_ibuf [dreg:s7], $0x6FFFF;
	_ =	strace $0x90000046  }
0xb3: {  	s29 =	simm.s32 $0x9;
	_ =	strace $0x80000048  }
0xb4: {  	_ =	swait.ge [sflag:s29], $0x1  }
0xb5: {  	[sflag:s29] =	ssyncadd.s32 $0xFFFFFFFF  }
0xb6: {  	_ =	strace $0x90000048  }
0xb7: {  	_ =	sfence  }
0xb8: {  	s30 =	sld [smem:$0x0];
	_ =	sdelay $0x2  }
0xb9: {  	s31 =	sshll.u32 s1, $0xD;
	s1 =	sshrl.u32 s1, $0x2  }
0xba: {  	s3 =	sand.u32 $0x4000, s31;
	s1 =	sadd.s32 s1, s30  }
0xbb: {  	s0 =	sor.u32 s3, s0;
	s1 =	sshll.u32 s1, $0x11  }
0xbc: {  	s0 =	sor.u32 s1, s0  }
0xbd: {  	s0 =	sadd.s32 $0x8F2B, s0  }
0xbe: {  	[sflag:s0] =	ssyncadd.remote.s32 $0x1  }
0xbf: {  	_ =	sfence.sel $0xFFFF  }
0xc0: {  	[dreg:$0x0] =	wrdreg $0xFFFFFFFF;
	(pc) =	sbr.abs _section_cstart, $3  }
0xc1: {  	[dreg:$0x1] =	wrdreg $0xFFFFFFFF  }
0xc2: {  	_ =	task.clear_ibuf [dreg:s7], $0x2FFFF;
	_ =	strace $0x9FFFFFFF  }
0xc3: {  	(tm) =	ssettm $0x7FFFFFFF  }
tec
execute0_lowered:
.L_overlay_start_1:
0x0: {  	(tag) =	ssettag $0x1  }
0x1: {  	s0 =	rddreg [dreg:$0x0]  }
0x2: {  	s3 =	rddreg [dreg:$0x1]  }
0x3: {  	s1 =	rddreg [dreg:$0x2]  }
0x4: {  	s2 =	simm.s32 $0x0;
	s4 =	srdreg.scid;
	s5 =	stileid.u32  }
0x5: {  	s28 =	simm.s32 $0x3E30;
	s29 =	simm.s32 $0x27B0;
	s30 =	simm.s32 $0x5230  }
0x6: {  	s31 =	simm.s32 $0x2800;
	[smem:$0x7FF] =	sst s2;
	s4 =	sand.u32 $0x1, s4  }
0x7: {  	s6 =	sshll.u32 s5, $0x1;
	s7 =	sadd.s32 $0xA600, s3;
	s10 =	sadd.s32 $0x800, s3  }
0x8: {  	s3 =	sadd.s32 $0x1E000, s3;
	s12 =	smul.u32 $0x9C40, s5;
	p0 =	sne.s32 s5, $0x0  }
0x9: {  	s6 =	sor.u32 s4, s6;
	s8 =	ssub.s32 $0x2, s4;
	s4 =	smul.u32 $0x4E20, s4  }
0xa: {  	s5 =	simm.s32 $0x8E30;
	_ =	strace $0x80000047;
	s9 =	smul.u32 $0x4E20, s6  }
0xb: {  	[dreg:$0x4] =	wrdreg s10;
	s23 =	sshrl.u32 s8, $0x1;
	s11 =	smul.u32 $0x138800, s6  }
0xc: {  	s6 =	smul.u32 $0x27100, s6;
	s8 =	ssub.s32 s8, s23;
	s4 =	sadd.s32 s4, s12  }
0xd: {  	s12 =	simm.s32 $0xB630;
	s24 =	sshrl.u32 s9, $0x3;
	s11 =	sshrl.u32 s11, $0x3  }
0xe: {  	s26 =	sadd.s32 s0, s6;
	s9 =	sadd.s32 $0x2710, s9;
	s6 =	sadd.s32 s3, s6  }
0xf: {  	s4 =	sshll.u32 s4, $0x3;
	s8 =	smax.u32 s8, $0x1;
	[dreg:$0x6] =	wrdreg s26  }
0x10: {  	s10 =	sadd.s32 s7, s24;
	s25 =	sadd.s32 s0, s11;
	[dreg:$0x8] =	wrdreg s6  }
0x11: {  	s14 =	sshrl.u32 s9, $0x3;
	s15 =	sshll.u32 s9, $0x3;
	s18 =	sadd.s32 $0x20000C80, s4  }
0x12: {  	s20 =	sadd.s32 $0x1900, s4;
	[dreg:$0xd] =	wrdreg s8;
	s23 =	sadd.s32 s0, s4  }
0x13: {  	s24 =	sadd.s32 $0x20014500, s4;
	[dreg:$0x5] =	wrdreg s10;
	s13 =	sadd.s32 $0xC80, s25  }
0x14: {  	s4 =	sadd.s32 $0x15180, s4;
	s6 =	sadd.s32 s7, s14;
	[dreg:$0x7] =	wrdreg s13  }
0x15: {  	s9 =	simm.s32 $0x0;
	s16 =	sadd.s32 s0, s15;
	[dreg:$0x9] =	wrdreg s6  }
0x16: {  	s17 =	sadd.s32 $0x14500, s25;
	s19 =	sand.u32 $0x1FFFF80, s18;
	[dreg:$0xa] =	wrdreg s16  }
0x17: {  	v0 =	vimm.s32 $0xFEDCBA98;
	v1 =	vimm.s32 $0x76543210;
	s21 =	sadd.s32 s20, s3;
	s22 =	sadd.s32 s20, s0;
	[dreg:$0xb] =	wrdreg s17  }
0x18: {  	v2 =	vimm.s32 $0xBA98FEDC;
	s25 =	sadd.s32 $0x2580, s23;
	s7 =	sand.u32 $0x1FFFF00, s24;
	[dreg:$0xf] =	wrdreg s21  }
0x19: {  	v3 =	vimm.s32 $0x32107654;
	v4 =	vimm.s32 $0xDCFE98BA;
	s0 =	sadd.s32 s4, s0;
	s26 =	sadd.s32 $0x15E00, s23;
	[dreg:$0x10] =	wrdreg s22  }
0x1a: {  	v5 =	vimm.s32 $0x54761032;
	v6 =	vimm.s32 $0xEFCDAB89;
	s23 =	simm.s32 $0x1;
	s24 =	simm.s32 $0x50;
	[dreg:$0x11] =	wrdreg s25  }
0x1b: {  	v7 =	vimm.s32 $0x67452301;
	v0 =	vunpack.c.l.s4.s8 v0;
	v1 =	vunpack.c.l.s4.s8 v1;
	s14 =	simm.s32 $0xCA30;
	s18 =	simm.s32 $0x4;
	[dreg:$0x14] =	wrdreg s0  }
0x1c: {  	v2 =	vunpack.c.l.s4.s8 v2;
	v3 =	vunpack.c.l.s4.s8 v3;
	v4 =	vunpack.c.l.s4.s8 v4;
	s6 =	sadd.s32 s3, s15;
	s7 =	sadd.s32 s7, s3;
	[dreg:$0x15] =	wrdreg s26  }
0x1d: {  	v5 =	vunpack.c.l.s4.s8 v5;
	v6 =	vunpack.c.l.s4.s8 v6;
	v7 =	vunpack.c.l.s4.s8 v7;
	s22 =	simm.s32 $0x2A30;
	s26 =	simm.s32 $0x2760;
	s0 =	simm.s32 $0x6630  }
.Ltmp0:
0x1e: {  	v0 =	vunpack.c.0.s8.s32 v0;
	v1 =	vunpack.c.0.s8.s32 v1;
	v2 =	vunpack.c.0.s8.s32 v2;
	s13 =	simm.s32 $0x2990;
	s15 =	simm.s32 $0x29E0;
	(pc) =	sbr.rel .LBB2_1-.Ltmp0, $4  }
0x1f: {  	v3 =	vunpack.c.0.s8.s32 v3;
	v4 =	vunpack.c.0.s8.s32 v4;
	v5 =	vunpack.c.0.s8.s32 v5;
	s16 =	simm.s32 $0xDE30;
	s17 =	simm.s32 $0x3;
	[dreg:$0xc] =	wrdreg s6  }
0x20: {  	v6 =	vunpack.c.0.s8.s32 v6;
	v7 =	vunpack.c.0.s8.s32 v7;
	v0 =	vand.u32 $0xF, v0;
	s6 =	sadd.s32 s19, s3;
	[dreg:$0x12] =	wrdreg s7;
	s3 =	sadd.s32 s4, s3  }
0x21: {  	v0 =	vcombine.low v0, v1;
	v1 =	vcombine.low v3, v2;
	s4 =	simm.s32 $0x7A30;
	s7 =	simm.s32 $0x2;
	[dreg:$0xe] =	wrdreg s6  }
0x22: {  	v2 =	vcombine.low v5, v4;
	v3 =	vcombine.low v7, v6;
	[dreg:$0x13] =	wrdreg s3;
	s3 =	simm.s32 $0x2850;
	s6 =	simm.s32 $0x5  }
.LBB2_13:
0x23: {  	_ =	swait.ge [sflag:s18], $0x6400  }
0x24: {  	[sflag:s18] =	ssyncset.done $0x0  }
0x25: {  	[sflag:s18] =	ssyncadd.s32 $0xFFFF9C00  }
0x26: {  	_ =	swait.ge [sflag:s17], $0x6400  }
0x27: {  	s9 =	rddreg [dreg:$0x16]  }
0x28: {  	s8 =	rddreg [dreg:$0xd];
	s9 =	sadd.s32 $0x1, s9  }
0x29: {  	p1 =	sne.s32 s9, s8  }
.Ltmp1:
0x2a: {  	_ = 	snop;
	(pc) =	sbr.rel @!p1 .LBB2_14-.Ltmp1, $3  }
0x2b: {  	_ =	sdelay $0x1  }
0x2c: {  	[sflag:s17] =	ssyncset.done $0x0  }
0x2d: {  	[sflag:s17] =	ssyncadd.s32 $0xFFFF9C00  }
.LBB2_1:
0x2e: {  	[dreg:$0x16] =	wrdreg s9  }
0x2f: {  	s8 =	sshrl.u32 @!p0 s1, $0x3;
	s9 =	simm.s32 @!p0 $0x1C06;
	s10 =	rddreg [dreg:$0x4]  }
0x30: {  	[spmem:s8], [sflag:s9] =	dma.local @!p0 [hbm:s10], $0x9C40  }
0x31: {  	s8 =	simm.s32 @!p0 $0x6  }
0x32: {  	_ =	swait.ge @!p0 [sflag:s8], $0x9C40  }
0x33: {  	[sflag:s8] =	ssyncset.done @!p0 $0x0  }
0x34: {  	[sflag:s8] =	ssyncadd.s32 @!p0 $0xFFFF63C0  }
0x35: {  	[bflag:$0x0] =	sbarrier.arrive $0xFFFF  }
0x36: {  	s21 =	simm.s32 $0x6;
	s20 =	rddreg [dreg:$0x5]  }
0x37: {  	[tilespmem:s2], [sflag:$0x6] =	stream.linear.gather [hbm4b:s20+s2], $0x2710, $0x38;
	[tilespmem:$0x14050] =	vst v63  }
0x38: {  	_ =	swait.ge [sflag:s21], $0x2710  }
0x39: {  	[sflag:s21] =	ssyncset.done $0x0  }
0x3a: {  	s25 =	simm.s32 $0x0;
	[sflag:s21] =	ssyncadd.s32 $0xFFFFD8F0  }
0x3b: {  	v4 =	vimm.s32 $0x7FFFFFFF;
	s8 =	simm.s32 $0x40;
	v5 =	vld [tilespmem:s25+$0x0]  }
.LBB2_2:
0x3c: {  	p1 =	sne.s32 s8, $0x9C00  }
.Ltmp2:
0x3d: {  	_ = 	snop;
	(pc) =	sbr.rel @p1 .LBB2_2-.Ltmp2, $3  }
0x3e: {  	_ =	sdelay $0x1  }
0x3f: {  	s9 =	sshra.s32 s8, $0x2;
	s8 =	sadd.s32 $0x40, s8;
	vm0 =	vlt.s32 v4, v5  }
0x40: {  	v4 =	vsel vm0, v4, v5;
	v5 =	vld [tilespmem:s9+$0x0]  }
0x41: {  	_ =	sdelay $0x3  }
0x42: {  	vm0 =	vlt.s32 v4, v5  }
0x43: {  	v4 =	vsel vm0, v4, v5  }
0x44: {  	v5 =	vperm.xlane v4, v0;
	_ =	sdelay $0x1  }
0x45: {  	vm0 =	vlt.s32 v4, v5  }
0x46: {  	v4 =	vsel vm0, v4, v5  }
0x47: {  	v5 =	vperm.xlane v4, v1;
	_ =	sdelay $0x1  }
0x48: {  	vm0 =	vlt.s32 v4, v5  }
0x49: {  	v4 =	vsel vm0, v4, v5  }
0x4a: {  	v5 =	vperm.xlane v4, v2;
	_ =	sdelay $0x1  }
0x4b: {  	vm0 =	vlt.s32 v4, v5  }
0x4c: {  	v4 =	vsel vm0, v4, v5;
	v5 =	vld [tilespmem:$0x0]  }
0x4d: {  	v7 =	vld [tilespmem:$0x10];
	v6 =	vperm.xlane v4, v3  }
0x4e: {  	v8 =	vld [tilespmem:$0x20]  }
0x4f: {  	v9 =	vld [tilespmem:$0x30];
	vm0 =	vlt.s32 v4, v6  }
0x50: {  	v4 =	vsel vm0, v4, v6;
	v6 =	vld [tilespmem:$0x40]  }
0x51: {  	v10 =	vld [tilespmem:$0x50];
	v5 =	vsub.s32 v5, v4  }
0x52: {  	[tilespmem:$0x2710] =	vst v5;
	v5 =	vsub.s32 v7, v4;
	v7 =	vld [tilespmem:$0x60]  }
0x53: {  	v39 =	vld [tilespmem:$0x70];
	[tilespmem:$0x2720] =	vst v5;
	v5 =	vsub.s32 v8, v4  }
0x54: {  	v40 =	vld [tilespmem:$0x80];
	[tilespmem:$0x2730] =	vst v5;
	v5 =	vsub.s32 v9, v4  }
0x55: {  	[tilespmem:$0x2740] =	vst v5;
	v5 =	vsub.s32 v6, v4;
	v6 =	vld [tilespmem:$0x90]  }
0x56: {  	v41 =	vld [tilespmem:$0xA0];
	[tilespmem:$0x2750] =	vst v5;
	v5 =	vsub.s32 v10, v4  }
0x57: {  	[tilespmem:$0x2760] =	vst v5;
	v5 =	vsub.s32 v7, v4;
	v7 =	vld [tilespmem:$0xB0]  }
0x58: {  	v42 =	vld [tilespmem:$0xC0];
	[tilespmem:$0x2770] =	vst v5;
	v5 =	vsub.s32 v39, v4  }
0x59: {  	v43 =	vld [tilespmem:$0xD0];
	[tilespmem:$0x2780] =	vst v5;
	v5 =	vsub.s32 v40, v4  }
0x5a: {  	[tilespmem:$0x2790] =	vst v5;
	v5 =	vsub.s32 v6, v4;
	v6 =	vld [tilespmem:$0xE0]  }
0x5b: {  	v44 =	vld [tilespmem:$0xF0];
	[tilespmem:$0x27A0] =	vst v5;
	v5 =	vsub.s32 v41, v4  }
0x5c: {  	[tilespmem:$0x27B0] =	vst v5;
	v5 =	vsub.s32 v7, v4;
	v7 =	vld [tilespmem:$0x100]  }
0x5d: {  	v45 =	vld [tilespmem:$0x110];
	[tilespmem:$0x27C0] =	vst v5;
	v5 =	vsub.s32 v42, v4  }
0x5e: {  	v46 =	vld [tilespmem:$0x120];
	[tilespmem:$0x27D0] =	vst v5;
	v5 =	vsub.s32 v43, v4  }
0x5f: {  	[tilespmem:$0x27E0] =	vst v5;
	v5 =	vsub.s32 v6, v4;
	v6 =	vld [tilespmem:$0x130]  }
0x60: {  	v47 =	vld [tilespmem:$0x140];
	[tilespmem:$0x27F0] =	vst v5;
	v5 =	vsub.s32 v44, v4  }
0x61: {  	[tilespmem:$0x2800] =	vst v5;
	v5 =	vsub.s32 v7, v4;
	v7 =	vld [tilespmem:$0x150]  }
0x62: {  	v48 =	vld [tilespmem:$0x160];
	[tilespmem:$0x2810] =	vst v5;
	v5 =	vsub.s32 v45, v4  }
0x63: {  	v49 =	vld [tilespmem:$0x170];
	[tilespmem:$0x2820] =	vst v5;
	v5 =	vsub.s32 v46, v4  }
0x64: {  	[tilespmem:$0x2830] =	vst v5;
	v5 =	vsub.s32 v6, v4;
	v6 =	vld [tilespmem:$0x180]  }
0x65: {  	[tilespmem:$0x2840] =	vst v5;
	v5 =	vsub.s32 v47, v4  }
0x66: {  	[tilespmem:$0x2850] =	vst v5;
	v5 =	vsub.s32 v7, v4  }
0x67: {  	[tilespmem:$0x2860] =	vst v5;
	v5 =	vsub.s32 v48, v4  }
0x68: {  	[tilespmem:$0x2870] =	vst v5;
	v5 =	vsub.s32 v49, v4  }
0x69: {  	[tilespmem:$0x2880] =	vst v5;
	v5 =	vsub.s32 v6, v4  }
0x6a: {  	s8 =	rddreg [dreg:$0x6];
	[tilespmem:$0x2890] =	vst v5  }
0x6b: {  	[tilespmem:s22], [sflag:$0x1] =	stream.linear.gather [hbm4b:s8+s2], $0x6400, $0x38;
	[tilespmem:$0x14050] =	vst v63  }
0x6c: {  	_ =	swait.ge [sflag:s23], $0x6400  }
0x6d: {  	[sflag:s23] =	ssyncset.done $0x0  }
0x6e: {  	s20 =	simm.s32 $0x2710;
	[sflag:s23] =	ssyncadd.s32 $0xFFFF9C00  }
0x6f: {  	[tilespmem:s22], [sflag:$0x5] =	stream.indirect.gather.add.f32 [spmem:s1], $0x40, s20, s24, $0xb8;
	[tilespmem:$0x14050] =	vst v63  }
0x70: {  	_ = 	snop  }
0x71: {  	[tilespmem:s28], [sflag:$0x5] =	stream.indirect.gather.add.f32 [spmem:s1], $0x40, s26, s24, $0xb8;
	[tilespmem:$0x14050] =	vst v63  }
0x72: {  	_ = 	snop  }
0x73: {  	[tilespmem:s30], [sflag:$0x5] =	stream.indirect.gather.add.f32 [spmem:s1], $0x40, s29, s24, $0xb8;
	[tilespmem:$0x14050] =	vst v63  }
0x74: {  	_ = 	snop  }
0x75: {  	[tilespmem:s0], [sflag:$0x5] =	stream.indirect.gather.add.f32 [spmem:s1], $0x40, s31, s24, $0xb8;
	[tilespmem:$0x14050] =	vst v63  }
0x76: {  	_ = 	snop  }
0x77: {  	[tilespmem:s4], [sflag:$0x5] =	stream.indirect.gather.add.f32 [spmem:s1], $0x40, s3, s24, $0xb8;
	[tilespmem:$0x14050] =	vst v63  }
0x78: {  	v5 =	vld [tilespmem:$0x190]  }
0x79: {  	v6 =	vld [tilespmem:$0x1A0]  }
0x7a: {  	v7 =	vld [tilespmem:$0x1B0]  }
0x7b: {  	v50 =	vld [tilespmem:$0x1C0]  }
0x7c: {  	v51 =	vld [tilespmem:$0x1D0]  }
0x7d: {  	v52 =	vld [tilespmem:$0x1E0];
	v5 =	vsub.s32 v5, v4  }
0x7e: {  	[tilespmem:$0x28A0] =	vst v5;
	v5 =	vsub.s32 v6, v4;
	v6 =	vld [tilespmem:$0x1F0]  }
0x7f: {  	[tilespmem:$0x28B0] =	vst v5;
	v5 =	vsub.s32 v7, v4;
	v7 =	vld [tilespmem:$0x200]  }
0x80: {  	v53 =	vld [tilespmem:$0x210];
	[tilespmem:$0x28C0] =	vst v5;
	v5 =	vsub.s32 v50, v4  }
0x81: {  	v54 =	vld [tilespmem:$0x220];
	[tilespmem:$0x28D0] =	vst v5;
	v5 =	vsub.s32 v51, v4  }
0x82: {  	v55 =	vld [tilespmem:$0x230];
	[tilespmem:$0x28E0] =	vst v5;
	v5 =	vsub.s32 v52, v4  }
0x83: {  	[tilespmem:$0x28F0] =	vst v5;
	v5 =	vsub.s32 v6, v4;
	v6 =	vld [tilespmem:$0x240]  }
0x84: {  	[tilespmem:$0x2900] =	vst v5;
	v5 =	vsub.s32 v7, v4;
	v7 =	vld [tilespmem:$0x250]  }
0x85: {  	v56 =	vld [tilespmem:$0x260];
	[tilespmem:$0x2910] =	vst v5;
	v5 =	vsub.s32 v53, v4  }
0x86: {  	v57 =	vld [tilespmem:$0x270];
	[tilespmem:$0x2920] =	vst v5;
	v5 =	vsub.s32 v54, v4  }
0x87: {  	v58 =	vld [tilespmem:$0x280];
	[tilespmem:$0x2930] =	vst v5;
	v5 =	vsub.s32 v55, v4  }
0x88: {  	[tilespmem:$0x2940] =	vst v5;
	v5 =	vsub.s32 v6, v4;
	v6 =	vld [tilespmem:$0x290]  }
0x89: {  	[tilespmem:$0x2950] =	vst v5;
	v5 =	vsub.s32 v7, v4;
	v7 =	vld [tilespmem:$0x2A0]  }
0x8a: {  	v59 =	vld [tilespmem:$0x2B0];
	[tilespmem:$0x2960] =	vst v5;
	v5 =	vsub.s32 v56, v4  }
0x8b: {  	v60 =	vld [tilespmem:$0x2C0];
	[tilespmem:$0x2970] =	vst v5;
	v5 =	vsub.s32 v57, v4  }
0x8c: {  	v61 =	vld [tilespmem:$0x2D0];
	[tilespmem:$0x2980] =	vst v5;
	v5 =	vsub.s32 v58, v4  }
0x8d: {  	[tilespmem:$0x2990] =	vst v5;
	v5 =	vsub.s32 v6, v4;
	v6 =	vld [tilespmem:$0x2E0]  }
0x8e: {  	[tilespmem:$0x29A0] =	vst v5;
	v5 =	vsub.s32 v7, v4;
	v7 =	vld [tilespmem:$0x2F0]  }
0x8f: {  	v62 =	vld [tilespmem:$0x300];
	[tilespmem:$0x29B0] =	vst v5;
	v5 =	vsub.s32 v59, v4  }
0x90: {  	v63 =	vld [tilespmem:$0x310];
	[tilespmem:$0x29C0] =	vst v5;
	v5 =	vsub.s32 v60, v4  }
0x91: {  	[tilespmem:$0x29D0] =	vst v5;
	v5 =	vsub.s32 v61, v4  }
0x92: {  	[tilespmem:$0x29E0] =	vst v5;
	v5 =	vsub.s32 v6, v4  }
0x93: {  	[tilespmem:$0x29F0] =	vst v5;
	v5 =	vsub.s32 v7, v4  }
0x94: {  	[tilespmem:$0x2A00] =	vst v5;
	v5 =	vsub.s32 v62, v4  }
0x95: {  	[tilespmem:$0x2A10] =	vst v5;
	v5 =	vsub.s32 v63, v4  }
0x96: {  	s21 =	rddreg [dreg:$0x7];
	[tilespmem:$0x2A20] =	vst v5  }
0x97: {  	[tilespmem:s5], [sflag:$0x2] =	stream.linear.gather [hbm4b:s21+s2], $0x6400, $0x38;
	[tilespmem:$0x14050] =	vst v63  }
0x98: {  	_ =	swait.ge [sflag:s6], $0x1400  }
0x99: {  	[sflag:s6] =	ssyncset.done $0x0  }
0x9a: {  	[sflag:s6] =	ssyncadd.s32 $0xFFFFEC00  }
0x9b: {  	_ =	swait.ge [sflag:s6], $0x1400  }
0x9c: {  	[sflag:s6] =	ssyncset.done $0x0  }
0x9d: {  	[sflag:s6] =	ssyncadd.s32 $0xFFFFEC00  }
0x9e: {  	_ =	swait.ge [sflag:s6], $0x1400  }
0x9f: {  	[sflag:s6] =	ssyncset.done $0x0  }
0xa0: {  	[sflag:s6] =	ssyncadd.s32 $0xFFFFEC00  }
0xa1: {  	_ =	swait.ge [sflag:s6], $0x1400  }
0xa2: {  	[sflag:s6] =	ssyncset.done $0x0  }
0xa3: {  	[sflag:s6] =	ssyncadd.s32 $0xFFFFEC00  }
0xa4: {  	_ =	swait.ge [sflag:s6], $0x1400  }
0xa5: {  	s25 =	rddreg [dreg:$0x8]  }
.Ltmp3:
0xa6: {  	s19 =	rddreg [dreg:$0x11];
	(pc) =	sbr.rel .LBB2_4-.Ltmp3, $4  }
0xa7: {  	s8 =	rddreg [dreg:$0x10]  }
0xa8: {  	s20 =	simm.s32 $0x3;
	[sflag:s6] =	ssyncset.done $0x0;
	s9 =	rddreg [dreg:$0xf]  }
0xa9: {  	s21 =	simm.s32 $0x630;
	s10 =	rddreg [dreg:$0xe];
	[sflag:s6] =	ssyncadd.s32 $0xFFFFEC00  }
0xaa: {  	[hbm4b:s25+s2] =	stream.linear.scatter [tilespmem:s22], [sflag:$0x3], $0x6400, $0x38;
	[tilespmem:$0x14050] =	vst v63  }
.LBB2_6:
0xab: {  	_ =	swait.ge [sflag:s6], $0x1400  }
0xac: {  	[sflag:s6] =	ssyncset.done $0x0  }
0xad: {  	[sflag:s6] =	ssyncadd.s32 $0xFFFFEC00  }
0xae: {  	_ =	swait.ge [sflag:s6], $0x1400  }
0xaf: {  	[sflag:s6] =	ssyncset.done $0x0  }
0xb0: {  	[sflag:s6] =	ssyncadd.s32 $0xFFFFEC00  }
0xb1: {  	_ =	swait.ge [sflag:s6], $0x1400  }
0xb2: {  	[sflag:s6] =	ssyncset.done $0x0  }
0xb3: {  	[sflag:s6] =	ssyncadd.s32 $0xFFFFEC00  }
0xb4: {  	_ =	swait.ge [sflag:s6], $0x1400  }
0xb5: {  	s20 =	sadd.s32 $0x2, s20;
	[sflag:s6] =	ssyncset.done $0x0  }
0xb6: {  	p1 =	sne.s32 s20, $0x1B;
	[sflag:s6] =	ssyncadd.s32 $0xFFFFEC00  }
.Ltmp4:
0xb7: {  	_ =	swait.ge [sflag:s6], $0x1400;
	(pc) =	sbr.rel @!p1 .LBB2_7-.Ltmp4, $4  }
0xb8: {  	[sflag:s6] =	ssyncset.done $0x0  }
0xb9: {  	s10 =	sadd.s32 $0x1900, s10;
	s8 =	sadd.s32 $0x1900, s8;
	[sflag:s6] =	ssyncadd.s32 $0xFFFFEC00  }
0xba: {  	[hbm4b:s9+s2] =	stream.linear.scatter [tilespmem:s22], [sflag:$0x3], $0x6400, $0x38;
	[tilespmem:$0x14050] =	vst v63  }
0xbb: {  	s19 =	sadd.s32 $0x1900, s19;
	s21 =	sadd.s32 $0x320, s21;
	s9 =	sadd.s32 $0x1900, s9  }
.LBB2_4:
0xbc: {  	_ =	swait.ge [sflag:s7], $0x6400  }
0xbd: {  	[sflag:s7] =	ssyncset.done $0x0  }
0xbe: {  	s25 =	simm.s32 $0x28A0;
	[sflag:s7] =	ssyncadd.s32 $0xFFFF9C00  }
0xbf: {  	[tilespmem:s5], [sflag:$0x5] =	stream.indirect.gather.add.f32 [spmem:s1], $0x40, s25, s24, $0xb8;
	[tilespmem:$0x14050] =	vst v63  }
0xc0: {  	s11 =	simm.s32 $0xA230;
	s25 =	simm.s32 $0x28F0  }
0xc1: {  	[tilespmem:s11], [sflag:$0x5] =	stream.indirect.gather.add.f32 [spmem:s1], $0x40, s25, s24, $0xb8;
	[tilespmem:$0x14050] =	vst v63  }
0xc2: {  	s25 =	simm.s32 $0x2940  }
0xc3: {  	[tilespmem:s12], [sflag:$0x5] =	stream.indirect.gather.add.f32 [spmem:s1], $0x40, s25, s24, $0xb8;
	[tilespmem:$0x14050] =	vst v63  }
0xc4: {  	_ = 	snop  }
0xc5: {  	[tilespmem:s14], [sflag:$0x5] =	stream.indirect.gather.add.f32 [spmem:s1], $0x40, s13, s24, $0xb8;
	[tilespmem:$0x14050] =	vst v63  }
0xc6: {  	_ = 	snop  }
0xc7: {  	[tilespmem:s16], [sflag:$0x5] =	stream.indirect.gather.add.f32 [spmem:s1], $0x40, s15, s24, $0xb8;
	[tilespmem:$0x14050] =	vst v63  }
0xc8: {  	_ =	swait.ge [sflag:s17], $0x6400  }
0xc9: {  	[sflag:s17] =	ssyncset.done $0x0  }
0xca: {  	[sflag:s17] =	ssyncadd.s32 $0xFFFF9C00  }
0xcb: {  	v5 =	vld [tilespmem:s21+$0xFFFFFCF0];
	_ =	sdelay $0x4  }
0xcc: {  	v5 =	vsub.s32 v5, v4  }
0xcd: {  	[tilespmem:$0x2710] =	vst v5  }
0xce: {  	v5 =	vld [tilespmem:s21+$0xFFFFFD00];
	_ =	sdelay $0x4  }
0xcf: {  	v5 =	vsub.s32 v5, v4  }
0xd0: {  	[tilespmem:$0x2720] =	vst v5  }
0xd1: {  	v5 =	vld [tilespmem:s21+$0xFFFFFD10];
	_ =	sdelay $0x4  }
0xd2: {  	v5 =	vsub.s32 v5, v4  }
0xd3: {  	[tilespmem:$0x2730] =	vst v5  }
0xd4: {  	v5 =	vld [tilespmem:s21+$0xFFFFFD20];
	_ =	sdelay $0x4  }
0xd5: {  	v5 =	vsub.s32 v5, v4  }
0xd6: {  	[tilespmem:$0x2740] =	vst v5  }
0xd7: {  	v5 =	vld [tilespmem:s21+$0xFFFFFD30];
	_ =	sdelay $0x4  }
0xd8: {  	v5 =	vsub.s32 v5, v4  }
0xd9: {  	[tilespmem:$0x2750] =	vst v5  }
0xda: {  	v5 =	vld [tilespmem:s21+$0xFFFFFD40];
	_ =	sdelay $0x4  }
0xdb: {  	v5 =	vsub.s32 v5, v4  }
0xdc: {  	[tilespmem:$0x2760] =	vst v5  }
0xdd: {  	v5 =	vld [tilespmem:s21+$0xFFFFFD50];
	_ =	sdelay $0x4  }
0xde: {  	v5 =	vsub.s32 v5, v4  }
0xdf: {  	[tilespmem:$0x2770] =	vst v5  }
0xe0: {  	v5 =	vld [tilespmem:s21+$0xFFFFFD60];
	_ =	sdelay $0x4  }
0xe1: {  	v5 =	vsub.s32 v5, v4  }
0xe2: {  	[tilespmem:$0x2780] =	vst v5  }
0xe3: {  	v5 =	vld [tilespmem:s21+$0xFFFFFD70];
	_ =	sdelay $0x4  }
0xe4: {  	v5 =	vsub.s32 v5, v4  }
0xe5: {  	[tilespmem:$0x2790] =	vst v5  }
0xe6: {  	v5 =	vld [tilespmem:s21+$0xFFFFFD80];
	_ =	sdelay $0x4  }
0xe7: {  	v5 =	vsub.s32 v5, v4  }
0xe8: {  	[tilespmem:$0x27A0] =	vst v5  }
0xe9: {  	v5 =	vld [tilespmem:s21+$0xFFFFFD90];
	_ =	sdelay $0x4  }
0xea: {  	v5 =	vsub.s32 v5, v4  }
0xeb: {  	[tilespmem:$0x27B0] =	vst v5  }
0xec: {  	v5 =	vld [tilespmem:s21+$0xFFFFFDA0];
	_ =	sdelay $0x4  }
0xed: {  	v5 =	vsub.s32 v5, v4  }
0xee: {  	[tilespmem:$0x27C0] =	vst v5  }
0xef: {  	v5 =	vld [tilespmem:s21+$0xFFFFFDB0];
	_ =	sdelay $0x4  }
0xf0: {  	v5 =	vsub.s32 v5, v4  }
0xf1: {  	[tilespmem:$0x27D0] =	vst v5  }
0xf2: {  	v5 =	vld [tilespmem:s21+$0xFFFFFDC0];
	_ =	sdelay $0x4  }
0xf3: {  	v5 =	vsub.s32 v5, v4  }
0xf4: {  	[tilespmem:$0x27E0] =	vst v5  }
0xf5: {  	v5 =	vld [tilespmem:s21+$0xFFFFFDD0];
	_ =	sdelay $0x4  }
0xf6: {  	v5 =	vsub.s32 v5, v4  }
0xf7: {  	[tilespmem:$0x27F0] =	vst v5  }
0xf8: {  	v5 =	vld [tilespmem:s21+$0xFFFFFDE0];
	_ =	sdelay $0x4  }
0xf9: {  	v5 =	vsub.s32 v5, v4  }
0xfa: {  	[tilespmem:$0x2800] =	vst v5  }
0xfb: {  	v5 =	vld [tilespmem:s21+$0xFFFFFDF0];
	_ =	sdelay $0x4  }
0xfc: {  	v5 =	vsub.s32 v5, v4  }
0xfd: {  	[tilespmem:$0x2810] =	vst v5  }
0xfe: {  	v5 =	vld [tilespmem:s21+$0xFFFFFE00];
	_ =	sdelay $0x4  }
0xff: {  	v5 =	vsub.s32 v5, v4  }
0x100: {  	[tilespmem:$0x2820] =	vst v5  }
0x101: {  	v5 =	vld [tilespmem:s21+$0xFFFFFE10];
	_ =	sdelay $0x4  }
0x102: {  	v5 =	vsub.s32 v5, v4  }
0x103: {  	[tilespmem:$0x2830] =	vst v5  }
0x104: {  	v5 =	vld [tilespmem:s21+$0xFFFFFE20];
	_ =	sdelay $0x4  }
0x105: {  	v5 =	vsub.s32 v5, v4  }
0x106: {  	[tilespmem:$0x2840] =	vst v5  }
0x107: {  	v5 =	vld [tilespmem:s21+$0xFFFFFE30];
	_ =	sdelay $0x4  }
0x108: {  	v5 =	vsub.s32 v5, v4  }
0x109: {  	[tilespmem:$0x2850] =	vst v5  }
0x10a: {  	v5 =	vld [tilespmem:s21+$0xFFFFFE40];
	_ =	sdelay $0x4  }
0x10b: {  	v5 =	vsub.s32 v5, v4  }
0x10c: {  	[tilespmem:$0x2860] =	vst v5  }
0x10d: {  	v5 =	vld [tilespmem:s21+$0xFFFFFE50];
	_ =	sdelay $0x4  }
0x10e: {  	v5 =	vsub.s32 v5, v4  }
0x10f: {  	[tilespmem:$0x2870] =	vst v5  }
0x110: {  	v5 =	vld [tilespmem:s21+$0xFFFFFE60];
	_ =	sdelay $0x4  }
0x111: {  	v5 =	vsub.s32 v5, v4  }
0x112: {  	[tilespmem:$0x2880] =	vst v5  }
0x113: {  	v5 =	vld [tilespmem:s21+$0xFFFFFE70];
	_ =	sdelay $0x4  }
0x114: {  	v5 =	vsub.s32 v5, v4  }
0x115: {  	[tilespmem:$0x2890] =	vst v5  }
0x116: {  	[tilespmem:s22], [sflag:$0x1] =	stream.linear.gather [hbm4b:s8+s2], $0x6400, $0x38;
	[tilespmem:$0x14050] =	vst v63  }
0x117: {  	_ =	swait.ge [sflag:s6], $0x1400  }
0x118: {  	[sflag:s6] =	ssyncset.done $0x0  }
0x119: {  	[sflag:s6] =	ssyncadd.s32 $0xFFFFEC00  }
0x11a: {  	_ =	swait.ge [sflag:s6], $0x1400  }
0x11b: {  	[sflag:s6] =	ssyncset.done $0x0  }
0x11c: {  	[sflag:s6] =	ssyncadd.s32 $0xFFFFEC00  }
0x11d: {  	_ =	swait.ge [sflag:s6], $0x1400  }
0x11e: {  	[sflag:s6] =	ssyncset.done $0x0  }
0x11f: {  	[sflag:s6] =	ssyncadd.s32 $0xFFFFEC00  }
0x120: {  	_ =	swait.ge [sflag:s6], $0x1400  }
0x121: {  	[sflag:s6] =	ssyncset.done $0x0  }
0x122: {  	[sflag:s6] =	ssyncadd.s32 $0xFFFFEC00  }
0x123: {  	_ =	swait.ge [sflag:s6], $0x1400  }
0x124: {  	[sflag:s6] =	ssyncset.done $0x0  }
0x125: {  	[sflag:s6] =	ssyncadd.s32 $0xFFFFEC00  }
0x126: {  	[hbm4b:s10+s2] =	stream.linear.scatter [tilespmem:s5], [sflag:$0x4], $0x6400, $0x38;
	[tilespmem:$0x14050] =	vst v63  }
0x127: {  	_ =	swait.ge [sflag:s23], $0x6400  }
0x128: {  	[sflag:s23] =	ssyncset.done $0x0  }
0x129: {  	s11 =	simm.s32 $0x2710;
	[sflag:s23] =	ssyncadd.s32 $0xFFFF9C00  }
0x12a: {  	[tilespmem:s22], [sflag:$0x5] =	stream.indirect.gather.add.f32 [spmem:s1], $0x40, s11, s24, $0xb8;
	[tilespmem:$0x14050] =	vst v63  }
0x12b: {  	_ = 	snop  }
0x12c: {  	[tilespmem:s28], [sflag:$0x5] =	stream.indirect.gather.add.f32 [spmem:s1], $0x40, s26, s24, $0xb8;
	[tilespmem:$0x14050] =	vst v63  }
0x12d: {  	p1 =	sgt.u32 s20, $0x18  }
0x12e: {  	[tilespmem:s30], [sflag:$0x5] =	stream.indirect.gather.add.f32 [spmem:s1], $0x40, s29, s24, $0xb8;
	[tilespmem:$0x14050] =	vst v63  }
.Ltmp5:
0x12f: {  	_ = 	snop;
	(pc) =	sbr.rel @p1 .LBB2_6-.Ltmp5, $4  }
0x130: {  	_ = 	snop  }
0x131: {  	[tilespmem:s0], [sflag:$0x5] =	stream.indirect.gather.add.f32 [spmem:s1], $0x40, s31, s24, $0xb8;
	[tilespmem:$0x14050] =	vst v63  }
0x132: {  	_ = 	snop  }
0x133: {  	[tilespmem:s4], [sflag:$0x5] =	stream.indirect.gather.add.f32 [spmem:s1], $0x40, s3, s24, $0xb8;
	[tilespmem:$0x14050] =	vst v63  }
0x134: {  	_ =	swait.ge [sflag:s18], $0x6400  }
0x135: {  	[sflag:s18] =	ssyncset.done $0x0  }
0x136: {  	[sflag:s18] =	ssyncadd.s32 $0xFFFF9C00  }
0x137: {  	v5 =	vld [tilespmem:s21+$0xFFFFFE80];
	_ =	sdelay $0x4  }
0x138: {  	v5 =	vsub.s32 v5, v4  }
0x139: {  	[tilespmem:$0x28A0] =	vst v5  }
0x13a: {  	v5 =	vld [tilespmem:s21+$0xFFFFFE90];
	_ =	sdelay $0x4  }
0x13b: {  	v5 =	vsub.s32 v5, v4  }
0x13c: {  	[tilespmem:$0x28B0] =	vst v5  }
0x13d: {  	v5 =	vld [tilespmem:s21+$0xFFFFFEA0];
	_ =	sdelay $0x4  }
0x13e: {  	v5 =	vsub.s32 v5, v4  }
0x13f: {  	[tilespmem:$0x28C0] =	vst v5  }
0x140: {  	v5 =	vld [tilespmem:s21+$0xFFFFFEB0];
	_ =	sdelay $0x4  }
0x141: {  	v5 =	vsub.s32 v5, v4  }
0x142: {  	[tilespmem:$0x28D0] =	vst v5  }
0x143: {  	v5 =	vld [tilespmem:s21+$0xFFFFFEC0];
	_ =	sdelay $0x4  }
0x144: {  	v5 =	vsub.s32 v5, v4  }
0x145: {  	[tilespmem:$0x28E0] =	vst v5  }
0x146: {  	v5 =	vld [tilespmem:s21+$0xFFFFFED0];
	_ =	sdelay $0x4  }
0x147: {  	v5 =	vsub.s32 v5, v4  }
0x148: {  	[tilespmem:$0x28F0] =	vst v5  }
0x149: {  	v5 =	vld [tilespmem:s21+$0xFFFFFEE0];
	_ =	sdelay $0x4  }
0x14a: {  	v5 =	vsub.s32 v5, v4  }
0x14b: {  	[tilespmem:$0x2900] =	vst v5  }
0x14c: {  	v5 =	vld [tilespmem:s21+$0xFFFFFEF0];
	_ =	sdelay $0x4  }
0x14d: {  	v5 =	vsub.s32 v5, v4  }
0x14e: {  	[tilespmem:$0x2910] =	vst v5  }
0x14f: {  	v5 =	vld [tilespmem:s21+$0xFFFFFF00];
	_ =	sdelay $0x4  }
0x150: {  	v5 =	vsub.s32 v5, v4  }
0x151: {  	[tilespmem:$0x2920] =	vst v5  }
0x152: {  	v5 =	vld [tilespmem:s21+$0xFFFFFF10];
	_ =	sdelay $0x4  }
0x153: {  	v5 =	vsub.s32 v5, v4  }
0x154: {  	[tilespmem:$0x2930] =	vst v5  }
0x155: {  	v5 =	vld [tilespmem:s21+$0xFFFFFF20];
	_ =	sdelay $0x4  }
0x156: {  	v5 =	vsub.s32 v5, v4  }
0x157: {  	[tilespmem:$0x2940] =	vst v5  }
0x158: {  	v5 =	vld [tilespmem:s21+$0xFFFFFF30];
	_ =	sdelay $0x4  }
0x159: {  	v5 =	vsub.s32 v5, v4  }
0x15a: {  	[tilespmem:$0x2950] =	vst v5  }
0x15b: {  	v5 =	vld [tilespmem:s21+$0xFFFFFF40];
	_ =	sdelay $0x4  }
0x15c: {  	v5 =	vsub.s32 v5, v4  }
0x15d: {  	[tilespmem:$0x2960] =	vst v5  }
0x15e: {  	v5 =	vld [tilespmem:s21+$0xFFFFFF50];
	_ =	sdelay $0x4  }
0x15f: {  	v5 =	vsub.s32 v5, v4  }
0x160: {  	[tilespmem:$0x2970] =	vst v5  }
0x161: {  	v5 =	vld [tilespmem:s21+$0xFFFFFF60];
	_ =	sdelay $0x4  }
0x162: {  	v5 =	vsub.s32 v5, v4  }
0x163: {  	[tilespmem:$0x2980] =	vst v5  }
0x164: {  	v5 =	vld [tilespmem:s21+$0xFFFFFF70];
	_ =	sdelay $0x4  }
0x165: {  	v5 =	vsub.s32 v5, v4  }
0x166: {  	[tilespmem:$0x2990] =	vst v5  }
0x167: {  	v5 =	vld [tilespmem:s21+$0xFFFFFF80];
	_ =	sdelay $0x4  }
0x168: {  	v5 =	vsub.s32 v5, v4  }
0x169: {  	[tilespmem:$0x29A0] =	vst v5  }
0x16a: {  	v5 =	vld [tilespmem:s21+$0xFFFFFF90];
	_ =	sdelay $0x4  }
0x16b: {  	v5 =	vsub.s32 v5, v4  }
0x16c: {  	[tilespmem:$0x29B0] =	vst v5  }
0x16d: {  	v5 =	vld [tilespmem:s21+$0xFFFFFFA0];
	_ =	sdelay $0x4  }
0x16e: {  	v5 =	vsub.s32 v5, v4  }
0x16f: {  	[tilespmem:$0x29C0] =	vst v5  }
0x170: {  	v5 =	vld [tilespmem:s21+$0xFFFFFFB0];
	_ =	sdelay $0x4  }
0x171: {  	v5 =	vsub.s32 v5, v4  }
0x172: {  	[tilespmem:$0x29D0] =	vst v5  }
0x173: {  	v5 =	vld [tilespmem:s21+$0xFFFFFFC0];
	_ =	sdelay $0x4  }
0x174: {  	v5 =	vsub.s32 v5, v4  }
0x175: {  	[tilespmem:$0x29E0] =	vst v5  }
0x176: {  	v5 =	vld [tilespmem:s21+$0xFFFFFFD0];
	_ =	sdelay $0x4  }
0x177: {  	v5 =	vsub.s32 v5, v4  }
0x178: {  	[tilespmem:$0x29F0] =	vst v5  }
0x179: {  	v5 =	vld [tilespmem:s21+$0xFFFFFFE0];
	_ =	sdelay $0x4  }
0x17a: {  	v5 =	vsub.s32 v5, v4  }
0x17b: {  	[tilespmem:$0x2A00] =	vst v5  }
0x17c: {  	v5 =	vld [tilespmem:s21+$0xFFFFFFF0];
	_ =	sdelay $0x4  }
0x17d: {  	v5 =	vsub.s32 v5, v4  }
0x17e: {  	[tilespmem:$0x2A10] =	vst v5  }
0x17f: {  	v5 =	vld [tilespmem:s21+$0x0];
	_ =	sdelay $0x2  }
.Ltmp6:
0x180: {  	_ = 	snop;
	(pc) =	sbr.rel .LBB2_6-.Ltmp6, $4  }
0x181: {  	_ = 	snop  }
0x182: {  	v5 =	vsub.s32 v5, v4  }
0x183: {  	[tilespmem:$0x2A20] =	vst v5  }
0x184: {  	[tilespmem:s5], [sflag:$0x2] =	stream.linear.gather [hbm4b:s19+s2], $0x6400, $0x38;
	[tilespmem:$0x14050] =	vst v63  }
.LBB2_7:
0x185: {  	_ =	swait.ge [sflag:s18], $0x6400  }
0x186: {  	[sflag:s18] =	ssyncset.done $0x0  }
0x187: {  	[sflag:s18] =	ssyncadd.s32 $0xFFFF9C00  }
0x188: {  	_ =	swait.ge [sflag:s17], $0x6400  }
0x189: {  	s8 =	simm.s32 $0x0;
	[sflag:s17] =	ssyncset.done $0x0  }
0x18a: {  	s21 =	simm.s32 $0x6;
	s9 =	rddreg [dreg:$0x9];
	[sflag:s17] =	ssyncadd.s32 $0xFFFF9C00  }
0x18b: {  	[tilespmem:s8], [sflag:$0x6] =	stream.linear.gather [hbm4b:s9+s8], $0x2710, $0x38;
	[tilespmem:$0x14050] =	vst v63  }
0x18c: {  	_ =	swait.ge [sflag:s21], $0x2710  }
0x18d: {  	[sflag:s21] =	ssyncset.done $0x0  }
0x18e: {  	s25 =	simm.s32 $0x0;
	[sflag:s21] =	ssyncadd.s32 $0xFFFFD8F0  }
0x18f: {  	v4 =	vimm.s32 $0x7FFFFFFF;
	s8 =	simm.s32 $0x40;
	v5 =	vld [tilespmem:s25+$0x0]  }
.LBB2_8:
0x190: {  	p1 =	sne.s32 s8, $0x9C00  }
.Ltmp7:
0x191: {  	_ = 	snop;
	(pc) =	sbr.rel @p1 .LBB2_8-.Ltmp7, $3  }
0x192: {  	_ =	sdelay $0x1  }
0x193: {  	s9 =	sshra.s32 s8, $0x2;
	s8 =	sadd.s32 $0x40, s8;
	vm0 =	vlt.s32 v4, v5  }
0x194: {  	v4 =	vsel vm0, v4, v5;
	v5 =	vld [tilespmem:s9+$0x0]  }
0x195: {  	_ =	sdelay $0x3  }
0x196: {  	vm0 =	vlt.s32 v4, v5  }
0x197: {  	v4 =	vsel vm0, v4, v5  }
0x198: {  	v5 =	vperm.xlane v4, v0;
	_ =	sdelay $0x1  }
0x199: {  	vm0 =	vlt.s32 v4, v5  }
0x19a: {  	v4 =	vsel vm0, v4, v5  }
0x19b: {  	v5 =	vperm.xlane v4, v1;
	_ =	sdelay $0x1  }
0x19c: {  	vm0 =	vlt.s32 v4, v5  }
0x19d: {  	v4 =	vsel vm0, v4, v5  }
0x19e: {  	v5 =	vperm.xlane v4, v2;
	_ =	sdelay $0x1  }
0x19f: {  	vm0 =	vlt.s32 v4, v5  }
0x1a0: {  	v4 =	vsel vm0, v4, v5;
	v5 =	vld [tilespmem:$0x0]  }
0x1a1: {  	v7 =	vld [tilespmem:$0x10];
	v6 =	vperm.xlane v4, v3  }
0x1a2: {  	v8 =	vld [tilespmem:$0x20]  }
0x1a3: {  	v9 =	vld [tilespmem:$0x30];
	vm0 =	vlt.s32 v4, v6  }
0x1a4: {  	v4 =	vsel vm0, v4, v6;
	v6 =	vld [tilespmem:$0x40]  }
0x1a5: {  	v10 =	vld [tilespmem:$0x50];
	v5 =	vsub.s32 v5, v4  }
0x1a6: {  	[tilespmem:$0x2710] =	vst v5;
	v5 =	vsub.s32 v7, v4;
	v7 =	vld [tilespmem:$0x60]  }
0x1a7: {  	v39 =	vld [tilespmem:$0x70];
	[tilespmem:$0x2720] =	vst v5;
	v5 =	vsub.s32 v8, v4  }
0x1a8: {  	v40 =	vld [tilespmem:$0x80];
	[tilespmem:$0x2730] =	vst v5;
	v5 =	vsub.s32 v9, v4  }
0x1a9: {  	[tilespmem:$0x2740] =	vst v5;
	v5 =	vsub.s32 v6, v4;
	v6 =	vld [tilespmem:$0x90]  }
0x1aa: {  	v41 =	vld [tilespmem:$0xA0];
	[tilespmem:$0x2750] =	vst v5;
	v5 =	vsub.s32 v10, v4  }
0x1ab: {  	[tilespmem:$0x2760] =	vst v5;
	v5 =	vsub.s32 v7, v4;
	v7 =	vld [tilespmem:$0xB0]  }
0x1ac: {  	v42 =	vld [tilespmem:$0xC0];
	[tilespmem:$0x2770] =	vst v5;
	v5 =	vsub.s32 v39, v4  }
0x1ad: {  	v43 =	vld [tilespmem:$0xD0];
	[tilespmem:$0x2780] =	vst v5;
	v5 =	vsub.s32 v40, v4  }
0x1ae: {  	[tilespmem:$0x2790] =	vst v5;
	v5 =	vsub.s32 v6, v4;
	v6 =	vld [tilespmem:$0xE0]  }
0x1af: {  	v44 =	vld [tilespmem:$0xF0];
	[tilespmem:$0x27A0] =	vst v5;
	v5 =	vsub.s32 v41, v4  }
0x1b0: {  	[tilespmem:$0x27B0] =	vst v5;
	v5 =	vsub.s32 v7, v4;
	v7 =	vld [tilespmem:$0x100]  }
0x1b1: {  	v45 =	vld [tilespmem:$0x110];
	[tilespmem:$0x27C0] =	vst v5;
	v5 =	vsub.s32 v42, v4  }
0x1b2: {  	v46 =	vld [tilespmem:$0x120];
	[tilespmem:$0x27D0] =	vst v5;
	v5 =	vsub.s32 v43, v4  }
0x1b3: {  	[tilespmem:$0x27E0] =	vst v5;
	v5 =	vsub.s32 v6, v4;
	v6 =	vld [tilespmem:$0x130]  }
0x1b4: {  	v47 =	vld [tilespmem:$0x140];
	[tilespmem:$0x27F0] =	vst v5;
	v5 =	vsub.s32 v44, v4  }
0x1b5: {  	[tilespmem:$0x2800] =	vst v5;
	v5 =	vsub.s32 v7, v4;
	v7 =	vld [tilespmem:$0x150]  }
0x1b6: {  	v48 =	vld [tilespmem:$0x160];
	[tilespmem:$0x2810] =	vst v5;
	v5 =	vsub.s32 v45, v4  }
0x1b7: {  	v49 =	vld [tilespmem:$0x170];
	[tilespmem:$0x2820] =	vst v5;
	v5 =	vsub.s32 v46, v4  }
0x1b8: {  	[tilespmem:$0x2830] =	vst v5;
	v5 =	vsub.s32 v6, v4;
	v6 =	vld [tilespmem:$0x180]  }
0x1b9: {  	[tilespmem:$0x2840] =	vst v5;
	v5 =	vsub.s32 v47, v4  }
0x1ba: {  	[tilespmem:$0x2850] =	vst v5;
	v5 =	vsub.s32 v7, v4  }
0x1bb: {  	[tilespmem:$0x2860] =	vst v5;
	v5 =	vsub.s32 v48, v4  }
0x1bc: {  	[tilespmem:$0x2870] =	vst v5;
	v5 =	vsub.s32 v49, v4  }
0x1bd: {  	[tilespmem:$0x2880] =	vst v5;
	v5 =	vsub.s32 v6, v4  }
0x1be: {  	s8 =	rddreg [dreg:$0xa];
	[tilespmem:$0x2890] =	vst v5  }
0x1bf: {  	[tilespmem:s22], [sflag:$0x1] =	stream.linear.gather [hbm4b:s8+s2], $0x6400, $0x38;
	[tilespmem:$0x14050] =	vst v63  }
0x1c0: {  	_ =	swait.ge [sflag:s23], $0x6400  }
0x1c1: {  	[sflag:s23] =	ssyncset.done $0x0  }
0x1c2: {  	s20 =	simm.s32 $0x2710;
	[sflag:s23] =	ssyncadd.s32 $0xFFFF9C00  }
0x1c3: {  	[tilespmem:s22], [sflag:$0x5] =	stream.indirect.gather.add.f32 [spmem:s1], $0x40, s20, s24, $0xb8;
	[tilespmem:$0x14050] =	vst v63  }
0x1c4: {  	_ = 	snop  }
0x1c5: {  	[tilespmem:s28], [sflag:$0x5] =	stream.indirect.gather.add.f32 [spmem:s1], $0x40, s26, s24, $0xb8;
	[tilespmem:$0x14050] =	vst v63  }
0x1c6: {  	_ = 	snop  }
0x1c7: {  	[tilespmem:s30], [sflag:$0x5] =	stream.indirect.gather.add.f32 [spmem:s1], $0x40, s29, s24, $0xb8;
	[tilespmem:$0x14050] =	vst v63  }
0x1c8: {  	_ = 	snop  }
0x1c9: {  	[tilespmem:s0], [sflag:$0x5] =	stream.indirect.gather.add.f32 [spmem:s1], $0x40, s31, s24, $0xb8;
	[tilespmem:$0x14050] =	vst v63  }
0x1ca: {  	_ = 	snop  }
0x1cb: {  	[tilespmem:s4], [sflag:$0x5] =	stream.indirect.gather.add.f32 [spmem:s1], $0x40, s3, s24, $0xb8;
	[tilespmem:$0x14050] =	vst v63  }
0x1cc: {  	v5 =	vld [tilespmem:$0x190]  }
0x1cd: {  	v6 =	vld [tilespmem:$0x1A0]  }
0x1ce: {  	v7 =	vld [tilespmem:$0x1B0]  }
0x1cf: {  	v50 =	vld [tilespmem:$0x1C0]  }
0x1d0: {  	v51 =	vld [tilespmem:$0x1D0]  }
0x1d1: {  	v52 =	vld [tilespmem:$0x1E0];
	v5 =	vsub.s32 v5, v4  }
0x1d2: {  	[tilespmem:$0x28A0] =	vst v5;
	v5 =	vsub.s32 v6, v4;
	v6 =	vld [tilespmem:$0x1F0]  }
0x1d3: {  	[tilespmem:$0x28B0] =	vst v5;
	v5 =	vsub.s32 v7, v4;
	v7 =	vld [tilespmem:$0x200]  }
0x1d4: {  	v53 =	vld [tilespmem:$0x210];
	[tilespmem:$0x28C0] =	vst v5;
	v5 =	vsub.s32 v50, v4  }
0x1d5: {  	v54 =	vld [tilespmem:$0x220];
	[tilespmem:$0x28D0] =	vst v5;
	v5 =	vsub.s32 v51, v4  }
0x1d6: {  	v55 =	vld [tilespmem:$0x230];
	[tilespmem:$0x28E0] =	vst v5;
	v5 =	vsub.s32 v52, v4  }
0x1d7: {  	[tilespmem:$0x28F0] =	vst v5;
	v5 =	vsub.s32 v6, v4;
	v6 =	vld [tilespmem:$0x240]  }
0x1d8: {  	[tilespmem:$0x2900] =	vst v5;
	v5 =	vsub.s32 v7, v4;
	v7 =	vld [tilespmem:$0x250]  }
0x1d9: {  	v56 =	vld [tilespmem:$0x260];
	[tilespmem:$0x2910] =	vst v5;
	v5 =	vsub.s32 v53, v4  }
0x1da: {  	v57 =	vld [tilespmem:$0x270];
	[tilespmem:$0x2920] =	vst v5;
	v5 =	vsub.s32 v54, v4  }
0x1db: {  	v58 =	vld [tilespmem:$0x280];
	[tilespmem:$0x2930] =	vst v5;
	v5 =	vsub.s32 v55, v4  }
0x1dc: {  	[tilespmem:$0x2940] =	vst v5;
	v5 =	vsub.s32 v6, v4;
	v6 =	vld [tilespmem:$0x290]  }
0x1dd: {  	[tilespmem:$0x2950] =	vst v5;
	v5 =	vsub.s32 v7, v4;
	v7 =	vld [tilespmem:$0x2A0]  }
0x1de: {  	v59 =	vld [tilespmem:$0x2B0];
	[tilespmem:$0x2960] =	vst v5;
	v5 =	vsub.s32 v56, v4  }
0x1df: {  	v60 =	vld [tilespmem:$0x2C0];
	[tilespmem:$0x2970] =	vst v5;
	v5 =	vsub.s32 v57, v4  }
0x1e0: {  	v61 =	vld [tilespmem:$0x2D0];
	[tilespmem:$0x2980] =	vst v5;
	v5 =	vsub.s32 v58, v4  }
0x1e1: {  	[tilespmem:$0x2990] =	vst v5;
	v5 =	vsub.s32 v6, v4;
	v6 =	vld [tilespmem:$0x2E0]  }
0x1e2: {  	[tilespmem:$0x29A0] =	vst v5;
	v5 =	vsub.s32 v7, v4;
	v7 =	vld [tilespmem:$0x2F0]  }
0x1e3: {  	v62 =	vld [tilespmem:$0x300];
	[tilespmem:$0x29B0] =	vst v5;
	v5 =	vsub.s32 v59, v4  }
0x1e4: {  	v63 =	vld [tilespmem:$0x310];
	[tilespmem:$0x29C0] =	vst v5;
	v5 =	vsub.s32 v60, v4  }
0x1e5: {  	[tilespmem:$0x29D0] =	vst v5;
	v5 =	vsub.s32 v61, v4  }
0x1e6: {  	[tilespmem:$0x29E0] =	vst v5;
	v5 =	vsub.s32 v6, v4  }
0x1e7: {  	[tilespmem:$0x29F0] =	vst v5;
	v5 =	vsub.s32 v7, v4  }
0x1e8: {  	[tilespmem:$0x2A00] =	vst v5;
	v5 =	vsub.s32 v62, v4  }
0x1e9: {  	[tilespmem:$0x2A10] =	vst v5;
	v5 =	vsub.s32 v63, v4  }
0x1ea: {  	s21 =	rddreg [dreg:$0xb];
	[tilespmem:$0x2A20] =	vst v5  }
0x1eb: {  	[tilespmem:s5], [sflag:$0x2] =	stream.linear.gather [hbm4b:s21+s2], $0x6400, $0x38;
	[tilespmem:$0x14050] =	vst v63  }
0x1ec: {  	_ =	swait.ge [sflag:s6], $0x1400  }
0x1ed: {  	[sflag:s6] =	ssyncset.done $0x0  }
0x1ee: {  	[sflag:s6] =	ssyncadd.s32 $0xFFFFEC00  }
0x1ef: {  	_ =	swait.ge [sflag:s6], $0x1400  }
0x1f0: {  	[sflag:s6] =	ssyncset.done $0x0  }
0x1f1: {  	[sflag:s6] =	ssyncadd.s32 $0xFFFFEC00  }
0x1f2: {  	_ =	swait.ge [sflag:s6], $0x1400  }
0x1f3: {  	[sflag:s6] =	ssyncset.done $0x0  }
0x1f4: {  	[sflag:s6] =	ssyncadd.s32 $0xFFFFEC00  }
0x1f5: {  	_ =	swait.ge [sflag:s6], $0x1400  }
0x1f6: {  	[sflag:s6] =	ssyncset.done $0x0  }
0x1f7: {  	[sflag:s6] =	ssyncadd.s32 $0xFFFFEC00  }
0x1f8: {  	_ =	swait.ge [sflag:s6], $0x1400  }
0x1f9: {  	s25 =	rddreg [dreg:$0xc]  }
.Ltmp8:
0x1fa: {  	s19 =	rddreg [dreg:$0x15];
	(pc) =	sbr.rel .LBB2_10-.Ltmp8, $4  }
0x1fb: {  	s8 =	rddreg [dreg:$0x14]  }
0x1fc: {  	s20 =	simm.s32 $0x3;
	[sflag:s6] =	ssyncset.done $0x0;
	s9 =	rddreg [dreg:$0x13]  }
0x1fd: {  	s21 =	simm.s32 $0x630;
	s10 =	rddreg [dreg:$0x12];
	[sflag:s6] =	ssyncadd.s32 $0xFFFFEC00  }
0x1fe: {  	[hbm4b:s25+s2] =	stream.linear.scatter [tilespmem:s22], [sflag:$0x3], $0x6400, $0x38;
	[tilespmem:$0x14050] =	vst v63  }
.LBB2_12:
0x1ff: {  	_ =	swait.ge [sflag:s6], $0x1400  }
0x200: {  	[sflag:s6] =	ssyncset.done $0x0  }
0x201: {  	[sflag:s6] =	ssyncadd.s32 $0xFFFFEC00  }
0x202: {  	_ =	swait.ge [sflag:s6], $0x1400  }
0x203: {  	[sflag:s6] =	ssyncset.done $0x0  }
0x204: {  	[sflag:s6] =	ssyncadd.s32 $0xFFFFEC00  }
0x205: {  	_ =	swait.ge [sflag:s6], $0x1400  }
0x206: {  	[sflag:s6] =	ssyncset.done $0x0  }
0x207: {  	[sflag:s6] =	ssyncadd.s32 $0xFFFFEC00  }
0x208: {  	_ =	swait.ge [sflag:s6], $0x1400  }
0x209: {  	s20 =	sadd.s32 $0x2, s20;
	[sflag:s6] =	ssyncset.done $0x0  }
0x20a: {  	p1 =	sne.s32 s20, $0x1B;
	[sflag:s6] =	ssyncadd.s32 $0xFFFFEC00  }
.Ltmp9:
0x20b: {  	_ =	swait.ge [sflag:s6], $0x1400;
	(pc) =	sbr.rel @!p1 .LBB2_13-.Ltmp9, $4  }
0x20c: {  	[sflag:s6] =	ssyncset.done $0x0  }
0x20d: {  	s10 =	sadd.s32 $0x1900, s10;
	s8 =	sadd.s32 $0x1900, s8;
	[sflag:s6] =	ssyncadd.s32 $0xFFFFEC00  }
0x20e: {  	[hbm4b:s9+s2] =	stream.linear.scatter [tilespmem:s22], [sflag:$0x3], $0x6400, $0x38;
	[tilespmem:$0x14050] =	vst v63  }
0x20f: {  	s19 =	sadd.s32 $0x1900, s19;
	s21 =	sadd.s32 $0x320, s21;
	s9 =	sadd.s32 $0x1900, s9  }
.LBB2_10:
0x210: {  	_ =	swait.ge [sflag:s7], $0x6400  }
0x211: {  	[sflag:s7] =	ssyncset.done $0x0  }
0x212: {  	s25 =	simm.s32 $0x28A0;
	[sflag:s7] =	ssyncadd.s32 $0xFFFF9C00  }
0x213: {  	[tilespmem:s5], [sflag:$0x5] =	stream.indirect.gather.add.f32 [spmem:s1], $0x40, s25, s24, $0xb8;
	[tilespmem:$0x14050] =	vst v63  }
0x214: {  	s11 =	simm.s32 $0xA230;
	s25 =	simm.s32 $0x28F0  }
0x215: {  	[tilespmem:s11], [sflag:$0x5] =	stream.indirect.gather.add.f32 [spmem:s1], $0x40, s25, s24, $0xb8;
	[tilespmem:$0x14050] =	vst v63  }
0x216: {  	s25 =	simm.s32 $0x2940  }
0x217: {  	[tilespmem:s12], [sflag:$0x5] =	stream.indirect.gather.add.f32 [spmem:s1], $0x40, s25, s24, $0xb8;
	[tilespmem:$0x14050] =	vst v63  }
0x218: {  	_ = 	snop  }
0x219: {  	[tilespmem:s14], [sflag:$0x5] =	stream.indirect.gather.add.f32 [spmem:s1], $0x40, s13, s24, $0xb8;
	[tilespmem:$0x14050] =	vst v63  }
0x21a: {  	_ = 	snop  }
0x21b: {  	[tilespmem:s16], [sflag:$0x5] =	stream.indirect.gather.add.f32 [spmem:s1], $0x40, s15, s24, $0xb8;
	[tilespmem:$0x14050] =	vst v63  }
0x21c: {  	_ =	swait.ge [sflag:s17], $0x6400  }
0x21d: {  	[sflag:s17] =	ssyncset.done $0x0  }
0x21e: {  	[sflag:s17] =	ssyncadd.s32 $0xFFFF9C00  }
0x21f: {  	v5 =	vld [tilespmem:s21+$0xFFFFFCF0];
	_ =	sdelay $0x4  }
0x220: {  	v5 =	vsub.s32 v5, v4  }
0x221: {  	[tilespmem:$0x2710] =	vst v5  }
0x222: {  	v5 =	vld [tilespmem:s21+$0xFFFFFD00];
	_ =	sdelay $0x4  }
0x223: {  	v5 =	vsub.s32 v5, v4  }
0x224: {  	[tilespmem:$0x2720] =	vst v5  }
0x225: {  	v5 =	vld [tilespmem:s21+$0xFFFFFD10];
	_ =	sdelay $0x4  }
0x226: {  	v5 =	vsub.s32 v5, v4  }
0x227: {  	[tilespmem:$0x2730] =	vst v5  }
0x228: {  	v5 =	vld [tilespmem:s21+$0xFFFFFD20];
	_ =	sdelay $0x4  }
0x229: {  	v5 =	vsub.s32 v5, v4  }
0x22a: {  	[tilespmem:$0x2740] =	vst v5  }
0x22b: {  	v5 =	vld [tilespmem:s21+$0xFFFFFD30];
	_ =	sdelay $0x4  }
0x22c: {  	v5 =	vsub.s32 v5, v4  }
0x22d: {  	[tilespmem:$0x2750] =	vst v5  }
0x22e: {  	v5 =	vld [tilespmem:s21+$0xFFFFFD40];
	_ =	sdelay $0x4  }
0x22f: {  	v5 =	vsub.s32 v5, v4  }
0x230: {  	[tilespmem:$0x2760] =	vst v5  }
0x231: {  	v5 =	vld [tilespmem:s21+$0xFFFFFD50];
	_ =	sdelay $0x4  }
0x232: {  	v5 =	vsub.s32 v5, v4  }
0x233: {  	[tilespmem:$0x2770] =	vst v5  }
0x234: {  	v5 =	vld [tilespmem:s21+$0xFFFFFD60];
	_ =	sdelay $0x4  }
0x235: {  	v5 =	vsub.s32 v5, v4  }
0x236: {  	[tilespmem:$0x2780] =	vst v5  }
0x237: {  	v5 =	vld [tilespmem:s21+$0xFFFFFD70];
	_ =	sdelay $0x4  }
0x238: {  	v5 =	vsub.s32 v5, v4  }
0x239: {  	[tilespmem:$0x2790] =	vst v5  }
0x23a: {  	v5 =	vld [tilespmem:s21+$0xFFFFFD80];
	_ =	sdelay $0x4  }
0x23b: {  	v5 =	vsub.s32 v5, v4  }
0x23c: {  	[tilespmem:$0x27A0] =	vst v5  }
0x23d: {  	v5 =	vld [tilespmem:s21+$0xFFFFFD90];
	_ =	sdelay $0x4  }
0x23e: {  	v5 =	vsub.s32 v5, v4  }
0x23f: {  	[tilespmem:$0x27B0] =	vst v5  }
0x240: {  	v5 =	vld [tilespmem:s21+$0xFFFFFDA0];
	_ =	sdelay $0x4  }
0x241: {  	v5 =	vsub.s32 v5, v4  }
0x242: {  	[tilespmem:$0x27C0] =	vst v5  }
0x243: {  	v5 =	vld [tilespmem:s21+$0xFFFFFDB0];
	_ =	sdelay $0x4  }
0x244: {  	v5 =	vsub.s32 v5, v4  }
0x245: {  	[tilespmem:$0x27D0] =	vst v5  }
0x246: {  	v5 =	vld [tilespmem:s21+$0xFFFFFDC0];
	_ =	sdelay $0x4  }
0x247: {  	v5 =	vsub.s32 v5, v4  }
0x248: {  	[tilespmem:$0x27E0] =	vst v5  }
0x249: {  	v5 =	vld [tilespmem:s21+$0xFFFFFDD0];
	_ =	sdelay $0x4  }
0x24a: {  	v5 =	vsub.s32 v5, v4  }
0x24b: {  	[tilespmem:$0x27F0] =	vst v5  }
0x24c: {  	v5 =	vld [tilespmem:s21+$0xFFFFFDE0];
	_ =	sdelay $0x4  }
0x24d: {  	v5 =	vsub.s32 v5, v4  }
0x24e: {  	[tilespmem:$0x2800] =	vst v5  }
0x24f: {  	v5 =	vld [tilespmem:s21+$0xFFFFFDF0];
	_ =	sdelay $0x4  }
0x250: {  	v5 =	vsub.s32 v5, v4  }
0x251: {  	[tilespmem:$0x2810] =	vst v5  }
0x252: {  	v5 =	vld [tilespmem:s21+$0xFFFFFE00];
	_ =	sdelay $0x4  }
0x253: {  	v5 =	vsub.s32 v5, v4  }
0x254: {  	[tilespmem:$0x2820] =	vst v5  }
0x255: {  	v5 =	vld [tilespmem:s21+$0xFFFFFE10];
	_ =	sdelay $0x4  }
0x256: {  	v5 =	vsub.s32 v5, v4  }
0x257: {  	[tilespmem:$0x2830] =	vst v5  }
0x258: {  	v5 =	vld [tilespmem:s21+$0xFFFFFE20];
	_ =	sdelay $0x4  }
0x259: {  	v5 =	vsub.s32 v5, v4  }
0x25a: {  	[tilespmem:$0x2840] =	vst v5  }
0x25b: {  	v5 =	vld [tilespmem:s21+$0xFFFFFE30];
	_ =	sdelay $0x4  }
0x25c: {  	v5 =	vsub.s32 v5, v4  }
0x25d: {  	[tilespmem:$0x2850] =	vst v5  }
0x25e: {  	v5 =	vld [tilespmem:s21+$0xFFFFFE40];
	_ =	sdelay $0x4  }
0x25f: {  	v5 =	vsub.s32 v5, v4  }
0x260: {  	[tilespmem:$0x2860] =	vst v5  }
0x261: {  	v5 =	vld [tilespmem:s21+$0xFFFFFE50];
	_ =	sdelay $0x4  }
0x262: {  	v5 =	vsub.s32 v5, v4  }
0x263: {  	[tilespmem:$0x2870] =	vst v5  }
0x264: {  	v5 =	vld [tilespmem:s21+$0xFFFFFE60];
	_ =	sdelay $0x4  }
0x265: {  	v5 =	vsub.s32 v5, v4  }
0x266: {  	[tilespmem:$0x2880] =	vst v5  }
0x267: {  	v5 =	vld [tilespmem:s21+$0xFFFFFE70];
	_ =	sdelay $0x4  }
0x268: {  	v5 =	vsub.s32 v5, v4  }
0x269: {  	[tilespmem:$0x2890] =	vst v5  }
0x26a: {  	[tilespmem:s22], [sflag:$0x1] =	stream.linear.gather [hbm4b:s8+s2], $0x6400, $0x38;
	[tilespmem:$0x14050] =	vst v63  }
0x26b: {  	_ =	swait.ge [sflag:s6], $0x1400  }
0x26c: {  	[sflag:s6] =	ssyncset.done $0x0  }
0x26d: {  	[sflag:s6] =	ssyncadd.s32 $0xFFFFEC00  }
0x26e: {  	_ =	swait.ge [sflag:s6], $0x1400  }
0x26f: {  	[sflag:s6] =	ssyncset.done $0x0  }
0x270: {  	[sflag:s6] =	ssyncadd.s32 $0xFFFFEC00  }
0x271: {  	_ =	swait.ge [sflag:s6], $0x1400  }
0x272: {  	[sflag:s6] =	ssyncset.done $0x0  }
0x273: {  	[sflag:s6] =	ssyncadd.s32 $0xFFFFEC00  }
0x274: {  	_ =	swait.ge [sflag:s6], $0x1400  }
0x275: {  	[sflag:s6] =	ssyncset.done $0x0  }
0x276: {  	[sflag:s6] =	ssyncadd.s32 $0xFFFFEC00  }
0x277: {  	_ =	swait.ge [sflag:s6], $0x1400  }
0x278: {  	[sflag:s6] =	ssyncset.done $0x0  }
0x279: {  	[sflag:s6] =	ssyncadd.s32 $0xFFFFEC00  }
0x27a: {  	[hbm4b:s10+s2] =	stream.linear.scatter [tilespmem:s5], [sflag:$0x4], $0x6400, $0x38;
	[tilespmem:$0x14050] =	vst v63  }
0x27b: {  	_ =	swait.ge [sflag:s23], $0x6400  }
0x27c: {  	[sflag:s23] =	ssyncset.done $0x0  }
0x27d: {  	s11 =	simm.s32 $0x2710;
	[sflag:s23] =	ssyncadd.s32 $0xFFFF9C00  }
0x27e: {  	[tilespmem:s22], [sflag:$0x5] =	stream.indirect.gather.add.f32 [spmem:s1], $0x40, s11, s24, $0xb8;
	[tilespmem:$0x14050] =	vst v63  }
0x27f: {  	_ = 	snop  }
0x280: {  	[tilespmem:s28], [sflag:$0x5] =	stream.indirect.gather.add.f32 [spmem:s1], $0x40, s26, s24, $0xb8;
	[tilespmem:$0x14050] =	vst v63  }
0x281: {  	p1 =	sgt.u32 s20, $0x18  }
0x282: {  	[tilespmem:s30], [sflag:$0x5] =	stream.indirect.gather.add.f32 [spmem:s1], $0x40, s29, s24, $0xb8;
	[tilespmem:$0x14050] =	vst v63  }
.Ltmp10:
0x283: {  	_ = 	snop;
	(pc) =	sbr.rel @p1 .LBB2_12-.Ltmp10, $4  }
0x284: {  	_ = 	snop  }
0x285: {  	[tilespmem:s0], [sflag:$0x5] =	stream.indirect.gather.add.f32 [spmem:s1], $0x40, s31, s24, $0xb8;
	[tilespmem:$0x14050] =	vst v63  }
0x286: {  	_ = 	snop  }
0x287: {  	[tilespmem:s4], [sflag:$0x5] =	stream.indirect.gather.add.f32 [spmem:s1], $0x40, s3, s24, $0xb8;
	[tilespmem:$0x14050] =	vst v63  }
0x288: {  	_ =	swait.ge [sflag:s18], $0x6400  }
0x289: {  	[sflag:s18] =	ssyncset.done $0x0  }
0x28a: {  	[sflag:s18] =	ssyncadd.s32 $0xFFFF9C00  }
0x28b: {  	v5 =	vld [tilespmem:s21+$0xFFFFFE80];
	_ =	sdelay $0x4  }
0x28c: {  	v5 =	vsub.s32 v5, v4  }
0x28d: {  	[tilespmem:$0x28A0] =	vst v5  }
0x28e: {  	v5 =	vld [tilespmem:s21+$0xFFFFFE90];
	_ =	sdelay $0x4  }
0x28f: {  	v5 =	vsub.s32 v5, v4  }
0x290: {  	[tilespmem:$0x28B0] =	vst v5  }
0x291: {  	v5 =	vld [tilespmem:s21+$0xFFFFFEA0];
	_ =	sdelay $0x4  }
0x292: {  	v5 =	vsub.s32 v5, v4  }
0x293: {  	[tilespmem:$0x28C0] =	vst v5  }
0x294: {  	v5 =	vld [tilespmem:s21+$0xFFFFFEB0];
	_ =	sdelay $0x4  }
0x295: {  	v5 =	vsub.s32 v5, v4  }
0x296: {  	[tilespmem:$0x28D0] =	vst v5  }
0x297: {  	v5 =	vld [tilespmem:s21+$0xFFFFFEC0];
	_ =	sdelay $0x4  }
0x298: {  	v5 =	vsub.s32 v5, v4  }
0x299: {  	[tilespmem:$0x28E0] =	vst v5  }
0x29a: {  	v5 =	vld [tilespmem:s21+$0xFFFFFED0];
	_ =	sdelay $0x4  }
0x29b: {  	v5 =	vsub.s32 v5, v4  }
0x29c: {  	[tilespmem:$0x28F0] =	vst v5  }
0x29d: {  	v5 =	vld [tilespmem:s21+$0xFFFFFEE0];
	_ =	sdelay $0x4  }
0x29e: {  	v5 =	vsub.s32 v5, v4  }
0x29f: {  	[tilespmem:$0x2900] =	vst v5  }
0x2a0: {  	v5 =	vld [tilespmem:s21+$0xFFFFFEF0];
	_ =	sdelay $0x4  }
0x2a1: {  	v5 =	vsub.s32 v5, v4  }
0x2a2: {  	[tilespmem:$0x2910] =	vst v5  }
0x2a3: {  	v5 =	vld [tilespmem:s21+$0xFFFFFF00];
	_ =	sdelay $0x4  }
0x2a4: {  	v5 =	vsub.s32 v5, v4  }
0x2a5: {  	[tilespmem:$0x2920] =	vst v5  }
0x2a6: {  	v5 =	vld [tilespmem:s21+$0xFFFFFF10];
	_ =	sdelay $0x4  }
0x2a7: {  	v5 =	vsub.s32 v5, v4  }
0x2a8: {  	[tilespmem:$0x2930] =	vst v5  }
0x2a9: {  	v5 =	vld [tilespmem:s21+$0xFFFFFF20];
	_ =	sdelay $0x4  }
0x2aa: {  	v5 =	vsub.s32 v5, v4  }
0x2ab: {  	[tilespmem:$0x2940] =	vst v5  }
0x2ac: {  	v5 =	vld [tilespmem:s21+$0xFFFFFF30];
	_ =	sdelay $0x4  }
0x2ad: {  	v5 =	vsub.s32 v5, v4  }
0x2ae: {  	[tilespmem:$0x2950] =	vst v5  }
0x2af: {  	v5 =	vld [tilespmem:s21+$0xFFFFFF40];
	_ =	sdelay $0x4  }
0x2b0: {  	v5 =	vsub.s32 v5, v4  }
0x2b1: {  	[tilespmem:$0x2960] =	vst v5  }
0x2b2: {  	v5 =	vld [tilespmem:s21+$0xFFFFFF50];
	_ =	sdelay $0x4  }
0x2b3: {  	v5 =	vsub.s32 v5, v4  }
0x2b4: {  	[tilespmem:$0x2970] =	vst v5  }
0x2b5: {  	v5 =	vld [tilespmem:s21+$0xFFFFFF60];
	_ =	sdelay $0x4  }
0x2b6: {  	v5 =	vsub.s32 v5, v4  }
0x2b7: {  	[tilespmem:$0x2980] =	vst v5  }
0x2b8: {  	v5 =	vld [tilespmem:s21+$0xFFFFFF70];
	_ =	sdelay $0x4  }
0x2b9: {  	v5 =	vsub.s32 v5, v4  }
0x2ba: {  	[tilespmem:$0x2990] =	vst v5  }
0x2bb: {  	v5 =	vld [tilespmem:s21+$0xFFFFFF80];
	_ =	sdelay $0x4  }
0x2bc: {  	v5 =	vsub.s32 v5, v4  }
0x2bd: {  	[tilespmem:$0x29A0] =	vst v5  }
0x2be: {  	v5 =	vld [tilespmem:s21+$0xFFFFFF90];
	_ =	sdelay $0x4  }
0x2bf: {  	v5 =	vsub.s32 v5, v4  }
0x2c0: {  	[tilespmem:$0x29B0] =	vst v5  }
0x2c1: {  	v5 =	vld [tilespmem:s21+$0xFFFFFFA0];
	_ =	sdelay $0x4  }
0x2c2: {  	v5 =	vsub.s32 v5, v4  }
0x2c3: {  	[tilespmem:$0x29C0] =	vst v5  }
0x2c4: {  	v5 =	vld [tilespmem:s21+$0xFFFFFFB0];
	_ =	sdelay $0x4  }
0x2c5: {  	v5 =	vsub.s32 v5, v4  }
0x2c6: {  	[tilespmem:$0x29D0] =	vst v5  }
0x2c7: {  	v5 =	vld [tilespmem:s21+$0xFFFFFFC0];
	_ =	sdelay $0x4  }
0x2c8: {  	v5 =	vsub.s32 v5, v4  }
0x2c9: {  	[tilespmem:$0x29E0] =	vst v5  }
0x2ca: {  	v5 =	vld [tilespmem:s21+$0xFFFFFFD0];
	_ =	sdelay $0x4  }
0x2cb: {  	v5 =	vsub.s32 v5, v4  }
0x2cc: {  	[tilespmem:$0x29F0] =	vst v5  }
0x2cd: {  	v5 =	vld [tilespmem:s21+$0xFFFFFFE0];
	_ =	sdelay $0x4  }
0x2ce: {  	v5 =	vsub.s32 v5, v4  }
0x2cf: {  	[tilespmem:$0x2A00] =	vst v5  }
0x2d0: {  	v5 =	vld [tilespmem:s21+$0xFFFFFFF0];
	_ =	sdelay $0x4  }
0x2d1: {  	v5 =	vsub.s32 v5, v4  }
0x2d2: {  	[tilespmem:$0x2A10] =	vst v5  }
0x2d3: {  	v5 =	vld [tilespmem:s21+$0x0];
	_ =	sdelay $0x2  }
.Ltmp11:
0x2d4: {  	_ = 	snop;
	(pc) =	sbr.rel .LBB2_12-.Ltmp11, $4  }
0x2d5: {  	_ = 	snop  }
0x2d6: {  	v5 =	vsub.s32 v5, v4  }
0x2d7: {  	[tilespmem:$0x2A20] =	vst v5  }
0x2d8: {  	[tilespmem:s5], [sflag:$0x2] =	stream.linear.gather [hbm4b:s19+s2], $0x6400, $0x38;
	[tilespmem:$0x14050] =	vst v63  }
.LBB2_14:
0x2d9: {  	_ =	sfence.sel $0x180000  }
0x2da: {  	[bflag:$0x0] =	sbarrier.arrive $0xFFFF  }
0x2db: {  	_ =	strace $0x90000047  }
0x2dc: {  	[bflag:$0x2] =	sbarrier.arrive $0xFFFF  }
0x2dd: {  	s0 =	rddreg [dreg:$0x3]  }
0x2de: {  	s0 =	sadd.s32 @!p0 $0x100000, s0  }
0x2df: {  	[sflag:s0] =	ssyncadd.tile.s32 @!p0 $0x1;
	_ =	shalt  }
.Lfunc_end2:
_tile_overlayer_lowered:
.L_overlay_start_2:
0x2e0: {  	(tag) =	ssettag $0x2  }
0x2e1: {  	s0 =	rddreg [dreg:$0x0];
	s2 =	stileid.u32  }
0x2e2: {  	s1 =	rddreg [dreg:$0x1];
	p0 =	sne.s32 s2, $0x0  }
0x2e3: {  	s3 =	rddreg [dreg:$0x2];
	[bflag:$0x3] =	sbarrier.arrive $0xFFFF;
	s2 =	simm.s32 @!p0 $0x1C06  }
0x2e4: {  	[timem:s3], [sflag:s2] =	dma.local @!p0 [hbm:s0], s1  }
0x2e5: {  	s0 =	simm.s32 @!p0 $0x6  }
0x2e6: {  	_ =	swait.ge @!p0 [sflag:s0], s1  }
0x2e7: {  	s1 =	ssub.s32 @!p0 $0x0, s1;
	[sflag:s0] =	ssyncset.done @!p0 $0x0  }
0x2e8: {  	[sflag:s0] =	ssyncadd.s32 @!p0 s1  }
0x2e9: {  	[bflag:$0x3] =	sbarrier.arrive $0xFFFF  }
0x2ea: {  	_ =	shalt  }

// kernel: sparse-core-data-format-call.cloned.1.call-start
scs
called_computation_lowered:
.L_overlay_start_0:
0x0: {  	s2 =	sld [smem:$0x3FD9]  }
0x1: {  	s3 =	sld [smem:$0x3FFE];
	_ =	sdelay $0x1  }
0x2: {  	s1 =	srdreg.scid  }
0x3: {  	s0 =	sand.u32 $0x1, s1  }
0x4: {  	s18 =	sshll.u32 s0, $0xA;
	s2 =	sadd.s32 s3, s2  }
0x5: {  	s2 =	sadd.s32 s2, s18  }
0x6: {  	[smem:$0x3FC5] =	sst s2  }
0x7: {  	_ = 	snop  }
0x8: {  	s2 =	sld [smem:$0x3FD0];
	(tm) =	ssettm $0x1  }
0x9: {  	s19 =	sld [smem:$0x3FFB];
	_ =	sdelay $0x3  }
0xa: {  	_ =	strace s19  }
0xb: {  	s3 =	sld [smem:$0x3FFC];
	_ =	sdelay $0x3  }
0xc: {  	_ =	strace s3  }
0xd: {  	s3 =	sld [smem:$0x3FFD];
	_ =	sdelay $0x3  }
0xe: {  	_ =	strace s3  }
0xf: {  	_ =	strace $0x8FFFFFFF  }
0x10: {  	s20 =	sld [smem:$0x3FDB];
	_ =	sdelay $0x1  }
0x11: {  	s4 =	simm.s32 $_scs_section_size  }
0x12: {  	s5 =	simm.s32 $_size__tile_overlayer_lowered;
	s6 =	simm.s32 $_tile_overlayer_lowered  }
0x13: {  	s23 =	simm.s32 $0x1BFF;
	s22 =	sshll.u32 s6, $0x1;
	s3 =	sadd.s32 s4, s20  }
0x14: {  	s7 =	simm.s32 $0x0;
	s21 =	sshll.u32 s5, $0x1;
	s5 =	sadd.s32 s22, s3  }
0x15: {  	[timem:s7], [sflag:s23] =	dma.local [hbm:s5], s21  }
0x16: {  	_ =	swait.ge [sflag:s23], s21  }
0x17: {  	s4 =	ssub.s32 $0x0, s21;
	[sflag:s23] =	ssyncset.done $0x0  }
0x18: {  	[sflag:s23] =	ssyncadd.s32 s4;
	_ =	sdelay $0x1  }
0x19: {  	s24 =	simm.s32 $0x1B8B  }
0x1a: {  	_ =	swait.ge [sflag:s24], $0x1  }
0x1b: {  	[sflag:s24] =	ssyncset.done $0x0  }
0x1c: {  	s26 =	simm.s32 $0x1B8E;
	s25 =	sld [smem:$0x3FFE];
	[sflag:s24] =	ssyncadd.s32 $0xFFFFFFFF  }
0x1d: {  	s27 =	simm.s32 $execute0_lowered;
	[smem:$0x3FD2] =	sst s26  }
0x1e: {  	s5 =	sshll.u32 s27, $0x1;
	_ =	strace $0x80000049;
	[dreg:$0x1] =	wrdreg $0xFFFFFFFF  }
0x1f: {  	s28 =	simm.s32 $_size_execute0_lowered;
	s3 =	sadd.s32 s3, s5;
	[dreg:$0x0] =	wrdreg $0x0  }
0x20: {  	s5 =	sshll.u32 s28, $0x1;
	[dreg:$0x2] =	wrdreg s3  }
0x21: {  	[dreg:$0x3] =	wrdreg s5  }
0x22: {  	[dreg:$0x4] =	wrdreg $0xC0  }
0x23: {  	_ =	task [dreg:s7], $0x5FFFF  }
0x24: {  	[dreg:$0x1] =	wrdreg $0xFFFFFFFF  }
0x25: {  	[dreg:$0x0] =	wrdreg $0x60  }
0x26: {  	[dreg:$0x2] =	wrdreg s25  }
0x27: {  	[dreg:$0x3] =	wrdreg s2  }
0x28: {  	[dreg:$0x4] =	wrdreg $0x9  }
0x29: {  	_ =	task.clear_ibuf [dreg:s7], $0x5FFFF;
	_ =	strace $0x90000049  }
0x2a: {  	s29 =	simm.s32 $0x9;
	_ =	strace $0x8000004B  }
0x2b: {  	_ =	swait.ge [sflag:s29], $0x1  }
0x2c: {  	[sflag:s29] =	ssyncadd.s32 $0xFFFFFFFF  }
0x2d: {  	_ =	strace $0x9000004B  }
0x2e: {  	_ =	sfence  }
0x2f: {  	s30 =	sld [smem:$0x0];
	_ =	sdelay $0x2  }
0x30: {  	s31 =	sshll.u32 s1, $0xD;
	s1 =	sshrl.u32 s1, $0x2  }
0x31: {  	s3 =	sand.u32 $0x4000, s31;
	s1 =	sadd.s32 s1, s30  }
0x32: {  	s0 =	sor.u32 s3, s0;
	s1 =	sshll.u32 s1, $0x11  }
0x33: {  	s0 =	sor.u32 s1, s0  }
0x34: {  	s0 =	sadd.s32 $0x8F2B, s0  }
0x35: {  	[sflag:s0] =	ssyncadd.remote.s32 $0x1  }
0x36: {  	_ =	sfence.sel $0xFFFF  }
0x37: {  	[dreg:$0x0] =	wrdreg $0xFFFFFFFF;
	(pc) =	sbr.abs _section_cstart, $3  }
0x38: {  	[dreg:$0x1] =	wrdreg $0xFFFFFFFF  }
0x39: {  	_ =	task.clear_ibuf [dreg:s7], $0x2FFFF;
	_ =	strace $0x9FFFFFFF  }
0x3a: {  	(tm) =	ssettm $0x7FFFFFFF  }
0x3b: {  	_ =	shalt  }
tec
execute0_lowered:
.L_overlay_start_1:
0x0: {  	(tag) =	ssettag $0x1  }
0x1: {  	s1 =	rddreg [dreg:$0x0]  }
0x2: {  	s2 =	rddreg [dreg:$0x1]  }
0x3: {  	s0 =	rddreg [dreg:$0x2]  }
0x4: {  	s4 =	srdreg.scid;
	_ =	strace $0x8000004A;
	s6 =	simm.s32 $0x2  }
0x5: {  	s11 =	simm.s32 $0x0;
	p0 =	por $0x0, $0x0;
	s12 =	simm.s32 $0x0  }
.Ltmp0:
0x6: {  	s13 =	simm.s32 $0x0;
	s8 =	simm.s32 $0x0;
	(pc) =	sbr.rel .LBB1_1-.Ltmp0, $4  }
0x7: {  	s9 =	simm.s32 $0x0;
	s3 =	sadd.s32 $0x500000, s1;
	s4 =	sshll.u32 s4, $0x4  }
0x8: {  	s1 =	stileid.u32;
	s5 =	sand.u32 $0x10, s4;
	s4 =	simm.s32 $0x1  }
0x9: {  	s7 =	simm.s32 $0x0;
	s5 =	sor.u32 s1, s5;
	[sflag:s4] =	ssyncpa.u1 $0x0  }
0xa: {  	[sflag:s6] =	ssyncpa.u1 $0x0;
	s6 =	simm.s32 $0x800;
	s10 =	smov.u32 s5  }
.LBB1_5:
0xb: {  	s14 =	sadd.s32 $0x80, s8  }
0xc: {  	s11 =	simm.s32 $0x1;
	p2 =	sgt.s32 s14, $0xC7  }
0xd: {  	s11 =	simm.s32 @!p2 $0x0  }
0xe: {  	s15 =	sadd.s32 s11, s9  }
0xf: {  	s17 =	smov.u32 s10;
	s11 =	sadd.s32 $0x20, s10;
	p3 =	sgt.s32 s15, $0x31  }
0x10: {  	p1 =	slt.u32 s7, $0x2;
	s17 =	smov.u32 @p3 s11  }
0x11: {  	s7 =	sadd.s32 $0x1, s7;
	s14 =	simm.s32 @p2 $0x0;
	p2 =	sgt.s32 s17, $0x3F  }
0x12: {  	s17 =	smov.u32 @p2 s5;
	p2 =	sne.s32 s7, $0xCA  }
.Ltmp1:
0x13: {  	s16 =	simm.s32 @!p1 $0x2;
	(pc) =	sbr.rel @!p2 .LBB1_6-.Ltmp1, $4  }
0x14: {  	s12 =	smov.u32 s9;
	_ =	swait.ge @!p1 [sflag:s16], $0x2000  }
0x15: {  	s13 =	smov.u32 s10;
	p0 =	por !p0, !p0;
	[sflag:s16] =	ssyncset.done @!p1 $0x0  }
0x16: {  	[sflag:s16] =	ssyncadd.s32 @!p1 $0xFFFFE000;
	s15 =	simm.s32 @p3 $0x0;
	s11 =	smov.u32 s8  }
0x17: {  	s8 =	smov.u32 s14;
	s9 =	smov.u32 s15;
	s10 =	smov.u32 s17  }
.LBB1_1:
0x18: {  	p1 =	sgt.u32 s7, $0xC7  }
0x19: {  	s15 =	smov.u32 s10;
	s18 =	smov.u32 s9;
	p2 =	sgt.s32 @!p1 s10, $0x3F  }
0x1a: {  	s14 =	sand.u32 @!p1 $0x1FFFFFF, s8;
	s17 =	sshra.s32 @!p1 s10, $0x1F;
	p2 =	por !p2, p1  }
0x1b: {  	s19 =	sshra.s32 @!p1 s9, $0x1F;
	s15 =	simm.s32 @p2 $0x3F;
	p2 =	sgt.s32 @!p1 s9, $0x31  }
0x1c: {  	s16 =	smulhi.u32 @!p1 $0x147AE15, s14;
	s17 =	sand.u32 @!p1 s17, s10;
	p2 =	por !p2, p1  }
0x1d: {  	s19 =	sand.u32 @!p1 s19, s9;
	s15 =	ssub.s32 @!p1 s15, s17;
	s18 =	simm.s32 @p2 $0x31  }
0x1e: {  	p2 =	sgt.s32 @!p1 s8, $0x48;
	s15 =	sadd.s32 @!p1 $0xFFFFFFC1, s15;
	s17 =	ssub.s32 @!p1 s18, s19  }
0x1f: {  	p2 =	por !p2, p1;
	s19 =	smov.u32 s8;
	s18 =	sadd.s32 @!p1 $0xFFFFFFCF, s17  }
0x20: {  	s19 =	simm.s32 @p2 $0x48;
	p3 =	sgt.s32 @!p1 s18, $0x0;
	s18 =	sshra.s32 @!p1 s8, $0x1F  }
0x21: {  	p2 =	sgt.s32 @!p1 s15, $0x0;
	s15 =	sshll.u32 @!p1 s15, $0x6;
	s18 =	sand.u32 @!p1 s18, s8  }
0x22: {  	s17 =	ssub.s32 @!p1 $0x32, s17;
	s15 =	ssub.s32 @!p1 $0x40, s15;
	s18 =	ssub.s32 @!p1 s19, s18  }
0x23: {  	p2 =	por !p2, p1;
	p3 =	por !p3, p1;
	s19 =	sadd.s32 @!p1 $0xFFFFFFB8, s18  }
0x24: {  	s15 =	simm.s32 @!p2 $0x0;
	s17 =	simm.s32 @!p3 $0x0;
	p3 =	sgt.s32 @!p1 s19, $0x7F  }
0x25: {  	s18 =	ssub.s32 @!p1 $0xC8, s18;
	s15 =	smul.u32 @!p1 s17, s15;
	p2 =	por !p3, p1  }
0x26: {  	s16 =	smul.u32 @!p1 $0xC8, s16;
	s18 =	simm.s32 @!p2 $0x0  }
0x27: {  	s15 =	smul.u32 @!p1 s18, s15  }
0x28: {  	s18 =	smul.u32 @!p1 $0x27100, s10  }
0x29: {  	s14 =	ssub.s32 @!p1 s14, s16;
	s17 =	sxor.u32 @!p1 $0xFFFFFFFF, s7;
	s19 =	smul.u32 @!p1 $0xC80, s9  }
0x2a: {  	s14 =	sshll.u32 @!p1 s14, $0x4;
	s17 =	sshll.u32 @!p1 s17, $0xD;
	s16 =	sadd.s32 @!p1 s3, s18  }
0x2b: {  	s17 =	sand.u32 @!p1 $0x2000, s17;
	s15 =	sand.u32 @!p1 $0x3FFFFFC0, s15;
	s16 =	sadd.s32 @!p1 s19, s16  }
0x2c: {  	s18 =	simm.s32 @!p1 $0x80;
	s14 =	sadd.s32 @!p1 s14, s16;
	s16 =	simm.s32 @!p1 $0x40  }
0x2d: {  	[tilespmem:s17], [sflag:$0x1] =	stream.strided.gather @!p1 [hbm4b:s14+s16], s15, s18, s16, $0x38;
	[tilespmem:$0x8080] =	vst v63  }
0x2e: {  	p1 =	seq.s32 s7, $0x0  }
0x2f: {  	p2 =	seq.s32 @!p1 s7, $0xC9  }
0x30: {  	p1 =	por p1, p2  }
.Ltmp2:
0x31: {  	_ = 	snop;
	(pc) =	sbr.rel @p1 .LBB1_5-.Ltmp2, $1  }
0x32: {  	_ =	sdelay $0x3  }
0x33: {  	p1 =	sgt.s32 s13, $0x3F  }
0x34: {  	s14 =	smov.u32 s13;
	s15 =	sshra.s32 s13, $0x1F;
	s16 =	sshra.s32 s12, $0x1F  }
0x35: {  	p2 =	sgt.s32 s11, $0x48;
	s14 =	simm.s32 @!p1 $0x3F;
	s15 =	sand.u32 s15, s13  }
0x36: {  	s18 =	sshra.s32 s11, $0x1F;
	p1 =	sgt.s32 s12, $0x31;
	s14 =	ssub.s32 s14, s15  }
0x37: {  	s16 =	sand.u32 s16, s12;
	s15 =	smov.u32 s12;
	s14 =	sadd.s32 $0xFFFFFFC1, s14  }
0x38: {  	s26 =	sand.u32 s18, s11;
	s15 =	simm.s32 @!p1 $0x31;
	p1 =	sgt.s32 s14, $0x0  }
0x39: {  	s15 =	ssub.s32 s15, s16;
	s16 =	smov.u32 s11;
	s14 =	sshll.u32 s14, $0x6  }
0x3a: {  	s17 =	sadd.s32 $0xFFFFFFCF, s15;
	s16 =	simm.s32 @!p2 $0x48;
	s15 =	ssub.s32 $0x32, s15  }
0x3b: {  	s14 =	ssub.s32 $0x40, s14;
	p2 =	sgt.s32 s17, $0x0;
	s16 =	ssub.s32 s16, s26  }
0x3c: {  	s14 =	simm.s32 @p1 $0x0;
	s15 =	simm.s32 @p2 $0x0;
	s17 =	sadd.s32 $0xFFFFFFB8, s16  }
0x3d: {  	s16 =	ssub.s32 $0xC8, s16;
	p1 =	sgt.s32 s17, $0x7F;
	s14 =	smul.u32 s15, s14  }
0x3e: {  	s16 =	simm.s32 @p1 $0x0  }
0x3f: {  	s14 =	smul.u32 s16, s14;
	_ =	sdelay $0x1  }
0x40: {  	s15 =	simm.s32 $0x1;
	s14 =	sand.u32 $0x3FFFFFC0, s14  }
0x41: {  	s15 =	simm.s32 @!p0 $0x0;
	_ =	swait.ge [sflag:s4], s14  }
0x42: {  	s27 =	sshll.u32 s15, $0xD;
	s14 =	ssub.s32 $0x0, s14;
	[sflag:s4] =	ssyncset.done $0x0  }
0x43: {  	s28 =	sor.u32 $0x20, s27;
	[sflag:s4] =	ssyncadd.s32 s14  }
0x44: {  	s29 =	smul.u32 $0x8100, s15;
	v3 =	vld [tilespmem:s28+$0x10]  }
0x45: {  	s30 =	sand.u32 $0x1, s7;
	v2 =	vld [tilespmem:s28+$0xFFFFFFF0]  }
0x46: {  	s15 =	smul.u32 $0x8100, s30;
	s14 =	sshrl.u32 s29, $0x2;
	v0 =	vld [tilespmem:s28+$0x0]  }
0x47: {  	s16 =	sor.u32 $0x4000, s14;
	v1 =	vld [tilespmem:s28+$0xFFFFFFE0]  }
0x48: {  	s31 =	sshrl.u32 s15, $0x2;
	s15 =	sadd.s32 $0x0, s16  }
0x49: {  	s17 =	simm.s32 $0x4;
	s18 =	sadd.s32 $0x40, s28;
	s14 =	sor.u32 $0x4000, s31;
	[tilespmem:s15+$0x1830 ss:$0x81] =	vst.msk $0xffff, v3  }
.LBB1_3:
0x4a: {  	v3 =	vld [tilespmem:s18+$0x10];
	p1 =	sne.s32 s17, $0x1FC;
	[tilespmem:s15+$0x810 ss:$0x81] =	vst.msk $0xffff, v2;
	s19 =	smov.u32 s17;
	s17 =	sadd.s32 $0x4, s17  }
.Ltmp3:
0x4b: {  	v2 =	vld [tilespmem:s18+$0xFFFFFFF0];
	[tilespmem:s15+$0x1020 ss:$0x81] =	vst.msk $0xffff, v0;
	(pc) =	sbr.rel @p1 .LBB1_3-.Ltmp3, $4  }
0x4c: {  	v0 =	vld [tilespmem:s18+$0x0];
	[tilespmem:s15+$0x0 ss:$0x81] =	vst.msk $0xffff, v1  }
0x4d: {  	s15 =	sshra.s32 s19, $0x2;
	v1 =	vld [tilespmem:s18+$0xFFFFFFE0]  }
0x4e: {  	s15 =	sadd.s32 s15, s16  }
0x4f: {  	s18 =	sadd.s32 $0x40, s18;
	[tilespmem:s15+$0x1830 ss:$0x81] =	vst.msk $0xffff, v3  }
0x50: {  	s13 =	smul.u32 $0x19000, s13  }
0x51: {  	s16 =	sand.u32 $0x780, s11  }
.Ltmp4:
0x52: {  	s12 =	sshll.u32 s12, $0xB;
	s13 =	sadd.s32 s2, s13;
	(pc) =	sbr.rel .LBB1_5-.Ltmp4, $4  }
0x53: {  	[tilespmem:s15+$0x810 ss:$0x81] =	vst.msk $0xffff, v2;
	s17 =	sshrl.u32 s11, $0x3;
	s30 =	sand.u32 $0x7, s11;
	s12 =	sadd.s32 s12, s13  }
0x54: {  	[tilespmem:s15+$0x1020 ss:$0x81] =	vst.msk $0xffff, v0;
	s31 =	sand.u32 $0xF, s17;
	s11 =	sshll.u32 s30, $0x12;
	s12 =	sadd.s32 s16, s12  }
0x55: {  	[tilespmem:s15+$0x0 ss:$0x81] =	vst.msk $0xffff, v1;
	s11 =	sor.u32 $0x400, s11;
	s12 =	sadd.s32 s31, s12  }
0x56: {  	[hbm4b:s12+s11] =	stream.strided.scatter [tilespmem:s14], [sflag:$0x2], $0x2000, s6, s11, $0x20;
	[tilespmem:$0x8080] =	vst v63  }
.LBB1_6:
0x57: {  	_ =	sfence.sel $0x180000  }
0x58: {  	s2 =	simm.s32 $0x1;
	[bflag:$0x0] =	sbarrier.arrive $0xFFFF  }
0x59: {  	s31 =	simm.s32 $0x2;
	[sflag:s2] =	ssyncpa.u1 $0x1  }
0x5a: {  	[sflag:s31] =	ssyncpa.u1 $0x1  }
0x5b: {  	p0 =	sne.s32 s1, $0x0;
	_ =	strace $0x9000004A  }
0x5c: {  	s0 =	sadd.s32 @!p0 $0x100000, s0;
	[bflag:$0x2] =	sbarrier.arrive $0xFFFF  }
0x5d: {  	[sflag:s0] =	ssyncadd.tile.s32 @!p0 $0x1;
	_ =	shalt  }
.Lfunc_end1:
_tile_overlayer_lowered:
.L_overlay_start_2:
0x5e: {  	(tag) =	ssettag $0x2  }
0x5f: {  	s0 =	rddreg [dreg:$0x0];
	s2 =	stileid.u32  }
0x60: {  	s1 =	rddreg [dreg:$0x1];
	p0 =	sne.s32 s2, $0x0  }
0x61: {  	s3 =	rddreg [dreg:$0x2];
	[bflag:$0x3] =	sbarrier.arrive $0xFFFF;
	s2 =	simm.s32 @!p0 $0x1C01  }
0x62: {  	[timem:s3], [sflag:s2] =	dma.local @!p0 [hbm:s0], s1  }
0x63: {  	s0 =	simm.s32 @!p0 $0x1  }
0x64: {  	_ =	swait.ge @!p0 [sflag:s0], s1  }
0x65: {  	s1 =	ssub.s32 @!p0 $0x0, s1;
	[sflag:s0] =	ssyncset.done @!p0 $0x0  }
0x66: {  	[sflag:s0] =	ssyncadd.s32 @!p0 s1  }
0x67: {  	[bflag:$0x3] =	sbarrier.arrive $0xFFFF  }
0x68: {  	_ =	shalt  }

</sc_bundles>
